<compile_context>
chip_gen: v7x
topology: tpu7x:2x2x1
jax: 0.10.2.dev20260603
libtpu: 0.0.44.dev20260713+nightly
codegen_flags: <defaults>
</compile_context>

<pallas_src>
import functools

import jax
import jax.numpy as jnp
from jax import lax
from jax.experimental import pallas as pl
from jax.experimental.pallas import tpu as pltpu
from jax.experimental.pallas import tpu_sc as plsc

N_NODES = 10000
NP = 10240
G_GRAPHS = 256
CHUNK = 128
FW = 128
BR = 400

_MESH = dict(core_axis_name="c", subcore_axis_name="s")



def _zero_rows(rows_v):
    def zfill(i, _):
        for t in range(FW // 16):
            rows_v[i, pl.ds(t * 16, 16)] = jnp.zeros((16,), jnp.float32)
        return 0
    lax.fori_loop(0, CHUNK, zfill, 0)


def _zero_acc_slice(rows_v, acc_sh, r0, rpt):
    def zcp(i, _):
        pltpu.sync_copy(rows_v, acc_sh.at[pl.ds(r0 + i * CHUNK, CHUNK), :])
        return 0
    lax.fori_loop(0, rpt // CHUNK, zcp, 0)


ISR = 4
IPD = 3
DSR = 8
DSS = 4


@functools.lru_cache(maxsize=None)
def _deg_kernel(epad: int):
    ept = epad // 32
    nch = ept // CHUNK
    rpt = NP // 16

    @functools.partial(
        pl.kernel,
        mesh=plsc.VectorSubcoreMesh(**_MESH),
        out_type=jax.ShapeDtypeStruct((2, NP, FW), jnp.float32),
        scratch_types=[
            pltpu.VMEM((DSR, CHUNK), jnp.int32),
            pltpu.VMEM((CHUNK, FW), jnp.float32),
            pltpu.VMEM_SHARED((NP, FW), jnp.float32),
        ] + [pltpu.SemaphoreType.DMA] * (DSR + DSS),
    )
    def deg_k(dst_hbm, out_hbm, dst_v, ones_v, acc_sh, *sems):
        sem_i = sems[:DSR]
        sem_s = sems[DSR:]
        cid = lax.axis_index("c")
        sid = lax.axis_index("s")
        r0 = sid * rpt
        crow = (cid * 16 + sid) * nch

        def idx_load(k, slot):
            pltpu.async_copy(dst_hbm.at[crow + k], dst_v.at[slot],
                             sem_i[slot])

        def idx_wait(slot):
            pltpu.make_async_copy(dst_hbm.at[crow], dst_v.at[slot],
                                  sem_i[slot]).wait()

        _zero_rows(ones_v)
        _zero_acc_slice(ones_v, acc_sh, r0, rpt)

        def ofill(i, _):
            for t in range(FW // 16):
                ones_v[i, pl.ds(t * 16, 16)] = jnp.ones((16,), jnp.float32)
            return 0
        lax.fori_loop(0, CHUNK, ofill, 0)
        for c in range(DSS):
            idx_load(c, c)
        plsc.subcore_barrier()

        def outer(i, _):
            for q in range(DSR):
                g = i * DSR + q

                @pl.when(g >= DSS)
                def _():
                    pltpu.make_async_copy(
                        ones_v, acc_sh.at[dst_v.at[(q - DSS) % DSR]],
                        sem_s[q % DSS]).wait()
                idx_wait(q)
                pltpu.async_copy(ones_v, acc_sh.at[dst_v.at[q]],
                                 sem_s[q % DSS], add=True)

                @pl.when(g + DSS < nch)
                def _():
                    idx_load(g + DSS, (q + DSS) % DSR)
            return 0
        lax.fori_loop(0, nch // DSR, outer, 0)
        for k in range(nch - DSS, nch):
            pltpu.make_async_copy(ones_v, acc_sh.at[dst_v.at[k % DSR]],
                                  sem_s[k % DSS]).wait()
        plsc.subcore_barrier()
        pltpu.sync_copy(acc_sh.at[pl.ds(r0, rpt), :],
                        out_hbm.at[cid, pl.ds(r0, rpt), :])

    return deg_k


@functools.lru_cache(maxsize=None)
def _edge_kernel(epad: int, col_split: bool):
    ept = epad // (16 if col_split else 32)
    nch = ept // CHUNK
    rpt = NP // 16

    @functools.partial(
        pl.kernel,
        mesh=plsc.VectorSubcoreMesh(**_MESH),
        out_type=jax.ShapeDtypeStruct((2, NP, FW), jnp.float32),
        scratch_types=[
            pltpu.VMEM((ISR, CHUNK), jnp.int32),
            pltpu.VMEM((ISR, CHUNK), jnp.int32),
            pltpu.VMEM_SHARED((NP, FW), jnp.float32),
            pltpu.VMEM((CHUNK, FW), jnp.float32),
            pltpu.VMEM((CHUNK, FW), jnp.float32),
        ] + [pltpu.SemaphoreType.DMA] * (ISR + 4),
    )
    def edge_k(xp_hbm, src_hbm, dst_hbm, out_hbm, src_v, dst_v, acc_sh,
               rows0, rows1, *sems):
        rows = (rows0, rows1)
        sem_i = sems[:ISR]
        sem_g = sems[ISR:ISR + 2]
        sem_s = sems[ISR + 2:]
        cid = lax.axis_index("c")
        sid = lax.axis_index("s")
        r0 = sid * rpt
        if col_split:
            crow = sid * nch
            off = cid * N_NODES
        else:
            crow = (cid * 16 + sid) * nch

        def idx_load(k, slot):
            pltpu.async_copy(src_hbm.at[crow + k], src_v.at[slot],
                             sem_i[slot])
            pltpu.async_copy(dst_hbm.at[crow + k], dst_v.at[slot],
                             sem_i[slot])

        def idx_wait_adjust(slot):
            pltpu.make_async_copy(src_hbm.at[crow], src_v.at[slot],
                                  sem_i[slot]).wait()
            pltpu.make_async_copy(dst_hbm.at[crow], dst_v.at[slot],
                                  sem_i[slot]).wait()
            if col_split:
                for t in range(CHUNK // 16):
                    src_v[slot, pl.ds(t * 16, 16)] = (
                        src_v[slot, pl.ds(t * 16, 16)] + off)

        def gather_start(k, slot, b):
            pltpu.async_copy(xp_hbm.at[src_v.at[slot]], rows[b], sem_g[b])

        def gather_wait(slot, b):
            pltpu.make_async_copy(xp_hbm.at[src_v.at[slot]], rows[b],
                                  sem_g[b]).wait()

        def scatter_start(slot, b):
            pltpu.async_copy(rows[b], acc_sh.at[dst_v.at[slot]], sem_s[b],
                             add=True)

        def scatter_wait(slot, b):
            pltpu.make_async_copy(rows[b], acc_sh.at[dst_v.at[slot]],
                                  sem_s[b]).wait()

        _zero_rows(rows[0])
        _zero_acc_slice(rows[0], acc_sh, r0, rpt)
        for c in range(IPD):
            idx_load(c, c)
        idx_wait_adjust(0)
        gather_start(0, 0, 0)
        plsc.subcore_barrier()

        def outer(i, _):
            for q in range(ISR):
                g = i * ISR + q
                par = q % 2

                @pl.when(g >= 1)
                def _():
                    scatter_wait((q - 1) % ISR, 1 - par)

                @pl.when(g + 1 < nch)
                def _():
                    idx_wait_adjust((q + 1) % ISR)
                    gather_start(g + 1, (q + 1) % ISR, 1 - par)
                gather_wait(q, par)
                scatter_start(q, par)

                @pl.when(g + IPD < nch)
                def _():
                    idx_load(g + IPD, (q + IPD) % ISR)
            return 0
        lax.fori_loop(0, nch // ISR, outer, 0)
        scatter_wait((nch - 1) % ISR, (nch - 1) % 2)
        plsc.subcore_barrier()
        pltpu.sync_copy(acc_sh.at[pl.ds(r0, rpt), :],
                        out_hbm.at[cid, pl.ds(r0, rpt), :])

    return edge_k



def _full(shape):
    return pl.BlockSpec(shape, lambda *a: tuple(0 for _ in shape))


def _t0_body(deg_ref, x_ref, dinv_ref, xp_ref):
    deg = deg_ref[0, :, 0:1] + deg_ref[1, :, 0:1]
    dinv = lax.rsqrt(deg + 1.0)
    dinv_ref[...] = dinv
    xp_ref[...] = x_ref[...] * dinv


def _t0(deg_parts, x):
    return pl.pallas_call(
        _t0_body,
        grid=(N_NODES // BR,),
        in_specs=[
            pl.BlockSpec((2, BR, FW), lambda i: (0, i, 0)),
            pl.BlockSpec((BR, 128), lambda i: (i, 0)),
        ],
        out_specs=[
            pl.BlockSpec((BR, 1), lambda i: (i, 0)),
            pl.BlockSpec((BR, 128), lambda i: (i, 0)),
        ],
        out_shape=[
            jax.ShapeDtypeStruct((N_NODES, 1), jnp.float32),
            jax.ShapeDtypeStruct((N_NODES, 128), jnp.float32),
        ],
    )(deg_parts, x)


def _t1_body(s_ref, xp0_ref, dinv_ref, w_ref, b_ref, x1_ref, xp1_ref):
    dinv = dinv_ref[...]
    ax = (s_ref[0] + s_ref[1] + xp0_ref[...]) * dinv
    x1 = jnp.maximum(
        jnp.dot(ax, w_ref[...], preferred_element_type=jnp.float32)
        + b_ref[...], 0.0)
    x1_ref[...] = x1
    xp1_ref[...] = x1 * dinv


def _t1(s1, xp0, dinv, W1, b1):
    return pl.pallas_call(
        _t1_body,
        grid=(N_NODES // BR,),
        in_specs=[
            pl.BlockSpec((2, BR, FW), lambda i: (0, i, 0)),
            pl.BlockSpec((BR, 128), lambda i: (i, 0)),
            pl.BlockSpec((BR, 1), lambda i: (i, 0)),
            _full((128, 128)),
            _full((1, 128)),
        ],
        out_specs=[
            pl.BlockSpec((BR, 128), lambda i: (i, 0)),
            pl.BlockSpec((BR, 128), lambda i: (i, 0)),
        ],
        out_shape=[
            jax.ShapeDtypeStruct((N_NODES, 128), jnp.float32),
            jax.ShapeDtypeStruct((N_NODES, 128), jnp.float32),
        ],
    )(s1, xp0, dinv, W1, b1)


def _t2_body(s_ref, x1_ref, dinv_ref, w2_ref, wr1_ref, b_ref,
             x2_ref, xp2_ref):
    dinv = dinv_ref[...]
    ax = (s_ref[0] + s_ref[1] + x1_ref[...] * dinv) * dinv
    x2 = jnp.maximum(
        jnp.dot(ax, w2_ref[...], preferred_element_type=jnp.float32)
        + jnp.dot(x1_ref[...], wr1_ref[...], preferred_element_type=jnp.float32)
        + b_ref[...], 0.0)
    x2_ref[...] = x2
    xp = x2 * dinv
    xp2_ref[0, :, :] = xp[:, :128]
    xp2_ref[1, :, :] = xp[:, 128:]


def _t2(s2, x1, dinv, W2, Wr1, b):
    return pl.pallas_call(
        _t2_body,
        grid=(N_NODES // BR,),
        in_specs=[
            pl.BlockSpec((2, BR, FW), lambda i: (0, i, 0)),
            pl.BlockSpec((BR, 128), lambda i: (i, 0)),
            pl.BlockSpec((BR, 1), lambda i: (i, 0)),
            _full((128, 256)),
            _full((128, 256)),
            _full((1, 256)),
        ],
        out_specs=[
            pl.BlockSpec((BR, 256), lambda i: (i, 0)),
            pl.BlockSpec((2, BR, 128), lambda i: (0, i, 0)),
        ],
        out_shape=[
            jax.ShapeDtypeStruct((N_NODES, 256), jnp.float32),
            jax.ShapeDtypeStruct((2, N_NODES, 128), jnp.float32),
        ],
    )(s2, x1, dinv, W2, Wr1, b)


def _t3_body(s_ref, x2_ref, dinv_ref, w3_ref, wr2_ref, b_ref,
             attw_ref, batch_ref, ff_ref, fgm_ref, wfp_ref, bfp_ref,
             wfg_ref, bfg_ref, wfc_ref, bfc_ref, out_ref,
             pooled_ref, counts_ref):
    i = pl.program_id(0)
    dinv = dinv_ref[...]
    x2 = x2_ref[...]
    ax = (jnp.concatenate([s_ref[0], s_ref[1]], axis=1)
          + x2 * dinv) * dinv
    x3 = jnp.maximum(
        jnp.dot(ax, w3_ref[...], preferred_element_type=jnp.float32)
        + jnp.dot(x2, wr2_ref[...], preferred_element_type=jnp.float32)
        + b_ref[...], 0.0)
    logits = jnp.dot(x3, attw_ref[...], preferred_element_type=jnp.float32)
    m = jnp.max(logits, axis=1, keepdims=True)
    e = jnp.exp(logits - m)
    xa = (e / jnp.sum(e, axis=1, keepdims=True)) * x3
    oh = (batch_ref[...] ==
          lax.broadcasted_iota(jnp.int32, (BR, G_GRAPHS), 1)
          ).astype(jnp.float32)
    ps = lax.dot_general(oh, xa, (((0,), (0,)), ((), ())),
                         preferred_element_type=jnp.float32)
    cs = lax.dot_general(oh, jnp.ones((BR, 128), jnp.float32),
                         (((0,), (0,)), ((), ())),
                         preferred_element_type=jnp.float32)

    @pl.when(i == 0)
    def _():
        pooled_ref[...] = jnp.zeros_like(pooled_ref)
        counts_ref[...] = jnp.zeros_like(counts_ref)

    pooled_ref[...] += ps
    counts_ref[...] += cs

    @pl.when(i == N_NODES // BR - 1)
    def _():
        pooled = pooled_ref[...] / jnp.maximum(counts_ref[:, 0:1], 1.0)
        fp = jnp.maximum(
            jnp.dot(ff_ref[...], wfp_ref[...],
                    preferred_element_type=jnp.float32) + bfp_ref[...], 0.0)
        fg = jnp.maximum(
            jnp.dot(fgm_ref[...], wfg_ref[...],
                    preferred_element_type=jnp.float32) + bfg_ref[...], 0.0)
        out_ref[...] = (jnp.dot(pooled + fp + fg, wfc_ref[...],
                                preferred_element_type=jnp.float32)
                        + bfc_ref[...])


def _t3(s3, x2, dinv, W3, Wr2, b, att_W, batch2d,
        ff, fgm, Wfp, bfp, Wfg, bfg, Wfc, bfc):
    return pl.pallas_call(
        _t3_body,
        grid=(N_NODES // BR,),
        in_specs=[
            pl.BlockSpec((2, BR, 128), lambda i: (0, i, 0)),
            pl.BlockSpec((BR, 256), lambda i: (i, 0)),
            pl.BlockSpec((BR, 1), lambda i: (i, 0)),
            _full((256, 256)),
            _full((256, 256)),
            _full((1, 256)),
            _full((256, 256)),
            pl.BlockSpec((BR, 1), lambda i: (i, 0)),
            _full((G_GRAPHS, 2048)),
            _full((G_GRAPHS, 128)),
            _full((2048, 256)),
            _full((1, 256)),
            _full((128, 256)),
            _full((1, 256)),
            _full((256, 1)),
            _full((1, 1)),
        ],
        out_specs=_full((G_GRAPHS, 1)),
        out_shape=jax.ShapeDtypeStruct((G_GRAPHS, 1), jnp.float32),
        scratch_shapes=[
            pltpu.VMEM((G_GRAPHS, 256), jnp.float32),
            pltpu.VMEM((G_GRAPHS, 128), jnp.float32),
        ],
    )(s3, x2, dinv, W3, Wr2, b, att_W, batch2d,
      ff, fgm, Wfp, bfp, Wfg, bfg, Wfc, bfc)



def _run_deg(dst_p):
    return _deg_kernel(dst_p.shape[0] * CHUNK)(dst_p)


def _run_edges_split(xp, src_p, dst_p):
    return _edge_kernel(src_p.shape[0] * CHUNK, False)(xp, src_p, dst_p)


def _run_edges_col(xp_slabs, src_p, dst_p):
    xp_flat = xp_slabs.reshape(2 * N_NODES, FW)
    return _edge_kernel(src_p.shape[0] * CHUNK, True)(xp_flat, src_p, dst_p)


def kernel(x, edge_index, batch, fingerprint_features, func_groups,
           W1, b1, W2, b2, W3, b3, Wfp, bfp, Wfg, bfg, att_W,
           Wr1, br1, Wr2, br2, Wfc, bfc):
    e = edge_index.shape[1]
    quant = 32 * CHUNK * DSR
    epad = ((e + quant - 1) // quant) * quant
    pad = epad - e
    pad_i = jnp.arange(pad, dtype=edge_index.dtype)
    src_p = jnp.concatenate(
        [edge_index[0], pad_i % N_NODES]
    ).astype(jnp.int32).reshape(epad // CHUNK, CHUNK)
    dst_p = jnp.concatenate(
        [edge_index[1], N_NODES + pad_i % (NP - N_NODES)]
    ).astype(jnp.int32).reshape(epad // CHUNK, CHUNK)
    batch2d = batch.reshape(N_NODES, 1).astype(jnp.int32)
    r = lambda v: v.reshape(1, -1)

    deg_parts = _run_deg(dst_p)
    dinv, xp0 = _t0(deg_parts, x)
    s1 = _run_edges_split(xp0, src_p, dst_p)
    x1, xp1 = _t1(s1, xp0, dinv, W1, r(b1))
    s2 = _run_edges_split(xp1, src_p, dst_p)
    x2, xp2 = _t2(s2, x1, dinv, W2, Wr1, r(b2 + br1))
    s3 = _run_edges_col(xp2, src_p, dst_p)
    out = _t3(s3, x2, dinv, W3, Wr2, r(b3 + br2), att_W, batch2d,
              jnp.squeeze(fingerprint_features, axis=1),
              jnp.squeeze(func_groups, axis=1),
              Wfp, r(bfp), Wfg, r(bfg), Wfc, r(bfc))
    return out

# --- scband reference (transcript-rebuilt; emitter-appended) ---
"""Pipeline reference for scband-mfagcn-18923625906926 (READ-ONLY COPY).

The authoritative reference and input builder live on the scoring server;
editing this copy changes nothing except your own understanding.
"""

import jax, jax.numpy as jnp
import numpy as np

N = 10000
E = 320000
G = 256
F_IN = 128
FP = 2048
FG = 128


def gcn_conv(x, edge_index, W, b, num_nodes):
    # PyG GCNConv: linear transform, add self-loops, sym-normalized scatter-add
    h = x @ W
    src = edge_index[0]
    dst = edge_index[1]
    loop = jnp.arange(num_nodes, dtype=src.dtype)
    src = jnp.concatenate([src, loop])
    dst = jnp.concatenate([dst, loop])
    deg = jnp.zeros((num_nodes,), dtype=h.dtype).at[dst].add(1.0)
    dinv = jnp.where(deg > 0, deg ** -0.5, 0.0)
    norm = dinv[src] * dinv[dst]
    msg = h[src] * norm[:, None]
    out = jnp.zeros_like(h).at[dst].add(msg)
    return out + b


def setup_inputs(seed: int = 0) -> dict:
    key = jax.random.key(seed)
    ks = jax.random.split(key, 24)
    inp = {}
    inp['x'] = jax.random.normal(ks[0], (N, F_IN), dtype=jnp.float32)
    inp['edge_index'] = jax.random.randint(ks[1], (2, E), 0, N, dtype=jnp.int64 if jax.config.jax_enable_x64 else jnp.int32)
    inp['batch'] = jnp.sort(jax.random.randint(ks[2], (N,), 0, G))
    inp['fingerprint_features'] = jax.random.uniform(ks[3], (G, 1, FP), dtype=jnp.float32)
    inp['func_groups'] = jax.random.uniform(ks[4], (G, 1, FG), dtype=jnp.float32)
    s = 0.05
    inp['W1'] = jax.random.normal(ks[5], (F_IN, 128), dtype=jnp.float32) * s
    inp['b1'] = jnp.zeros((128,), dtype=jnp.float32)
    inp['W2'] = jax.random.normal(ks[6], (128, 256), dtype=jnp.float32) * s
    inp['b2'] = jnp.zeros((256,), dtype=jnp.float32)
    inp['W3'] = jax.random.normal(ks[7], (256, 256), dtype=jnp.float32) * s
    inp['b3'] = jnp.zeros((256,), dtype=jnp.float32)
    inp['Wfp'] = jax.random.normal(ks[8], (FP, 256), dtype=jnp.float32) * 0.02
    inp['bfp'] = jnp.zeros((256,), dtype=jnp.float32)
    inp['Wfg'] = jax.random.normal(ks[9], (FG, 256), dtype=jnp.float32) * s
    inp['bfg'] = jnp.zeros((256,), dtype=jnp.float32)
    inp['att_W'] = jax.random.uniform(ks[10], (256, 256), dtype=jnp.float32)
    inp['Wr1'] = jax.random.normal(ks[11], (128, 256), dtype=jnp.float32) * s
    inp['br1'] = jnp.zeros((256,), dtype=jnp.float32)
    inp['Wr2'] = jax.random.normal(ks[12], (256, 256), dtype=jnp.float32) * s
    inp['br2'] = jnp.zeros((256,), dtype=jnp.float32)
    inp['Wfc'] = jax.random.normal(ks[13], (256, 1), dtype=jnp.float32) * s
    inp['bfc'] = jnp.zeros((1,), dtype=jnp.float32)
    return inp


def reference(x, edge_index, batch, fingerprint_features, func_groups,
              W1, b1, W2, b2, W3, b3, Wfp, bfp, Wfg, bfg, att_W,
              Wr1, br1, Wr2, br2, Wfc, bfc):
    relu = jax.nn.relu
    x1 = relu(gcn_conv(x, edge_index, W1, b1, N))
    # dropout in eval mode == identity
    x2 = relu(gcn_conv(x1, edge_index, W2, b2, N) + (x1 @ Wr1 + br1))
    x3 = relu(gcn_conv(x2, edge_index, W3, b3, N) + (x2 @ Wr2 + br2))
    fp = relu(jnp.squeeze(fingerprint_features, axis=1) @ Wfp + bfp)
    fg = relu(jnp.squeeze(func_groups, axis=1) @ Wfg + bfg)
    att = jax.nn.softmax(x3 @ att_W, axis=1)
    xa = att * x3
    seg_sum = jax.ops.segment_sum(xa, batch, num_segments=G)
    counts = jax.ops.segment_sum(jnp.ones((N,), dtype=xa.dtype), batch, num_segments=G)
    pooled = seg_sum / jnp.clip(counts, 1.0)[:, None]
    out = pooled + fp + fg
    out = out @ Wfc + bfc
    return out.reshape(-1, 1)


if False:  # reference __main__ guard neutralized (emitter)
    o = reference(**setup_inputs())
    print(o.shape, o.dtype)

if __name__ == "__main__":
    import jax
    _d = setup_inputs()
    print(jax.jit(kernel)(*tuple(_d.values())))

</pallas_src>

<mosaic_0001>
#map = affine_map<(d0, d1) -> (0, 0)>
#map1 = affine_map<(d0, d1) -> (0, 0, 0)>
module attributes {stable_mosaic.version = 14 : i64} {
  func.func @edge_k(%arg0: i32, %arg1: i32, %arg2: memref<20000x128xf32, #tpu.memory_space<hbm>>, %arg3: memref<2560x128xi32, #tpu.memory_space<hbm>>, %arg4: memref<2560x128xi32, #tpu.memory_space<hbm>>, %arg5: memref<2x10240x128xf32, #tpu.memory_space<hbm>>, %arg6: memref<4x128xi32, #tpu.memory_space<vmem>>, %arg7: memref<4x128xi32, #tpu.memory_space<vmem>>, %arg8: memref<10240x128xf32, #tpu.memory_space<vmem_shared>>, %arg9: memref<128x128xf32, #tpu.memory_space<vmem>>, %arg10: memref<128x128xf32, #tpu.memory_space<vmem>>, %arg11: memref<!tpu.dma_semaphore, #tpu.memory_space<semaphore_mem>>, %arg12: memref<!tpu.dma_semaphore, #tpu.memory_space<semaphore_mem>>, %arg13: memref<!tpu.dma_semaphore, #tpu.memory_space<semaphore_mem>>, %arg14: memref<!tpu.dma_semaphore, #tpu.memory_space<semaphore_mem>>, %arg15: memref<!tpu.dma_semaphore, #tpu.memory_space<semaphore_mem>>, %arg16: memref<!tpu.dma_semaphore, #tpu.memory_space<semaphore_mem>>, %arg17: memref<!tpu.dma_semaphore, #tpu.memory_space<semaphore_mem>>, %arg18: memref<!tpu.dma_semaphore, #tpu.memory_space<semaphore_mem>>) attributes {dimension_semantics = [#tpu.dimension_semantics<core_parallel>, #tpu.dimension_semantics<subcore_parallel>], iteration_bounds = array<i64: 2, 16>, scalar_prefetch = 0 : i64, scratch_operands = 13 : i64, tpu.core_type = #tpu.core_type<sc_vector_subcore>, window_params = [{transform_indices = #map}, {transform_indices = #map}, {transform_indices = #map}, {transform_indices = #map1}]} {
    %mul3A = arith.constant 640 : i32
    %mul3A_0 = arith.muli %arg1, %mul3A : i32
    %mul3A_1 = arith.constant 160 : i32
    %mul3A_2 = arith.muli %arg1, %mul3A_1 : i32
    %mul3A_3 = arith.constant 10000 : i32
    %mul3A_4 = arith.muli %arg0, %mul3A_3 : i32
    %scan3A = arith.constant 0 : i32
    %scan3A_5 = arith.constant 0 : i32
    %scan3A_6 = arith.constant 128 : i32
    %scan3A_7 = arith.addi %scan3A_5, %scan3A_6 : i32
    %scan3A_8 = arith.constant 1 : i32
    %scan3A_9 = scf.for %scan3A_255 = %scan3A_5 to %scan3A_7 step %scan3A_8 iter_args(%scan3A_256 = %scan3A) -> (i32)  : i32 {
      %broadcast_in_dim3A = arith.constant 0.000000e+00 : f32
      %broadcast_in_dim3A_257 = vector.broadcast %broadcast_in_dim3A : f32 to vector<16xf32>
      %swap3A_258 = arith.index_cast %scan3A_255 : i32 to index
      %swap3A_259 = arith.constant 0 : index
      %swap3A_260 = tpu.vector_load %arg9[%swap3A_258, %swap3A_259] {strides = array<i32>} : memref<128x128xf32, #tpu.memory_space<vmem>>, vector<1x16xf32>,
      %swap3A_261 = vector.shape_cast %swap3A_260 : vector<1x16xf32> to vector<16xf32>
      %swap3A_262 = vector.shape_cast %broadcast_in_dim3A_257 : vector<16xf32> to vector<1x16xf32>
      tpu.vector_store %arg9[%swap3A_258, %swap3A_259], %swap3A_262 {strides = array<i32>} : memref<128x128xf32, #tpu.memory_space<vmem>>, vector<1x16xf32>,
      %broadcast_in_dim3A_263 = arith.constant 0.000000e+00 : f32
      %broadcast_in_dim3A_264 = vector.broadcast %broadcast_in_dim3A_263 : f32 to vector<16xf32>
      %swap3A_265 = arith.index_cast %scan3A_255 : i32 to index
      %swap3A_266 = arith.constant 16 : index
      %swap3A_267 = tpu.vector_load %arg9[%swap3A_265, %swap3A_266] {strides = array<i32>} : memref<128x128xf32, #tpu.memory_space<vmem>>, vector<1x16xf32>,
      %swap3A_268 = vector.shape_cast %swap3A_267 : vector<1x16xf32> to vector<16xf32>
      %swap3A_269 = vector.shape_cast %broadcast_in_dim3A_264 : vector<16xf32> to vector<1x16xf32>
      tpu.vector_store %arg9[%swap3A_265, %swap3A_266], %swap3A_269 {strides = array<i32>} : memref<128x128xf32, #tpu.memory_space<vmem>>, vector<1x16xf32>,
      %broadcast_in_dim3A_270 = arith.constant 0.000000e+00 : f32
      %broadcast_in_dim3A_271 = vector.broadcast %broadcast_in_dim3A_270 : f32 to vector<16xf32>
      %swap3A_272 = arith.index_cast %scan3A_255 : i32 to index
      %swap3A_273 = arith.constant 32 : index
      %swap3A_274 = tpu.vector_load %arg9[%swap3A_272, %swap3A_273] {strides = array<i32>} : memref<128x128xf32, #tpu.memory_space<vmem>>, vector<1x16xf32>,
      %swap3A_275 = vector.shape_cast %swap3A_274 : vector<1x16xf32> to vector<16xf32>
      %swap3A_276 = vector.shape_cast %broadcast_in_dim3A_271 : vector<16xf32> to vector<1x16xf32>
      tpu.vector_store %arg9[%swap3A_272, %swap3A_273], %swap3A_276 {strides = array<i32>} : memref<128x128xf32, #tpu.memory_space<vmem>>, vector<1x16xf32>,
      %broadcast_in_dim3A_277 = arith.constant 0.000000e+00 : f32
      %broadcast_in_dim3A_278 = vector.broadcast %broadcast_in_dim3A_277 : f32 to vector<16xf32>
      %swap3A_279 = arith.index_cast %scan3A_255 : i32 to index
      %swap3A_280 = arith.constant 48 : index
      %swap3A_281 = tpu.vector_load %arg9[%swap3A_279, %swap3A_280] {strides = array<i32>} : memref<128x128xf32, #tpu.memory_space<vmem>>, vector<1x16xf32>,
      %swap3A_282 = vector.shape_cast %swap3A_281 : vector<1x16xf32> to vector<16xf32>
      %swap3A_283 = vector.shape_cast %broadcast_in_dim3A_278 : vector<16xf32> to vector<1x16xf32>
      tpu.vector_store %arg9[%swap3A_279, %swap3A_280], %swap3A_283 {strides = array<i32>} : memref<128x128xf32, #tpu.memory_space<vmem>>, vector<1x16xf32>,
      %broadcast_in_dim3A_284 = arith.constant 0.000000e+00 : f32
      %broadcast_in_dim3A_285 = vector.broadcast %broadcast_in_dim3A_284 : f32 to vector<16xf32>
      %swap3A_286 = arith.index_cast %scan3A_255 : i32 to index
      %swap3A_287 = arith.constant 64 : index
      %swap3A_288 = tpu.vector_load %arg9[%swap3A_286, %swap3A_287] {strides = array<i32>} : memref<128x128xf32, #tpu.memory_space<vmem>>, vector<1x16xf32>,
      %swap3A_289 = vector.shape_cast %swap3A_288 : vector<1x16xf32> to vector<16xf32>
      %swap3A_290 = vector.shape_cast %broadcast_in_dim3A_285 : vector<16xf32> to vector<1x16xf32>
      tpu.vector_store %arg9[%swap3A_286, %swap3A_287], %swap3A_290 {strides = array<i32>} : memref<128x128xf32, #tpu.memory_space<vmem>>, vector<1x16xf32>,
      %broadcast_in_dim3A_291 = arith.constant 0.000000e+00 : f32
      %broadcast_in_dim3A_292 = vector.broadcast %broadcast_in_dim3A_291 : f32 to vector<16xf32>
      %swap3A_293 = arith.index_cast %scan3A_255 : i32 to index
      %swap3A_294 = arith.constant 80 : index
      %swap3A_295 = tpu.vector_load %arg9[%swap3A_293, %swap3A_294] {strides = array<i32>} : memref<128x128xf32, #tpu.memory_space<vmem>>, vector<1x16xf32>,
      %swap3A_296 = vector.shape_cast %swap3A_295 : vector<1x16xf32> to vector<16xf32>
      %swap3A_297 = vector.shape_cast %broadcast_in_dim3A_292 : vector<16xf32> to vector<1x16xf32>
      tpu.vector_store %arg9[%swap3A_293, %swap3A_294], %swap3A_297 {strides = array<i32>} : memref<128x128xf32, #tpu.memory_space<vmem>>, vector<1x16xf32>,
      %broadcast_in_dim3A_298 = arith.constant 0.000000e+00 : f32
      %broadcast_in_dim3A_299 = vector.broadcast %broadcast_in_dim3A_298 : f32 to vector<16xf32>
      %swap3A_300 = arith.index_cast %scan3A_255 : i32 to index
      %swap3A_301 = arith.constant 96 : index
      %swap3A_302 = tpu.vector_load %arg9[%swap3A_300, %swap3A_301] {strides = array<i32>} : memref<128x128xf32, #tpu.memory_space<vmem>>, vector<1x16xf32>,
      %swap3A_303 = vector.shape_cast %swap3A_302 : vector<1x16xf32> to vector<16xf32>
      %swap3A_304 = vector.shape_cast %broadcast_in_dim3A_299 : vector<16xf32> to vector<1x16xf32>
      tpu.vector_store %arg9[%swap3A_300, %swap3A_301], %swap3A_304 {strides = array<i32>} : memref<128x128xf32, #tpu.memory_space<vmem>>, vector<1x16xf32>,
      %broadcast_in_dim3A_305 = arith.constant 0.000000e+00 : f32
      %broadcast_in_dim3A_306 = vector.broadcast %broadcast_in_dim3A_305 : f32 to vector<16xf32>
      %swap3A_307 = arith.index_cast %scan3A_255 : i32 to index
      %swap3A_308 = arith.constant 112 : index
      %swap3A_309 = tpu.vector_load %arg9[%swap3A_307, %swap3A_308] {strides = array<i32>} : memref<128x128xf32, #tpu.memory_space<vmem>>, vector<1x16xf32>,
      %swap3A_310 = vector.shape_cast %swap3A_309 : vector<1x16xf32> to vector<16xf32>
      %swap3A_311 = vector.shape_cast %broadcast_in_dim3A_306 : vector<16xf32> to vector<1x16xf32>
      tpu.vector_store %arg9[%swap3A_307, %swap3A_308], %swap3A_311 {strides = array<i32>} : memref<128x128xf32, #tpu.memory_space<vmem>>, vector<1x16xf32>,
      %scan3A_312 = arith.constant 0 : i32
      scf.yield %scan3A_312 : i32
    }
    %scan3A_10 = arith.constant 128 : i32
    %scan3A_11 = arith.constant 0 : i32
    %scan3A_12 = arith.constant 0 : i32
    %scan3A_13 = arith.constant 5 : i32
    %scan3A_14 = arith.addi %scan3A_12, %scan3A_13 : i32
    %scan3A_15 = arith.constant 1 : i32
    %scan3A_16 = scf.for %scan3A_255 = %scan3A_12 to %scan3A_14 step %scan3A_15 iter_args(%scan3A_256 = %scan3A_11) -> (i32)  : i32 {
      %mul3A_257 = arith.constant 128 : i32
      %mul3A_258 = arith.muli %scan3A_255, %mul3A_257 : i32
      %add3A_259 = arith.addi %mul3A_0, %mul3A_258 : i32
      "tpu.region"() ({
        %run_scoped3A = tpu.sem_alloc : memref<!tpu.dma_semaphore, #tpu.memory_space<semaphore_mem>>
        %dma_start3A_261 = arith.constant 0 : i32
        %dma_start3A_262 = tpu.memref_slice %arg8[%add3A_259, %dma_start3A_261] : memref<10240x128xf32, #tpu.memory_space<vmem_shared>> -> memref<128x128xf32, #tpu.memory_space<vmem_shared>>
        %dma_start3A_263 = arith.constant 0 : i32
        %dma_start3A_264 = tpu.memref_slice %arg8[%add3A_259, %dma_start3A_263] : memref<10240x128xf32, #tpu.memory_space<vmem_shared>> -> memref<128x128xf32, #tpu.memory_space<vmem_shared>>
        tpu.enqueue_dma source(%arg9 : memref<128x128xf32, #tpu.memory_space<vmem>>) target(%dma_start3A_264 : memref<128x128xf32, #tpu.memory_space<vmem_shared>>) target_semaphore(%run_scoped3A : memref<!tpu.dma_semaphore, #tpu.memory_space<semaphore_mem>>)
        %dma_wait3A_265 = arith.constant 0 : i32
        %dma_wait3A_266 = tpu.memref_slice %arg8[%add3A_259, %dma_wait3A_265] : memref<10240x128xf32, #tpu.memory_space<vmem_shared>> -> memref<128x128xf32, #tpu.memory_space<vmem_shared>>
        %dma_wait3A_267 = arith.constant 0 : i32
        %dma_wait3A_268 = tpu.memref_slice %arg8[%add3A_259, %dma_wait3A_267] : memref<10240x128xf32, #tpu.memory_space<vmem_shared>> -> memref<128x128xf32, #tpu.memory_space<vmem_shared>>
        tpu.wait_dma2 semaphore(%run_scoped3A : memref<!tpu.dma_semaphore, #tpu.memory_space<semaphore_mem>>) src(%arg9 : memref<128x128xf32, #tpu.memory_space<vmem>>) dst(%dma_wait3A_268 : memref<128x128xf32, #tpu.memory_space<vmem_shared>>)
        tpu.yield
      }) : () -> ()
      %scan3A_260 = arith.constant 0 : i32
      scf.yield %scan3A_260 : i32
    }
    %scan3A_17 = arith.constant 5 : i32
    %add3A = arith.constant 0 : i32
    %add3A_18 = arith.addi %mul3A_2, %add3A : i32
    %dma_start3A = arith.constant 0 : i32
    %dma_start3A_19 = arith.constant 0 : i32
    %dma_start3A_20 = tpu.memref_slice %arg6[%dma_start3A, %dma_start3A_19] : memref<4x128xi32, #tpu.memory_space<vmem>> -> memref<1x128xi32, #tpu.memory_space<vmem>>
    %dma_start3A_21 = tpu.memref_squeeze %dma_start3A_20 : memref<1x128xi32, #tpu.memory_space<vmem>> -> memref<128xi32, #tpu.memory_space<vmem>>
    %dma_start3A_22 = arith.constant 0 : i32
    %dma_start3A_23 = tpu.memref_slice %arg3[%add3A_18, %dma_start3A_22] : memref<2560x128xi32, #tpu.memory_space<hbm>> -> memref<1x128xi32, #tpu.memory_space<hbm>>
    %dma_start3A_24 = tpu.memref_squeeze %dma_start3A_23 : memref<1x128xi32, #tpu.memory_space<hbm>> -> memref<128xi32, #tpu.memory_space<hbm>>
    %dma_start3A_25 = arith.constant 0 : i32
    %dma_start3A_26 = tpu.memref_slice %arg6[%dma_start3A, %dma_start3A_25] : memref<4x128xi32, #tpu.memory_space<vmem>> -> memref<1x128xi32, #tpu.memory_space<vmem>>
    %dma_start3A_27 = tpu.memref_squeeze %dma_start3A_26 : memref<1x128xi32, #tpu.memory_space<vmem>> -> memref<128xi32, #tpu.memory_space<vmem>>
    %dma_start3A_28 = arith.constant 0 : i32
    %dma_start3A_29 = tpu.memref_slice %arg3[%add3A_18, %dma_start3A_28] : memref<2560x128xi32, #tpu.memory_space<hbm>> -> memref<1x128xi32, #tpu.memory_space<hbm>>
    %dma_start3A_30 = tpu.memref_squeeze %dma_start3A_29 : memref<1x128xi32, #tpu.memory_space<hbm>> -> memref<128xi32, #tpu.memory_space<hbm>>
    tpu.enqueue_dma source(%dma_start3A_30 : memref<128xi32, #tpu.memory_space<hbm>>) target(%dma_start3A_27 : memref<128xi32, #tpu.memory_space<vmem>>) target_semaphore(%arg11 : memref<!tpu.dma_semaphore, #tpu.memory_space<semaphore_mem>>)
    %add3A_31 = arith.constant 0 : i32
    %add3A_32 = arith.addi %mul3A_2, %add3A_31 : i32
    %dma_start3A_33 = arith.constant 0 : i32
    %dma_start3A_34 = arith.constant 0 : i32
    %dma_start3A_35 = tpu.memref_slice %arg7[%dma_start3A_33, %dma_start3A_34] : memref<4x128xi32, #tpu.memory_space<vmem>> -> memref<1x128xi32, #tpu.memory_space<vmem>>
    %dma_start3A_36 = tpu.memref_squeeze %dma_start3A_35 : memref<1x128xi32, #tpu.memory_space<vmem>> -> memref<128xi32, #tpu.memory_space<vmem>>
    %dma_start3A_37 = arith.constant 0 : i32
    %dma_start3A_38 = tpu.memref_slice %arg4[%add3A_32, %dma_start3A_37] : memref<2560x128xi32, #tpu.memory_space<hbm>> -> memref<1x128xi32, #tpu.memory_space<hbm>>
    %dma_start3A_39 = tpu.memref_squeeze %dma_start3A_38 : memref<1x128xi32, #tpu.memory_space<hbm>> -> memref<128xi32, #tpu.memory_space<hbm>>
    %dma_start3A_40 = arith.constant 0 : i32
    %dma_start3A_41 = tpu.memref_slice %arg7[%dma_start3A_33, %dma_start3A_40] : memref<4x128xi32, #tpu.memory_space<vmem>> -> memref<1x128xi32, #tpu.memory_space<vmem>>
    %dma_start3A_42 = tpu.memref_squeeze %dma_start3A_41 : memref<1x128xi32, #tpu.memory_space<vmem>> -> memref<128xi32, #tpu.memory_space<vmem>>
    %dma_start3A_43 = arith.constant 0 : i32
    %dma_start3A_44 = tpu.memref_slice %arg4[%add3A_32, %dma_start3A_43] : memref<2560x128xi32, #tpu.memory_space<hbm>> -> memref<1x128xi32, #tpu.memory_space<hbm>>
    %dma_start3A_45 = tpu.memref_squeeze %dma_start3A_44 : memref<1x128xi32, #tpu.memory_space<hbm>> -> memref<128xi32, #tpu.memory_space<hbm>>
    tpu.enqueue_dma source(%dma_start3A_45 : memref<128xi32, #tpu.memory_space<hbm>>) target(%dma_start3A_42 : memref<128xi32, #tpu.memory_space<vmem>>) target_semaphore(%arg11 : memref<!tpu.dma_semaphore, #tpu.memory_space<semaphore_mem>>)
    %add3A_46 = arith.constant 1 : i32
    %add3A_47 = arith.addi %mul3A_2, %add3A_46 : i32
    %dma_start3A_48 = arith.constant 1 : i32
    %dma_start3A_49 = arith.constant 0 : i32
    %dma_start3A_50 = tpu.memref_slice %arg6[%dma_start3A_48, %dma_start3A_49] : memref<4x128xi32, #tpu.memory_space<vmem>> -> memref<1x128xi32, #tpu.memory_space<vmem>>
    %dma_start3A_51 = tpu.memref_squeeze %dma_start3A_50 : memref<1x128xi32, #tpu.memory_space<vmem>> -> memref<128xi32, #tpu.memory_space<vmem>>
    %dma_start3A_52 = arith.constant 0 : i32
    %dma_start3A_53 = tpu.memref_slice %arg3[%add3A_47, %dma_start3A_52] : memref<2560x128xi32, #tpu.memory_space<hbm>> -> memref<1x128xi32, #tpu.memory_space<hbm>>
    %dma_start3A_54 = tpu.memref_squeeze %dma_start3A_53 : memref<1x128xi32, #tpu.memory_space<hbm>> -> memref<128xi32, #tpu.memory_space<hbm>>
    %dma_start3A_55 = arith.constant 0 : i32
    %dma_start3A_56 = tpu.memref_slice %arg6[%dma_start3A_48, %dma_start3A_55] : memref<4x128xi32, #tpu.memory_space<vmem>> -> memref<1x128xi32, #tpu.memory_space<vmem>>
    %dma_start3A_57 = tpu.memref_squeeze %dma_start3A_56 : memref<1x128xi32, #tpu.memory_space<vmem>> -> memref<128xi32, #tpu.memory_space<vmem>>
    %dma_start3A_58 = arith.constant 0 : i32
    %dma_start3A_59 = tpu.memref_slice %arg3[%add3A_47, %dma_start3A_58] : memref<2560x128xi32, #tpu.memory_space<hbm>> -> memref<1x128xi32, #tpu.memory_space<hbm>>
    %dma_start3A_60 = tpu.memref_squeeze %dma_start3A_59 : memref<1x128xi32, #tpu.memory_space<hbm>> -> memref<128xi32, #tpu.memory_space<hbm>>
    tpu.enqueue_dma source(%dma_start3A_60 : memref<128xi32, #tpu.memory_space<hbm>>) target(%dma_start3A_57 : memref<128xi32, #tpu.memory_space<vmem>>) target_semaphore(%arg12 : memref<!tpu.dma_semaphore, #tpu.memory_space<semaphore_mem>>)
    %add3A_61 = arith.constant 1 : i32
    %add3A_62 = arith.addi %mul3A_2, %add3A_61 : i32
    %dma_start3A_63 = arith.constant 1 : i32
    %dma_start3A_64 = arith.constant 0 : i32
    %dma_start3A_65 = tpu.memref_slice %arg7[%dma_start3A_63, %dma_start3A_64] : memref<4x128xi32, #tpu.memory_space<vmem>> -> memref<1x128xi32, #tpu.memory_space<vmem>>
    %dma_start3A_66 = tpu.memref_squeeze %dma_start3A_65 : memref<1x128xi32, #tpu.memory_space<vmem>> -> memref<128xi32, #tpu.memory_space<vmem>>
    %dma_start3A_67 = arith.constant 0 : i32
    %dma_start3A_68 = tpu.memref_slice %arg4[%add3A_62, %dma_start3A_67] : memref<2560x128xi32, #tpu.memory_space<hbm>> -> memref<1x128xi32, #tpu.memory_space<hbm>>
    %dma_start3A_69 = tpu.memref_squeeze %dma_start3A_68 : memref<1x128xi32, #tpu.memory_space<hbm>> -> memref<128xi32, #tpu.memory_space<hbm>>
    %dma_start3A_70 = arith.constant 0 : i32
    %dma_start3A_71 = tpu.memref_slice %arg7[%dma_start3A_63, %dma_start3A_70] : memref<4x128xi32, #tpu.memory_space<vmem>> -> memref<1x128xi32, #tpu.memory_space<vmem>>
    %dma_start3A_72 = tpu.memref_squeeze %dma_start3A_71 : memref<1x128xi32, #tpu.memory_space<vmem>> -> memref<128xi32, #tpu.memory_space<vmem>>
    %dma_start3A_73 = arith.constant 0 : i32
    %dma_start3A_74 = tpu.memref_slice %arg4[%add3A_62, %dma_start3A_73] : memref<2560x128xi32, #tpu.memory_space<hbm>> -> memref<1x128xi32, #tpu.memory_space<hbm>>
    %dma_start3A_75 = tpu.memref_squeeze %dma_start3A_74 : memref<1x128xi32, #tpu.memory_space<hbm>> -> memref<128xi32, #tpu.memory_space<hbm>>
    tpu.enqueue_dma source(%dma_start3A_75 : memref<128xi32, #tpu.memory_space<hbm>>) target(%dma_start3A_72 : memref<128xi32, #tpu.memory_space<vmem>>) target_semaphore(%arg12 : memref<!tpu.dma_semaphore, #tpu.memory_space<semaphore_mem>>)
    %add3A_76 = arith.constant 2 : i32
    %add3A_77 = arith.addi %mul3A_2, %add3A_76 : i32
    %dma_start3A_78 = arith.constant 2 : i32
    %dma_start3A_79 = arith.constant 0 : i32
    %dma_start3A_80 = tpu.memref_slice %arg6[%dma_start3A_78, %dma_start3A_79] : memref<4x128xi32, #tpu.memory_space<vmem>> -> memref<1x128xi32, #tpu.memory_space<vmem>>
    %dma_start3A_81 = tpu.memref_squeeze %dma_start3A_80 : memref<1x128xi32, #tpu.memory_space<vmem>> -> memref<128xi32, #tpu.memory_space<vmem>>
    %dma_start3A_82 = arith.constant 0 : i32
    %dma_start3A_83 = tpu.memref_slice %arg3[%add3A_77, %dma_start3A_82] : memref<2560x128xi32, #tpu.memory_space<hbm>> -> memref<1x128xi32, #tpu.memory_space<hbm>>
    %dma_start3A_84 = tpu.memref_squeeze %dma_start3A_83 : memref<1x128xi32, #tpu.memory_space<hbm>> -> memref<128xi32, #tpu.memory_space<hbm>>
    %dma_start3A_85 = arith.constant 0 : i32
    %dma_start3A_86 = tpu.memref_slice %arg6[%dma_start3A_78, %dma_start3A_85] : memref<4x128xi32, #tpu.memory_space<vmem>> -> memref<1x128xi32, #tpu.memory_space<vmem>>
    %dma_start3A_87 = tpu.memref_squeeze %dma_start3A_86 : memref<1x128xi32, #tpu.memory_space<vmem>> -> memref<128xi32, #tpu.memory_space<vmem>>
    %dma_start3A_88 = arith.constant 0 : i32
    %dma_start3A_89 = tpu.memref_slice %arg3[%add3A_77, %dma_start3A_88] : memref<2560x128xi32, #tpu.memory_space<hbm>> -> memref<1x128xi32, #tpu.memory_space<hbm>>
    %dma_start3A_90 = tpu.memref_squeeze %dma_start3A_89 : memref<1x128xi32, #tpu.memory_space<hbm>> -> memref<128xi32, #tpu.memory_space<hbm>>
    tpu.enqueue_dma source(%dma_start3A_90 : memref<128xi32, #tpu.memory_space<hbm>>) target(%dma_start3A_87 : memref<128xi32, #tpu.memory_space<vmem>>) target_semaphore(%arg13 : memref<!tpu.dma_semaphore, #tpu.memory_space<semaphore_mem>>)
    %add3A_91 = arith.constant 2 : i32
    %add3A_92 = arith.addi %mul3A_2, %add3A_91 : i32
    %dma_start3A_93 = arith.constant 2 : i32
    %dma_start3A_94 = arith.constant 0 : i32
    %dma_start3A_95 = tpu.memref_slice %arg7[%dma_start3A_93, %dma_start3A_94] : memref<4x128xi32, #tpu.memory_space<vmem>> -> memref<1x128xi32, #tpu.memory_space<vmem>>
    %dma_start3A_96 = tpu.memref_squeeze %dma_start3A_95 : memref<1x128xi32, #tpu.memory_space<vmem>> -> memref<128xi32, #tpu.memory_space<vmem>>
    %dma_start3A_97 = arith.constant 0 : i32
    %dma_start3A_98 = tpu.memref_slice %arg4[%add3A_92, %dma_start3A_97] : memref<2560x128xi32, #tpu.memory_space<hbm>> -> memref<1x128xi32, #tpu.memory_space<hbm>>
    %dma_start3A_99 = tpu.memref_squeeze %dma_start3A_98 : memref<1x128xi32, #tpu.memory_space<hbm>> -> memref<128xi32, #tpu.memory_space<hbm>>
    %dma_start3A_100 = arith.constant 0 : i32
    %dma_start3A_101 = tpu.memref_slice %arg7[%dma_start3A_93, %dma_start3A_100] : memref<4x128xi32, #tpu.memory_space<vmem>> -> memref<1x128xi32, #tpu.memory_space<vmem>>
    %dma_start3A_102 = tpu.memref_squeeze %dma_start3A_101 : memref<1x128xi32, #tpu.memory_space<vmem>> -> memref<128xi32, #tpu.memory_space<vmem>>
    %dma_start3A_103 = arith.constant 0 : i32
    %dma_start3A_104 = tpu.memref_slice %arg4[%add3A_92, %dma_start3A_103] : memref<2560x128xi32, #tpu.memory_space<hbm>> -> memref<1x128xi32, #tpu.memory_space<hbm>>
    %dma_start3A_105 = tpu.memref_squeeze %dma_start3A_104 : memref<1x128xi32, #tpu.memory_space<hbm>> -> memref<128xi32, #tpu.memory_space<hbm>>
    tpu.enqueue_dma source(%dma_start3A_105 : memref<128xi32, #tpu.memory_space<hbm>>) target(%dma_start3A_102 : memref<128xi32, #tpu.memory_space<vmem>>) target_semaphore(%arg13 : memref<!tpu.dma_semaphore, #tpu.memory_space<semaphore_mem>>)
    %dma_wait3A = arith.constant 0 : i32
    %dma_wait3A_106 = arith.constant 0 : i32
    %dma_wait3A_107 = tpu.memref_slice %arg6[%dma_wait3A, %dma_wait3A_106] : memref<4x128xi32, #tpu.memory_space<vmem>> -> memref<1x128xi32, #tpu.memory_space<vmem>>
    %dma_wait3A_108 = tpu.memref_squeeze %dma_wait3A_107 : memref<1x128xi32, #tpu.memory_space<vmem>> -> memref<128xi32, #tpu.memory_space<vmem>>
    %dma_wait3A_109 = arith.constant 0 : i32
    %dma_wait3A_110 = tpu.memref_slice %arg3[%mul3A_2, %dma_wait3A_109] : memref<2560x128xi32, #tpu.memory_space<hbm>> -> memref<1x128xi32, #tpu.memory_space<hbm>>
    %dma_wait3A_111 = tpu.memref_squeeze %dma_wait3A_110 : memref<1x128xi32, #tpu.memory_space<hbm>> -> memref<128xi32, #tpu.memory_space<hbm>>
    %dma_wait3A_112 = arith.constant 0 : i32
    %dma_wait3A_113 = tpu.memref_slice %arg6[%dma_wait3A, %dma_wait3A_112] : memref<4x128xi32, #tpu.memory_space<vmem>> -> memref<1x128xi32, #tpu.memory_space<vmem>>
    %dma_wait3A_114 = tpu.memref_squeeze %dma_wait3A_113 : memref<1x128xi32, #tpu.memory_space<vmem>> -> memref<128xi32, #tpu.memory_space<vmem>>
    %dma_wait3A_115 = arith.constant 0 : i32
    %dma_wait3A_116 = tpu.memref_slice %arg3[%mul3A_2, %dma_wait3A_115] : memref<2560x128xi32, #tpu.memory_space<hbm>> -> memref<1x128xi32, #tpu.memory_space<hbm>>
    %dma_wait3A_117 = tpu.memref_squeeze %dma_wait3A_116 : memref<1x128xi32, #tpu.memory_space<hbm>> -> memref<128xi32, #tpu.memory_space<hbm>>
    tpu.wait_dma2 semaphore(%arg11 : memref<!tpu.dma_semaphore, #tpu.memory_space<semaphore_mem>>) src(%dma_wait3A_117 : memref<128xi32, #tpu.memory_space<hbm>>) dst(%dma_wait3A_114 : memref<128xi32, #tpu.memory_space<vmem>>)
    %dma_wait3A_118 = arith.constant 0 : i32
    %dma_wait3A_119 = arith.constant 0 : i32
    %dma_wait3A_120 = tpu.memref_slice %arg7[%dma_wait3A_118, %dma_wait3A_119] : memref<4x128xi32, #tpu.memory_space<vmem>> -> memref<1x128xi32, #tpu.memory_space<vmem>>
    %dma_wait3A_121 = tpu.memref_squeeze %dma_wait3A_120 : memref<1x128xi32, #tpu.memory_space<vmem>> -> memref<128xi32, #tpu.memory_space<vmem>>
    %dma_wait3A_122 = arith.constant 0 : i32
    %dma_wait3A_123 = tpu.memref_slice %arg4[%mul3A_2, %dma_wait3A_122] : memref<2560x128xi32, #tpu.memory_space<hbm>> -> memref<1x128xi32, #tpu.memory_space<hbm>>
    %dma_wait3A_124 = tpu.memref_squeeze %dma_wait3A_123 : memref<1x128xi32, #tpu.memory_space<hbm>> -> memref<128xi32, #tpu.memory_space<hbm>>
    %dma_wait3A_125 = arith.constant 0 : i32
    %dma_wait3A_126 = tpu.memref_slice %arg7[%dma_wait3A_118, %dma_wait3A_125] : memref<4x128xi32, #tpu.memory_space<vmem>> -> memref<1x128xi32, #tpu.memory_space<vmem>>
    %dma_wait3A_127 = tpu.memref_squeeze %dma_wait3A_126 : memref<1x128xi32, #tpu.memory_space<vmem>> -> memref<128xi32, #tpu.memory_space<vmem>>
    %dma_wait3A_128 = arith.constant 0 : i32
    %dma_wait3A_129 = tpu.memref_slice %arg4[%mul3A_2, %dma_wait3A_128] : memref<2560x128xi32, #tpu.memory_space<hbm>> -> memref<1x128xi32, #tpu.memory_space<hbm>>
    %dma_wait3A_130 = tpu.memref_squeeze %dma_wait3A_129 : memref<1x128xi32, #tpu.memory_space<hbm>> -> memref<128xi32, #tpu.memory_space<hbm>>
    tpu.wait_dma2 semaphore(%arg11 : memref<!tpu.dma_semaphore, #tpu.memory_space<semaphore_mem>>) src(%dma_wait3A_130 : memref<128xi32, #tpu.memory_space<hbm>>) dst(%dma_wait3A_127 : memref<128xi32, #tpu.memory_space<vmem>>)
    %get3A = arith.constant 0 : i32
    %get3A_131 = arith.index_cast %get3A : i32 to index
    %get3A_132 = arith.constant 0 : index
    %get3A_133 = tpu.vector_load %arg6[%get3A_131, %get3A_132] {strides = array<i32>} : memref<4x128xi32, #tpu.memory_space<vmem>>, vector<1x16xi32>,
    %get3A_134 = vector.shape_cast %get3A_133 : vector<1x16xi32> to vector<16xi32>
    %add3A_135 = vector.broadcast %mul3A_4 : i32 to vector<16xi32>
    %add3A_136 = arith.addi %get3A_134, %add3A_135 : vector<16xi32>
    %swap3A = arith.constant 0 : i32
    %swap3A_137 = arith.index_cast %swap3A : i32 to index
    %swap3A_138 = arith.constant 0 : index
    %swap3A_139 = tpu.vector_load %arg6[%swap3A_137, %swap3A_138] {strides = array<i32>} : memref<4x128xi32, #tpu.memory_space<vmem>>, vector<1x16xi32>,
    %swap3A_140 = vector.shape_cast %swap3A_139 : vector<1x16xi32> to vector<16xi32>
    %swap3A_141 = vector.shape_cast %add3A_136 : vector<16xi32> to vector<1x16xi32>
    tpu.vector_store %arg6[%swap3A_137, %swap3A_138], %swap3A_141 {strides = array<i32>} : memref<4x128xi32, #tpu.memory_space<vmem>>, vector<1x16xi32>,
    %get3A_142 = arith.constant 0 : i32
    %get3A_143 = arith.index_cast %get3A_142 : i32 to index
    %get3A_144 = arith.constant 16 : index
    %get3A_145 = tpu.vector_load %arg6[%get3A_143, %get3A_144] {strides = array<i32>} : memref<4x128xi32, #tpu.memory_space<vmem>>, vector<1x16xi32>,
    %get3A_146 = vector.shape_cast %get3A_145 : vector<1x16xi32> to vector<16xi32>
    %add3A_147 = vector.broadcast %mul3A_4 : i32 to vector<16xi32>
    %add3A_148 = arith.addi %get3A_146, %add3A_147 : vector<16xi32>
    %swap3A_149 = arith.constant 0 : i32
    %swap3A_150 = arith.index_cast %swap3A_149 : i32 to index
    %swap3A_151 = arith.constant 16 : index
    %swap3A_152 = tpu.vector_load %arg6[%swap3A_150, %swap3A_151] {strides = array<i32>} : memref<4x128xi32, #tpu.memory_space<vmem>>, vector<1x16xi32>,
    %swap3A_153 = vector.shape_cast %swap3A_152 : vector<1x16xi32> to vector<16xi32>
    %swap3A_154 = vector.shape_cast %add3A_148 : vector<16xi32> to vector<1x16xi32>
    tpu.vector_store %arg6[%swap3A_150, %swap3A_151], %swap3A_154 {strides = array<i32>} : memref<4x128xi32, #tpu.memory_space<vmem>>, vector<1x16xi32>,
    %get3A_155 = arith.constant 0 : i32
    %get3A_156 = arith.index_cast %get3A_155 : i32 to index
    %get3A_157 = arith.constant 32 : index
    %get3A_158 = tpu.vector_load %arg6[%get3A_156, %get3A_157] {strides = array<i32>} : memref<4x128xi32, #tpu.memory_space<vmem>>, vector<1x16xi32>,
    %get3A_159 = vector.shape_cast %get3A_158 : vector<1x16xi32> to vector<16xi32>
    %add3A_160 = vector.broadcast %mul3A_4 : i32 to vector<16xi32>
    %add3A_161 = arith.addi %get3A_159, %add3A_160 : vector<16xi32>
    %swap3A_162 = arith.constant 0 : i32
    %swap3A_163 = arith.index_cast %swap3A_162 : i32 to index
    %swap3A_164 = arith.constant 32 : index
    %swap3A_165 = tpu.vector_load %arg6[%swap3A_163, %swap3A_164] {strides = array<i32>} : memref<4x128xi32, #tpu.memory_space<vmem>>, vector<1x16xi32>,
    %swap3A_166 = vector.shape_cast %swap3A_165 : vector<1x16xi32> to vector<16xi32>
    %swap3A_167 = vector.shape_cast %add3A_161 : vector<16xi32> to vector<1x16xi32>
    tpu.vector_store %arg6[%swap3A_163, %swap3A_164], %swap3A_167 {strides = array<i32>} : memref<4x128xi32, #tpu.memory_space<vmem>>, vector<1x16xi32>,
    %get3A_168 = arith.constant 0 : i32
    %get3A_169 = arith.index_cast %get3A_168 : i32 to index
    %get3A_170 = arith.constant 48 : index
    %get3A_171 = tpu.vector_load %arg6[%get3A_169, %get3A_170] {strides = array<i32>} : memref<4x128xi32, #tpu.memory_space<vmem>>, vector<1x16xi32>,
    %get3A_172 = vector.shape_cast %get3A_171 : vector<1x16xi32> to vector<16xi32>
    %add3A_173 = vector.broadcast %mul3A_4 : i32 to vector<16xi32>
    %add3A_174 = arith.addi %get3A_172, %add3A_173 : vector<16xi32>
    %swap3A_175 = arith.constant 0 : i32
    %swap3A_176 = arith.index_cast %swap3A_175 : i32 to index
    %swap3A_177 = arith.constant 48 : index
    %swap3A_178 = tpu.vector_load %arg6[%swap3A_176, %swap3A_177] {strides = array<i32>} : memref<4x128xi32, #tpu.memory_space<vmem>>, vector<1x16xi32>,
    %swap3A_179 = vector.shape_cast %swap3A_178 : vector<1x16xi32> to vector<16xi32>
    %swap3A_180 = vector.shape_cast %add3A_174 : vector<16xi32> to vector<1x16xi32>
    tpu.vector_store %arg6[%swap3A_176, %swap3A_177], %swap3A_180 {strides = array<i32>} : memref<4x128xi32, #tpu.memory_space<vmem>>, vector<1x16xi32>,
    %get3A_181 = arith.constant 0 : i32
    %get3A_182 = arith.index_cast %get3A_181 : i32 to index
    %get3A_183 = arith.constant 64 : index
    %get3A_184 = tpu.vector_load %arg6[%get3A_182, %get3A_183] {strides = array<i32>} : memref<4x128xi32, #tpu.memory_space<vmem>>, vector<1x16xi32>,
    %get3A_185 = vector.shape_cast %get3A_184 : vector<1x16xi32> to vector<16xi32>
    %add3A_186 = vector.broadcast %mul3A_4 : i32 to vector<16xi32>
    %add3A_187 = arith.addi %get3A_185, %add3A_186 : vector<16xi32>
    %swap3A_188 = arith.constant 0 : i32
    %swap3A_189 = arith.index_cast %swap3A_188 : i32 to index
    %swap3A_190 = arith.constant 64 : index
    %swap3A_191 = tpu.vector_load %arg6[%swap3A_189, %swap3A_190] {strides = array<i32>} : memref<4x128xi32, #tpu.memory_space<vmem>>, vector<1x16xi32>,
    %swap3A_192 = vector.shape_cast %swap3A_191 : vector<1x16xi32> to vector<16xi32>
    %swap3A_193 = vector.shape_cast %add3A_187 : vector<16xi32> to vector<1x16xi32>
    tpu.vector_store %arg6[%swap3A_189, %swap3A_190], %swap3A_193 {strides = array<i32>} : memref<4x128xi32, #tpu.memory_space<vmem>>, vector<1x16xi32>,
    %get3A_194 = arith.constant 0 : i32
    %get3A_195 = arith.index_cast %get3A_194 : i32 to index
    %get3A_196 = arith.constant 80 : index
    %get3A_197 = tpu.vector_load %arg6[%get3A_195, %get3A_196] {strides = array<i32>} : memref<4x128xi32, #tpu.memory_space<vmem>>, vector<1x16xi32>,
    %get3A_198 = vector.shape_cast %get3A_197 : vector<1x16xi32> to vector<16xi32>
    %add3A_199 = vector.broadcast %mul3A_4 : i32 to vector<16xi32>
    %add3A_200 = arith.addi %get3A_198, %add3A_199 : vector<16xi32>
    %swap3A_201 = arith.constant 0 : i32
    %swap3A_202 = arith.index_cast %swap3A_201 : i32 to index
    %swap3A_203 = arith.constant 80 : index
    %swap3A_204 = tpu.vector_load %arg6[%swap3A_202, %swap3A_203] {strides = array<i32>} : memref<4x128xi32, #tpu.memory_space<vmem>>, vector<1x16xi32>,
    %swap3A_205 = vector.shape_cast %swap3A_204 : vector<1x16xi32> to vector<16xi32>
    %swap3A_206 = vector.shape_cast %add3A_200 : vector<16xi32> to vector<1x16xi32>
    tpu.vector_store %arg6[%swap3A_202, %swap3A_203], %swap3A_206 {strides = array<i32>} : memref<4x128xi32, #tpu.memory_space<vmem>>, vector<1x16xi32>,
    %get3A_207 = arith.constant 0 : i32
    %get3A_208 = arith.index_cast %get3A_207 : i32 to index
    %get3A_209 = arith.constant 96 : index
    %get3A_210 = tpu.vector_load %arg6[%get3A_208, %get3A_209] {strides = array<i32>} : memref<4x128xi32, #tpu.memory_space<vmem>>, vector<1x16xi32>,
    %get3A_211 = vector.shape_cast %get3A_210 : vector<1x16xi32> to vector<16xi32>
    %add3A_212 = vector.broadcast %mul3A_4 : i32 to vector<16xi32>
    %add3A_213 = arith.addi %get3A_211, %add3A_212 : vector<16xi32>
    %swap3A_214 = arith.constant 0 : i32
    %swap3A_215 = arith.index_cast %swap3A_214 : i32 to index
    %swap3A_216 = arith.constant 96 : index
    %swap3A_217 = tpu.vector_load %arg6[%swap3A_215, %swap3A_216] {strides = array<i32>} : memref<4x128xi32, #tpu.memory_space<vmem>>, vector<1x16xi32>,
    %swap3A_218 = vector.shape_cast %swap3A_217 : vector<1x16xi32> to vector<16xi32>
    %swap3A_219 = vector.shape_cast %add3A_213 : vector<16xi32> to vector<1x16xi32>
    tpu.vector_store %arg6[%swap3A_215, %swap3A_216], %swap3A_219 {strides = array<i32>} : memref<4x128xi32, #tpu.memory_space<vmem>>, vector<1x16xi32>,
    %get3A_220 = arith.constant 0 : i32
    %get3A_221 = arith.index_cast %get3A_220 : i32 to index
    %get3A_222 = arith.constant 112 : index
    %get3A_223 = tpu.vector_load %arg6[%get3A_221, %get3A_222] {strides = array<i32>} : memref<4x128xi32, #tpu.memory_space<vmem>>, vector<1x16xi32>,
    %get3A_224 = vector.shape_cast %get3A_223 : vector<1x16xi32> to vector<16xi32>
    %add3A_225 = vector.broadcast %mul3A_4 : i32 to vector<16xi32>
    %add3A_226 = arith.addi %get3A_224, %add3A_225 : vector<16xi32>
    %swap3A_227 = arith.constant 0 : i32
    %swap3A_228 = arith.index_cast %swap3A_227 : i32 to index
    %swap3A_229 = arith.constant 112 : index
    %swap3A_230 = tpu.vector_load %arg6[%swap3A_228, %swap3A_229] {strides = array<i32>} : memref<4x128xi32, #tpu.memory_space<vmem>>, vector<1x16xi32>,
    %swap3A_231 = vector.shape_cast %swap3A_230 : vector<1x16xi32> to vector<16xi32>
    %swap3A_232 = vector.shape_cast %add3A_226 : vector<16xi32> to vector<1x16xi32>
    tpu.vector_store %arg6[%swap3A_228, %swap3A_229], %swap3A_232 {strides = array<i32>} : memref<4x128xi32, #tpu.memory_space<vmem>>, vector<1x16xi32>,
    %dma_start3A_233 = arith.constant 0 : i32
    %dma_start3A_234 = arith.constant 0 : i32
    %dma_start3A_235 = tpu.memref_slice %arg6[%dma_start3A_233, %dma_start3A_234] : memref<4x128xi32, #tpu.memory_space<vmem>> -> memref<1x128xi32, #tpu.memory_space<vmem>>
    %dma_start3A_236 = tpu.memref_squeeze %dma_start3A_235 : memref<1x128xi32, #tpu.memory_space<vmem>> -> memref<128xi32, #tpu.memory_space<vmem>>
    %dma_start3A_237 = arith.constant 0 : i32
    %dma_start3A_238 = arith.constant 0 : i32
    %dma_start3A_239 = tpu.memref_slice %arg2[%dma_start3A_237, %dma_start3A_238] : memref<20000x128xf32, #tpu.memory_space<hbm>> -> memref<20000x128xf32, #tpu.memory_space<hbm>>
    tpu.enqueue_indirect_dma source(%dma_start3A_239 : memref<20000x128xf32, #tpu.memory_space<hbm>>) target(%arg9 : memref<128x128xf32, #tpu.memory_space<vmem>>) offsets(%dma_start3A_236 : memref<128xi32, #tpu.memory_space<vmem>>) semaphore(%arg15 : memref<!tpu.dma_semaphore, #tpu.memory_space<semaphore_mem>>)
    %barrier3A = arith.constant 0 : index
    tpu.barrier barrier_id(%barrier3A)
    %scan3A_240 = arith.constant 0 : i32
    %scan3A_241 = arith.constant 0 : i32
    %scan3A_242 = arith.constant 40 : i32
    %scan3A_243 = arith.addi %scan3A_241, %scan3A_242 : i32
    %scan3A_244 = arith.constant 1 : i32
    %scan3A_245 = scf.for %scan3A_255 = %scan3A_241 to %scan3A_243 step %scan3A_244 iter_args(%scan3A_256 = %scan3A_240) -> (i32)  : i32 {
      %mul3A_257 = arith.constant 4 : i32
      %mul3A_258 = arith.muli %scan3A_255, %mul3A_257 : i32
      %add3A_259 = arith.constant 0 : i32
      %add3A_260 = arith.addi %mul3A_258, %add3A_259 : i32
      %ge3A = arith.constant 1 : i32
      %ge3A_261 = arith.cmpi sge, %add3A_260, %ge3A : i32
      %convert_element_type3A = arith.extui %ge3A_261 : i1 to i32
      %cond3A = arith.constant 0 : i32
      %cond3A_262 = arith.cmpi ne, %convert_element_type3A, %cond3A : i32
      scf.if %cond3A_262 {
        %dma_wait3A_402 = arith.constant 3 : i32
        %dma_wait3A_403 = arith.constant 0 : i32
        %dma_wait3A_404 = tpu.memref_slice %arg7[%dma_wait3A_402, %dma_wait3A_403] : memref<4x128xi32, #tpu.memory_space<vmem>> -> memref<1x128xi32, #tpu.memory_space<vmem>>
        %dma_wait3A_405 = tpu.memref_squeeze %dma_wait3A_404 : memref<1x128xi32, #tpu.memory_space<vmem>> -> memref<128xi32, #tpu.memory_space<vmem>>
        %dma_wait3A_406 = arith.constant 0 : i32
        %dma_wait3A_407 = arith.constant 0 : i32
        %dma_wait3A_408 = tpu.memref_slice %arg8[%dma_wait3A_406, %dma_wait3A_407] : memref<10240x128xf32, #tpu.memory_space<vmem_shared>> -> memref<10240x128xf32, #tpu.memory_space<vmem_shared>>
        tpu.wait_indirect_dma semaphore(%arg18 : memref<!tpu.dma_semaphore, #tpu.memory_space<semaphore_mem>>) src(%arg10 : memref<128x128xf32, #tpu.memory_space<vmem>>) dst(%dma_wait3A_408 : memref<10240x128xf32, #tpu.memory_space<vmem_shared>>)
      } else {
      }
      %add3A_263 = arith.constant 1 : i32
      %add3A_264 = arith.addi %add3A_260, %add3A_263 : i32
      %lt3A = arith.constant 160 : i32
      %lt3A_265 = arith.cmpi slt, %add3A_264, %lt3A : i32
      %convert_element_type3A_266 = arith.extui %lt3A_265 : i1 to i32
      %cond3A_267 = arith.constant 0 : i32
      %cond3A_268 = arith.cmpi ne, %convert_element_type3A_266, %cond3A_267 : i32
      scf.if %cond3A_268 {
        %dma_wait3A_402 = arith.constant 1 : i32
        %dma_wait3A_403 = arith.constant 0 : i32
        %dma_wait3A_404 = tpu.memref_slice %arg6[%dma_wait3A_402, %dma_wait3A_403] : memref<4x128xi32, #tpu.memory_space<vmem>> -> memref<1x128xi32, #tpu.memory_space<vmem>>
        %dma_wait3A_405 = tpu.memref_squeeze %dma_wait3A_404 : memref<1x128xi32, #tpu.memory_space<vmem>> -> memref<128xi32, #tpu.memory_space<vmem>>
        %dma_wait3A_406 = arith.constant 0 : i32
        %dma_wait3A_407 = tpu.memref_slice %arg3[%mul3A_2, %dma_wait3A_406] : memref<2560x128xi32, #tpu.memory_space<hbm>> -> memref<1x128xi32, #tpu.memory_space<hbm>>
        %dma_wait3A_408 = tpu.memref_squeeze %dma_wait3A_407 : memref<1x128xi32, #tpu.memory_space<hbm>> -> memref<128xi32, #tpu.memory_space<hbm>>
        %dma_wait3A_409 = arith.constant 0 : i32
        %dma_wait3A_410 = tpu.memref_slice %arg6[%dma_wait3A_402, %dma_wait3A_409] : memref<4x128xi32, #tpu.memory_space<vmem>> -> memref<1x128xi32, #tpu.memory_space<vmem>>
        %dma_wait3A_411 = tpu.memref_squeeze %dma_wait3A_410 : memref<1x128xi32, #tpu.memory_space<vmem>> -> memref<128xi32, #tpu.memory_space<vmem>>
        %dma_wait3A_412 = arith.constant 0 : i32
        %dma_wait3A_413 = tpu.memref_slice %arg3[%mul3A_2, %dma_wait3A_412] : memref<2560x128xi32, #tpu.memory_space<hbm>> -> memref<1x128xi32, #tpu.memory_space<hbm>>
        %dma_wait3A_414 = tpu.memref_squeeze %dma_wait3A_413 : memref<1x128xi32, #tpu.memory_space<hbm>> -> memref<128xi32, #tpu.memory_space<hbm>>
        tpu.wait_dma2 semaphore(%arg12 : memref<!tpu.dma_semaphore, #tpu.memory_space<semaphore_mem>>) src(%dma_wait3A_414 : memref<128xi32, #tpu.memory_space<hbm>>) dst(%dma_wait3A_411 : memref<128xi32, #tpu.memory_space<vmem>>)
        %dma_wait3A_415 = arith.constant 1 : i32
        %dma_wait3A_416 = arith.constant 0 : i32
        %dma_wait3A_417 = tpu.memref_slice %arg7[%dma_wait3A_415, %dma_wait3A_416] : memref<4x128xi32, #tpu.memory_space<vmem>> -> memref<1x128xi32, #tpu.memory_space<vmem>>
        %dma_wait3A_418 = tpu.memref_squeeze %dma_wait3A_417 : memref<1x128xi32, #tpu.memory_space<vmem>> -> memref<128xi32, #tpu.memory_space<vmem>>
        %dma_wait3A_419 = arith.constant 0 : i32
        %dma_wait3A_420 = tpu.memref_slice %arg4[%mul3A_2, %dma_wait3A_419] : memref<2560x128xi32, #tpu.memory_space<hbm>> -> memref<1x128xi32, #tpu.memory_space<hbm>>
        %dma_wait3A_421 = tpu.memref_squeeze %dma_wait3A_420 : memref<1x128xi32, #tpu.memory_space<hbm>> -> memref<128xi32, #tpu.memory_space<hbm>>
        %dma_wait3A_422 = arith.constant 0 : i32
        %dma_wait3A_423 = tpu.memref_slice %arg7[%dma_wait3A_415, %dma_wait3A_422] : memref<4x128xi32, #tpu.memory_space<vmem>> -> memref<1x128xi32, #tpu.memory_space<vmem>>
        %dma_wait3A_424 = tpu.memref_squeeze %dma_wait3A_423 : memref<1x128xi32, #tpu.memory_space<vmem>> -> memref<128xi32, #tpu.memory_space<vmem>>
        %dma_wait3A_425 = arith.constant 0 : i32
        %dma_wait3A_426 = tpu.memref_slice %arg4[%mul3A_2, %dma_wait3A_425] : memref<2560x128xi32, #tpu.memory_space<hbm>> -> memref<1x128xi32, #tpu.memory_space<hbm>>
        %dma_wait3A_427 = tpu.memref_squeeze %dma_wait3A_426 : memref<1x128xi32, #tpu.memory_space<hbm>> -> memref<128xi32, #tpu.memory_space<hbm>>
        tpu.wait_dma2 semaphore(%arg12 : memref<!tpu.dma_semaphore, #tpu.memory_space<semaphore_mem>>) src(%dma_wait3A_427 : memref<128xi32, #tpu.memory_space<hbm>>) dst(%dma_wait3A_424 : memref<128xi32, #tpu.memory_space<vmem>>)
        %get3A_428 = arith.constant 1 : i32
        %get3A_429 = arith.index_cast %get3A_428 : i32 to index
        %get3A_430 = arith.constant 0 : index
        %get3A_431 = tpu.vector_load %arg6[%get3A_429, %get3A_430] {strides = array<i32>} : memref<4x128xi32, #tpu.memory_space<vmem>>, vector<1x16xi32>,
        %get3A_432 = vector.shape_cast %get3A_431 : vector<1x16xi32> to vector<16xi32>
        %add3A_433 = vector.broadcast %mul3A_4 : i32 to vector<16xi32>
        %add3A_434 = arith.addi %get3A_432, %add3A_433 : vector<16xi32>
        %swap3A_435 = arith.constant 1 : i32
        %swap3A_436 = arith.index_cast %swap3A_435 : i32 to index
        %swap3A_437 = arith.constant 0 : index
        %swap3A_438 = tpu.vector_load %arg6[%swap3A_436, %swap3A_437] {strides = array<i32>} : memref<4x128xi32, #tpu.memory_space<vmem>>, vector<1x16xi32>,
        %swap3A_439 = vector.shape_cast %swap3A_438 : vector<1x16xi32> to vector<16xi32>
        %swap3A_440 = vector.shape_cast %add3A_434 : vector<16xi32> to vector<1x16xi32>
        tpu.vector_store %arg6[%swap3A_436, %swap3A_437], %swap3A_440 {strides = array<i32>} : memref<4x128xi32, #tpu.memory_space<vmem>>, vector<1x16xi32>,
        %get3A_441 = arith.constant 1 : i32
        %get3A_442 = arith.index_cast %get3A_441 : i32 to index
        %get3A_443 = arith.constant 16 : index
        %get3A_444 = tpu.vector_load %arg6[%get3A_442, %get3A_443] {strides = array<i32>} : memref<4x128xi32, #tpu.memory_space<vmem>>, vector<1x16xi32>,
        %get3A_445 = vector.shape_cast %get3A_444 : vector<1x16xi32> to vector<16xi32>
        %add3A_446 = vector.broadcast %mul3A_4 : i32 to vector<16xi32>
        %add3A_447 = arith.addi %get3A_445, %add3A_446 : vector<16xi32>
        %swap3A_448 = arith.constant 1 : i32
        %swap3A_449 = arith.index_cast %swap3A_448 : i32 to index
        %swap3A_450 = arith.constant 16 : index
        %swap3A_451 = tpu.vector_load %arg6[%swap3A_449, %swap3A_450] {strides = array<i32>} : memref<4x128xi32, #tpu.memory_space<vmem>>, vector<1x16xi32>,
        %swap3A_452 = vector.shape_cast %swap3A_451 : vector<1x16xi32> to vector<16xi32>
        %swap3A_453 = vector.shape_cast %add3A_447 : vector<16xi32> to vector<1x16xi32>
        tpu.vector_store %arg6[%swap3A_449, %swap3A_450], %swap3A_453 {strides = array<i32>} : memref<4x128xi32, #tpu.memory_space<vmem>>, vector<1x16xi32>,
        %get3A_454 = arith.constant 1 : i32
        %get3A_455 = arith.index_cast %get3A_454 : i32 to index
        %get3A_456 = arith.constant 32 : index
        %get3A_457 = tpu.vector_load %arg6[%get3A_455, %get3A_456] {strides = array<i32>} : memref<4x128xi32, #tpu.memory_space<vmem>>, vector<1x16xi32>,
        %get3A_458 = vector.shape_cast %get3A_457 : vector<1x16xi32> to vector<16xi32>
        %add3A_459 = vector.broadcast %mul3A_4 : i32 to vector<16xi32>
        %add3A_460 = arith.addi %get3A_458, %add3A_459 : vector<16xi32>
        %swap3A_461 = arith.constant 1 : i32
        %swap3A_462 = arith.index_cast %swap3A_461 : i32 to index
        %swap3A_463 = arith.constant 32 : index
        %swap3A_464 = tpu.vector_load %arg6[%swap3A_462, %swap3A_463] {strides = array<i32>} : memref<4x128xi32, #tpu.memory_space<vmem>>, vector<1x16xi32>,
        %swap3A_465 = vector.shape_cast %swap3A_464 : vector<1x16xi32> to vector<16xi32>
        %swap3A_466 = vector.shape_cast %add3A_460 : vector<16xi32> to vector<1x16xi32>
        tpu.vector_store %arg6[%swap3A_462, %swap3A_463], %swap3A_466 {strides = array<i32>} : memref<4x128xi32, #tpu.memory_space<vmem>>, vector<1x16xi32>,
        %get3A_467 = arith.constant 1 : i32
        %get3A_468 = arith.index_cast %get3A_467 : i32 to index
        %get3A_469 = arith.constant 48 : index
        %get3A_470 = tpu.vector_load %arg6[%get3A_468, %get3A_469] {strides = array<i32>} : memref<4x128xi32, #tpu.memory_space<vmem>>, vector<1x16xi32>,
        %get3A_471 = vector.shape_cast %get3A_470 : vector<1x16xi32> to vector<16xi32>
        %add3A_472 = vector.broadcast %mul3A_4 : i32 to vector<16xi32>
        %add3A_473 = arith.addi %get3A_471, %add3A_472 : vector<16xi32>
        %swap3A_474 = arith.constant 1 : i32
        %swap3A_475 = arith.index_cast %swap3A_474 : i32 to index
        %swap3A_476 = arith.constant 48 : index
        %swap3A_477 = tpu.vector_load %arg6[%swap3A_475, %swap3A_476] {strides = array<i32>} : memref<4x128xi32, #tpu.memory_space<vmem>>, vector<1x16xi32>,
        %swap3A_478 = vector.shape_cast %swap3A_477 : vector<1x16xi32> to vector<16xi32>
        %swap3A_479 = vector.shape_cast %add3A_473 : vector<16xi32> to vector<1x16xi32>
        tpu.vector_store %arg6[%swap3A_475, %swap3A_476], %swap3A_479 {strides = array<i32>} : memref<4x128xi32, #tpu.memory_space<vmem>>, vector<1x16xi32>,
        %get3A_480 = arith.constant 1 : i32
        %get3A_481 = arith.index_cast %get3A_480 : i32 to index
        %get3A_482 = arith.constant 64 : index
        %get3A_483 = tpu.vector_load %arg6[%get3A_481, %get3A_482] {strides = array<i32>} : memref<4x128xi32, #tpu.memory_space<vmem>>, vector<1x16xi32>,
        %get3A_484 = vector.shape_cast %get3A_483 : vector<1x16xi32> to vector<16xi32>
        %add3A_485 = vector.broadcast %mul3A_4 : i32 to vector<16xi32>
        %add3A_486 = arith.addi %get3A_484, %add3A_485 : vector<16xi32>
        %swap3A_487 = arith.constant 1 : i32
        %swap3A_488 = arith.index_cast %swap3A_487 : i32 to index
        %swap3A_489 = arith.constant 64 : index
        %swap3A_490 = tpu.vector_load %arg6[%swap3A_488, %swap3A_489] {strides = array<i32>} : memref<4x128xi32, #tpu.memory_space<vmem>>, vector<1x16xi32>,
        %swap3A_491 = vector.shape_cast %swap3A_490 : vector<1x16xi32> to vector<16xi32>
        %swap3A_492 = vector.shape_cast %add3A_486 : vector<16xi32> to vector<1x16xi32>
        tpu.vector_store %arg6[%swap3A_488, %swap3A_489], %swap3A_492 {strides = array<i32>} : memref<4x128xi32, #tpu.memory_space<vmem>>, vector<1x16xi32>,
        %get3A_493 = arith.constant 1 : i32
        %get3A_494 = arith.index_cast %get3A_493 : i32 to index
        %get3A_495 = arith.constant 80 : index
        %get3A_496 = tpu.vector_load %arg6[%get3A_494, %get3A_495] {strides = array<i32>} : memref<4x128xi32, #tpu.memory_space<vmem>>, vector<1x16xi32>,
        %get3A_497 = vector.shape_cast %get3A_496 : vector<1x16xi32> to vector<16xi32>
        %add3A_498 = vector.broadcast %mul3A_4 : i32 to vector<16xi32>
        %add3A_499 = arith.addi %get3A_497, %add3A_498 : vector<16xi32>
        %swap3A_500 = arith.constant 1 : i32
        %swap3A_501 = arith.index_cast %swap3A_500 : i32 to index
        %swap3A_502 = arith.constant 80 : index
        %swap3A_503 = tpu.vector_load %arg6[%swap3A_501, %swap3A_502] {strides = array<i32>} : memref<4x128xi32, #tpu.memory_space<vmem>>, vector<1x16xi32>,
        %swap3A_504 = vector.shape_cast %swap3A_503 : vector<1x16xi32> to vector<16xi32>
        %swap3A_505 = vector.shape_cast %add3A_499 : vector<16xi32> to vector<1x16xi32>
        tpu.vector_store %arg6[%swap3A_501, %swap3A_502], %swap3A_505 {strides = array<i32>} : memref<4x128xi32, #tpu.memory_space<vmem>>, vector<1x16xi32>,
        %get3A_506 = arith.constant 1 : i32
        %get3A_507 = arith.index_cast %get3A_506 : i32 to index
        %get3A_508 = arith.constant 96 : index
        %get3A_509 = tpu.vector_load %arg6[%get3A_507, %get3A_508] {strides = array<i32>} : memref<4x128xi32, #tpu.memory_space<vmem>>, vector<1x16xi32>,
        %get3A_510 = vector.shape_cast %get3A_509 : vector<1x16xi32> to vector<16xi32>
        %add3A_511 = vector.broadcast %mul3A_4 : i32 to vector<16xi32>
        %add3A_512 = arith.addi %get3A_510, %add3A_511 : vector<16xi32>
        %swap3A_513 = arith.constant 1 : i32
        %swap3A_514 = arith.index_cast %swap3A_513 : i32 to index
        %swap3A_515 = arith.constant 96 : index
        %swap3A_516 = tpu.vector_load %arg6[%swap3A_514, %swap3A_515] {strides = array<i32>} : memref<4x128xi32, #tpu.memory_space<vmem>>, vector<1x16xi32>,
        %swap3A_517 = vector.shape_cast %swap3A_516 : vector<1x16xi32> to vector<16xi32>
        %swap3A_518 = vector.shape_cast %add3A_512 : vector<16xi32> to vector<1x16xi32>
        tpu.vector_store %arg6[%swap3A_514, %swap3A_515], %swap3A_518 {strides = array<i32>} : memref<4x128xi32, #tpu.memory_space<vmem>>, vector<1x16xi32>,
        %get3A_519 = arith.constant 1 : i32
        %get3A_520 = arith.index_cast %get3A_519 : i32 to index
        %get3A_521 = arith.constant 112 : index
        %get3A_522 = tpu.vector_load %arg6[%get3A_520, %get3A_521] {strides = array<i32>} : memref<4x128xi32, #tpu.memory_space<vmem>>, vector<1x16xi32>,
        %get3A_523 = vector.shape_cast %get3A_522 : vector<1x16xi32> to vector<16xi32>
        %add3A_524 = vector.broadcast %mul3A_4 : i32 to vector<16xi32>
        %add3A_525 = arith.addi %get3A_523, %add3A_524 : vector<16xi32>
        %swap3A_526 = arith.constant 1 : i32
        %swap3A_527 = arith.index_cast %swap3A_526 : i32 to index
        %swap3A_528 = arith.constant 112 : index
        %swap3A_529 = tpu.vector_load %arg6[%swap3A_527, %swap3A_528] {strides = array<i32>} : memref<4x128xi32, #tpu.memory_space<vmem>>, vector<1x16xi32>,
        %swap3A_530 = vector.shape_cast %swap3A_529 : vector<1x16xi32> to vector<16xi32>
        %swap3A_531 = vector.shape_cast %add3A_525 : vector<16xi32> to vector<1x16xi32>
        tpu.vector_store %arg6[%swap3A_527, %swap3A_528], %swap3A_531 {strides = array<i32>} : memref<4x128xi32, #tpu.memory_space<vmem>>, vector<1x16xi32>,
        %add3A_532 = arith.constant 1 : i32
        %add3A_533 = arith.addi %add3A_260, %add3A_532 : i32
        %dma_start3A_534 = arith.constant 1 : i32
        %dma_start3A_535 = arith.constant 0 : i32
        %dma_start3A_536 = tpu.memref_slice %arg6[%dma_start3A_534, %dma_start3A_535] : memref<4x128xi32, #tpu.memory_space<vmem>> -> memref<1x128xi32, #tpu.memory_space<vmem>>
        %dma_start3A_537 = tpu.memref_squeeze %dma_start3A_536 : memref<1x128xi32, #tpu.memory_space<vmem>> -> memref<128xi32, #tpu.memory_space<vmem>>
        %dma_start3A_538 = arith.constant 0 : i32
        %dma_start3A_539 = arith.constant 0 : i32
        %dma_start3A_540 = tpu.memref_slice %arg2[%dma_start3A_538, %dma_start3A_539] : memref<20000x128xf32, #tpu.memory_space<hbm>> -> memref<20000x128xf32, #tpu.memory_space<hbm>>
        tpu.enqueue_indirect_dma source(%dma_start3A_540 : memref<20000x128xf32, #tpu.memory_space<hbm>>) target(%arg10 : memref<128x128xf32, #tpu.memory_space<vmem>>) offsets(%dma_start3A_537 : memref<128xi32, #tpu.memory_space<vmem>>) semaphore(%arg16 : memref<!tpu.dma_semaphore, #tpu.memory_space<semaphore_mem>>)
      } else {
      }
      %dma_wait3A_269 = arith.constant 0 : i32
      %dma_wait3A_270 = arith.constant 0 : i32
      %dma_wait3A_271 = tpu.memref_slice %arg6[%dma_wait3A_269, %dma_wait3A_270] : memref<4x128xi32, #tpu.memory_space<vmem>> -> memref<1x128xi32, #tpu.memory_space<vmem>>
      %dma_wait3A_272 = tpu.memref_squeeze %dma_wait3A_271 : memref<1x128xi32, #tpu.memory_space<vmem>> -> memref<128xi32, #tpu.memory_space<vmem>>
      %dma_wait3A_273 = arith.constant 0 : i32
      %dma_wait3A_274 = arith.constant 0 : i32
      %dma_wait3A_275 = tpu.memref_slice %arg2[%dma_wait3A_273, %dma_wait3A_274] : memref<20000x128xf32, #tpu.memory_space<hbm>> -> memref<20000x128xf32, #tpu.memory_space<hbm>>
      tpu.wait_indirect_dma semaphore(%arg15 : memref<!tpu.dma_semaphore, #tpu.memory_space<semaphore_mem>>) src(%dma_wait3A_275 : memref<20000x128xf32, #tpu.memory_space<hbm>>) dst(%arg9 : memref<128x128xf32, #tpu.memory_space<vmem>>)
      %dma_start3A_276 = arith.constant 0 : i32
      %dma_start3A_277 = arith.constant 0 : i32
      %dma_start3A_278 = tpu.memref_slice %arg7[%dma_start3A_276, %dma_start3A_277] : memref<4x128xi32, #tpu.memory_space<vmem>> -> memref<1x128xi32, #tpu.memory_space<vmem>>
      %dma_start3A_279 = tpu.memref_squeeze %dma_start3A_278 : memref<1x128xi32, #tpu.memory_space<vmem>> -> memref<128xi32, #tpu.memory_space<vmem>>
      %dma_start3A_280 = arith.constant 0 : i32
      %dma_start3A_281 = arith.constant 0 : i32
      %dma_start3A_282 = tpu.memref_slice %arg8[%dma_start3A_280, %dma_start3A_281] : memref<10240x128xf32, #tpu.memory_space<vmem_shared>> -> memref<10240x128xf32, #tpu.memory_space<vmem_shared>>
      tpu.enqueue_indirect_dma source(%arg9 : memref<128x128xf32, #tpu.memory_space<vmem>>) target(%dma_start3A_282 : memref<10240x128xf32, #tpu.memory_space<vmem_shared>>) offsets(%dma_start3A_279 : memref<128xi32, #tpu.memory_space<vmem>>) semaphore(%arg17 : memref<!tpu.dma_semaphore, #tpu.memory_space<semaphore_mem>>) {add = true}
      %add3A_283 = arith.constant 3 : i32
      %add3A_284 = arith.addi %add3A_260, %add3A_283 : i32
      %lt3A_285 = arith.constant 160 : i32
      %lt3A_286 = arith.cmpi slt, %add3A_284, %lt3A_285 : i32
      %convert_element_type3A_287 = arith.extui %lt3A_286 : i1 to i32
      %cond3A_288 = arith.constant 0 : i32
      %cond3A_289 = arith.cmpi ne, %convert_element_type3A_287, %cond3A_288 : i32
      scf.if %cond3A_289 {
        %add3A_402 = arith.constant 3 : i32
        %add3A_403 = arith.addi %add3A_260, %add3A_402 : i32
        %add3A_404 = arith.addi %mul3A_2, %add3A_403 : i32
        %dma_start3A_405 = arith.constant 3 : i32
        %dma_start3A_406 = arith.constant 0 : i32
        %dma_start3A_407 = tpu.memref_slice %arg6[%dma_start3A_405, %dma_start3A_406] : memref<4x128xi32, #tpu.memory_space<vmem>> -> memref<1x128xi32, #tpu.memory_space<vmem>>
        %dma_start3A_408 = tpu.memref_squeeze %dma_start3A_407 : memref<1x128xi32, #tpu.memory_space<vmem>> -> memref<128xi32, #tpu.memory_space<vmem>>
        %dma_start3A_409 = arith.constant 0 : i32
        %dma_start3A_410 = tpu.memref_slice %arg3[%add3A_404, %dma_start3A_409] : memref<2560x128xi32, #tpu.memory_space<hbm>> -> memref<1x128xi32, #tpu.memory_space<hbm>>
        %dma_start3A_411 = tpu.memref_squeeze %dma_start3A_410 : memref<1x128xi32, #tpu.memory_space<hbm>> -> memref<128xi32, #tpu.memory_space<hbm>>
        %dma_start3A_412 = arith.constant 0 : i32
        %dma_start3A_413 = tpu.memref_slice %arg6[%dma_start3A_405, %dma_start3A_412] : memref<4x128xi32, #tpu.memory_space<vmem>> -> memref<1x128xi32, #tpu.memory_space<vmem>>
        %dma_start3A_414 = tpu.memref_squeeze %dma_start3A_413 : memref<1x128xi32, #tpu.memory_space<vmem>> -> memref<128xi32, #tpu.memory_space<vmem>>
        %dma_start3A_415 = arith.constant 0 : i32
        %dma_start3A_416 = tpu.memref_slice %arg3[%add3A_404, %dma_start3A_415] : memref<2560x128xi32, #tpu.memory_space<hbm>> -> memref<1x128xi32, #tpu.memory_space<hbm>>
        %dma_start3A_417 = tpu.memref_squeeze %dma_start3A_416 : memref<1x128xi32, #tpu.memory_space<hbm>> -> memref<128xi32, #tpu.memory_space<hbm>>
        tpu.enqueue_dma source(%dma_start3A_417 : memref<128xi32, #tpu.memory_space<hbm>>) target(%dma_start3A_414 : memref<128xi32, #tpu.memory_space<vmem>>) target_semaphore(%arg14 : memref<!tpu.dma_semaphore, #tpu.memory_space<semaphore_mem>>)
        %add3A_418 = arith.addi %mul3A_2, %add3A_403 : i32
        %dma_start3A_419 = arith.constant 3 : i32
        %dma_start3A_420 = arith.constant 0 : i32
        %dma_start3A_421 = tpu.memref_slice %arg7[%dma_start3A_419, %dma_start3A_420] : memref<4x128xi32, #tpu.memory_space<vmem>> -> memref<1x128xi32, #tpu.memory_space<vmem>>
        %dma_start3A_422 = tpu.memref_squeeze %dma_start3A_421 : memref<1x128xi32, #tpu.memory_space<vmem>> -> memref<128xi32, #tpu.memory_space<vmem>>
        %dma_start3A_423 = arith.constant 0 : i32
        %dma_start3A_424 = tpu.memref_slice %arg4[%add3A_418, %dma_start3A_423] : memref<2560x128xi32, #tpu.memory_space<hbm>> -> memref<1x128xi32, #tpu.memory_space<hbm>>
        %dma_start3A_425 = tpu.memref_squeeze %dma_start3A_424 : memref<1x128xi32, #tpu.memory_space<hbm>> -> memref<128xi32, #tpu.memory_space<hbm>>
        %dma_start3A_426 = arith.constant 0 : i32
        %dma_start3A_427 = tpu.memref_slice %arg7[%dma_start3A_419, %dma_start3A_426] : memref<4x128xi32, #tpu.memory_space<vmem>> -> memref<1x128xi32, #tpu.memory_space<vmem>>
        %dma_start3A_428 = tpu.memref_squeeze %dma_start3A_427 : memref<1x128xi32, #tpu.memory_space<vmem>> -> memref<128xi32, #tpu.memory_space<vmem>>
        %dma_start3A_429 = arith.constant 0 : i32
        %dma_start3A_430 = tpu.memref_slice %arg4[%add3A_418, %dma_start3A_429] : memref<2560x128xi32, #tpu.memory_space<hbm>> -> memref<1x128xi32, #tpu.memory_space<hbm>>
        %dma_start3A_431 = tpu.memref_squeeze %dma_start3A_430 : memref<1x128xi32, #tpu.memory_space<hbm>> -> memref<128xi32, #tpu.memory_space<hbm>>
        tpu.enqueue_dma source(%dma_start3A_431 : memref<128xi32, #tpu.memory_space<hbm>>) target(%dma_start3A_428 : memref<128xi32, #tpu.memory_space<vmem>>) target_semaphore(%arg14 : memref<!tpu.dma_semaphore, #tpu.memory_space<semaphore_mem>>)
      } else {
      }
      %mul3A_290 = arith.constant 4 : i32
      %mul3A_291 = arith.muli %scan3A_255, %mul3A_290 : i32
      %add3A_292 = arith.constant 1 : i32
      %add3A_293 = arith.addi %mul3A_291, %add3A_292 : i32
      %ge3A_294 = arith.constant 1 : i32
      %ge3A_295 = arith.cmpi sge, %add3A_293, %ge3A_294 : i32
      %convert_element_type3A_296 = arith.extui %ge3A_295 : i1 to i32
      %cond3A_297 = arith.constant 0 : i32
      %cond3A_298 = arith.cmpi ne, %convert_element_type3A_296, %cond3A_297 : i32
      scf.if %cond3A_298 {
        %dma_wait3A_402 = arith.constant 0 : i32
        %dma_wait3A_403 = arith.constant 0 : i32
        %dma_wait3A_404 = tpu.memref_slice %arg7[%dma_wait3A_402, %dma_wait3A_403] : memref<4x128xi32, #tpu.memory_space<vmem>> -> memref<1x128xi32, #tpu.memory_space<vmem>>
        %dma_wait3A_405 = tpu.memref_squeeze %dma_wait3A_404 : memref<1x128xi32, #tpu.memory_space<vmem>> -> memref<128xi32, #tpu.memory_space<vmem>>
        %dma_wait3A_406 = arith.constant 0 : i32
        %dma_wait3A_407 = arith.constant 0 : i32
        %dma_wait3A_408 = tpu.memref_slice %arg8[%dma_wait3A_406, %dma_wait3A_407] : memref<10240x128xf32, #tpu.memory_space<vmem_shared>> -> memref<10240x128xf32, #tpu.memory_space<vmem_shared>>
        tpu.wait_indirect_dma semaphore(%arg17 : memref<!tpu.dma_semaphore, #tpu.memory_space<semaphore_mem>>) src(%arg9 : memref<128x128xf32, #tpu.memory_space<vmem>>) dst(%dma_wait3A_408 : memref<10240x128xf32, #tpu.memory_space<vmem_shared>>)
      } else {
      }
      %add3A_299 = arith.constant 1 : i32
      %add3A_300 = arith.addi %add3A_293, %add3A_299 : i32
      %lt3A_301 = arith.constant 160 : i32
      %lt3A_302 = arith.cmpi slt, %add3A_300, %lt3A_301 : i32
      %convert_element_type3A_303 = arith.extui %lt3A_302 : i1 to i32
      %cond3A_304 = arith.constant 0 : i32
      %cond3A_305 = arith.cmpi ne, %convert_element_type3A_303, %cond3A_304 : i32
      scf.if %cond3A_305 {
        %dma_wait3A_402 = arith.constant 2 : i32
        %dma_wait3A_403 = arith.constant 0 : i32
        %dma_wait3A_404 = tpu.memref_slice %arg6[%dma_wait3A_402, %dma_wait3A_403] : memref<4x128xi32, #tpu.memory_space<vmem>> -> memref<1x128xi32, #tpu.memory_space<vmem>>
        %dma_wait3A_405 = tpu.memref_squeeze %dma_wait3A_404 : memref<1x128xi32, #tpu.memory_space<vmem>> -> memref<128xi32, #tpu.memory_space<vmem>>
        %dma_wait3A_406 = arith.constant 0 : i32
        %dma_wait3A_407 = tpu.memref_slice %arg3[%mul3A_2, %dma_wait3A_406] : memref<2560x128xi32, #tpu.memory_space<hbm>> -> memref<1x128xi32, #tpu.memory_space<hbm>>
        %dma_wait3A_408 = tpu.memref_squeeze %dma_wait3A_407 : memref<1x128xi32, #tpu.memory_space<hbm>> -> memref<128xi32, #tpu.memory_space<hbm>>
        %dma_wait3A_409 = arith.constant 0 : i32
        %dma_wait3A_410 = tpu.memref_slice %arg6[%dma_wait3A_402, %dma_wait3A_409] : memref<4x128xi32, #tpu.memory_space<vmem>> -> memref<1x128xi32, #tpu.memory_space<vmem>>
        %dma_wait3A_411 = tpu.memref_squeeze %dma_wait3A_410 : memref<1x128xi32, #tpu.memory_space<vmem>> -> memref<128xi32, #tpu.memory_space<vmem>>
        %dma_wait3A_412 = arith.constant 0 : i32
        %dma_wait3A_413 = tpu.memref_slice %arg3[%mul3A_2, %dma_wait3A_412] : memref<2560x128xi32, #tpu.memory_space<hbm>> -> memref<1x128xi32, #tpu.memory_space<hbm>>
        %dma_wait3A_414 = tpu.memref_squeeze %dma_wait3A_413 : memref<1x128xi32, #tpu.memory_space<hbm>> -> memref<128xi32, #tpu.memory_space<hbm>>
        tpu.wait_dma2 semaphore(%arg13 : memref<!tpu.dma_semaphore, #tpu.memory_space<semaphore_mem>>) src(%dma_wait3A_414 : memref<128xi32, #tpu.memory_space<hbm>>) dst(%dma_wait3A_411 : memref<128xi32, #tpu.memory_space<vmem>>)
        %dma_wait3A_415 = arith.constant 2 : i32
        %dma_wait3A_416 = arith.constant 0 : i32
        %dma_wait3A_417 = tpu.memref_slice %arg7[%dma_wait3A_415, %dma_wait3A_416] : memref<4x128xi32, #tpu.memory_space<vmem>> -> memref<1x128xi32, #tpu.memory_space<vmem>>
        %dma_wait3A_418 = tpu.memref_squeeze %dma_wait3A_417 : memref<1x128xi32, #tpu.memory_space<vmem>> -> memref<128xi32, #tpu.memory_space<vmem>>
        %dma_wait3A_419 = arith.constant 0 : i32
        %dma_wait3A_420 = tpu.memref_slice %arg4[%mul3A_2, %dma_wait3A_419] : memref<2560x128xi32, #tpu.memory_space<hbm>> -> memref<1x128xi32, #tpu.memory_space<hbm>>
        %dma_wait3A_421 = tpu.memref_squeeze %dma_wait3A_420 : memref<1x128xi32, #tpu.memory_space<hbm>> -> memref<128xi32, #tpu.memory_space<hbm>>
        %dma_wait3A_422 = arith.constant 0 : i32
        %dma_wait3A_423 = tpu.memref_slice %arg7[%dma_wait3A_415, %dma_wait3A_422] : memref<4x128xi32, #tpu.memory_space<vmem>> -> memref<1x128xi32, #tpu.memory_space<vmem>>
        %dma_wait3A_424 = tpu.memref_squeeze %dma_wait3A_423 : memref<1x128xi32, #tpu.memory_space<vmem>> -> memref<128xi32, #tpu.memory_space<vmem>>
        %dma_wait3A_425 = arith.constant 0 : i32
        %dma_wait3A_426 = tpu.memref_slice %arg4[%mul3A_2, %dma_wait3A_425] : memref<2560x128xi32, #tpu.memory_space<hbm>> -> memref<1x128xi32, #tpu.memory_space<hbm>>
        %dma_wait3A_427 = tpu.memref_squeeze %dma_wait3A_426 : memref<1x128xi32, #tpu.memory_space<hbm>> -> memref<128xi32, #tpu.memory_space<hbm>>
        tpu.wait_dma2 semaphore(%arg13 : memref<!tpu.dma_semaphore, #tpu.memory_space<semaphore_mem>>) src(%dma_wait3A_427 : memref<128xi32, #tpu.memory_space<hbm>>) dst(%dma_wait3A_424 : memref<128xi32, #tpu.memory_space<vmem>>)
        %get3A_428 = arith.constant 2 : i32
        %get3A_429 = arith.index_cast %get3A_428 : i32 to index
        %get3A_430 = arith.constant 0 : index
        %get3A_431 = tpu.vector_load %arg6[%get3A_429, %get3A_430] {strides = array<i32>} : memref<4x128xi32, #tpu.memory_space<vmem>>, vector<1x16xi32>,
        %get3A_432 = vector.shape_cast %get3A_431 : vector<1x16xi32> to vector<16xi32>
        %add3A_433 = vector.broadcast %mul3A_4 : i32 to vector<16xi32>
        %add3A_434 = arith.addi %get3A_432, %add3A_433 : vector<16xi32>
        %swap3A_435 = arith.constant 2 : i32
        %swap3A_436 = arith.index_cast %swap3A_435 : i32 to index
        %swap3A_437 = arith.constant 0 : index
        %swap3A_438 = tpu.vector_load %arg6[%swap3A_436, %swap3A_437] {strides = array<i32>} : memref<4x128xi32, #tpu.memory_space<vmem>>, vector<1x16xi32>,
        %swap3A_439 = vector.shape_cast %swap3A_438 : vector<1x16xi32> to vector<16xi32>
        %swap3A_440 = vector.shape_cast %add3A_434 : vector<16xi32> to vector<1x16xi32>
        tpu.vector_store %arg6[%swap3A_436, %swap3A_437], %swap3A_440 {strides = array<i32>} : memref<4x128xi32, #tpu.memory_space<vmem>>, vector<1x16xi32>,
        %get3A_441 = arith.constant 2 : i32
        %get3A_442 = arith.index_cast %get3A_441 : i32 to index
        %get3A_443 = arith.constant 16 : index
        %get3A_444 = tpu.vector_load %arg6[%get3A_442, %get3A_443] {strides = array<i32>} : memref<4x128xi32, #tpu.memory_space<vmem>>, vector<1x16xi32>,
        %get3A_445 = vector.shape_cast %get3A_444 : vector<1x16xi32> to vector<16xi32>
        %add3A_446 = vector.broadcast %mul3A_4 : i32 to vector<16xi32>
        %add3A_447 = arith.addi %get3A_445, %add3A_446 : vector<16xi32>
        %swap3A_448 = arith.constant 2 : i32
        %swap3A_449 = arith.index_cast %swap3A_448 : i32 to index
        %swap3A_450 = arith.constant 16 : index
        %swap3A_451 = tpu.vector_load %arg6[%swap3A_449, %swap3A_450] {strides = array<i32>} : memref<4x128xi32, #tpu.memory_space<vmem>>, vector<1x16xi32>,
        %swap3A_452 = vector.shape_cast %swap3A_451 : vector<1x16xi32> to vector<16xi32>
        %swap3A_453 = vector.shape_cast %add3A_447 : vector<16xi32> to vector<1x16xi32>
        tpu.vector_store %arg6[%swap3A_449, %swap3A_450], %swap3A_453 {strides = array<i32>} : memref<4x128xi32, #tpu.memory_space<vmem>>, vector<1x16xi32>,
        %get3A_454 = arith.constant 2 : i32
        %get3A_455 = arith.index_cast %get3A_454 : i32 to index
        %get3A_456 = arith.constant 32 : index
        %get3A_457 = tpu.vector_load %arg6[%get3A_455, %get3A_456] {strides = array<i32>} : memref<4x128xi32, #tpu.memory_space<vmem>>, vector<1x16xi32>,
        %get3A_458 = vector.shape_cast %get3A_457 : vector<1x16xi32> to vector<16xi32>
        %add3A_459 = vector.broadcast %mul3A_4 : i32 to vector<16xi32>
        %add3A_460 = arith.addi %get3A_458, %add3A_459 : vector<16xi32>
        %swap3A_461 = arith.constant 2 : i32
        %swap3A_462 = arith.index_cast %swap3A_461 : i32 to index
        %swap3A_463 = arith.constant 32 : index
        %swap3A_464 = tpu.vector_load %arg6[%swap3A_462, %swap3A_463] {strides = array<i32>} : memref<4x128xi32, #tpu.memory_space<vmem>>, vector<1x16xi32>,
        %swap3A_465 = vector.shape_cast %swap3A_464 : vector<1x16xi32> to vector<16xi32>
        %swap3A_466 = vector.shape_cast %add3A_460 : vector<16xi32> to vector<1x16xi32>
        tpu.vector_store %arg6[%swap3A_462, %swap3A_463], %swap3A_466 {strides = array<i32>} : memref<4x128xi32, #tpu.memory_space<vmem>>, vector<1x16xi32>,
        %get3A_467 = arith.constant 2 : i32
        %get3A_468 = arith.index_cast %get3A_467 : i32 to index
        %get3A_469 = arith.constant 48 : index
        %get3A_470 = tpu.vector_load %arg6[%get3A_468, %get3A_469] {strides = array<i32>} : memref<4x128xi32, #tpu.memory_space<vmem>>, vector<1x16xi32>,
        %get3A_471 = vector.shape_cast %get3A_470 : vector<1x16xi32> to vector<16xi32>
        %add3A_472 = vector.broadcast %mul3A_4 : i32 to vector<16xi32>
        %add3A_473 = arith.addi %get3A_471, %add3A_472 : vector<16xi32>
        %swap3A_474 = arith.constant 2 : i32
        %swap3A_475 = arith.index_cast %swap3A_474 : i32 to index
        %swap3A_476 = arith.constant 48 : index
        %swap3A_477 = tpu.vector_load %arg6[%swap3A_475, %swap3A_476] {strides = array<i32>} : memref<4x128xi32, #tpu.memory_space<vmem>>, vector<1x16xi32>,
        %swap3A_478 = vector.shape_cast %swap3A_477 : vector<1x16xi32> to vector<16xi32>
        %swap3A_479 = vector.shape_cast %add3A_473 : vector<16xi32> to vector<1x16xi32>
        tpu.vector_store %arg6[%swap3A_475, %swap3A_476], %swap3A_479 {strides = array<i32>} : memref<4x128xi32, #tpu.memory_space<vmem>>, vector<1x16xi32>,
        %get3A_480 = arith.constant 2 : i32
        %get3A_481 = arith.index_cast %get3A_480 : i32 to index
        %get3A_482 = arith.constant 64 : index
        %get3A_483 = tpu.vector_load %arg6[%get3A_481, %get3A_482] {strides = array<i32>} : memref<4x128xi32, #tpu.memory_space<vmem>>, vector<1x16xi32>,
        %get3A_484 = vector.shape_cast %get3A_483 : vector<1x16xi32> to vector<16xi32>
        %add3A_485 = vector.broadcast %mul3A_4 : i32 to vector<16xi32>
        %add3A_486 = arith.addi %get3A_484, %add3A_485 : vector<16xi32>
        %swap3A_487 = arith.constant 2 : i32
        %swap3A_488 = arith.index_cast %swap3A_487 : i32 to index
        %swap3A_489 = arith.constant 64 : index
        %swap3A_490 = tpu.vector_load %arg6[%swap3A_488, %swap3A_489] {strides = array<i32>} : memref<4x128xi32, #tpu.memory_space<vmem>>, vector<1x16xi32>,
        %swap3A_491 = vector.shape_cast %swap3A_490 : vector<1x16xi32> to vector<16xi32>
        %swap3A_492 = vector.shape_cast %add3A_486 : vector<16xi32> to vector<1x16xi32>
        tpu.vector_store %arg6[%swap3A_488, %swap3A_489], %swap3A_492 {strides = array<i32>} : memref<4x128xi32, #tpu.memory_space<vmem>>, vector<1x16xi32>,
        %get3A_493 = arith.constant 2 : i32
        %get3A_494 = arith.index_cast %get3A_493 : i32 to index
        %get3A_495 = arith.constant 80 : index
        %get3A_496 = tpu.vector_load %arg6[%get3A_494, %get3A_495] {strides = array<i32>} : memref<4x128xi32, #tpu.memory_space<vmem>>, vector<1x16xi32>,
        %get3A_497 = vector.shape_cast %get3A_496 : vector<1x16xi32> to vector<16xi32>
        %add3A_498 = vector.broadcast %mul3A_4 : i32 to vector<16xi32>
        %add3A_499 = arith.addi %get3A_497, %add3A_498 : vector<16xi32>
        %swap3A_500 = arith.constant 2 : i32
        %swap3A_501 = arith.index_cast %swap3A_500 : i32 to index
        %swap3A_502 = arith.constant 80 : index
        %swap3A_503 = tpu.vector_load %arg6[%swap3A_501, %swap3A_502] {strides = array<i32>} : memref<4x128xi32, #tpu.memory_space<vmem>>, vector<1x16xi32>,
        %swap3A_504 = vector.shape_cast %swap3A_503 : vector<1x16xi32> to vector<16xi32>
        %swap3A_505 = vector.shape_cast %add3A_499 : vector<16xi32> to vector<1x16xi32>
        tpu.vector_store %arg6[%swap3A_501, %swap3A_502], %swap3A_505 {strides = array<i32>} : memref<4x128xi32, #tpu.memory_space<vmem>>, vector<1x16xi32>,
        %get3A_506 = arith.constant 2 : i32
        %get3A_507 = arith.index_cast %get3A_506 : i32 to index
        %get3A_508 = arith.constant 96 : index
        %get3A_509 = tpu.vector_load %arg6[%get3A_507, %get3A_508] {strides = array<i32>} : memref<4x128xi32, #tpu.memory_space<vmem>>, vector<1x16xi32>,
        %get3A_510 = vector.shape_cast %get3A_509 : vector<1x16xi32> to vector<16xi32>
        %add3A_511 = vector.broadcast %mul3A_4 : i32 to vector<16xi32>
        %add3A_512 = arith.addi %get3A_510, %add3A_511 : vector<16xi32>
        %swap3A_513 = arith.constant 2 : i32
        %swap3A_514 = arith.index_cast %swap3A_513 : i32 to index
        %swap3A_515 = arith.constant 96 : index
        %swap3A_516 = tpu.vector_load %arg6[%swap3A_514, %swap3A_515] {strides = array<i32>} : memref<4x128xi32, #tpu.memory_space<vmem>>, vector<1x16xi32>,
        %swap3A_517 = vector.shape_cast %swap3A_516 : vector<1x16xi32> to vector<16xi32>
        %swap3A_518 = vector.shape_cast %add3A_512 : vector<16xi32> to vector<1x16xi32>
        tpu.vector_store %arg6[%swap3A_514, %swap3A_515], %swap3A_518 {strides = array<i32>} : memref<4x128xi32, #tpu.memory_space<vmem>>, vector<1x16xi32>,
        %get3A_519 = arith.constant 2 : i32
        %get3A_520 = arith.index_cast %get3A_519 : i32 to index
        %get3A_521 = arith.constant 112 : index
        %get3A_522 = tpu.vector_load %arg6[%get3A_520, %get3A_521] {strides = array<i32>} : memref<4x128xi32, #tpu.memory_space<vmem>>, vector<1x16xi32>,
        %get3A_523 = vector.shape_cast %get3A_522 : vector<1x16xi32> to vector<16xi32>
        %add3A_524 = vector.broadcast %mul3A_4 : i32 to vector<16xi32>
        %add3A_525 = arith.addi %get3A_523, %add3A_524 : vector<16xi32>
        %swap3A_526 = arith.constant 2 : i32
        %swap3A_527 = arith.index_cast %swap3A_526 : i32 to index
        %swap3A_528 = arith.constant 112 : index
        %swap3A_529 = tpu.vector_load %arg6[%swap3A_527, %swap3A_528] {strides = array<i32>} : memref<4x128xi32, #tpu.memory_space<vmem>>, vector<1x16xi32>,
        %swap3A_530 = vector.shape_cast %swap3A_529 : vector<1x16xi32> to vector<16xi32>
        %swap3A_531 = vector.shape_cast %add3A_525 : vector<16xi32> to vector<1x16xi32>
        tpu.vector_store %arg6[%swap3A_527, %swap3A_528], %swap3A_531 {strides = array<i32>} : memref<4x128xi32, #tpu.memory_space<vmem>>, vector<1x16xi32>,
        %add3A_532 = arith.constant 1 : i32
        %add3A_533 = arith.addi %add3A_293, %add3A_532 : i32
        %dma_start3A_534 = arith.constant 2 : i32
        %dma_start3A_535 = arith.constant 0 : i32
        %dma_start3A_536 = tpu.memref_slice %arg6[%dma_start3A_534, %dma_start3A_535] : memref<4x128xi32, #tpu.memory_space<vmem>> -> memref<1x128xi32, #tpu.memory_space<vmem>>
        %dma_start3A_537 = tpu.memref_squeeze %dma_start3A_536 : memref<1x128xi32, #tpu.memory_space<vmem>> -> memref<128xi32, #tpu.memory_space<vmem>>
        %dma_start3A_538 = arith.constant 0 : i32
        %dma_start3A_539 = arith.constant 0 : i32
        %dma_start3A_540 = tpu.memref_slice %arg2[%dma_start3A_538, %dma_start3A_539] : memref<20000x128xf32, #tpu.memory_space<hbm>> -> memref<20000x128xf32, #tpu.memory_space<hbm>>
        tpu.enqueue_indirect_dma source(%dma_start3A_540 : memref<20000x128xf32, #tpu.memory_space<hbm>>) target(%arg9 : memref<128x128xf32, #tpu.memory_space<vmem>>) offsets(%dma_start3A_537 : memref<128xi32, #tpu.memory_space<vmem>>) semaphore(%arg15 : memref<!tpu.dma_semaphore, #tpu.memory_space<semaphore_mem>>)
      } else {
      }
      %dma_wait3A_306 = arith.constant 1 : i32
      %dma_wait3A_307 = arith.constant 0 : i32
      %dma_wait3A_308 = tpu.memref_slice %arg6[%dma_wait3A_306, %dma_wait3A_307] : memref<4x128xi32, #tpu.memory_space<vmem>> -> memref<1x128xi32, #tpu.memory_space<vmem>>
      %dma_wait3A_309 = tpu.memref_squeeze %dma_wait3A_308 : memref<1x128xi32, #tpu.memory_space<vmem>> -> memref<128xi32, #tpu.memory_space<vmem>>
      %dma_wait3A_310 = arith.constant 0 : i32
      %dma_wait3A_311 = arith.constant 0 : i32
      %dma_wait3A_312 = tpu.memref_slice %arg2[%dma_wait3A_310, %dma_wait3A_311] : memref<20000x128xf32, #tpu.memory_space<hbm>> -> memref<20000x128xf32, #tpu.memory_space<hbm>>
      tpu.wait_indirect_dma semaphore(%arg16 : memref<!tpu.dma_semaphore, #tpu.memory_space<semaphore_mem>>) src(%dma_wait3A_312 : memref<20000x128xf32, #tpu.memory_space<hbm>>) dst(%arg10 : memref<128x128xf32, #tpu.memory_space<vmem>>)
      %dma_start3A_313 = arith.constant 1 : i32
      %dma_start3A_314 = arith.constant 0 : i32
      %dma_start3A_315 = tpu.memref_slice %arg7[%dma_start3A_313, %dma_start3A_314] : memref<4x128xi32, #tpu.memory_space<vmem>> -> memref<1x128xi32, #tpu.memory_space<vmem>>
      %dma_start3A_316 = tpu.memref_squeeze %dma_start3A_315 : memref<1x128xi32, #tpu.memory_space<vmem>> -> memref<128xi32, #tpu.memory_space<vmem>>
      %dma_start3A_317 = arith.constant 0 : i32
      %dma_start3A_318 = arith.constant 0 : i32
      %dma_start3A_319 = tpu.memref_slice %arg8[%dma_start3A_317, %dma_start3A_318] : memref<10240x128xf32, #tpu.memory_space<vmem_shared>> -> memref<10240x128xf32, #tpu.memory_space<vmem_shared>>
      tpu.enqueue_indirect_dma source(%arg10 : memref<128x128xf32, #tpu.memory_space<vmem>>) target(%dma_start3A_319 : memref<10240x128xf32, #tpu.memory_space<vmem_shared>>) offsets(%dma_start3A_316 : memref<128xi32, #tpu.memory_space<vmem>>) semaphore(%arg18 : memref<!tpu.dma_semaphore, #tpu.memory_space<semaphore_mem>>) {add = true}
      %add3A_320 = arith.constant 3 : i32
      %add3A_321 = arith.addi %add3A_293, %add3A_320 : i32
      %lt3A_322 = arith.constant 160 : i32
      %lt3A_323 = arith.cmpi slt, %add3A_321, %lt3A_322 : i32
      %convert_element_type3A_324 = arith.extui %lt3A_323 : i1 to i32
      %cond3A_325 = arith.constant 0 : i32
      %cond3A_326 = arith.cmpi ne, %convert_element_type3A_324, %cond3A_325 : i32
      scf.if %cond3A_326 {
        %add3A_402 = arith.constant 3 : i32
        %add3A_403 = arith.addi %add3A_293, %add3A_402 : i32
        %add3A_404 = arith.addi %mul3A_2, %add3A_403 : i32
        %dma_start3A_405 = arith.constant 0 : i32
        %dma_start3A_406 = arith.constant 0 : i32
        %dma_start3A_407 = tpu.memref_slice %arg6[%dma_start3A_405, %dma_start3A_406] : memref<4x128xi32, #tpu.memory_space<vmem>> -> memref<1x128xi32, #tpu.memory_space<vmem>>
        %dma_start3A_408 = tpu.memref_squeeze %dma_start3A_407 : memref<1x128xi32, #tpu.memory_space<vmem>> -> memref<128xi32, #tpu.memory_space<vmem>>
        %dma_start3A_409 = arith.constant 0 : i32
        %dma_start3A_410 = tpu.memref_slice %arg3[%add3A_404, %dma_start3A_409] : memref<2560x128xi32, #tpu.memory_space<hbm>> -> memref<1x128xi32, #tpu.memory_space<hbm>>
        %dma_start3A_411 = tpu.memref_squeeze %dma_start3A_410 : memref<1x128xi32, #tpu.memory_space<hbm>> -> memref<128xi32, #tpu.memory_space<hbm>>
        %dma_start3A_412 = arith.constant 0 : i32
        %dma_start3A_413 = tpu.memref_slice %arg6[%dma_start3A_405, %dma_start3A_412] : memref<4x128xi32, #tpu.memory_space<vmem>> -> memref<1x128xi32, #tpu.memory_space<vmem>>
        %dma_start3A_414 = tpu.memref_squeeze %dma_start3A_413 : memref<1x128xi32, #tpu.memory_space<vmem>> -> memref<128xi32, #tpu.memory_space<vmem>>
        %dma_start3A_415 = arith.constant 0 : i32
        %dma_start3A_416 = tpu.memref_slice %arg3[%add3A_404, %dma_start3A_415] : memref<2560x128xi32, #tpu.memory_space<hbm>> -> memref<1x128xi32, #tpu.memory_space<hbm>>
        %dma_start3A_417 = tpu.memref_squeeze %dma_start3A_416 : memref<1x128xi32, #tpu.memory_space<hbm>> -> memref<128xi32, #tpu.memory_space<hbm>>
        tpu.enqueue_dma source(%dma_start3A_417 : memref<128xi32, #tpu.memory_space<hbm>>) target(%dma_start3A_414 : memref<128xi32, #tpu.memory_space<vmem>>) target_semaphore(%arg11 : memref<!tpu.dma_semaphore, #tpu.memory_space<semaphore_mem>>)
        %add3A_418 = arith.addi %mul3A_2, %add3A_403 : i32
        %dma_start3A_419 = arith.constant 0 : i32
        %dma_start3A_420 = arith.constant 0 : i32
        %dma_start3A_421 = tpu.memref_slice %arg7[%dma_start3A_419, %dma_start3A_420] : memref<4x128xi32, #tpu.memory_space<vmem>> -> memref<1x128xi32, #tpu.memory_space<vmem>>
        %dma_start3A_422 = tpu.memref_squeeze %dma_start3A_421 : memref<1x128xi32, #tpu.memory_space<vmem>> -> memref<128xi32, #tpu.memory_space<vmem>>
        %dma_start3A_423 = arith.constant 0 : i32
        %dma_start3A_424 = tpu.memref_slice %arg4[%add3A_418, %dma_start3A_423] : memref<2560x128xi32, #tpu.memory_space<hbm>> -> memref<1x128xi32, #tpu.memory_space<hbm>>
        %dma_start3A_425 = tpu.memref_squeeze %dma_start3A_424 : memref<1x128xi32, #tpu.memory_space<hbm>> -> memref<128xi32, #tpu.memory_space<hbm>>
        %dma_start3A_426 = arith.constant 0 : i32
        %dma_start3A_427 = tpu.memref_slice %arg7[%dma_start3A_419, %dma_start3A_426] : memref<4x128xi32, #tpu.memory_space<vmem>> -> memref<1x128xi32, #tpu.memory_space<vmem>>
        %dma_start3A_428 = tpu.memref_squeeze %dma_start3A_427 : memref<1x128xi32, #tpu.memory_space<vmem>> -> memref<128xi32, #tpu.memory_space<vmem>>
        %dma_start3A_429 = arith.constant 0 : i32
        %dma_start3A_430 = tpu.memref_slice %arg4[%add3A_418, %dma_start3A_429] : memref<2560x128xi32, #tpu.memory_space<hbm>> -> memref<1x128xi32, #tpu.memory_space<hbm>>
        %dma_start3A_431 = tpu.memref_squeeze %dma_start3A_430 : memref<1x128xi32, #tpu.memory_space<hbm>> -> memref<128xi32, #tpu.memory_space<hbm>>
        tpu.enqueue_dma source(%dma_start3A_431 : memref<128xi32, #tpu.memory_space<hbm>>) target(%dma_start3A_428 : memref<128xi32, #tpu.memory_space<vmem>>) target_semaphore(%arg11 : memref<!tpu.dma_semaphore, #tpu.memory_space<semaphore_mem>>)
      } else {
      }
      %mul3A_327 = arith.constant 4 : i32
      %mul3A_328 = arith.muli %scan3A_255, %mul3A_327 : i32
      %add3A_329 = arith.constant 2 : i32
      %add3A_330 = arith.addi %mul3A_328, %add3A_329 : i32
      %ge3A_331 = arith.constant 1 : i32
      %ge3A_332 = arith.cmpi sge, %add3A_330, %ge3A_331 : i32
      %convert_element_type3A_333 = arith.extui %ge3A_332 : i1 to i32
      %cond3A_334 = arith.constant 0 : i32
      %cond3A_335 = arith.cmpi ne, %convert_element_type3A_333, %cond3A_334 : i32
      scf.if %cond3A_335 {
        %dma_wait3A_402 = arith.constant 1 : i32
        %dma_wait3A_403 = arith.constant 0 : i32
        %dma_wait3A_404 = tpu.memref_slice %arg7[%dma_wait3A_402, %dma_wait3A_403] : memref<4x128xi32, #tpu.memory_space<vmem>> -> memref<1x128xi32, #tpu.memory_space<vmem>>
        %dma_wait3A_405 = tpu.memref_squeeze %dma_wait3A_404 : memref<1x128xi32, #tpu.memory_space<vmem>> -> memref<128xi32, #tpu.memory_space<vmem>>
        %dma_wait3A_406 = arith.constant 0 : i32
        %dma_wait3A_407 = arith.constant 0 : i32
        %dma_wait3A_408 = tpu.memref_slice %arg8[%dma_wait3A_406, %dma_wait3A_407] : memref<10240x128xf32, #tpu.memory_space<vmem_shared>> -> memref<10240x128xf32, #tpu.memory_space<vmem_shared>>
        tpu.wait_indirect_dma semaphore(%arg18 : memref<!tpu.dma_semaphore, #tpu.memory_space<semaphore_mem>>) src(%arg10 : memref<128x128xf32, #tpu.memory_space<vmem>>) dst(%dma_wait3A_408 : memref<10240x128xf32, #tpu.memory_space<vmem_shared>>)
      } else {
      }
      %add3A_336 = arith.constant 1 : i32
      %add3A_337 = arith.addi %add3A_330, %add3A_336 : i32
      %lt3A_338 = arith.constant 160 : i32
      %lt3A_339 = arith.cmpi slt, %add3A_337, %lt3A_338 : i32
      %convert_element_type3A_340 = arith.extui %lt3A_339 : i1 to i32
      %cond3A_341 = arith.constant 0 : i32
      %cond3A_342 = arith.cmpi ne, %convert_element_type3A_340, %cond3A_341 : i32
      scf.if %cond3A_342 {
        %dma_wait3A_402 = arith.constant 3 : i32
        %dma_wait3A_403 = arith.constant 0 : i32
        %dma_wait3A_404 = tpu.memref_slice %arg6[%dma_wait3A_402, %dma_wait3A_403] : memref<4x128xi32, #tpu.memory_space<vmem>> -> memref<1x128xi32, #tpu.memory_space<vmem>>
        %dma_wait3A_405 = tpu.memref_squeeze %dma_wait3A_404 : memref<1x128xi32, #tpu.memory_space<vmem>> -> memref<128xi32, #tpu.memory_space<vmem>>
        %dma_wait3A_406 = arith.constant 0 : i32
        %dma_wait3A_407 = tpu.memref_slice %arg3[%mul3A_2, %dma_wait3A_406] : memref<2560x128xi32, #tpu.memory_space<hbm>> -> memref<1x128xi32, #tpu.memory_space<hbm>>
        %dma_wait3A_408 = tpu.memref_squeeze %dma_wait3A_407 : memref<1x128xi32, #tpu.memory_space<hbm>> -> memref<128xi32, #tpu.memory_space<hbm>>
        %dma_wait3A_409 = arith.constant 0 : i32
        %dma_wait3A_410 = tpu.memref_slice %arg6[%dma_wait3A_402, %dma_wait3A_409] : memref<4x128xi32, #tpu.memory_space<vmem>> -> memref<1x128xi32, #tpu.memory_space<vmem>>
        %dma_wait3A_411 = tpu.memref_squeeze %dma_wait3A_410 : memref<1x128xi32, #tpu.memory_space<vmem>> -> memref<128xi32, #tpu.memory_space<vmem>>
        %dma_wait3A_412 = arith.constant 0 : i32
        %dma_wait3A_413 = tpu.memref_slice %arg3[%mul3A_2, %dma_wait3A_412] : memref<2560x128xi32, #tpu.memory_space<hbm>> -> memref<1x128xi32, #tpu.memory_space<hbm>>
        %dma_wait3A_414 = tpu.memref_squeeze %dma_wait3A_413 : memref<1x128xi32, #tpu.memory_space<hbm>> -> memref<128xi32, #tpu.memory_space<hbm>>
        tpu.wait_dma2 semaphore(%arg14 : memref<!tpu.dma_semaphore, #tpu.memory_space<semaphore_mem>>) src(%dma_wait3A_414 : memref<128xi32, #tpu.memory_space<hbm>>) dst(%dma_wait3A_411 : memref<128xi32, #tpu.memory_space<vmem>>)
        %dma_wait3A_415 = arith.constant 3 : i32
        %dma_wait3A_416 = arith.constant 0 : i32
        %dma_wait3A_417 = tpu.memref_slice %arg7[%dma_wait3A_415, %dma_wait3A_416] : memref<4x128xi32, #tpu.memory_space<vmem>> -> memref<1x128xi32, #tpu.memory_space<vmem>>
        %dma_wait3A_418 = tpu.memref_squeeze %dma_wait3A_417 : memref<1x128xi32, #tpu.memory_space<vmem>> -> memref<128xi32, #tpu.memory_space<vmem>>
        %dma_wait3A_419 = arith.constant 0 : i32
        %dma_wait3A_420 = tpu.memref_slice %arg4[%mul3A_2, %dma_wait3A_419] : memref<2560x128xi32, #tpu.memory_space<hbm>> -> memref<1x128xi32, #tpu.memory_space<hbm>>
        %dma_wait3A_421 = tpu.memref_squeeze %dma_wait3A_420 : memref<1x128xi32, #tpu.memory_space<hbm>> -> memref<128xi32, #tpu.memory_space<hbm>>
        %dma_wait3A_422 = arith.constant 0 : i32
        %dma_wait3A_423 = tpu.memref_slice %arg7[%dma_wait3A_415, %dma_wait3A_422] : memref<4x128xi32, #tpu.memory_space<vmem>> -> memref<1x128xi32, #tpu.memory_space<vmem>>
        %dma_wait3A_424 = tpu.memref_squeeze %dma_wait3A_423 : memref<1x128xi32, #tpu.memory_space<vmem>> -> memref<128xi32, #tpu.memory_space<vmem>>
        %dma_wait3A_425 = arith.constant 0 : i32
        %dma_wait3A_426 = tpu.memref_slice %arg4[%mul3A_2, %dma_wait3A_425] : memref<2560x128xi32, #tpu.memory_space<hbm>> -> memref<1x128xi32, #tpu.memory_space<hbm>>
        %dma_wait3A_427 = tpu.memref_squeeze %dma_wait3A_426 : memref<1x128xi32, #tpu.memory_space<hbm>> -> memref<128xi32, #tpu.memory_space<hbm>>
        tpu.wait_dma2 semaphore(%arg14 : memref<!tpu.dma_semaphore, #tpu.memory_space<semaphore_mem>>) src(%dma_wait3A_427 : memref<128xi32, #tpu.memory_space<hbm>>) dst(%dma_wait3A_424 : memref<128xi32, #tpu.memory_space<vmem>>)
        %get3A_428 = arith.constant 3 : i32
        %get3A_429 = arith.index_cast %get3A_428 : i32 to index
        %get3A_430 = arith.constant 0 : index
        %get3A_431 = tpu.vector_load %arg6[%get3A_429, %get3A_430] {strides = array<i32>} : memref<4x128xi32, #tpu.memory_space<vmem>>, vector<1x16xi32>,
        %get3A_432 = vector.shape_cast %get3A_431 : vector<1x16xi32> to vector<16xi32>
        %add3A_433 = vector.broadcast %mul3A_4 : i32 to vector<16xi32>
        %add3A_434 = arith.addi %get3A_432, %add3A_433 : vector<16xi32>
        %swap3A_435 = arith.constant 3 : i32
        %swap3A_436 = arith.index_cast %swap3A_435 : i32 to index
        %swap3A_437 = arith.constant 0 : index
        %swap3A_438 = tpu.vector_load %arg6[%swap3A_436, %swap3A_437] {strides = array<i32>} : memref<4x128xi32, #tpu.memory_space<vmem>>, vector<1x16xi32>,
        %swap3A_439 = vector.shape_cast %swap3A_438 : vector<1x16xi32> to vector<16xi32>
        %swap3A_440 = vector.shape_cast %add3A_434 : vector<16xi32> to vector<1x16xi32>
        tpu.vector_store %arg6[%swap3A_436, %swap3A_437], %swap3A_440 {strides = array<i32>} : memref<4x128xi32, #tpu.memory_space<vmem>>, vector<1x16xi32>,
        %get3A_441 = arith.constant 3 : i32
        %get3A_442 = arith.index_cast %get3A_441 : i32 to index
        %get3A_443 = arith.constant 16 : index
        %get3A_444 = tpu.vector_load %arg6[%get3A_442, %get3A_443] {strides = array<i32>} : memref<4x128xi32, #tpu.memory_space<vmem>>, vector<1x16xi32>,
        %get3A_445 = vector.shape_cast %get3A_444 : vector<1x16xi32> to vector<16xi32>
        %add3A_446 = vector.broadcast %mul3A_4 : i32 to vector<16xi32>
        %add3A_447 = arith.addi %get3A_445, %add3A_446 : vector<16xi32>
        %swap3A_448 = arith.constant 3 : i32
        %swap3A_449 = arith.index_cast %swap3A_448 : i32 to index
        %swap3A_450 = arith.constant 16 : index
        %swap3A_451 = tpu.vector_load %arg6[%swap3A_449, %swap3A_450] {strides = array<i32>} : memref<4x128xi32, #tpu.memory_space<vmem>>, vector<1x16xi32>,
        %swap3A_452 = vector.shape_cast %swap3A_451 : vector<1x16xi32> to vector<16xi32>
        %swap3A_453 = vector.shape_cast %add3A_447 : vector<16xi32> to vector<1x16xi32>
        tpu.vector_store %arg6[%swap3A_449, %swap3A_450], %swap3A_453 {strides = array<i32>} : memref<4x128xi32, #tpu.memory_space<vmem>>, vector<1x16xi32>,
        %get3A_454 = arith.constant 3 : i32
        %get3A_455 = arith.index_cast %get3A_454 : i32 to index
        %get3A_456 = arith.constant 32 : index
        %get3A_457 = tpu.vector_load %arg6[%get3A_455, %get3A_456] {strides = array<i32>} : memref<4x128xi32, #tpu.memory_space<vmem>>, vector<1x16xi32>,
        %get3A_458 = vector.shape_cast %get3A_457 : vector<1x16xi32> to vector<16xi32>
        %add3A_459 = vector.broadcast %mul3A_4 : i32 to vector<16xi32>
        %add3A_460 = arith.addi %get3A_458, %add3A_459 : vector<16xi32>
        %swap3A_461 = arith.constant 3 : i32
        %swap3A_462 = arith.index_cast %swap3A_461 : i32 to index
        %swap3A_463 = arith.constant 32 : index
        %swap3A_464 = tpu.vector_load %arg6[%swap3A_462, %swap3A_463] {strides = array<i32>} : memref<4x128xi32, #tpu.memory_space<vmem>>, vector<1x16xi32>,
        %swap3A_465 = vector.shape_cast %swap3A_464 : vector<1x16xi32> to vector<16xi32>
        %swap3A_466 = vector.shape_cast %add3A_460 : vector<16xi32> to vector<1x16xi32>
        tpu.vector_store %arg6[%swap3A_462, %swap3A_463], %swap3A_466 {strides = array<i32>} : memref<4x128xi32, #tpu.memory_space<vmem>>, vector<1x16xi32>,
        %get3A_467 = arith.constant 3 : i32
        %get3A_468 = arith.index_cast %get3A_467 : i32 to index
        %get3A_469 = arith.constant 48 : index
        %get3A_470 = tpu.vector_load %arg6[%get3A_468, %get3A_469] {strides = array<i32>} : memref<4x128xi32, #tpu.memory_space<vmem>>, vector<1x16xi32>,
        %get3A_471 = vector.shape_cast %get3A_470 : vector<1x16xi32> to vector<16xi32>
        %add3A_472 = vector.broadcast %mul3A_4 : i32 to vector<16xi32>
        %add3A_473 = arith.addi %get3A_471, %add3A_472 : vector<16xi32>
        %swap3A_474 = arith.constant 3 : i32
        %swap3A_475 = arith.index_cast %swap3A_474 : i32 to index
        %swap3A_476 = arith.constant 48 : index
        %swap3A_477 = tpu.vector_load %arg6[%swap3A_475, %swap3A_476] {strides = array<i32>} : memref<4x128xi32, #tpu.memory_space<vmem>>, vector<1x16xi32>,
        %swap3A_478 = vector.shape_cast %swap3A_477 : vector<1x16xi32> to vector<16xi32>
        %swap3A_479 = vector.shape_cast %add3A_473 : vector<16xi32> to vector<1x16xi32>
        tpu.vector_store %arg6[%swap3A_475, %swap3A_476], %swap3A_479 {strides = array<i32>} : memref<4x128xi32, #tpu.memory_space<vmem>>, vector<1x16xi32>,
        %get3A_480 = arith.constant 3 : i32
        %get3A_481 = arith.index_cast %get3A_480 : i32 to index
        %get3A_482 = arith.constant 64 : index
        %get3A_483 = tpu.vector_load %arg6[%get3A_481, %get3A_482] {strides = array<i32>} : memref<4x128xi32, #tpu.memory_space<vmem>>, vector<1x16xi32>,
        %get3A_484 = vector.shape_cast %get3A_483 : vector<1x16xi32> to vector<16xi32>
        %add3A_485 = vector.broadcast %mul3A_4 : i32 to vector<16xi32>
        %add3A_486 = arith.addi %get3A_484, %add3A_485 : vector<16xi32>
        %swap3A_487 = arith.constant 3 : i32
        %swap3A_488 = arith.index_cast %swap3A_487 : i32 to index
        %swap3A_489 = arith.constant 64 : index
        %swap3A_490 = tpu.vector_load %arg6[%swap3A_488, %swap3A_489] {strides = array<i32>} : memref<4x128xi32, #tpu.memory_space<vmem>>, vector<1x16xi32>,
        %swap3A_491 = vector.shape_cast %swap3A_490 : vector<1x16xi32> to vector<16xi32>
        %swap3A_492 = vector.shape_cast %add3A_486 : vector<16xi32> to vector<1x16xi32>
        tpu.vector_store %arg6[%swap3A_488, %swap3A_489], %swap3A_492 {strides = array<i32>} : memref<4x128xi32, #tpu.memory_space<vmem>>, vector<1x16xi32>,
        %get3A_493 = arith.constant 3 : i32
        %get3A_494 = arith.index_cast %get3A_493 : i32 to index
        %get3A_495 = arith.constant 80 : index
        %get3A_496 = tpu.vector_load %arg6[%get3A_494, %get3A_495] {strides = array<i32>} : memref<4x128xi32, #tpu.memory_space<vmem>>, vector<1x16xi32>,
        %get3A_497 = vector.shape_cast %get3A_496 : vector<1x16xi32> to vector<16xi32>
        %add3A_498 = vector.broadcast %mul3A_4 : i32 to vector<16xi32>
        %add3A_499 = arith.addi %get3A_497, %add3A_498 : vector<16xi32>
        %swap3A_500 = arith.constant 3 : i32
        %swap3A_501 = arith.index_cast %swap3A_500 : i32 to index
        %swap3A_502 = arith.constant 80 : index
        %swap3A_503 = tpu.vector_load %arg6[%swap3A_501, %swap3A_502] {strides = array<i32>} : memref<4x128xi32, #tpu.memory_space<vmem>>, vector<1x16xi32>,
        %swap3A_504 = vector.shape_cast %swap3A_503 : vector<1x16xi32> to vector<16xi32>
        %swap3A_505 = vector.shape_cast %add3A_499 : vector<16xi32> to vector<1x16xi32>
        tpu.vector_store %arg6[%swap3A_501, %swap3A_502], %swap3A_505 {strides = array<i32>} : memref<4x128xi32, #tpu.memory_space<vmem>>, vector<1x16xi32>,
        %get3A_506 = arith.constant 3 : i32
        %get3A_507 = arith.index_cast %get3A_506 : i32 to index
        %get3A_508 = arith.constant 96 : index
        %get3A_509 = tpu.vector_load %arg6[%get3A_507, %get3A_508] {strides = array<i32>} : memref<4x128xi32, #tpu.memory_space<vmem>>, vector<1x16xi32>,
        %get3A_510 = vector.shape_cast %get3A_509 : vector<1x16xi32> to vector<16xi32>
        %add3A_511 = vector.broadcast %mul3A_4 : i32 to vector<16xi32>
        %add3A_512 = arith.addi %get3A_510, %add3A_511 : vector<16xi32>
        %swap3A_513 = arith.constant 3 : i32
        %swap3A_514 = arith.index_cast %swap3A_513 : i32 to index
        %swap3A_515 = arith.constant 96 : index
        %swap3A_516 = tpu.vector_load %arg6[%swap3A_514, %swap3A_515] {strides = array<i32>} : memref<4x128xi32, #tpu.memory_space<vmem>>, vector<1x16xi32>,
        %swap3A_517 = vector.shape_cast %swap3A_516 : vector<1x16xi32> to vector<16xi32>
        %swap3A_518 = vector.shape_cast %add3A_512 : vector<16xi32> to vector<1x16xi32>
        tpu.vector_store %arg6[%swap3A_514, %swap3A_515], %swap3A_518 {strides = array<i32>} : memref<4x128xi32, #tpu.memory_space<vmem>>, vector<1x16xi32>,
        %get3A_519 = arith.constant 3 : i32
        %get3A_520 = arith.index_cast %get3A_519 : i32 to index
        %get3A_521 = arith.constant 112 : index
        %get3A_522 = tpu.vector_load %arg6[%get3A_520, %get3A_521] {strides = array<i32>} : memref<4x128xi32, #tpu.memory_space<vmem>>, vector<1x16xi32>,
        %get3A_523 = vector.shape_cast %get3A_522 : vector<1x16xi32> to vector<16xi32>
        %add3A_524 = vector.broadcast %mul3A_4 : i32 to vector<16xi32>
        %add3A_525 = arith.addi %get3A_523, %add3A_524 : vector<16xi32>
        %swap3A_526 = arith.constant 3 : i32
        %swap3A_527 = arith.index_cast %swap3A_526 : i32 to index
        %swap3A_528 = arith.constant 112 : index
        %swap3A_529 = tpu.vector_load %arg6[%swap3A_527, %swap3A_528] {strides = array<i32>} : memref<4x128xi32, #tpu.memory_space<vmem>>, vector<1x16xi32>,
        %swap3A_530 = vector.shape_cast %swap3A_529 : vector<1x16xi32> to vector<16xi32>
        %swap3A_531 = vector.shape_cast %add3A_525 : vector<16xi32> to vector<1x16xi32>
        tpu.vector_store %arg6[%swap3A_527, %swap3A_528], %swap3A_531 {strides = array<i32>} : memref<4x128xi32, #tpu.memory_space<vmem>>, vector<1x16xi32>,
        %add3A_532 = arith.constant 1 : i32
        %add3A_533 = arith.addi %add3A_330, %add3A_532 : i32
        %dma_start3A_534 = arith.constant 3 : i32
        %dma_start3A_535 = arith.constant 0 : i32
        %dma_start3A_536 = tpu.memref_slice %arg6[%dma_start3A_534, %dma_start3A_535] : memref<4x128xi32, #tpu.memory_space<vmem>> -> memref<1x128xi32, #tpu.memory_space<vmem>>
        %dma_start3A_537 = tpu.memref_squeeze %dma_start3A_536 : memref<1x128xi32, #tpu.memory_space<vmem>> -> memref<128xi32, #tpu.memory_space<vmem>>
        %dma_start3A_538 = arith.constant 0 : i32
        %dma_start3A_539 = arith.constant 0 : i32
        %dma_start3A_540 = tpu.memref_slice %arg2[%dma_start3A_538, %dma_start3A_539] : memref<20000x128xf32, #tpu.memory_space<hbm>> -> memref<20000x128xf32, #tpu.memory_space<hbm>>
        tpu.enqueue_indirect_dma source(%dma_start3A_540 : memref<20000x128xf32, #tpu.memory_space<hbm>>) target(%arg10 : memref<128x128xf32, #tpu.memory_space<vmem>>) offsets(%dma_start3A_537 : memref<128xi32, #tpu.memory_space<vmem>>) semaphore(%arg16 : memref<!tpu.dma_semaphore, #tpu.memory_space<semaphore_mem>>)
      } else {
      }
      %dma_wait3A_343 = arith.constant 2 : i32
      %dma_wait3A_344 = arith.constant 0 : i32
      %dma_wait3A_345 = tpu.memref_slice %arg6[%dma_wait3A_343, %dma_wait3A_344] : memref<4x128xi32, #tpu.memory_space<vmem>> -> memref<1x128xi32, #tpu.memory_space<vmem>>
      %dma_wait3A_346 = tpu.memref_squeeze %dma_wait3A_345 : memref<1x128xi32, #tpu.memory_space<vmem>> -> memref<128xi32, #tpu.memory_space<vmem>>
      %dma_wait3A_347 = arith.constant 0 : i32
      %dma_wait3A_348 = arith.constant 0 : i32
      %dma_wait3A_349 = tpu.memref_slice %arg2[%dma_wait3A_347, %dma_wait3A_348] : memref<20000x128xf32, #tpu.memory_space<hbm>> -> memref<20000x128xf32, #tpu.memory_space<hbm>>
      tpu.wait_indirect_dma semaphore(%arg15 : memref<!tpu.dma_semaphore, #tpu.memory_space<semaphore_mem>>) src(%dma_wait3A_349 : memref<20000x128xf32, #tpu.memory_space<hbm>>) dst(%arg9 : memref<128x128xf32, #tpu.memory_space<vmem>>)
      %dma_start3A_350 = arith.constant 2 : i32
      %dma_start3A_351 = arith.constant 0 : i32
      %dma_start3A_352 = tpu.memref_slice %arg7[%dma_start3A_350, %dma_start3A_351] : memref<4x128xi32, #tpu.memory_space<vmem>> -> memref<1x128xi32, #tpu.memory_space<vmem>>
      %dma_start3A_353 = tpu.memref_squeeze %dma_start3A_352 : memref<1x128xi32, #tpu.memory_space<vmem>> -> memref<128xi32, #tpu.memory_space<vmem>>
      %dma_start3A_354 = arith.constant 0 : i32
      %dma_start3A_355 = arith.constant 0 : i32
      %dma_start3A_356 = tpu.memref_slice %arg8[%dma_start3A_354, %dma_start3A_355] : memref<10240x128xf32, #tpu.memory_space<vmem_shared>> -> memref<10240x128xf32, #tpu.memory_space<vmem_shared>>
      tpu.enqueue_indirect_dma source(%arg9 : memref<128x128xf32, #tpu.memory_space<vmem>>) target(%dma_start3A_356 : memref<10240x128xf32, #tpu.memory_space<vmem_shared>>) offsets(%dma_start3A_353 : memref<128xi32, #tpu.memory_space<vmem>>) semaphore(%arg17 : memref<!tpu.dma_semaphore, #tpu.memory_space<semaphore_mem>>) {add = true}
      %add3A_357 = arith.constant 3 : i32
      %add3A_358 = arith.addi %add3A_330, %add3A_357 : i32
      %lt3A_359 = arith.constant 160 : i32
      %lt3A_360 = arith.cmpi slt, %add3A_358, %lt3A_359 : i32
      %convert_element_type3A_361 = arith.extui %lt3A_360 : i1 to i32
      %cond3A_362 = arith.constant 0 : i32
      %cond3A_363 = arith.cmpi ne, %convert_element_type3A_361, %cond3A_362 : i32
      scf.if %cond3A_363 {
        %add3A_402 = arith.constant 3 : i32
        %add3A_403 = arith.addi %add3A_330, %add3A_402 : i32
        %add3A_404 = arith.addi %mul3A_2, %add3A_403 : i32
        %dma_start3A_405 = arith.constant 1 : i32
        %dma_start3A_406 = arith.constant 0 : i32
        %dma_start3A_407 = tpu.memref_slice %arg6[%dma_start3A_405, %dma_start3A_406] : memref<4x128xi32, #tpu.memory_space<vmem>> -> memref<1x128xi32, #tpu.memory_space<vmem>>
        %dma_start3A_408 = tpu.memref_squeeze %dma_start3A_407 : memref<1x128xi32, #tpu.memory_space<vmem>> -> memref<128xi32, #tpu.memory_space<vmem>>
        %dma_start3A_409 = arith.constant 0 : i32
        %dma_start3A_410 = tpu.memref_slice %arg3[%add3A_404, %dma_start3A_409] : memref<2560x128xi32, #tpu.memory_space<hbm>> -> memref<1x128xi32, #tpu.memory_space<hbm>>
        %dma_start3A_411 = tpu.memref_squeeze %dma_start3A_410 : memref<1x128xi32, #tpu.memory_space<hbm>> -> memref<128xi32, #tpu.memory_space<hbm>>
        %dma_start3A_412 = arith.constant 0 : i32
        %dma_start3A_413 = tpu.memref_slice %arg6[%dma_start3A_405, %dma_start3A_412] : memref<4x128xi32, #tpu.memory_space<vmem>> -> memref<1x128xi32, #tpu.memory_space<vmem>>
        %dma_start3A_414 = tpu.memref_squeeze %dma_start3A_413 : memref<1x128xi32, #tpu.memory_space<vmem>> -> memref<128xi32, #tpu.memory_space<vmem>>
        %dma_start3A_415 = arith.constant 0 : i32
        %dma_start3A_416 = tpu.memref_slice %arg3[%add3A_404, %dma_start3A_415] : memref<2560x128xi32, #tpu.memory_space<hbm>> -> memref<1x128xi32, #tpu.memory_space<hbm>>
        %dma_start3A_417 = tpu.memref_squeeze %dma_start3A_416 : memref<1x128xi32, #tpu.memory_space<hbm>> -> memref<128xi32, #tpu.memory_space<hbm>>
        tpu.enqueue_dma source(%dma_start3A_417 : memref<128xi32, #tpu.memory_space<hbm>>) target(%dma_start3A_414 : memref<128xi32, #tpu.memory_space<vmem>>) target_semaphore(%arg12 : memref<!tpu.dma_semaphore, #tpu.memory_space<semaphore_mem>>)
        %add3A_418 = arith.addi %mul3A_2, %add3A_403 : i32
        %dma_start3A_419 = arith.constant 1 : i32
        %dma_start3A_420 = arith.constant 0 : i32
        %dma_start3A_421 = tpu.memref_slice %arg7[%dma_start3A_419, %dma_start3A_420] : memref<4x128xi32, #tpu.memory_space<vmem>> -> memref<1x128xi32, #tpu.memory_space<vmem>>
        %dma_start3A_422 = tpu.memref_squeeze %dma_start3A_421 : memref<1x128xi32, #tpu.memory_space<vmem>> -> memref<128xi32, #tpu.memory_space<vmem>>
        %dma_start3A_423 = arith.constant 0 : i32
        %dma_start3A_424 = tpu.memref_slice %arg4[%add3A_418, %dma_start3A_423] : memref<2560x128xi32, #tpu.memory_space<hbm>> -> memref<1x128xi32, #tpu.memory_space<hbm>>
        %dma_start3A_425 = tpu.memref_squeeze %dma_start3A_424 : memref<1x128xi32, #tpu.memory_space<hbm>> -> memref<128xi32, #tpu.memory_space<hbm>>
        %dma_start3A_426 = arith.constant 0 : i32
        %dma_start3A_427 = tpu.memref_slice %arg7[%dma_start3A_419, %dma_start3A_426] : memref<4x128xi32, #tpu.memory_space<vmem>> -> memref<1x128xi32, #tpu.memory_space<vmem>>
        %dma_start3A_428 = tpu.memref_squeeze %dma_start3A_427 : memref<1x128xi32, #tpu.memory_space<vmem>> -> memref<128xi32, #tpu.memory_space<vmem>>
        %dma_start3A_429 = arith.constant 0 : i32
        %dma_start3A_430 = tpu.memref_slice %arg4[%add3A_418, %dma_start3A_429] : memref<2560x128xi32, #tpu.memory_space<hbm>> -> memref<1x128xi32, #tpu.memory_space<hbm>>
        %dma_start3A_431 = tpu.memref_squeeze %dma_start3A_430 : memref<1x128xi32, #tpu.memory_space<hbm>> -> memref<128xi32, #tpu.memory_space<hbm>>
        tpu.enqueue_dma source(%dma_start3A_431 : memref<128xi32, #tpu.memory_space<hbm>>) target(%dma_start3A_428 : memref<128xi32, #tpu.memory_space<vmem>>) target_semaphore(%arg12 : memref<!tpu.dma_semaphore, #tpu.memory_space<semaphore_mem>>)
      } else {
      }
      %mul3A_364 = arith.constant 4 : i32
      %mul3A_365 = arith.muli %scan3A_255, %mul3A_364 : i32
      %add3A_366 = arith.constant 3 : i32
      %add3A_367 = arith.addi %mul3A_365, %add3A_366 : i32
      %ge3A_368 = arith.constant 1 : i32
      %ge3A_369 = arith.cmpi sge, %add3A_367, %ge3A_368 : i32
      %convert_element_type3A_370 = arith.extui %ge3A_369 : i1 to i32
      %cond3A_371 = arith.constant 0 : i32
      %cond3A_372 = arith.cmpi ne, %convert_element_type3A_370, %cond3A_371 : i32
      scf.if %cond3A_372 {
        %dma_wait3A_402 = arith.constant 2 : i32
        %dma_wait3A_403 = arith.constant 0 : i32
        %dma_wait3A_404 = tpu.memref_slice %arg7[%dma_wait3A_402, %dma_wait3A_403] : memref<4x128xi32, #tpu.memory_space<vmem>> -> memref<1x128xi32, #tpu.memory_space<vmem>>
        %dma_wait3A_405 = tpu.memref_squeeze %dma_wait3A_404 : memref<1x128xi32, #tpu.memory_space<vmem>> -> memref<128xi32, #tpu.memory_space<vmem>>
        %dma_wait3A_406 = arith.constant 0 : i32
        %dma_wait3A_407 = arith.constant 0 : i32
        %dma_wait3A_408 = tpu.memref_slice %arg8[%dma_wait3A_406, %dma_wait3A_407] : memref<10240x128xf32, #tpu.memory_space<vmem_shared>> -> memref<10240x128xf32, #tpu.memory_space<vmem_shared>>
        tpu.wait_indirect_dma semaphore(%arg17 : memref<!tpu.dma_semaphore, #tpu.memory_space<semaphore_mem>>) src(%arg9 : memref<128x128xf32, #tpu.memory_space<vmem>>) dst(%dma_wait3A_408 : memref<10240x128xf32, #tpu.memory_space<vmem_shared>>)
      } else {
      }
      %add3A_373 = arith.constant 1 : i32
      %add3A_374 = arith.addi %add3A_367, %add3A_373 : i32
      %lt3A_375 = arith.constant 160 : i32
      %lt3A_376 = arith.cmpi slt, %add3A_374, %lt3A_375 : i32
      %convert_element_type3A_377 = arith.extui %lt3A_376 : i1 to i32
      %cond3A_378 = arith.constant 0 : i32
      %cond3A_379 = arith.cmpi ne, %convert_element_type3A_377, %cond3A_378 : i32
      scf.if %cond3A_379 {
        %dma_wait3A_402 = arith.constant 0 : i32
        %dma_wait3A_403 = arith.constant 0 : i32
        %dma_wait3A_404 = tpu.memref_slice %arg6[%dma_wait3A_402, %dma_wait3A_403] : memref<4x128xi32, #tpu.memory_space<vmem>> -> memref<1x128xi32, #tpu.memory_space<vmem>>
        %dma_wait3A_405 = tpu.memref_squeeze %dma_wait3A_404 : memref<1x128xi32, #tpu.memory_space<vmem>> -> memref<128xi32, #tpu.memory_space<vmem>>
        %dma_wait3A_406 = arith.constant 0 : i32
        %dma_wait3A_407 = tpu.memref_slice %arg3[%mul3A_2, %dma_wait3A_406] : memref<2560x128xi32, #tpu.memory_space<hbm>> -> memref<1x128xi32, #tpu.memory_space<hbm>>
        %dma_wait3A_408 = tpu.memref_squeeze %dma_wait3A_407 : memref<1x128xi32, #tpu.memory_space<hbm>> -> memref<128xi32, #tpu.memory_space<hbm>>
        %dma_wait3A_409 = arith.constant 0 : i32
        %dma_wait3A_410 = tpu.memref_slice %arg6[%dma_wait3A_402, %dma_wait3A_409] : memref<4x128xi32, #tpu.memory_space<vmem>> -> memref<1x128xi32, #tpu.memory_space<vmem>>
        %dma_wait3A_411 = tpu.memref_squeeze %dma_wait3A_410 : memref<1x128xi32, #tpu.memory_space<vmem>> -> memref<128xi32, #tpu.memory_space<vmem>>
        %dma_wait3A_412 = arith.constant 0 : i32
        %dma_wait3A_413 = tpu.memref_slice %arg3[%mul3A_2, %dma_wait3A_412] : memref<2560x128xi32, #tpu.memory_space<hbm>> -> memref<1x128xi32, #tpu.memory_space<hbm>>
        %dma_wait3A_414 = tpu.memref_squeeze %dma_wait3A_413 : memref<1x128xi32, #tpu.memory_space<hbm>> -> memref<128xi32, #tpu.memory_space<hbm>>
        tpu.wait_dma2 semaphore(%arg11 : memref<!tpu.dma_semaphore, #tpu.memory_space<semaphore_mem>>) src(%dma_wait3A_414 : memref<128xi32, #tpu.memory_space<hbm>>) dst(%dma_wait3A_411 : memref<128xi32, #tpu.memory_space<vmem>>)
        %dma_wait3A_415 = arith.constant 0 : i32
        %dma_wait3A_416 = arith.constant 0 : i32
        %dma_wait3A_417 = tpu.memref_slice %arg7[%dma_wait3A_415, %dma_wait3A_416] : memref<4x128xi32, #tpu.memory_space<vmem>> -> memref<1x128xi32, #tpu.memory_space<vmem>>
        %dma_wait3A_418 = tpu.memref_squeeze %dma_wait3A_417 : memref<1x128xi32, #tpu.memory_space<vmem>> -> memref<128xi32, #tpu.memory_space<vmem>>
        %dma_wait3A_419 = arith.constant 0 : i32
        %dma_wait3A_420 = tpu.memref_slice %arg4[%mul3A_2, %dma_wait3A_419] : memref<2560x128xi32, #tpu.memory_space<hbm>> -> memref<1x128xi32, #tpu.memory_space<hbm>>
        %dma_wait3A_421 = tpu.memref_squeeze %dma_wait3A_420 : memref<1x128xi32, #tpu.memory_space<hbm>> -> memref<128xi32, #tpu.memory_space<hbm>>
        %dma_wait3A_422 = arith.constant 0 : i32
        %dma_wait3A_423 = tpu.memref_slice %arg7[%dma_wait3A_415, %dma_wait3A_422] : memref<4x128xi32, #tpu.memory_space<vmem>> -> memref<1x128xi32, #tpu.memory_space<vmem>>
        %dma_wait3A_424 = tpu.memref_squeeze %dma_wait3A_423 : memref<1x128xi32, #tpu.memory_space<vmem>> -> memref<128xi32, #tpu.memory_space<vmem>>
        %dma_wait3A_425 = arith.constant 0 : i32
        %dma_wait3A_426 = tpu.memref_slice %arg4[%mul3A_2, %dma_wait3A_425] : memref<2560x128xi32, #tpu.memory_space<hbm>> -> memref<1x128xi32, #tpu.memory_space<hbm>>
        %dma_wait3A_427 = tpu.memref_squeeze %dma_wait3A_426 : memref<1x128xi32, #tpu.memory_space<hbm>> -> memref<128xi32, #tpu.memory_space<hbm>>
        tpu.wait_dma2 semaphore(%arg11 : memref<!tpu.dma_semaphore, #tpu.memory_space<semaphore_mem>>) src(%dma_wait3A_427 : memref<128xi32, #tpu.memory_space<hbm>>) dst(%dma_wait3A_424 : memref<128xi32, #tpu.memory_space<vmem>>)
        %get3A_428 = arith.constant 0 : i32
        %get3A_429 = arith.index_cast %get3A_428 : i32 to index
        %get3A_430 = arith.constant 0 : index
        %get3A_431 = tpu.vector_load %arg6[%get3A_429, %get3A_430] {strides = array<i32>} : memref<4x128xi32, #tpu.memory_space<vmem>>, vector<1x16xi32>,
        %get3A_432 = vector.shape_cast %get3A_431 : vector<1x16xi32> to vector<16xi32>
        %add3A_433 = vector.broadcast %mul3A_4 : i32 to vector<16xi32>
        %add3A_434 = arith.addi %get3A_432, %add3A_433 : vector<16xi32>
        %swap3A_435 = arith.constant 0 : i32
        %swap3A_436 = arith.index_cast %swap3A_435 : i32 to index
        %swap3A_437 = arith.constant 0 : index
        %swap3A_438 = tpu.vector_load %arg6[%swap3A_436, %swap3A_437] {strides = array<i32>} : memref<4x128xi32, #tpu.memory_space<vmem>>, vector<1x16xi32>,
        %swap3A_439 = vector.shape_cast %swap3A_438 : vector<1x16xi32> to vector<16xi32>
        %swap3A_440 = vector.shape_cast %add3A_434 : vector<16xi32> to vector<1x16xi32>
        tpu.vector_store %arg6[%swap3A_436, %swap3A_437], %swap3A_440 {strides = array<i32>} : memref<4x128xi32, #tpu.memory_space<vmem>>, vector<1x16xi32>,
        %get3A_441 = arith.constant 0 : i32
        %get3A_442 = arith.index_cast %get3A_441 : i32 to index
        %get3A_443 = arith.constant 16 : index
        %get3A_444 = tpu.vector_load %arg6[%get3A_442, %get3A_443] {strides = array<i32>} : memref<4x128xi32, #tpu.memory_space<vmem>>, vector<1x16xi32>,
        %get3A_445 = vector.shape_cast %get3A_444 : vector<1x16xi32> to vector<16xi32>
        %add3A_446 = vector.broadcast %mul3A_4 : i32 to vector<16xi32>
        %add3A_447 = arith.addi %get3A_445, %add3A_446 : vector<16xi32>
        %swap3A_448 = arith.constant 0 : i32
        %swap3A_449 = arith.index_cast %swap3A_448 : i32 to index
        %swap3A_450 = arith.constant 16 : index
        %swap3A_451 = tpu.vector_load %arg6[%swap3A_449, %swap3A_450] {strides = array<i32>} : memref<4x128xi32, #tpu.memory_space<vmem>>, vector<1x16xi32>,
        %swap3A_452 = vector.shape_cast %swap3A_451 : vector<1x16xi32> to vector<16xi32>
        %swap3A_453 = vector.shape_cast %add3A_447 : vector<16xi32> to vector<1x16xi32>
        tpu.vector_store %arg6[%swap3A_449, %swap3A_450], %swap3A_453 {strides = array<i32>} : memref<4x128xi32, #tpu.memory_space<vmem>>, vector<1x16xi32>,
        %get3A_454 = arith.constant 0 : i32
        %get3A_455 = arith.index_cast %get3A_454 : i32 to index
        %get3A_456 = arith.constant 32 : index
        %get3A_457 = tpu.vector_load %arg6[%get3A_455, %get3A_456] {strides = array<i32>} : memref<4x128xi32, #tpu.memory_space<vmem>>, vector<1x16xi32>,
        %get3A_458 = vector.shape_cast %get3A_457 : vector<1x16xi32> to vector<16xi32>
        %add3A_459 = vector.broadcast %mul3A_4 : i32 to vector<16xi32>
        %add3A_460 = arith.addi %get3A_458, %add3A_459 : vector<16xi32>
        %swap3A_461 = arith.constant 0 : i32
        %swap3A_462 = arith.index_cast %swap3A_461 : i32 to index
        %swap3A_463 = arith.constant 32 : index
        %swap3A_464 = tpu.vector_load %arg6[%swap3A_462, %swap3A_463] {strides = array<i32>} : memref<4x128xi32, #tpu.memory_space<vmem>>, vector<1x16xi32>,
        %swap3A_465 = vector.shape_cast %swap3A_464 : vector<1x16xi32> to vector<16xi32>
        %swap3A_466 = vector.shape_cast %add3A_460 : vector<16xi32> to vector<1x16xi32>
        tpu.vector_store %arg6[%swap3A_462, %swap3A_463], %swap3A_466 {strides = array<i32>} : memref<4x128xi32, #tpu.memory_space<vmem>>, vector<1x16xi32>,
        %get3A_467 = arith.constant 0 : i32
        %get3A_468 = arith.index_cast %get3A_467 : i32 to index
        %get3A_469 = arith.constant 48 : index
        %get3A_470 = tpu.vector_load %arg6[%get3A_468, %get3A_469] {strides = array<i32>} : memref<4x128xi32, #tpu.memory_space<vmem>>, vector<1x16xi32>,
        %get3A_471 = vector.shape_cast %get3A_470 : vector<1x16xi32> to vector<16xi32>
        %add3A_472 = vector.broadcast %mul3A_4 : i32 to vector<16xi32>
        %add3A_473 = arith.addi %get3A_471, %add3A_472 : vector<16xi32>
        %swap3A_474 = arith.constant 0 : i32
        %swap3A_475 = arith.index_cast %swap3A_474 : i32 to index
        %swap3A_476 = arith.constant 48 : index
        %swap3A_477 = tpu.vector_load %arg6[%swap3A_475, %swap3A_476] {strides = array<i32>} : memref<4x128xi32, #tpu.memory_space<vmem>>, vector<1x16xi32>,
        %swap3A_478 = vector.shape_cast %swap3A_477 : vector<1x16xi32> to vector<16xi32>
        %swap3A_479 = vector.shape_cast %add3A_473 : vector<16xi32> to vector<1x16xi32>
        tpu.vector_store %arg6[%swap3A_475, %swap3A_476], %swap3A_479 {strides = array<i32>} : memref<4x128xi32, #tpu.memory_space<vmem>>, vector<1x16xi32>,
        %get3A_480 = arith.constant 0 : i32
        %get3A_481 = arith.index_cast %get3A_480 : i32 to index
        %get3A_482 = arith.constant 64 : index
        %get3A_483 = tpu.vector_load %arg6[%get3A_481, %get3A_482] {strides = array<i32>} : memref<4x128xi32, #tpu.memory_space<vmem>>, vector<1x16xi32>,
        %get3A_484 = vector.shape_cast %get3A_483 : vector<1x16xi32> to vector<16xi32>
        %add3A_485 = vector.broadcast %mul3A_4 : i32 to vector<16xi32>
        %add3A_486 = arith.addi %get3A_484, %add3A_485 : vector<16xi32>
        %swap3A_487 = arith.constant 0 : i32
        %swap3A_488 = arith.index_cast %swap3A_487 : i32 to index
        %swap3A_489 = arith.constant 64 : index
        %swap3A_490 = tpu.vector_load %arg6[%swap3A_488, %swap3A_489] {strides = array<i32>} : memref<4x128xi32, #tpu.memory_space<vmem>>, vector<1x16xi32>,
        %swap3A_491 = vector.shape_cast %swap3A_490 : vector<1x16xi32> to vector<16xi32>
        %swap3A_492 = vector.shape_cast %add3A_486 : vector<16xi32> to vector<1x16xi32>
        tpu.vector_store %arg6[%swap3A_488, %swap3A_489], %swap3A_492 {strides = array<i32>} : memref<4x128xi32, #tpu.memory_space<vmem>>, vector<1x16xi32>,
        %get3A_493 = arith.constant 0 : i32
        %get3A_494 = arith.index_cast %get3A_493 : i32 to index
        %get3A_495 = arith.constant 80 : index
        %get3A_496 = tpu.vector_load %arg6[%get3A_494, %get3A_495] {strides = array<i32>} : memref<4x128xi32, #tpu.memory_space<vmem>>, vector<1x16xi32>,
        %get3A_497 = vector.shape_cast %get3A_496 : vector<1x16xi32> to vector<16xi32>
        %add3A_498 = vector.broadcast %mul3A_4 : i32 to vector<16xi32>
        %add3A_499 = arith.addi %get3A_497, %add3A_498 : vector<16xi32>
        %swap3A_500 = arith.constant 0 : i32
        %swap3A_501 = arith.index_cast %swap3A_500 : i32 to index
        %swap3A_502 = arith.constant 80 : index
        %swap3A_503 = tpu.vector_load %arg6[%swap3A_501, %swap3A_502] {strides = array<i32>} : memref<4x128xi32, #tpu.memory_space<vmem>>, vector<1x16xi32>,
        %swap3A_504 = vector.shape_cast %swap3A_503 : vector<1x16xi32> to vector<16xi32>
        %swap3A_505 = vector.shape_cast %add3A_499 : vector<16xi32> to vector<1x16xi32>
        tpu.vector_store %arg6[%swap3A_501, %swap3A_502], %swap3A_505 {strides = array<i32>} : memref<4x128xi32, #tpu.memory_space<vmem>>, vector<1x16xi32>,
        %get3A_506 = arith.constant 0 : i32
        %get3A_507 = arith.index_cast %get3A_506 : i32 to index
        %get3A_508 = arith.constant 96 : index
        %get3A_509 = tpu.vector_load %arg6[%get3A_507, %get3A_508] {strides = array<i32>} : memref<4x128xi32, #tpu.memory_space<vmem>>, vector<1x16xi32>,
        %get3A_510 = vector.shape_cast %get3A_509 : vector<1x16xi32> to vector<16xi32>
        %add3A_511 = vector.broadcast %mul3A_4 : i32 to vector<16xi32>
        %add3A_512 = arith.addi %get3A_510, %add3A_511 : vector<16xi32>
        %swap3A_513 = arith.constant 0 : i32
        %swap3A_514 = arith.index_cast %swap3A_513 : i32 to index
        %swap3A_515 = arith.constant 96 : index
        %swap3A_516 = tpu.vector_load %arg6[%swap3A_514, %swap3A_515] {strides = array<i32>} : memref<4x128xi32, #tpu.memory_space<vmem>>, vector<1x16xi32>,
        %swap3A_517 = vector.shape_cast %swap3A_516 : vector<1x16xi32> to vector<16xi32>
        %swap3A_518 = vector.shape_cast %add3A_512 : vector<16xi32> to vector<1x16xi32>
        tpu.vector_store %arg6[%swap3A_514, %swap3A_515], %swap3A_518 {strides = array<i32>} : memref<4x128xi32, #tpu.memory_space<vmem>>, vector<1x16xi32>,
        %get3A_519 = arith.constant 0 : i32
        %get3A_520 = arith.index_cast %get3A_519 : i32 to index
        %get3A_521 = arith.constant 112 : index
        %get3A_522 = tpu.vector_load %arg6[%get3A_520, %get3A_521] {strides = array<i32>} : memref<4x128xi32, #tpu.memory_space<vmem>>, vector<1x16xi32>,
        %get3A_523 = vector.shape_cast %get3A_522 : vector<1x16xi32> to vector<16xi32>
        %add3A_524 = vector.broadcast %mul3A_4 : i32 to vector<16xi32>
        %add3A_525 = arith.addi %get3A_523, %add3A_524 : vector<16xi32>
        %swap3A_526 = arith.constant 0 : i32
        %swap3A_527 = arith.index_cast %swap3A_526 : i32 to index
        %swap3A_528 = arith.constant 112 : index
        %swap3A_529 = tpu.vector_load %arg6[%swap3A_527, %swap3A_528] {strides = array<i32>} : memref<4x128xi32, #tpu.memory_space<vmem>>, vector<1x16xi32>,
        %swap3A_530 = vector.shape_cast %swap3A_529 : vector<1x16xi32> to vector<16xi32>
        %swap3A_531 = vector.shape_cast %add3A_525 : vector<16xi32> to vector<1x16xi32>
        tpu.vector_store %arg6[%swap3A_527, %swap3A_528], %swap3A_531 {strides = array<i32>} : memref<4x128xi32, #tpu.memory_space<vmem>>, vector<1x16xi32>,
        %add3A_532 = arith.constant 1 : i32
        %add3A_533 = arith.addi %add3A_367, %add3A_532 : i32
        %dma_start3A_534 = arith.constant 0 : i32
        %dma_start3A_535 = arith.constant 0 : i32
        %dma_start3A_536 = tpu.memref_slice %arg6[%dma_start3A_534, %dma_start3A_535] : memref<4x128xi32, #tpu.memory_space<vmem>> -> memref<1x128xi32, #tpu.memory_space<vmem>>
        %dma_start3A_537 = tpu.memref_squeeze %dma_start3A_536 : memref<1x128xi32, #tpu.memory_space<vmem>> -> memref<128xi32, #tpu.memory_space<vmem>>
        %dma_start3A_538 = arith.constant 0 : i32
        %dma_start3A_539 = arith.constant 0 : i32
        %dma_start3A_540 = tpu.memref_slice %arg2[%dma_start3A_538, %dma_start3A_539] : memref<20000x128xf32, #tpu.memory_space<hbm>> -> memref<20000x128xf32, #tpu.memory_space<hbm>>
        tpu.enqueue_indirect_dma source(%dma_start3A_540 : memref<20000x128xf32, #tpu.memory_space<hbm>>) target(%arg9 : memref<128x128xf32, #tpu.memory_space<vmem>>) offsets(%dma_start3A_537 : memref<128xi32, #tpu.memory_space<vmem>>) semaphore(%arg15 : memref<!tpu.dma_semaphore, #tpu.memory_space<semaphore_mem>>)
      } else {
      }
      %dma_wait3A_380 = arith.constant 3 : i32
      %dma_wait3A_381 = arith.constant 0 : i32
      %dma_wait3A_382 = tpu.memref_slice %arg6[%dma_wait3A_380, %dma_wait3A_381] : memref<4x128xi32, #tpu.memory_space<vmem>> -> memref<1x128xi32, #tpu.memory_space<vmem>>
      %dma_wait3A_383 = tpu.memref_squeeze %dma_wait3A_382 : memref<1x128xi32, #tpu.memory_space<vmem>> -> memref<128xi32, #tpu.memory_space<vmem>>
      %dma_wait3A_384 = arith.constant 0 : i32
      %dma_wait3A_385 = arith.constant 0 : i32
      %dma_wait3A_386 = tpu.memref_slice %arg2[%dma_wait3A_384, %dma_wait3A_385] : memref<20000x128xf32, #tpu.memory_space<hbm>> -> memref<20000x128xf32, #tpu.memory_space<hbm>>
      tpu.wait_indirect_dma semaphore(%arg16 : memref<!tpu.dma_semaphore, #tpu.memory_space<semaphore_mem>>) src(%dma_wait3A_386 : memref<20000x128xf32, #tpu.memory_space<hbm>>) dst(%arg10 : memref<128x128xf32, #tpu.memory_space<vmem>>)
      %dma_start3A_387 = arith.constant 3 : i32
      %dma_start3A_388 = arith.constant 0 : i32
      %dma_start3A_389 = tpu.memref_slice %arg7[%dma_start3A_387, %dma_start3A_388] : memref<4x128xi32, #tpu.memory_space<vmem>> -> memref<1x128xi32, #tpu.memory_space<vmem>>
      %dma_start3A_390 = tpu.memref_squeeze %dma_start3A_389 : memref<1x128xi32, #tpu.memory_space<vmem>> -> memref<128xi32, #tpu.memory_space<vmem>>
      %dma_start3A_391 = arith.constant 0 : i32
      %dma_start3A_392 = arith.constant 0 : i32
      %dma_start3A_393 = tpu.memref_slice %arg8[%dma_start3A_391, %dma_start3A_392] : memref<10240x128xf32, #tpu.memory_space<vmem_shared>> -> memref<10240x128xf32, #tpu.memory_space<vmem_shared>>
      tpu.enqueue_indirect_dma source(%arg10 : memref<128x128xf32, #tpu.memory_space<vmem>>) target(%dma_start3A_393 : memref<10240x128xf32, #tpu.memory_space<vmem_shared>>) offsets(%dma_start3A_390 : memref<128xi32, #tpu.memory_space<vmem>>) semaphore(%arg18 : memref<!tpu.dma_semaphore, #tpu.memory_space<semaphore_mem>>) {add = true}
      %add3A_394 = arith.constant 3 : i32
      %add3A_395 = arith.addi %add3A_367, %add3A_394 : i32
      %lt3A_396 = arith.constant 160 : i32
      %lt3A_397 = arith.cmpi slt, %add3A_395, %lt3A_396 : i32
      %convert_element_type3A_398 = arith.extui %lt3A_397 : i1 to i32
      %cond3A_399 = arith.constant 0 : i32
      %cond3A_400 = arith.cmpi ne, %convert_element_type3A_398, %cond3A_399 : i32
      scf.if %cond3A_400 {
        %add3A_402 = arith.constant 3 : i32
        %add3A_403 = arith.addi %add3A_367, %add3A_402 : i32
        %add3A_404 = arith.addi %mul3A_2, %add3A_403 : i32
        %dma_start3A_405 = arith.constant 2 : i32
        %dma_start3A_406 = arith.constant 0 : i32
        %dma_start3A_407 = tpu.memref_slice %arg6[%dma_start3A_405, %dma_start3A_406] : memref<4x128xi32, #tpu.memory_space<vmem>> -> memref<1x128xi32, #tpu.memory_space<vmem>>
        %dma_start3A_408 = tpu.memref_squeeze %dma_start3A_407 : memref<1x128xi32, #tpu.memory_space<vmem>> -> memref<128xi32, #tpu.memory_space<vmem>>
        %dma_start3A_409 = arith.constant 0 : i32
        %dma_start3A_410 = tpu.memref_slice %arg3[%add3A_404, %dma_start3A_409] : memref<2560x128xi32, #tpu.memory_space<hbm>> -> memref<1x128xi32, #tpu.memory_space<hbm>>
        %dma_start3A_411 = tpu.memref_squeeze %dma_start3A_410 : memref<1x128xi32, #tpu.memory_space<hbm>> -> memref<128xi32, #tpu.memory_space<hbm>>
        %dma_start3A_412 = arith.constant 0 : i32
        %dma_start3A_413 = tpu.memref_slice %arg6[%dma_start3A_405, %dma_start3A_412] : memref<4x128xi32, #tpu.memory_space<vmem>> -> memref<1x128xi32, #tpu.memory_space<vmem>>
        %dma_start3A_414 = tpu.memref_squeeze %dma_start3A_413 : memref<1x128xi32, #tpu.memory_space<vmem>> -> memref<128xi32, #tpu.memory_space<vmem>>
        %dma_start3A_415 = arith.constant 0 : i32
        %dma_start3A_416 = tpu.memref_slice %arg3[%add3A_404, %dma_start3A_415] : memref<2560x128xi32, #tpu.memory_space<hbm>> -> memref<1x128xi32, #tpu.memory_space<hbm>>
        %dma_start3A_417 = tpu.memref_squeeze %dma_start3A_416 : memref<1x128xi32, #tpu.memory_space<hbm>> -> memref<128xi32, #tpu.memory_space<hbm>>
        tpu.enqueue_dma source(%dma_start3A_417 : memref<128xi32, #tpu.memory_space<hbm>>) target(%dma_start3A_414 : memref<128xi32, #tpu.memory_space<vmem>>) target_semaphore(%arg13 : memref<!tpu.dma_semaphore, #tpu.memory_space<semaphore_mem>>)
        %add3A_418 = arith.addi %mul3A_2, %add3A_403 : i32
        %dma_start3A_419 = arith.constant 2 : i32
        %dma_start3A_420 = arith.constant 0 : i32
        %dma_start3A_421 = tpu.memref_slice %arg7[%dma_start3A_419, %dma_start3A_420] : memref<4x128xi32, #tpu.memory_space<vmem>> -> memref<1x128xi32, #tpu.memory_space<vmem>>
        %dma_start3A_422 = tpu.memref_squeeze %dma_start3A_421 : memref<1x128xi32, #tpu.memory_space<vmem>> -> memref<128xi32, #tpu.memory_space<vmem>>
        %dma_start3A_423 = arith.constant 0 : i32
        %dma_start3A_424 = tpu.memref_slice %arg4[%add3A_418, %dma_start3A_423] : memref<2560x128xi32, #tpu.memory_space<hbm>> -> memref<1x128xi32, #tpu.memory_space<hbm>>
        %dma_start3A_425 = tpu.memref_squeeze %dma_start3A_424 : memref<1x128xi32, #tpu.memory_space<hbm>> -> memref<128xi32, #tpu.memory_space<hbm>>
        %dma_start3A_426 = arith.constant 0 : i32
        %dma_start3A_427 = tpu.memref_slice %arg7[%dma_start3A_419, %dma_start3A_426] : memref<4x128xi32, #tpu.memory_space<vmem>> -> memref<1x128xi32, #tpu.memory_space<vmem>>
        %dma_start3A_428 = tpu.memref_squeeze %dma_start3A_427 : memref<1x128xi32, #tpu.memory_space<vmem>> -> memref<128xi32, #tpu.memory_space<vmem>>
        %dma_start3A_429 = arith.constant 0 : i32
        %dma_start3A_430 = tpu.memref_slice %arg4[%add3A_418, %dma_start3A_429] : memref<2560x128xi32, #tpu.memory_space<hbm>> -> memref<1x128xi32, #tpu.memory_space<hbm>>
        %dma_start3A_431 = tpu.memref_squeeze %dma_start3A_430 : memref<1x128xi32, #tpu.memory_space<hbm>> -> memref<128xi32, #tpu.memory_space<hbm>>
        tpu.enqueue_dma source(%dma_start3A_431 : memref<128xi32, #tpu.memory_space<hbm>>) target(%dma_start3A_428 : memref<128xi32, #tpu.memory_space<vmem>>) target_semaphore(%arg13 : memref<!tpu.dma_semaphore, #tpu.memory_space<semaphore_mem>>)
      } else {
      }
      %scan3A_401 = arith.constant 0 : i32
      scf.yield %scan3A_401 : i32
    }
    %scan3A_246 = arith.constant 40 : i32
    %dma_wait3A_247 = arith.constant 3 : i32
    %dma_wait3A_248 = arith.constant 0 : i32
    %dma_wait3A_249 = tpu.memref_slice %arg7[%dma_wait3A_247, %dma_wait3A_248] : memref<4x128xi32, #tpu.memory_space<vmem>> -> memref<1x128xi32, #tpu.memory_space<vmem>>
    %dma_wait3A_250 = tpu.memref_squeeze %dma_wait3A_249 : memref<1x128xi32, #tpu.memory_space<vmem>> -> memref<128xi32, #tpu.memory_space<vmem>>
    %dma_wait3A_251 = arith.constant 0 : i32
    %dma_wait3A_252 = arith.constant 0 : i32
    %dma_wait3A_253 = tpu.memref_slice %arg8[%dma_wait3A_251, %dma_wait3A_252] : memref<10240x128xf32, #tpu.memory_space<vmem_shared>> -> memref<10240x128xf32, #tpu.memory_space<vmem_shared>>
    tpu.wait_indirect_dma semaphore(%arg18 : memref<!tpu.dma_semaphore, #tpu.memory_space<semaphore_mem>>) src(%arg10 : memref<128x128xf32, #tpu.memory_space<vmem>>) dst(%dma_wait3A_253 : memref<10240x128xf32, #tpu.memory_space<vmem_shared>>)
    %barrier3A_254 = arith.constant 0 : index
    tpu.barrier barrier_id(%barrier3A_254)
    "tpu.region"() ({
      %run_scoped3A = tpu.sem_alloc : memref<!tpu.dma_semaphore, #tpu.memory_space<semaphore_mem>>
      %dma_start3A_255 = arith.constant 0 : i32
      %dma_start3A_256 = tpu.memref_slice %arg5[%arg0, %mul3A_0, %dma_start3A_255] : memref<2x10240x128xf32, #tpu.memory_space<hbm>> -> memref<1x640x128xf32, #tpu.memory_space<hbm>>
      %dma_start3A_257 = tpu.memref_squeeze %dma_start3A_256 : memref<1x640x128xf32, #tpu.memory_space<hbm>> -> memref<640x128xf32, #tpu.memory_space<hbm>>
      %dma_start3A_258 = arith.constant 0 : i32
      %dma_start3A_259 = tpu.memref_slice %arg8[%mul3A_0, %dma_start3A_258] : memref<10240x128xf32, #tpu.memory_space<vmem_shared>> -> memref<640x128xf32, #tpu.memory_space<vmem_shared>>
      tpu.enqueue_dma source(%dma_start3A_259 : memref<640x128xf32, #tpu.memory_space<vmem_shared>>) target(%dma_start3A_257 : memref<640x128xf32, #tpu.memory_space<hbm>>) target_semaphore(%run_scoped3A : memref<!tpu.dma_semaphore, #tpu.memory_space<semaphore_mem>>)
      %dma_wait3A_260 = arith.constant 0 : i32
      %dma_wait3A_261 = tpu.memref_slice %arg5[%arg0, %mul3A_0, %dma_wait3A_260] : memref<2x10240x128xf32, #tpu.memory_space<hbm>> -> memref<1x640x128xf32, #tpu.memory_space<hbm>>
      %dma_wait3A_262 = tpu.memref_squeeze %dma_wait3A_261 : memref<1x640x128xf32, #tpu.memory_space<hbm>> -> memref<640x128xf32, #tpu.memory_space<hbm>>
      %dma_wait3A_263 = arith.constant 0 : i32
      %dma_wait3A_264 = tpu.memref_slice %arg8[%mul3A_0, %dma_wait3A_263] : memref<10240x128xf32, #tpu.memory_space<vmem_shared>> -> memref<640x128xf32, #tpu.memory_space<vmem_shared>>
      tpu.wait_dma2 semaphore(%run_scoped3A : memref<!tpu.dma_semaphore, #tpu.memory_space<semaphore_mem>>) src(%dma_wait3A_264 : memref<640x128xf32, #tpu.memory_space<vmem_shared>>) dst(%dma_wait3A_262 : memref<640x128xf32, #tpu.memory_space<hbm>>)
      tpu.yield
    }) : () -> ()
    return
  }
}

#map = affine_map<(d0, d1) -> (0, 0)>
#map1 = affine_map<(d0, d1) -> (0, 0, 0)>
module attributes {stable_mosaic.version = 14 : i64} {
  func.func @deg_k(%arg0: i32, %arg1: i32, %arg2: memref<2560x128xi32, #tpu.memory_space<hbm>>, %arg3: memref<2x10240x128xf32, #tpu.memory_space<hbm>>, %arg4: memref<8x128xi32, #tpu.memory_space<vmem>>, %arg5: memref<128x128xf32, #tpu.memory_space<vmem>>, %arg6: memref<10240x128xf32, #tpu.memory_space<vmem_shared>>, %arg7: memref<!tpu.dma_semaphore, #tpu.memory_space<semaphore_mem>>, %arg8: memref<!tpu.dma_semaphore, #tpu.memory_space<semaphore_mem>>, %arg9: memref<!tpu.dma_semaphore, #tpu.memory_space<semaphore_mem>>, %arg10: memref<!tpu.dma_semaphore, #tpu.memory_space<semaphore_mem>>, %arg11: memref<!tpu.dma_semaphore, #tpu.memory_space<semaphore_mem>>, %arg12: memref<!tpu.dma_semaphore, #tpu.memory_space<semaphore_mem>>, %arg13: memref<!tpu.dma_semaphore, #tpu.memory_space<semaphore_mem>>, %arg14: memref<!tpu.dma_semaphore, #tpu.memory_space<semaphore_mem>>, %arg15: memref<!tpu.dma_semaphore, #tpu.memory_space<semaphore_mem>>, %arg16: memref<!tpu.dma_semaphore, #tpu.memory_space<semaphore_mem>>, %arg17: memref<!tpu.dma_semaphore, #tpu.memory_space<semaphore_mem>>, %arg18: memref<!tpu.dma_semaphore, #tpu.memory_space<semaphore_mem>>) attributes {dimension_semantics = [#tpu.dimension_semantics<core_parallel>, #tpu.dimension_semantics<subcore_parallel>], iteration_bounds = array<i64: 2, 16>, scalar_prefetch = 0 : i64, scratch_operands = 15 : i64, tpu.core_type = #tpu.core_type<sc_vector_subcore>, window_params = [{transform_indices = #map}, {transform_indices = #map1}]} {
    %mul3A = arith.constant 640 : i32
    %mul3A_0 = arith.muli %arg1, %mul3A : i32
    %mul3A_1 = arith.constant 16 : i32
    %mul3A_2 = arith.muli %arg0, %mul3A_1 : i32
    %add3A = arith.addi %mul3A_2, %arg1 : i32
    %mul3A_3 = arith.constant 80 : i32
    %mul3A_4 = arith.muli %add3A, %mul3A_3 : i32
    %scan3A = arith.constant 0 : i32
    %scan3A_5 = arith.constant 0 : i32
    %scan3A_6 = arith.constant 128 : i32
    %scan3A_7 = arith.addi %scan3A_5, %scan3A_6 : i32
    %scan3A_8 = arith.constant 1 : i32
    %scan3A_9 = scf.for %scan3A_119 = %scan3A_5 to %scan3A_7 step %scan3A_8 iter_args(%scan3A_120 = %scan3A) -> (i32)  : i32 {
      %broadcast_in_dim3A = arith.constant 0.000000e+00 : f32
      %broadcast_in_dim3A_121 = vector.broadcast %broadcast_in_dim3A : f32 to vector<16xf32>
      %swap3A = arith.index_cast %scan3A_119 : i32 to index
      %swap3A_122 = arith.constant 0 : index
      %swap3A_123 = tpu.vector_load %arg5[%swap3A, %swap3A_122] {strides = array<i32>} : memref<128x128xf32, #tpu.memory_space<vmem>>, vector<1x16xf32>,
      %swap3A_124 = vector.shape_cast %swap3A_123 : vector<1x16xf32> to vector<16xf32>
      %swap3A_125 = vector.shape_cast %broadcast_in_dim3A_121 : vector<16xf32> to vector<1x16xf32>
      tpu.vector_store %arg5[%swap3A, %swap3A_122], %swap3A_125 {strides = array<i32>} : memref<128x128xf32, #tpu.memory_space<vmem>>, vector<1x16xf32>,
      %broadcast_in_dim3A_126 = arith.constant 0.000000e+00 : f32
      %broadcast_in_dim3A_127 = vector.broadcast %broadcast_in_dim3A_126 : f32 to vector<16xf32>
      %swap3A_128 = arith.index_cast %scan3A_119 : i32 to index
      %swap3A_129 = arith.constant 16 : index
      %swap3A_130 = tpu.vector_load %arg5[%swap3A_128, %swap3A_129] {strides = array<i32>} : memref<128x128xf32, #tpu.memory_space<vmem>>, vector<1x16xf32>,
      %swap3A_131 = vector.shape_cast %swap3A_130 : vector<1x16xf32> to vector<16xf32>
      %swap3A_132 = vector.shape_cast %broadcast_in_dim3A_127 : vector<16xf32> to vector<1x16xf32>
      tpu.vector_store %arg5[%swap3A_128, %swap3A_129], %swap3A_132 {strides = array<i32>} : memref<128x128xf32, #tpu.memory_space<vmem>>, vector<1x16xf32>,
      %broadcast_in_dim3A_133 = arith.constant 0.000000e+00 : f32
      %broadcast_in_dim3A_134 = vector.broadcast %broadcast_in_dim3A_133 : f32 to vector<16xf32>
      %swap3A_135 = arith.index_cast %scan3A_119 : i32 to index
      %swap3A_136 = arith.constant 32 : index
      %swap3A_137 = tpu.vector_load %arg5[%swap3A_135, %swap3A_136] {strides = array<i32>} : memref<128x128xf32, #tpu.memory_space<vmem>>, vector<1x16xf32>,
      %swap3A_138 = vector.shape_cast %swap3A_137 : vector<1x16xf32> to vector<16xf32>
      %swap3A_139 = vector.shape_cast %broadcast_in_dim3A_134 : vector<16xf32> to vector<1x16xf32>
      tpu.vector_store %arg5[%swap3A_135, %swap3A_136], %swap3A_139 {strides = array<i32>} : memref<128x128xf32, #tpu.memory_space<vmem>>, vector<1x16xf32>,
      %broadcast_in_dim3A_140 = arith.constant 0.000000e+00 : f32
      %broadcast_in_dim3A_141 = vector.broadcast %broadcast_in_dim3A_140 : f32 to vector<16xf32>
      %swap3A_142 = arith.index_cast %scan3A_119 : i32 to index
      %swap3A_143 = arith.constant 48 : index
      %swap3A_144 = tpu.vector_load %arg5[%swap3A_142, %swap3A_143] {strides = array<i32>} : memref<128x128xf32, #tpu.memory_space<vmem>>, vector<1x16xf32>,
      %swap3A_145 = vector.shape_cast %swap3A_144 : vector<1x16xf32> to vector<16xf32>
      %swap3A_146 = vector.shape_cast %broadcast_in_dim3A_141 : vector<16xf32> to vector<1x16xf32>
      tpu.vector_store %arg5[%swap3A_142, %swap3A_143], %swap3A_146 {strides = array<i32>} : memref<128x128xf32, #tpu.memory_space<vmem>>, vector<1x16xf32>,
      %broadcast_in_dim3A_147 = arith.constant 0.000000e+00 : f32
      %broadcast_in_dim3A_148 = vector.broadcast %broadcast_in_dim3A_147 : f32 to vector<16xf32>
      %swap3A_149 = arith.index_cast %scan3A_119 : i32 to index
      %swap3A_150 = arith.constant 64 : index
      %swap3A_151 = tpu.vector_load %arg5[%swap3A_149, %swap3A_150] {strides = array<i32>} : memref<128x128xf32, #tpu.memory_space<vmem>>, vector<1x16xf32>,
      %swap3A_152 = vector.shape_cast %swap3A_151 : vector<1x16xf32> to vector<16xf32>
      %swap3A_153 = vector.shape_cast %broadcast_in_dim3A_148 : vector<16xf32> to vector<1x16xf32>
      tpu.vector_store %arg5[%swap3A_149, %swap3A_150], %swap3A_153 {strides = array<i32>} : memref<128x128xf32, #tpu.memory_space<vmem>>, vector<1x16xf32>,
      %broadcast_in_dim3A_154 = arith.constant 0.000000e+00 : f32
      %broadcast_in_dim3A_155 = vector.broadcast %broadcast_in_dim3A_154 : f32 to vector<16xf32>
      %swap3A_156 = arith.index_cast %scan3A_119 : i32 to index
      %swap3A_157 = arith.constant 80 : index
      %swap3A_158 = tpu.vector_load %arg5[%swap3A_156, %swap3A_157] {strides = array<i32>} : memref<128x128xf32, #tpu.memory_space<vmem>>, vector<1x16xf32>,
      %swap3A_159 = vector.shape_cast %swap3A_158 : vector<1x16xf32> to vector<16xf32>
      %swap3A_160 = vector.shape_cast %broadcast_in_dim3A_155 : vector<16xf32> to vector<1x16xf32>
      tpu.vector_store %arg5[%swap3A_156, %swap3A_157], %swap3A_160 {strides = array<i32>} : memref<128x128xf32, #tpu.memory_space<vmem>>, vector<1x16xf32>,
      %broadcast_in_dim3A_161 = arith.constant 0.000000e+00 : f32
      %broadcast_in_dim3A_162 = vector.broadcast %broadcast_in_dim3A_161 : f32 to vector<16xf32>
      %swap3A_163 = arith.index_cast %scan3A_119 : i32 to index
      %swap3A_164 = arith.constant 96 : index
      %swap3A_165 = tpu.vector_load %arg5[%swap3A_163, %swap3A_164] {strides = array<i32>} : memref<128x128xf32, #tpu.memory_space<vmem>>, vector<1x16xf32>,
      %swap3A_166 = vector.shape_cast %swap3A_165 : vector<1x16xf32> to vector<16xf32>
      %swap3A_167 = vector.shape_cast %broadcast_in_dim3A_162 : vector<16xf32> to vector<1x16xf32>
      tpu.vector_store %arg5[%swap3A_163, %swap3A_164], %swap3A_167 {strides = array<i32>} : memref<128x128xf32, #tpu.memory_space<vmem>>, vector<1x16xf32>,
      %broadcast_in_dim3A_168 = arith.constant 0.000000e+00 : f32
      %broadcast_in_dim3A_169 = vector.broadcast %broadcast_in_dim3A_168 : f32 to vector<16xf32>
      %swap3A_170 = arith.index_cast %scan3A_119 : i32 to index
      %swap3A_171 = arith.constant 112 : index
      %swap3A_172 = tpu.vector_load %arg5[%swap3A_170, %swap3A_171] {strides = array<i32>} : memref<128x128xf32, #tpu.memory_space<vmem>>, vector<1x16xf32>,
      %swap3A_173 = vector.shape_cast %swap3A_172 : vector<1x16xf32> to vector<16xf32>
      %swap3A_174 = vector.shape_cast %broadcast_in_dim3A_169 : vector<16xf32> to vector<1x16xf32>
      tpu.vector_store %arg5[%swap3A_170, %swap3A_171], %swap3A_174 {strides = array<i32>} : memref<128x128xf32, #tpu.memory_space<vmem>>, vector<1x16xf32>,
      %scan3A_175 = arith.constant 0 : i32
      scf.yield %scan3A_175 : i32
    }
    %scan3A_10 = arith.constant 128 : i32
    %scan3A_11 = arith.constant 0 : i32
    %scan3A_12 = arith.constant 0 : i32
    %scan3A_13 = arith.constant 5 : i32
    %scan3A_14 = arith.addi %scan3A_12, %scan3A_13 : i32
    %scan3A_15 = arith.constant 1 : i32
    %scan3A_16 = scf.for %scan3A_119 = %scan3A_12 to %scan3A_14 step %scan3A_15 iter_args(%scan3A_120 = %scan3A_11) -> (i32)  : i32 {
      %mul3A_121 = arith.constant 128 : i32
      %mul3A_122 = arith.muli %scan3A_119, %mul3A_121 : i32
      %add3A_123 = arith.addi %mul3A_0, %mul3A_122 : i32
      "tpu.region"() ({
        %run_scoped3A = tpu.sem_alloc : memref<!tpu.dma_semaphore, #tpu.memory_space<semaphore_mem>>
        %dma_start3A_125 = arith.constant 0 : i32
        %dma_start3A_126 = tpu.memref_slice %arg6[%add3A_123, %dma_start3A_125] : memref<10240x128xf32, #tpu.memory_space<vmem_shared>> -> memref<128x128xf32, #tpu.memory_space<vmem_shared>>
        %dma_start3A_127 = arith.constant 0 : i32
        %dma_start3A_128 = tpu.memref_slice %arg6[%add3A_123, %dma_start3A_127] : memref<10240x128xf32, #tpu.memory_space<vmem_shared>> -> memref<128x128xf32, #tpu.memory_space<vmem_shared>>
        tpu.enqueue_dma source(%arg5 : memref<128x128xf32, #tpu.memory_space<vmem>>) target(%dma_start3A_128 : memref<128x128xf32, #tpu.memory_space<vmem_shared>>) target_semaphore(%run_scoped3A : memref<!tpu.dma_semaphore, #tpu.memory_space<semaphore_mem>>)
        %dma_wait3A_129 = arith.constant 0 : i32
        %dma_wait3A_130 = tpu.memref_slice %arg6[%add3A_123, %dma_wait3A_129] : memref<10240x128xf32, #tpu.memory_space<vmem_shared>> -> memref<128x128xf32, #tpu.memory_space<vmem_shared>>
        %dma_wait3A_131 = arith.constant 0 : i32
        %dma_wait3A_132 = tpu.memref_slice %arg6[%add3A_123, %dma_wait3A_131] : memref<10240x128xf32, #tpu.memory_space<vmem_shared>> -> memref<128x128xf32, #tpu.memory_space<vmem_shared>>
        tpu.wait_dma2 semaphore(%run_scoped3A : memref<!tpu.dma_semaphore, #tpu.memory_space<semaphore_mem>>) src(%arg5 : memref<128x128xf32, #tpu.memory_space<vmem>>) dst(%dma_wait3A_132 : memref<128x128xf32, #tpu.memory_space<vmem_shared>>)
        tpu.yield
      }) : () -> ()
      %scan3A_124 = arith.constant 0 : i32
      scf.yield %scan3A_124 : i32
    }
    %scan3A_17 = arith.constant 5 : i32
    %scan3A_18 = arith.constant 0 : i32
    %scan3A_19 = arith.constant 0 : i32
    %scan3A_20 = arith.constant 128 : i32
    %scan3A_21 = arith.addi %scan3A_19, %scan3A_20 : i32
    %scan3A_22 = arith.constant 1 : i32
    %scan3A_23 = scf.for %scan3A_119 = %scan3A_19 to %scan3A_21 step %scan3A_22 iter_args(%scan3A_120 = %scan3A_18) -> (i32)  : i32 {
      %broadcast_in_dim3A = arith.constant 1.000000e+00 : f32
      %broadcast_in_dim3A_121 = vector.broadcast %broadcast_in_dim3A : f32 to vector<16xf32>
      %swap3A = arith.index_cast %scan3A_119 : i32 to index
      %swap3A_122 = arith.constant 0 : index
      %swap3A_123 = tpu.vector_load %arg5[%swap3A, %swap3A_122] {strides = array<i32>} : memref<128x128xf32, #tpu.memory_space<vmem>>, vector<1x16xf32>,
      %swap3A_124 = vector.shape_cast %swap3A_123 : vector<1x16xf32> to vector<16xf32>
      %swap3A_125 = vector.shape_cast %broadcast_in_dim3A_121 : vector<16xf32> to vector<1x16xf32>
      tpu.vector_store %arg5[%swap3A, %swap3A_122], %swap3A_125 {strides = array<i32>} : memref<128x128xf32, #tpu.memory_space<vmem>>, vector<1x16xf32>,
      %broadcast_in_dim3A_126 = arith.constant 1.000000e+00 : f32
      %broadcast_in_dim3A_127 = vector.broadcast %broadcast_in_dim3A_126 : f32 to vector<16xf32>
      %swap3A_128 = arith.index_cast %scan3A_119 : i32 to index
      %swap3A_129 = arith.constant 16 : index
      %swap3A_130 = tpu.vector_load %arg5[%swap3A_128, %swap3A_129] {strides = array<i32>} : memref<128x128xf32, #tpu.memory_space<vmem>>, vector<1x16xf32>,
      %swap3A_131 = vector.shape_cast %swap3A_130 : vector<1x16xf32> to vector<16xf32>
      %swap3A_132 = vector.shape_cast %broadcast_in_dim3A_127 : vector<16xf32> to vector<1x16xf32>
      tpu.vector_store %arg5[%swap3A_128, %swap3A_129], %swap3A_132 {strides = array<i32>} : memref<128x128xf32, #tpu.memory_space<vmem>>, vector<1x16xf32>,
      %broadcast_in_dim3A_133 = arith.constant 1.000000e+00 : f32
      %broadcast_in_dim3A_134 = vector.broadcast %broadcast_in_dim3A_133 : f32 to vector<16xf32>
      %swap3A_135 = arith.index_cast %scan3A_119 : i32 to index
      %swap3A_136 = arith.constant 32 : index
      %swap3A_137 = tpu.vector_load %arg5[%swap3A_135, %swap3A_136] {strides = array<i32>} : memref<128x128xf32, #tpu.memory_space<vmem>>, vector<1x16xf32>,
      %swap3A_138 = vector.shape_cast %swap3A_137 : vector<1x16xf32> to vector<16xf32>
      %swap3A_139 = vector.shape_cast %broadcast_in_dim3A_134 : vector<16xf32> to vector<1x16xf32>
      tpu.vector_store %arg5[%swap3A_135, %swap3A_136], %swap3A_139 {strides = array<i32>} : memref<128x128xf32, #tpu.memory_space<vmem>>, vector<1x16xf32>,
      %broadcast_in_dim3A_140 = arith.constant 1.000000e+00 : f32
      %broadcast_in_dim3A_141 = vector.broadcast %broadcast_in_dim3A_140 : f32 to vector<16xf32>
      %swap3A_142 = arith.index_cast %scan3A_119 : i32 to index
      %swap3A_143 = arith.constant 48 : index
      %swap3A_144 = tpu.vector_load %arg5[%swap3A_142, %swap3A_143] {strides = array<i32>} : memref<128x128xf32, #tpu.memory_space<vmem>>, vector<1x16xf32>,
      %swap3A_145 = vector.shape_cast %swap3A_144 : vector<1x16xf32> to vector<16xf32>
      %swap3A_146 = vector.shape_cast %broadcast_in_dim3A_141 : vector<16xf32> to vector<1x16xf32>
      tpu.vector_store %arg5[%swap3A_142, %swap3A_143], %swap3A_146 {strides = array<i32>} : memref<128x128xf32, #tpu.memory_space<vmem>>, vector<1x16xf32>,
      %broadcast_in_dim3A_147 = arith.constant 1.000000e+00 : f32
      %broadcast_in_dim3A_148 = vector.broadcast %broadcast_in_dim3A_147 : f32 to vector<16xf32>
      %swap3A_149 = arith.index_cast %scan3A_119 : i32 to index
      %swap3A_150 = arith.constant 64 : index
      %swap3A_151 = tpu.vector_load %arg5[%swap3A_149, %swap3A_150] {strides = array<i32>} : memref<128x128xf32, #tpu.memory_space<vmem>>, vector<1x16xf32>,
      %swap3A_152 = vector.shape_cast %swap3A_151 : vector<1x16xf32> to vector<16xf32>
      %swap3A_153 = vector.shape_cast %broadcast_in_dim3A_148 : vector<16xf32> to vector<1x16xf32>
      tpu.vector_store %arg5[%swap3A_149, %swap3A_150], %swap3A_153 {strides = array<i32>} : memref<128x128xf32, #tpu.memory_space<vmem>>, vector<1x16xf32>,
      %broadcast_in_dim3A_154 = arith.constant 1.000000e+00 : f32
      %broadcast_in_dim3A_155 = vector.broadcast %broadcast_in_dim3A_154 : f32 to vector<16xf32>
      %swap3A_156 = arith.index_cast %scan3A_119 : i32 to index
      %swap3A_157 = arith.constant 80 : index
      %swap3A_158 = tpu.vector_load %arg5[%swap3A_156, %swap3A_157] {strides = array<i32>} : memref<128x128xf32, #tpu.memory_space<vmem>>, vector<1x16xf32>,
      %swap3A_159 = vector.shape_cast %swap3A_158 : vector<1x16xf32> to vector<16xf32>
      %swap3A_160 = vector.shape_cast %broadcast_in_dim3A_155 : vector<16xf32> to vector<1x16xf32>
      tpu.vector_store %arg5[%swap3A_156, %swap3A_157], %swap3A_160 {strides = array<i32>} : memref<128x128xf32, #tpu.memory_space<vmem>>, vector<1x16xf32>,
      %broadcast_in_dim3A_161 = arith.constant 1.000000e+00 : f32
      %broadcast_in_dim3A_162 = vector.broadcast %broadcast_in_dim3A_161 : f32 to vector<16xf32>
      %swap3A_163 = arith.index_cast %scan3A_119 : i32 to index
      %swap3A_164 = arith.constant 96 : index
      %swap3A_165 = tpu.vector_load %arg5[%swap3A_163, %swap3A_164] {strides = array<i32>} : memref<128x128xf32, #tpu.memory_space<vmem>>, vector<1x16xf32>,
      %swap3A_166 = vector.shape_cast %swap3A_165 : vector<1x16xf32> to vector<16xf32>
      %swap3A_167 = vector.shape_cast %broadcast_in_dim3A_162 : vector<16xf32> to vector<1x16xf32>
      tpu.vector_store %arg5[%swap3A_163, %swap3A_164], %swap3A_167 {strides = array<i32>} : memref<128x128xf32, #tpu.memory_space<vmem>>, vector<1x16xf32>,
      %broadcast_in_dim3A_168 = arith.constant 1.000000e+00 : f32
      %broadcast_in_dim3A_169 = vector.broadcast %broadcast_in_dim3A_168 : f32 to vector<16xf32>
      %swap3A_170 = arith.index_cast %scan3A_119 : i32 to index
      %swap3A_171 = arith.constant 112 : index
      %swap3A_172 = tpu.vector_load %arg5[%swap3A_170, %swap3A_171] {strides = array<i32>} : memref<128x128xf32, #tpu.memory_space<vmem>>, vector<1x16xf32>,
      %swap3A_173 = vector.shape_cast %swap3A_172 : vector<1x16xf32> to vector<16xf32>
      %swap3A_174 = vector.shape_cast %broadcast_in_dim3A_169 : vector<16xf32> to vector<1x16xf32>
      tpu.vector_store %arg5[%swap3A_170, %swap3A_171], %swap3A_174 {strides = array<i32>} : memref<128x128xf32, #tpu.memory_space<vmem>>, vector<1x16xf32>,
      %scan3A_175 = arith.constant 0 : i32
      scf.yield %scan3A_175 : i32
    }
    %scan3A_24 = arith.constant 128 : i32
    %add3A_25 = arith.constant 0 : i32
    %add3A_26 = arith.addi %mul3A_4, %add3A_25 : i32
    %dma_start3A = arith.constant 0 : i32
    %dma_start3A_27 = arith.constant 0 : i32
    %dma_start3A_28 = tpu.memref_slice %arg4[%dma_start3A, %dma_start3A_27] : memref<8x128xi32, #tpu.memory_space<vmem>> -> memref<1x128xi32, #tpu.memory_space<vmem>>
    %dma_start3A_29 = tpu.memref_squeeze %dma_start3A_28 : memref<1x128xi32, #tpu.memory_space<vmem>> -> memref<128xi32, #tpu.memory_space<vmem>>
    %dma_start3A_30 = arith.constant 0 : i32
    %dma_start3A_31 = tpu.memref_slice %arg2[%add3A_26, %dma_start3A_30] : memref<2560x128xi32, #tpu.memory_space<hbm>> -> memref<1x128xi32, #tpu.memory_space<hbm>>
    %dma_start3A_32 = tpu.memref_squeeze %dma_start3A_31 : memref<1x128xi32, #tpu.memory_space<hbm>> -> memref<128xi32, #tpu.memory_space<hbm>>
    %dma_start3A_33 = arith.constant 0 : i32
    %dma_start3A_34 = tpu.memref_slice %arg4[%dma_start3A, %dma_start3A_33] : memref<8x128xi32, #tpu.memory_space<vmem>> -> memref<1x128xi32, #tpu.memory_space<vmem>>
    %dma_start3A_35 = tpu.memref_squeeze %dma_start3A_34 : memref<1x128xi32, #tpu.memory_space<vmem>> -> memref<128xi32, #tpu.memory_space<vmem>>
    %dma_start3A_36 = arith.constant 0 : i32
    %dma_start3A_37 = tpu.memref_slice %arg2[%add3A_26, %dma_start3A_36] : memref<2560x128xi32, #tpu.memory_space<hbm>> -> memref<1x128xi32, #tpu.memory_space<hbm>>
    %dma_start3A_38 = tpu.memref_squeeze %dma_start3A_37 : memref<1x128xi32, #tpu.memory_space<hbm>> -> memref<128xi32, #tpu.memory_space<hbm>>
    tpu.enqueue_dma source(%dma_start3A_38 : memref<128xi32, #tpu.memory_space<hbm>>) target(%dma_start3A_35 : memref<128xi32, #tpu.memory_space<vmem>>) target_semaphore(%arg7 : memref<!tpu.dma_semaphore, #tpu.memory_space<semaphore_mem>>)
    %add3A_39 = arith.constant 1 : i32
    %add3A_40 = arith.addi %mul3A_4, %add3A_39 : i32
    %dma_start3A_41 = arith.constant 1 : i32
    %dma_start3A_42 = arith.constant 0 : i32
    %dma_start3A_43 = tpu.memref_slice %arg4[%dma_start3A_41, %dma_start3A_42] : memref<8x128xi32, #tpu.memory_space<vmem>> -> memref<1x128xi32, #tpu.memory_space<vmem>>
    %dma_start3A_44 = tpu.memref_squeeze %dma_start3A_43 : memref<1x128xi32, #tpu.memory_space<vmem>> -> memref<128xi32, #tpu.memory_space<vmem>>
    %dma_start3A_45 = arith.constant 0 : i32
    %dma_start3A_46 = tpu.memref_slice %arg2[%add3A_40, %dma_start3A_45] : memref<2560x128xi32, #tpu.memory_space<hbm>> -> memref<1x128xi32, #tpu.memory_space<hbm>>
    %dma_start3A_47 = tpu.memref_squeeze %dma_start3A_46 : memref<1x128xi32, #tpu.memory_space<hbm>> -> memref<128xi32, #tpu.memory_space<hbm>>
    %dma_start3A_48 = arith.constant 0 : i32
    %dma_start3A_49 = tpu.memref_slice %arg4[%dma_start3A_41, %dma_start3A_48] : memref<8x128xi32, #tpu.memory_space<vmem>> -> memref<1x128xi32, #tpu.memory_space<vmem>>
    %dma_start3A_50 = tpu.memref_squeeze %dma_start3A_49 : memref<1x128xi32, #tpu.memory_space<vmem>> -> memref<128xi32, #tpu.memory_space<vmem>>
    %dma_start3A_51 = arith.constant 0 : i32
    %dma_start3A_52 = tpu.memref_slice %arg2[%add3A_40, %dma_start3A_51] : memref<2560x128xi32, #tpu.memory_space<hbm>> -> memref<1x128xi32, #tpu.memory_space<hbm>>
    %dma_start3A_53 = tpu.memref_squeeze %dma_start3A_52 : memref<1x128xi32, #tpu.memory_space<hbm>> -> memref<128xi32, #tpu.memory_space<hbm>>
    tpu.enqueue_dma source(%dma_start3A_53 : memref<128xi32, #tpu.memory_space<hbm>>) target(%dma_start3A_50 : memref<128xi32, #tpu.memory_space<vmem>>) target_semaphore(%arg8 : memref<!tpu.dma_semaphore, #tpu.memory_space<semaphore_mem>>)
    %add3A_54 = arith.constant 2 : i32
    %add3A_55 = arith.addi %mul3A_4, %add3A_54 : i32
    %dma_start3A_56 = arith.constant 2 : i32
    %dma_start3A_57 = arith.constant 0 : i32
    %dma_start3A_58 = tpu.memref_slice %arg4[%dma_start3A_56, %dma_start3A_57] : memref<8x128xi32, #tpu.memory_space<vmem>> -> memref<1x128xi32, #tpu.memory_space<vmem>>
    %dma_start3A_59 = tpu.memref_squeeze %dma_start3A_58 : memref<1x128xi32, #tpu.memory_space<vmem>> -> memref<128xi32, #tpu.memory_space<vmem>>
    %dma_start3A_60 = arith.constant 0 : i32
    %dma_start3A_61 = tpu.memref_slice %arg2[%add3A_55, %dma_start3A_60] : memref<2560x128xi32, #tpu.memory_space<hbm>> -> memref<1x128xi32, #tpu.memory_space<hbm>>
    %dma_start3A_62 = tpu.memref_squeeze %dma_start3A_61 : memref<1x128xi32, #tpu.memory_space<hbm>> -> memref<128xi32, #tpu.memory_space<hbm>>
    %dma_start3A_63 = arith.constant 0 : i32
    %dma_start3A_64 = tpu.memref_slice %arg4[%dma_start3A_56, %dma_start3A_63] : memref<8x128xi32, #tpu.memory_space<vmem>> -> memref<1x128xi32, #tpu.memory_space<vmem>>
    %dma_start3A_65 = tpu.memref_squeeze %dma_start3A_64 : memref<1x128xi32, #tpu.memory_space<vmem>> -> memref<128xi32, #tpu.memory_space<vmem>>
    %dma_start3A_66 = arith.constant 0 : i32
    %dma_start3A_67 = tpu.memref_slice %arg2[%add3A_55, %dma_start3A_66] : memref<2560x128xi32, #tpu.memory_space<hbm>> -> memref<1x128xi32, #tpu.memory_space<hbm>>
    %dma_start3A_68 = tpu.memref_squeeze %dma_start3A_67 : memref<1x128xi32, #tpu.memory_space<hbm>> -> memref<128xi32, #tpu.memory_space<hbm>>
    tpu.enqueue_dma source(%dma_start3A_68 : memref<128xi32, #tpu.memory_space<hbm>>) target(%dma_start3A_65 : memref<128xi32, #tpu.memory_space<vmem>>) target_semaphore(%arg9 : memref<!tpu.dma_semaphore, #tpu.memory_space<semaphore_mem>>)
    %add3A_69 = arith.constant 3 : i32
    %add3A_70 = arith.addi %mul3A_4, %add3A_69 : i32
    %dma_start3A_71 = arith.constant 3 : i32
    %dma_start3A_72 = arith.constant 0 : i32
    %dma_start3A_73 = tpu.memref_slice %arg4[%dma_start3A_71, %dma_start3A_72] : memref<8x128xi32, #tpu.memory_space<vmem>> -> memref<1x128xi32, #tpu.memory_space<vmem>>
    %dma_start3A_74 = tpu.memref_squeeze %dma_start3A_73 : memref<1x128xi32, #tpu.memory_space<vmem>> -> memref<128xi32, #tpu.memory_space<vmem>>
    %dma_start3A_75 = arith.constant 0 : i32
    %dma_start3A_76 = tpu.memref_slice %arg2[%add3A_70, %dma_start3A_75] : memref<2560x128xi32, #tpu.memory_space<hbm>> -> memref<1x128xi32, #tpu.memory_space<hbm>>
    %dma_start3A_77 = tpu.memref_squeeze %dma_start3A_76 : memref<1x128xi32, #tpu.memory_space<hbm>> -> memref<128xi32, #tpu.memory_space<hbm>>
    %dma_start3A_78 = arith.constant 0 : i32
    %dma_start3A_79 = tpu.memref_slice %arg4[%dma_start3A_71, %dma_start3A_78] : memref<8x128xi32, #tpu.memory_space<vmem>> -> memref<1x128xi32, #tpu.memory_space<vmem>>
    %dma_start3A_80 = tpu.memref_squeeze %dma_start3A_79 : memref<1x128xi32, #tpu.memory_space<vmem>> -> memref<128xi32, #tpu.memory_space<vmem>>
    %dma_start3A_81 = arith.constant 0 : i32
    %dma_start3A_82 = tpu.memref_slice %arg2[%add3A_70, %dma_start3A_81] : memref<2560x128xi32, #tpu.memory_space<hbm>> -> memref<1x128xi32, #tpu.memory_space<hbm>>
    %dma_start3A_83 = tpu.memref_squeeze %dma_start3A_82 : memref<1x128xi32, #tpu.memory_space<hbm>> -> memref<128xi32, #tpu.memory_space<hbm>>
    tpu.enqueue_dma source(%dma_start3A_83 : memref<128xi32, #tpu.memory_space<hbm>>) target(%dma_start3A_80 : memref<128xi32, #tpu.memory_space<vmem>>) target_semaphore(%arg10 : memref<!tpu.dma_semaphore, #tpu.memory_space<semaphore_mem>>)
    %barrier3A = arith.constant 0 : index
    tpu.barrier barrier_id(%barrier3A)
    %scan3A_84 = arith.constant 0 : i32
    %scan3A_85 = arith.constant 0 : i32
    %scan3A_86 = arith.constant 10 : i32
    %scan3A_87 = arith.addi %scan3A_85, %scan3A_86 : i32
    %scan3A_88 = arith.constant 1 : i32
    %scan3A_89 = scf.for %scan3A_119 = %scan3A_85 to %scan3A_87 step %scan3A_88 iter_args(%scan3A_120 = %scan3A_84) -> (i32)  : i32 {
      %mul3A_121 = arith.constant 8 : i32
      %mul3A_122 = arith.muli %scan3A_119, %mul3A_121 : i32
      %add3A_123 = arith.constant 0 : i32
      %add3A_124 = arith.addi %mul3A_122, %add3A_123 : i32
      %ge3A = arith.constant 4 : i32
      %ge3A_125 = arith.cmpi sge, %add3A_124, %ge3A : i32
      %convert_element_type3A = arith.extui %ge3A_125 : i1 to i32
      %cond3A = arith.constant 0 : i32
      %cond3A_126 = arith.cmpi ne, %convert_element_type3A, %cond3A : i32
      scf.if %cond3A_126 {
        %dma_wait3A_406 = arith.constant 4 : i32
        %dma_wait3A_407 = arith.constant 0 : i32
        %dma_wait3A_408 = tpu.memref_slice %arg4[%dma_wait3A_406, %dma_wait3A_407] : memref<8x128xi32, #tpu.memory_space<vmem>> -> memref<1x128xi32, #tpu.memory_space<vmem>>
        %dma_wait3A_409 = tpu.memref_squeeze %dma_wait3A_408 : memref<1x128xi32, #tpu.memory_space<vmem>> -> memref<128xi32, #tpu.memory_space<vmem>>
        %dma_wait3A_410 = arith.constant 0 : i32
        %dma_wait3A_411 = arith.constant 0 : i32
        %dma_wait3A_412 = tpu.memref_slice %arg6[%dma_wait3A_410, %dma_wait3A_411] : memref<10240x128xf32, #tpu.memory_space<vmem_shared>> -> memref<10240x128xf32, #tpu.memory_space<vmem_shared>>
        tpu.wait_indirect_dma semaphore(%arg15 : memref<!tpu.dma_semaphore, #tpu.memory_space<semaphore_mem>>) src(%arg5 : memref<128x128xf32, #tpu.memory_space<vmem>>) dst(%dma_wait3A_412 : memref<10240x128xf32, #tpu.memory_space<vmem_shared>>)
      } else {
      }
      %dma_wait3A_127 = arith.constant 0 : i32
      %dma_wait3A_128 = arith.constant 0 : i32
      %dma_wait3A_129 = tpu.memref_slice %arg4[%dma_wait3A_127, %dma_wait3A_128] : memref<8x128xi32, #tpu.memory_space<vmem>> -> memref<1x128xi32, #tpu.memory_space<vmem>>
      %dma_wait3A_130 = tpu.memref_squeeze %dma_wait3A_129 : memref<1x128xi32, #tpu.memory_space<vmem>> -> memref<128xi32, #tpu.memory_space<vmem>>
      %dma_wait3A_131 = arith.constant 0 : i32
      %dma_wait3A_132 = tpu.memref_slice %arg2[%mul3A_4, %dma_wait3A_131] : memref<2560x128xi32, #tpu.memory_space<hbm>> -> memref<1x128xi32, #tpu.memory_space<hbm>>
      %dma_wait3A_133 = tpu.memref_squeeze %dma_wait3A_132 : memref<1x128xi32, #tpu.memory_space<hbm>> -> memref<128xi32, #tpu.memory_space<hbm>>
      %dma_wait3A_134 = arith.constant 0 : i32
      %dma_wait3A_135 = tpu.memref_slice %arg4[%dma_wait3A_127, %dma_wait3A_134] : memref<8x128xi32, #tpu.memory_space<vmem>> -> memref<1x128xi32, #tpu.memory_space<vmem>>
      %dma_wait3A_136 = tpu.memref_squeeze %dma_wait3A_135 : memref<1x128xi32, #tpu.memory_space<vmem>> -> memref<128xi32, #tpu.memory_space<vmem>>
      %dma_wait3A_137 = arith.constant 0 : i32
      %dma_wait3A_138 = tpu.memref_slice %arg2[%mul3A_4, %dma_wait3A_137] : memref<2560x128xi32, #tpu.memory_space<hbm>> -> memref<1x128xi32, #tpu.memory_space<hbm>>
      %dma_wait3A_139 = tpu.memref_squeeze %dma_wait3A_138 : memref<1x128xi32, #tpu.memory_space<hbm>> -> memref<128xi32, #tpu.memory_space<hbm>>
      tpu.wait_dma2 semaphore(%arg7 : memref<!tpu.dma_semaphore, #tpu.memory_space<semaphore_mem>>) src(%dma_wait3A_139 : memref<128xi32, #tpu.memory_space<hbm>>) dst(%dma_wait3A_136 : memref<128xi32, #tpu.memory_space<vmem>>)
      %dma_start3A_140 = arith.constant 0 : i32
      %dma_start3A_141 = arith.constant 0 : i32
      %dma_start3A_142 = tpu.memref_slice %arg4[%dma_start3A_140, %dma_start3A_141] : memref<8x128xi32, #tpu.memory_space<vmem>> -> memref<1x128xi32, #tpu.memory_space<vmem>>
      %dma_start3A_143 = tpu.memref_squeeze %dma_start3A_142 : memref<1x128xi32, #tpu.memory_space<vmem>> -> memref<128xi32, #tpu.memory_space<vmem>>
      %dma_start3A_144 = arith.constant 0 : i32
      %dma_start3A_145 = arith.constant 0 : i32
      %dma_start3A_146 = tpu.memref_slice %arg6[%dma_start3A_144, %dma_start3A_145] : memref<10240x128xf32, #tpu.memory_space<vmem_shared>> -> memref<10240x128xf32, #tpu.memory_space<vmem_shared>>
      tpu.enqueue_indirect_dma source(%arg5 : memref<128x128xf32, #tpu.memory_space<vmem>>) target(%dma_start3A_146 : memref<10240x128xf32, #tpu.memory_space<vmem_shared>>) offsets(%dma_start3A_143 : memref<128xi32, #tpu.memory_space<vmem>>) semaphore(%arg15 : memref<!tpu.dma_semaphore, #tpu.memory_space<semaphore_mem>>) {add = true}
      %add3A_147 = arith.constant 4 : i32
      %add3A_148 = arith.addi %add3A_124, %add3A_147 : i32
      %lt3A = arith.constant 80 : i32
      %lt3A_149 = arith.cmpi slt, %add3A_148, %lt3A : i32
      %convert_element_type3A_150 = arith.extui %lt3A_149 : i1 to i32
      %cond3A_151 = arith.constant 0 : i32
      %cond3A_152 = arith.cmpi ne, %convert_element_type3A_150, %cond3A_151 : i32
      scf.if %cond3A_152 {
        %add3A_406 = arith.constant 4 : i32
        %add3A_407 = arith.addi %add3A_124, %add3A_406 : i32
        %add3A_408 = arith.addi %mul3A_4, %add3A_407 : i32
        %dma_start3A_409 = arith.constant 4 : i32
        %dma_start3A_410 = arith.constant 0 : i32
        %dma_start3A_411 = tpu.memref_slice %arg4[%dma_start3A_409, %dma_start3A_410] : memref<8x128xi32, #tpu.memory_space<vmem>> -> memref<1x128xi32, #tpu.memory_space<vmem>>
        %dma_start3A_412 = tpu.memref_squeeze %dma_start3A_411 : memref<1x128xi32, #tpu.memory_space<vmem>> -> memref<128xi32, #tpu.memory_space<vmem>>
        %dma_start3A_413 = arith.constant 0 : i32
        %dma_start3A_414 = tpu.memref_slice %arg2[%add3A_408, %dma_start3A_413] : memref<2560x128xi32, #tpu.memory_space<hbm>> -> memref<1x128xi32, #tpu.memory_space<hbm>>
        %dma_start3A_415 = tpu.memref_squeeze %dma_start3A_414 : memref<1x128xi32, #tpu.memory_space<hbm>> -> memref<128xi32, #tpu.memory_space<hbm>>
        %dma_start3A_416 = arith.constant 0 : i32
        %dma_start3A_417 = tpu.memref_slice %arg4[%dma_start3A_409, %dma_start3A_416] : memref<8x128xi32, #tpu.memory_space<vmem>> -> memref<1x128xi32, #tpu.memory_space<vmem>>
        %dma_start3A_418 = tpu.memref_squeeze %dma_start3A_417 : memref<1x128xi32, #tpu.memory_space<vmem>> -> memref<128xi32, #tpu.memory_space<vmem>>
        %dma_start3A_419 = arith.constant 0 : i32
        %dma_start3A_420 = tpu.memref_slice %arg2[%add3A_408, %dma_start3A_419] : memref<2560x128xi32, #tpu.memory_space<hbm>> -> memref<1x128xi32, #tpu.memory_space<hbm>>
        %dma_start3A_421 = tpu.memref_squeeze %dma_start3A_420 : memref<1x128xi32, #tpu.memory_space<hbm>> -> memref<128xi32, #tpu.memory_space<hbm>>
        tpu.enqueue_dma source(%dma_start3A_421 : memref<128xi32, #tpu.memory_space<hbm>>) target(%dma_start3A_418 : memref<128xi32, #tpu.memory_space<vmem>>) target_semaphore(%arg11 : memref<!tpu.dma_semaphore, #tpu.memory_space<semaphore_mem>>)
      } else {
      }
      %mul3A_153 = arith.constant 8 : i32
      %mul3A_154 = arith.muli %scan3A_119, %mul3A_153 : i32
      %add3A_155 = arith.constant 1 : i32
      %add3A_156 = arith.addi %mul3A_154, %add3A_155 : i32
      %ge3A_157 = arith.constant 4 : i32
      %ge3A_158 = arith.cmpi sge, %add3A_156, %ge3A_157 : i32
      %convert_element_type3A_159 = arith.extui %ge3A_158 : i1 to i32
      %cond3A_160 = arith.constant 0 : i32
      %cond3A_161 = arith.cmpi ne, %convert_element_type3A_159, %cond3A_160 : i32
      scf.if %cond3A_161 {
        %dma_wait3A_406 = arith.constant 5 : i32
        %dma_wait3A_407 = arith.constant 0 : i32
        %dma_wait3A_408 = tpu.memref_slice %arg4[%dma_wait3A_406, %dma_wait3A_407] : memref<8x128xi32, #tpu.memory_space<vmem>> -> memref<1x128xi32, #tpu.memory_space<vmem>>
        %dma_wait3A_409 = tpu.memref_squeeze %dma_wait3A_408 : memref<1x128xi32, #tpu.memory_space<vmem>> -> memref<128xi32, #tpu.memory_space<vmem>>
        %dma_wait3A_410 = arith.constant 0 : i32
        %dma_wait3A_411 = arith.constant 0 : i32
        %dma_wait3A_412 = tpu.memref_slice %arg6[%dma_wait3A_410, %dma_wait3A_411] : memref<10240x128xf32, #tpu.memory_space<vmem_shared>> -> memref<10240x128xf32, #tpu.memory_space<vmem_shared>>
        tpu.wait_indirect_dma semaphore(%arg16 : memref<!tpu.dma_semaphore, #tpu.memory_space<semaphore_mem>>) src(%arg5 : memref<128x128xf32, #tpu.memory_space<vmem>>) dst(%dma_wait3A_412 : memref<10240x128xf32, #tpu.memory_space<vmem_shared>>)
      } else {
      }
      %dma_wait3A_162 = arith.constant 1 : i32
      %dma_wait3A_163 = arith.constant 0 : i32
      %dma_wait3A_164 = tpu.memref_slice %arg4[%dma_wait3A_162, %dma_wait3A_163] : memref<8x128xi32, #tpu.memory_space<vmem>> -> memref<1x128xi32, #tpu.memory_space<vmem>>
      %dma_wait3A_165 = tpu.memref_squeeze %dma_wait3A_164 : memref<1x128xi32, #tpu.memory_space<vmem>> -> memref<128xi32, #tpu.memory_space<vmem>>
      %dma_wait3A_166 = arith.constant 0 : i32
      %dma_wait3A_167 = tpu.memref_slice %arg2[%mul3A_4, %dma_wait3A_166] : memref<2560x128xi32, #tpu.memory_space<hbm>> -> memref<1x128xi32, #tpu.memory_space<hbm>>
      %dma_wait3A_168 = tpu.memref_squeeze %dma_wait3A_167 : memref<1x128xi32, #tpu.memory_space<hbm>> -> memref<128xi32, #tpu.memory_space<hbm>>
      %dma_wait3A_169 = arith.constant 0 : i32
      %dma_wait3A_170 = tpu.memref_slice %arg4[%dma_wait3A_162, %dma_wait3A_169] : memref<8x128xi32, #tpu.memory_space<vmem>> -> memref<1x128xi32, #tpu.memory_space<vmem>>
      %dma_wait3A_171 = tpu.memref_squeeze %dma_wait3A_170 : memref<1x128xi32, #tpu.memory_space<vmem>> -> memref<128xi32, #tpu.memory_space<vmem>>
      %dma_wait3A_172 = arith.constant 0 : i32
      %dma_wait3A_173 = tpu.memref_slice %arg2[%mul3A_4, %dma_wait3A_172] : memref<2560x128xi32, #tpu.memory_space<hbm>> -> memref<1x128xi32, #tpu.memory_space<hbm>>
      %dma_wait3A_174 = tpu.memref_squeeze %dma_wait3A_173 : memref<1x128xi32, #tpu.memory_space<hbm>> -> memref<128xi32, #tpu.memory_space<hbm>>
      tpu.wait_dma2 semaphore(%arg8 : memref<!tpu.dma_semaphore, #tpu.memory_space<semaphore_mem>>) src(%dma_wait3A_174 : memref<128xi32, #tpu.memory_space<hbm>>) dst(%dma_wait3A_171 : memref<128xi32, #tpu.memory_space<vmem>>)
      %dma_start3A_175 = arith.constant 1 : i32
      %dma_start3A_176 = arith.constant 0 : i32
      %dma_start3A_177 = tpu.memref_slice %arg4[%dma_start3A_175, %dma_start3A_176] : memref<8x128xi32, #tpu.memory_space<vmem>> -> memref<1x128xi32, #tpu.memory_space<vmem>>
      %dma_start3A_178 = tpu.memref_squeeze %dma_start3A_177 : memref<1x128xi32, #tpu.memory_space<vmem>> -> memref<128xi32, #tpu.memory_space<vmem>>
      %dma_start3A_179 = arith.constant 0 : i32
      %dma_start3A_180 = arith.constant 0 : i32
      %dma_start3A_181 = tpu.memref_slice %arg6[%dma_start3A_179, %dma_start3A_180] : memref<10240x128xf32, #tpu.memory_space<vmem_shared>> -> memref<10240x128xf32, #tpu.memory_space<vmem_shared>>
      tpu.enqueue_indirect_dma source(%arg5 : memref<128x128xf32, #tpu.memory_space<vmem>>) target(%dma_start3A_181 : memref<10240x128xf32, #tpu.memory_space<vmem_shared>>) offsets(%dma_start3A_178 : memref<128xi32, #tpu.memory_space<vmem>>) semaphore(%arg16 : memref<!tpu.dma_semaphore, #tpu.memory_space<semaphore_mem>>) {add = true}
      %add3A_182 = arith.constant 4 : i32
      %add3A_183 = arith.addi %add3A_156, %add3A_182 : i32
      %lt3A_184 = arith.constant 80 : i32
      %lt3A_185 = arith.cmpi slt, %add3A_183, %lt3A_184 : i32
      %convert_element_type3A_186 = arith.extui %lt3A_185 : i1 to i32
      %cond3A_187 = arith.constant 0 : i32
      %cond3A_188 = arith.cmpi ne, %convert_element_type3A_186, %cond3A_187 : i32
      scf.if %cond3A_188 {
        %add3A_406 = arith.constant 4 : i32
        %add3A_407 = arith.addi %add3A_156, %add3A_406 : i32
        %add3A_408 = arith.addi %mul3A_4, %add3A_407 : i32
        %dma_start3A_409 = arith.constant 5 : i32
        %dma_start3A_410 = arith.constant 0 : i32
        %dma_start3A_411 = tpu.memref_slice %arg4[%dma_start3A_409, %dma_start3A_410] : memref<8x128xi32, #tpu.memory_space<vmem>> -> memref<1x128xi32, #tpu.memory_space<vmem>>
        %dma_start3A_412 = tpu.memref_squeeze %dma_start3A_411 : memref<1x128xi32, #tpu.memory_space<vmem>> -> memref<128xi32, #tpu.memory_space<vmem>>
        %dma_start3A_413 = arith.constant 0 : i32
        %dma_start3A_414 = tpu.memref_slice %arg2[%add3A_408, %dma_start3A_413] : memref<2560x128xi32, #tpu.memory_space<hbm>> -> memref<1x128xi32, #tpu.memory_space<hbm>>
        %dma_start3A_415 = tpu.memref_squeeze %dma_start3A_414 : memref<1x128xi32, #tpu.memory_space<hbm>> -> memref<128xi32, #tpu.memory_space<hbm>>
        %dma_start3A_416 = arith.constant 0 : i32
        %dma_start3A_417 = tpu.memref_slice %arg4[%dma_start3A_409, %dma_start3A_416] : memref<8x128xi32, #tpu.memory_space<vmem>> -> memref<1x128xi32, #tpu.memory_space<vmem>>
        %dma_start3A_418 = tpu.memref_squeeze %dma_start3A_417 : memref<1x128xi32, #tpu.memory_space<vmem>> -> memref<128xi32, #tpu.memory_space<vmem>>
        %dma_start3A_419 = arith.constant 0 : i32
        %dma_start3A_420 = tpu.memref_slice %arg2[%add3A_408, %dma_start3A_419] : memref<2560x128xi32, #tpu.memory_space<hbm>> -> memref<1x128xi32, #tpu.memory_space<hbm>>
        %dma_start3A_421 = tpu.memref_squeeze %dma_start3A_420 : memref<1x128xi32, #tpu.memory_space<hbm>> -> memref<128xi32, #tpu.memory_space<hbm>>
        tpu.enqueue_dma source(%dma_start3A_421 : memref<128xi32, #tpu.memory_space<hbm>>) target(%dma_start3A_418 : memref<128xi32, #tpu.memory_space<vmem>>) target_semaphore(%arg12 : memref<!tpu.dma_semaphore, #tpu.memory_space<semaphore_mem>>)
      } else {
      }
      %mul3A_189 = arith.constant 8 : i32
      %mul3A_190 = arith.muli %scan3A_119, %mul3A_189 : i32
      %add3A_191 = arith.constant 2 : i32
      %add3A_192 = arith.addi %mul3A_190, %add3A_191 : i32
      %ge3A_193 = arith.constant 4 : i32
      %ge3A_194 = arith.cmpi sge, %add3A_192, %ge3A_193 : i32
      %convert_element_type3A_195 = arith.extui %ge3A_194 : i1 to i32
      %cond3A_196 = arith.constant 0 : i32
      %cond3A_197 = arith.cmpi ne, %convert_element_type3A_195, %cond3A_196 : i32
      scf.if %cond3A_197 {
        %dma_wait3A_406 = arith.constant 6 : i32
        %dma_wait3A_407 = arith.constant 0 : i32
        %dma_wait3A_408 = tpu.memref_slice %arg4[%dma_wait3A_406, %dma_wait3A_407] : memref<8x128xi32, #tpu.memory_space<vmem>> -> memref<1x128xi32, #tpu.memory_space<vmem>>
        %dma_wait3A_409 = tpu.memref_squeeze %dma_wait3A_408 : memref<1x128xi32, #tpu.memory_space<vmem>> -> memref<128xi32, #tpu.memory_space<vmem>>
        %dma_wait3A_410 = arith.constant 0 : i32
        %dma_wait3A_411 = arith.constant 0 : i32
        %dma_wait3A_412 = tpu.memref_slice %arg6[%dma_wait3A_410, %dma_wait3A_411] : memref<10240x128xf32, #tpu.memory_space<vmem_shared>> -> memref<10240x128xf32, #tpu.memory_space<vmem_shared>>
        tpu.wait_indirect_dma semaphore(%arg17 : memref<!tpu.dma_semaphore, #tpu.memory_space<semaphore_mem>>) src(%arg5 : memref<128x128xf32, #tpu.memory_space<vmem>>) dst(%dma_wait3A_412 : memref<10240x128xf32, #tpu.memory_space<vmem_shared>>)
      } else {
      }
      %dma_wait3A_198 = arith.constant 2 : i32
      %dma_wait3A_199 = arith.constant 0 : i32
      %dma_wait3A_200 = tpu.memref_slice %arg4[%dma_wait3A_198, %dma_wait3A_199] : memref<8x128xi32, #tpu.memory_space<vmem>> -> memref<1x128xi32, #tpu.memory_space<vmem>>
      %dma_wait3A_201 = tpu.memref_squeeze %dma_wait3A_200 : memref<1x128xi32, #tpu.memory_space<vmem>> -> memref<128xi32, #tpu.memory_space<vmem>>
      %dma_wait3A_202 = arith.constant 0 : i32
      %dma_wait3A_203 = tpu.memref_slice %arg2[%mul3A_4, %dma_wait3A_202] : memref<2560x128xi32, #tpu.memory_space<hbm>> -> memref<1x128xi32, #tpu.memory_space<hbm>>
      %dma_wait3A_204 = tpu.memref_squeeze %dma_wait3A_203 : memref<1x128xi32, #tpu.memory_space<hbm>> -> memref<128xi32, #tpu.memory_space<hbm>>
      %dma_wait3A_205 = arith.constant 0 : i32
      %dma_wait3A_206 = tpu.memref_slice %arg4[%dma_wait3A_198, %dma_wait3A_205] : memref<8x128xi32, #tpu.memory_space<vmem>> -> memref<1x128xi32, #tpu.memory_space<vmem>>
      %dma_wait3A_207 = tpu.memref_squeeze %dma_wait3A_206 : memref<1x128xi32, #tpu.memory_space<vmem>> -> memref<128xi32, #tpu.memory_space<vmem>>
      %dma_wait3A_208 = arith.constant 0 : i32
      %dma_wait3A_209 = tpu.memref_slice %arg2[%mul3A_4, %dma_wait3A_208] : memref<2560x128xi32, #tpu.memory_space<hbm>> -> memref<1x128xi32, #tpu.memory_space<hbm>>
      %dma_wait3A_210 = tpu.memref_squeeze %dma_wait3A_209 : memref<1x128xi32, #tpu.memory_space<hbm>> -> memref<128xi32, #tpu.memory_space<hbm>>
      tpu.wait_dma2 semaphore(%arg9 : memref<!tpu.dma_semaphore, #tpu.memory_space<semaphore_mem>>) src(%dma_wait3A_210 : memref<128xi32, #tpu.memory_space<hbm>>) dst(%dma_wait3A_207 : memref<128xi32, #tpu.memory_space<vmem>>)
      %dma_start3A_211 = arith.constant 2 : i32
      %dma_start3A_212 = arith.constant 0 : i32
      %dma_start3A_213 = tpu.memref_slice %arg4[%dma_start3A_211, %dma_start3A_212] : memref<8x128xi32, #tpu.memory_space<vmem>> -> memref<1x128xi32, #tpu.memory_space<vmem>>
      %dma_start3A_214 = tpu.memref_squeeze %dma_start3A_213 : memref<1x128xi32, #tpu.memory_space<vmem>> -> memref<128xi32, #tpu.memory_space<vmem>>
      %dma_start3A_215 = arith.constant 0 : i32
      %dma_start3A_216 = arith.constant 0 : i32
      %dma_start3A_217 = tpu.memref_slice %arg6[%dma_start3A_215, %dma_start3A_216] : memref<10240x128xf32, #tpu.memory_space<vmem_shared>> -> memref<10240x128xf32, #tpu.memory_space<vmem_shared>>
      tpu.enqueue_indirect_dma source(%arg5 : memref<128x128xf32, #tpu.memory_space<vmem>>) target(%dma_start3A_217 : memref<10240x128xf32, #tpu.memory_space<vmem_shared>>) offsets(%dma_start3A_214 : memref<128xi32, #tpu.memory_space<vmem>>) semaphore(%arg17 : memref<!tpu.dma_semaphore, #tpu.memory_space<semaphore_mem>>) {add = true}
      %add3A_218 = arith.constant 4 : i32
      %add3A_219 = arith.addi %add3A_192, %add3A_218 : i32
      %lt3A_220 = arith.constant 80 : i32
      %lt3A_221 = arith.cmpi slt, %add3A_219, %lt3A_220 : i32
      %convert_element_type3A_222 = arith.extui %lt3A_221 : i1 to i32
      %cond3A_223 = arith.constant 0 : i32
      %cond3A_224 = arith.cmpi ne, %convert_element_type3A_222, %cond3A_223 : i32
      scf.if %cond3A_224 {
        %add3A_406 = arith.constant 4 : i32
        %add3A_407 = arith.addi %add3A_192, %add3A_406 : i32
        %add3A_408 = arith.addi %mul3A_4, %add3A_407 : i32
        %dma_start3A_409 = arith.constant 6 : i32
        %dma_start3A_410 = arith.constant 0 : i32
        %dma_start3A_411 = tpu.memref_slice %arg4[%dma_start3A_409, %dma_start3A_410] : memref<8x128xi32, #tpu.memory_space<vmem>> -> memref<1x128xi32, #tpu.memory_space<vmem>>
        %dma_start3A_412 = tpu.memref_squeeze %dma_start3A_411 : memref<1x128xi32, #tpu.memory_space<vmem>> -> memref<128xi32, #tpu.memory_space<vmem>>
        %dma_start3A_413 = arith.constant 0 : i32
        %dma_start3A_414 = tpu.memref_slice %arg2[%add3A_408, %dma_start3A_413] : memref<2560x128xi32, #tpu.memory_space<hbm>> -> memref<1x128xi32, #tpu.memory_space<hbm>>
        %dma_start3A_415 = tpu.memref_squeeze %dma_start3A_414 : memref<1x128xi32, #tpu.memory_space<hbm>> -> memref<128xi32, #tpu.memory_space<hbm>>
        %dma_start3A_416 = arith.constant 0 : i32
        %dma_start3A_417 = tpu.memref_slice %arg4[%dma_start3A_409, %dma_start3A_416] : memref<8x128xi32, #tpu.memory_space<vmem>> -> memref<1x128xi32, #tpu.memory_space<vmem>>
        %dma_start3A_418 = tpu.memref_squeeze %dma_start3A_417 : memref<1x128xi32, #tpu.memory_space<vmem>> -> memref<128xi32, #tpu.memory_space<vmem>>
        %dma_start3A_419 = arith.constant 0 : i32
        %dma_start3A_420 = tpu.memref_slice %arg2[%add3A_408, %dma_start3A_419] : memref<2560x128xi32, #tpu.memory_space<hbm>> -> memref<1x128xi32, #tpu.memory_space<hbm>>
        %dma_start3A_421 = tpu.memref_squeeze %dma_start3A_420 : memref<1x128xi32, #tpu.memory_space<hbm>> -> memref<128xi32, #tpu.memory_space<hbm>>
        tpu.enqueue_dma source(%dma_start3A_421 : memref<128xi32, #tpu.memory_space<hbm>>) target(%dma_start3A_418 : memref<128xi32, #tpu.memory_space<vmem>>) target_semaphore(%arg13 : memref<!tpu.dma_semaphore, #tpu.memory_space<semaphore_mem>>)
      } else {
      }
      %mul3A_225 = arith.constant 8 : i32
      %mul3A_226 = arith.muli %scan3A_119, %mul3A_225 : i32
      %add3A_227 = arith.constant 3 : i32
      %add3A_228 = arith.addi %mul3A_226, %add3A_227 : i32
      %ge3A_229 = arith.constant 4 : i32
      %ge3A_230 = arith.cmpi sge, %add3A_228, %ge3A_229 : i32
      %convert_element_type3A_231 = arith.extui %ge3A_230 : i1 to i32
      %cond3A_232 = arith.constant 0 : i32
      %cond3A_233 = arith.cmpi ne, %convert_element_type3A_231, %cond3A_232 : i32
      scf.if %cond3A_233 {
        %dma_wait3A_406 = arith.constant 7 : i32
        %dma_wait3A_407 = arith.constant 0 : i32
        %dma_wait3A_408 = tpu.memref_slice %arg4[%dma_wait3A_406, %dma_wait3A_407] : memref<8x128xi32, #tpu.memory_space<vmem>> -> memref<1x128xi32, #tpu.memory_space<vmem>>
        %dma_wait3A_409 = tpu.memref_squeeze %dma_wait3A_408 : memref<1x128xi32, #tpu.memory_space<vmem>> -> memref<128xi32, #tpu.memory_space<vmem>>
        %dma_wait3A_410 = arith.constant 0 : i32
        %dma_wait3A_411 = arith.constant 0 : i32
        %dma_wait3A_412 = tpu.memref_slice %arg6[%dma_wait3A_410, %dma_wait3A_411] : memref<10240x128xf32, #tpu.memory_space<vmem_shared>> -> memref<10240x128xf32, #tpu.memory_space<vmem_shared>>
        tpu.wait_indirect_dma semaphore(%arg18 : memref<!tpu.dma_semaphore, #tpu.memory_space<semaphore_mem>>) src(%arg5 : memref<128x128xf32, #tpu.memory_space<vmem>>) dst(%dma_wait3A_412 : memref<10240x128xf32, #tpu.memory_space<vmem_shared>>)
      } else {
      }
      %dma_wait3A_234 = arith.constant 3 : i32
      %dma_wait3A_235 = arith.constant 0 : i32
      %dma_wait3A_236 = tpu.memref_slice %arg4[%dma_wait3A_234, %dma_wait3A_235] : memref<8x128xi32, #tpu.memory_space<vmem>> -> memref<1x128xi32, #tpu.memory_space<vmem>>
      %dma_wait3A_237 = tpu.memref_squeeze %dma_wait3A_236 : memref<1x128xi32, #tpu.memory_space<vmem>> -> memref<128xi32, #tpu.memory_space<vmem>>
      %dma_wait3A_238 = arith.constant 0 : i32
      %dma_wait3A_239 = tpu.memref_slice %arg2[%mul3A_4, %dma_wait3A_238] : memref<2560x128xi32, #tpu.memory_space<hbm>> -> memref<1x128xi32, #tpu.memory_space<hbm>>
      %dma_wait3A_240 = tpu.memref_squeeze %dma_wait3A_239 : memref<1x128xi32, #tpu.memory_space<hbm>> -> memref<128xi32, #tpu.memory_space<hbm>>
      %dma_wait3A_241 = arith.constant 0 : i32
      %dma_wait3A_242 = tpu.memref_slice %arg4[%dma_wait3A_234, %dma_wait3A_241] : memref<8x128xi32, #tpu.memory_space<vmem>> -> memref<1x128xi32, #tpu.memory_space<vmem>>
      %dma_wait3A_243 = tpu.memref_squeeze %dma_wait3A_242 : memref<1x128xi32, #tpu.memory_space<vmem>> -> memref<128xi32, #tpu.memory_space<vmem>>
      %dma_wait3A_244 = arith.constant 0 : i32
      %dma_wait3A_245 = tpu.memref_slice %arg2[%mul3A_4, %dma_wait3A_244] : memref<2560x128xi32, #tpu.memory_space<hbm>> -> memref<1x128xi32, #tpu.memory_space<hbm>>
      %dma_wait3A_246 = tpu.memref_squeeze %dma_wait3A_245 : memref<1x128xi32, #tpu.memory_space<hbm>> -> memref<128xi32, #tpu.memory_space<hbm>>
      tpu.wait_dma2 semaphore(%arg10 : memref<!tpu.dma_semaphore, #tpu.memory_space<semaphore_mem>>) src(%dma_wait3A_246 : memref<128xi32, #tpu.memory_space<hbm>>) dst(%dma_wait3A_243 : memref<128xi32, #tpu.memory_space<vmem>>)
      %dma_start3A_247 = arith.constant 3 : i32
      %dma_start3A_248 = arith.constant 0 : i32
      %dma_start3A_249 = tpu.memref_slice %arg4[%dma_start3A_247, %dma_start3A_248] : memref<8x128xi32, #tpu.memory_space<vmem>> -> memref<1x128xi32, #tpu.memory_space<vmem>>
      %dma_start3A_250 = tpu.memref_squeeze %dma_start3A_249 : memref<1x128xi32, #tpu.memory_space<vmem>> -> memref<128xi32, #tpu.memory_space<vmem>>
      %dma_start3A_251 = arith.constant 0 : i32
      %dma_start3A_252 = arith.constant 0 : i32
      %dma_start3A_253 = tpu.memref_slice %arg6[%dma_start3A_251, %dma_start3A_252] : memref<10240x128xf32, #tpu.memory_space<vmem_shared>> -> memref<10240x128xf32, #tpu.memory_space<vmem_shared>>
      tpu.enqueue_indirect_dma source(%arg5 : memref<128x128xf32, #tpu.memory_space<vmem>>) target(%dma_start3A_253 : memref<10240x128xf32, #tpu.memory_space<vmem_shared>>) offsets(%dma_start3A_250 : memref<128xi32, #tpu.memory_space<vmem>>) semaphore(%arg18 : memref<!tpu.dma_semaphore, #tpu.memory_space<semaphore_mem>>) {add = true}
      %add3A_254 = arith.constant 4 : i32
      %add3A_255 = arith.addi %add3A_228, %add3A_254 : i32
      %lt3A_256 = arith.constant 80 : i32
      %lt3A_257 = arith.cmpi slt, %add3A_255, %lt3A_256 : i32
      %convert_element_type3A_258 = arith.extui %lt3A_257 : i1 to i32
      %cond3A_259 = arith.constant 0 : i32
      %cond3A_260 = arith.cmpi ne, %convert_element_type3A_258, %cond3A_259 : i32
      scf.if %cond3A_260 {
        %add3A_406 = arith.constant 4 : i32
        %add3A_407 = arith.addi %add3A_228, %add3A_406 : i32
        %add3A_408 = arith.addi %mul3A_4, %add3A_407 : i32
        %dma_start3A_409 = arith.constant 7 : i32
        %dma_start3A_410 = arith.constant 0 : i32
        %dma_start3A_411 = tpu.memref_slice %arg4[%dma_start3A_409, %dma_start3A_410] : memref<8x128xi32, #tpu.memory_space<vmem>> -> memref<1x128xi32, #tpu.memory_space<vmem>>
        %dma_start3A_412 = tpu.memref_squeeze %dma_start3A_411 : memref<1x128xi32, #tpu.memory_space<vmem>> -> memref<128xi32, #tpu.memory_space<vmem>>
        %dma_start3A_413 = arith.constant 0 : i32
        %dma_start3A_414 = tpu.memref_slice %arg2[%add3A_408, %dma_start3A_413] : memref<2560x128xi32, #tpu.memory_space<hbm>> -> memref<1x128xi32, #tpu.memory_space<hbm>>
        %dma_start3A_415 = tpu.memref_squeeze %dma_start3A_414 : memref<1x128xi32, #tpu.memory_space<hbm>> -> memref<128xi32, #tpu.memory_space<hbm>>
        %dma_start3A_416 = arith.constant 0 : i32
        %dma_start3A_417 = tpu.memref_slice %arg4[%dma_start3A_409, %dma_start3A_416] : memref<8x128xi32, #tpu.memory_space<vmem>> -> memref<1x128xi32, #tpu.memory_space<vmem>>
        %dma_start3A_418 = tpu.memref_squeeze %dma_start3A_417 : memref<1x128xi32, #tpu.memory_space<vmem>> -> memref<128xi32, #tpu.memory_space<vmem>>
        %dma_start3A_419 = arith.constant 0 : i32
        %dma_start3A_420 = tpu.memref_slice %arg2[%add3A_408, %dma_start3A_419] : memref<2560x128xi32, #tpu.memory_space<hbm>> -> memref<1x128xi32, #tpu.memory_space<hbm>>
        %dma_start3A_421 = tpu.memref_squeeze %dma_start3A_420 : memref<1x128xi32, #tpu.memory_space<hbm>> -> memref<128xi32, #tpu.memory_space<hbm>>
        tpu.enqueue_dma source(%dma_start3A_421 : memref<128xi32, #tpu.memory_space<hbm>>) target(%dma_start3A_418 : memref<128xi32, #tpu.memory_space<vmem>>) target_semaphore(%arg14 : memref<!tpu.dma_semaphore, #tpu.memory_space<semaphore_mem>>)
      } else {
      }
      %mul3A_261 = arith.constant 8 : i32
      %mul3A_262 = arith.muli %scan3A_119, %mul3A_261 : i32
      %add3A_263 = arith.constant 4 : i32
      %add3A_264 = arith.addi %mul3A_262, %add3A_263 : i32
      %ge3A_265 = arith.constant 4 : i32
      %ge3A_266 = arith.cmpi sge, %add3A_264, %ge3A_265 : i32
      %convert_element_type3A_267 = arith.extui %ge3A_266 : i1 to i32
      %cond3A_268 = arith.constant 0 : i32
      %cond3A_269 = arith.cmpi ne, %convert_element_type3A_267, %cond3A_268 : i32
      scf.if %cond3A_269 {
        %dma_wait3A_406 = arith.constant 0 : i32
        %dma_wait3A_407 = arith.constant 0 : i32
        %dma_wait3A_408 = tpu.memref_slice %arg4[%dma_wait3A_406, %dma_wait3A_407] : memref<8x128xi32, #tpu.memory_space<vmem>> -> memref<1x128xi32, #tpu.memory_space<vmem>>
        %dma_wait3A_409 = tpu.memref_squeeze %dma_wait3A_408 : memref<1x128xi32, #tpu.memory_space<vmem>> -> memref<128xi32, #tpu.memory_space<vmem>>
        %dma_wait3A_410 = arith.constant 0 : i32
        %dma_wait3A_411 = arith.constant 0 : i32
        %dma_wait3A_412 = tpu.memref_slice %arg6[%dma_wait3A_410, %dma_wait3A_411] : memref<10240x128xf32, #tpu.memory_space<vmem_shared>> -> memref<10240x128xf32, #tpu.memory_space<vmem_shared>>
        tpu.wait_indirect_dma semaphore(%arg15 : memref<!tpu.dma_semaphore, #tpu.memory_space<semaphore_mem>>) src(%arg5 : memref<128x128xf32, #tpu.memory_space<vmem>>) dst(%dma_wait3A_412 : memref<10240x128xf32, #tpu.memory_space<vmem_shared>>)
      } else {
      }
      %dma_wait3A_270 = arith.constant 4 : i32
      %dma_wait3A_271 = arith.constant 0 : i32
      %dma_wait3A_272 = tpu.memref_slice %arg4[%dma_wait3A_270, %dma_wait3A_271] : memref<8x128xi32, #tpu.memory_space<vmem>> -> memref<1x128xi32, #tpu.memory_space<vmem>>
      %dma_wait3A_273 = tpu.memref_squeeze %dma_wait3A_272 : memref<1x128xi32, #tpu.memory_space<vmem>> -> memref<128xi32, #tpu.memory_space<vmem>>
      %dma_wait3A_274 = arith.constant 0 : i32
      %dma_wait3A_275 = tpu.memref_slice %arg2[%mul3A_4, %dma_wait3A_274] : memref<2560x128xi32, #tpu.memory_space<hbm>> -> memref<1x128xi32, #tpu.memory_space<hbm>>
      %dma_wait3A_276 = tpu.memref_squeeze %dma_wait3A_275 : memref<1x128xi32, #tpu.memory_space<hbm>> -> memref<128xi32, #tpu.memory_space<hbm>>
      %dma_wait3A_277 = arith.constant 0 : i32
      %dma_wait3A_278 = tpu.memref_slice %arg4[%dma_wait3A_270, %dma_wait3A_277] : memref<8x128xi32, #tpu.memory_space<vmem>> -> memref<1x128xi32, #tpu.memory_space<vmem>>
      %dma_wait3A_279 = tpu.memref_squeeze %dma_wait3A_278 : memref<1x128xi32, #tpu.memory_space<vmem>> -> memref<128xi32, #tpu.memory_space<vmem>>
      %dma_wait3A_280 = arith.constant 0 : i32
      %dma_wait3A_281 = tpu.memref_slice %arg2[%mul3A_4, %dma_wait3A_280] : memref<2560x128xi32, #tpu.memory_space<hbm>> -> memref<1x128xi32, #tpu.memory_space<hbm>>
      %dma_wait3A_282 = tpu.memref_squeeze %dma_wait3A_281 : memref<1x128xi32, #tpu.memory_space<hbm>> -> memref<128xi32, #tpu.memory_space<hbm>>
      tpu.wait_dma2 semaphore(%arg11 : memref<!tpu.dma_semaphore, #tpu.memory_space<semaphore_mem>>) src(%dma_wait3A_282 : memref<128xi32, #tpu.memory_space<hbm>>) dst(%dma_wait3A_279 : memref<128xi32, #tpu.memory_space<vmem>>)
      %dma_start3A_283 = arith.constant 4 : i32
      %dma_start3A_284 = arith.constant 0 : i32
      %dma_start3A_285 = tpu.memref_slice %arg4[%dma_start3A_283, %dma_start3A_284] : memref<8x128xi32, #tpu.memory_space<vmem>> -> memref<1x128xi32, #tpu.memory_space<vmem>>
      %dma_start3A_286 = tpu.memref_squeeze %dma_start3A_285 : memref<1x128xi32, #tpu.memory_space<vmem>> -> memref<128xi32, #tpu.memory_space<vmem>>
      %dma_start3A_287 = arith.constant 0 : i32
      %dma_start3A_288 = arith.constant 0 : i32
      %dma_start3A_289 = tpu.memref_slice %arg6[%dma_start3A_287, %dma_start3A_288] : memref<10240x128xf32, #tpu.memory_space<vmem_shared>> -> memref<10240x128xf32, #tpu.memory_space<vmem_shared>>
      tpu.enqueue_indirect_dma source(%arg5 : memref<128x128xf32, #tpu.memory_space<vmem>>) target(%dma_start3A_289 : memref<10240x128xf32, #tpu.memory_space<vmem_shared>>) offsets(%dma_start3A_286 : memref<128xi32, #tpu.memory_space<vmem>>) semaphore(%arg15 : memref<!tpu.dma_semaphore, #tpu.memory_space<semaphore_mem>>) {add = true}
      %add3A_290 = arith.constant 4 : i32
      %add3A_291 = arith.addi %add3A_264, %add3A_290 : i32
      %lt3A_292 = arith.constant 80 : i32
      %lt3A_293 = arith.cmpi slt, %add3A_291, %lt3A_292 : i32
      %convert_element_type3A_294 = arith.extui %lt3A_293 : i1 to i32
      %cond3A_295 = arith.constant 0 : i32
      %cond3A_296 = arith.cmpi ne, %convert_element_type3A_294, %cond3A_295 : i32
      scf.if %cond3A_296 {
        %add3A_406 = arith.constant 4 : i32
        %add3A_407 = arith.addi %add3A_264, %add3A_406 : i32
        %add3A_408 = arith.addi %mul3A_4, %add3A_407 : i32
        %dma_start3A_409 = arith.constant 0 : i32
        %dma_start3A_410 = arith.constant 0 : i32
        %dma_start3A_411 = tpu.memref_slice %arg4[%dma_start3A_409, %dma_start3A_410] : memref<8x128xi32, #tpu.memory_space<vmem>> -> memref<1x128xi32, #tpu.memory_space<vmem>>
        %dma_start3A_412 = tpu.memref_squeeze %dma_start3A_411 : memref<1x128xi32, #tpu.memory_space<vmem>> -> memref<128xi32, #tpu.memory_space<vmem>>
        %dma_start3A_413 = arith.constant 0 : i32
        %dma_start3A_414 = tpu.memref_slice %arg2[%add3A_408, %dma_start3A_413] : memref<2560x128xi32, #tpu.memory_space<hbm>> -> memref<1x128xi32, #tpu.memory_space<hbm>>
        %dma_start3A_415 = tpu.memref_squeeze %dma_start3A_414 : memref<1x128xi32, #tpu.memory_space<hbm>> -> memref<128xi32, #tpu.memory_space<hbm>>
        %dma_start3A_416 = arith.constant 0 : i32
        %dma_start3A_417 = tpu.memref_slice %arg4[%dma_start3A_409, %dma_start3A_416] : memref<8x128xi32, #tpu.memory_space<vmem>> -> memref<1x128xi32, #tpu.memory_space<vmem>>
        %dma_start3A_418 = tpu.memref_squeeze %dma_start3A_417 : memref<1x128xi32, #tpu.memory_space<vmem>> -> memref<128xi32, #tpu.memory_space<vmem>>
        %dma_start3A_419 = arith.constant 0 : i32
        %dma_start3A_420 = tpu.memref_slice %arg2[%add3A_408, %dma_start3A_419] : memref<2560x128xi32, #tpu.memory_space<hbm>> -> memref<1x128xi32, #tpu.memory_space<hbm>>
        %dma_start3A_421 = tpu.memref_squeeze %dma_start3A_420 : memref<1x128xi32, #tpu.memory_space<hbm>> -> memref<128xi32, #tpu.memory_space<hbm>>
        tpu.enqueue_dma source(%dma_start3A_421 : memref<128xi32, #tpu.memory_space<hbm>>) target(%dma_start3A_418 : memref<128xi32, #tpu.memory_space<vmem>>) target_semaphore(%arg7 : memref<!tpu.dma_semaphore, #tpu.memory_space<semaphore_mem>>)
      } else {
      }
      %mul3A_297 = arith.constant 8 : i32
      %mul3A_298 = arith.muli %scan3A_119, %mul3A_297 : i32
      %add3A_299 = arith.constant 5 : i32
      %add3A_300 = arith.addi %mul3A_298, %add3A_299 : i32
      %ge3A_301 = arith.constant 4 : i32
      %ge3A_302 = arith.cmpi sge, %add3A_300, %ge3A_301 : i32
      %convert_element_type3A_303 = arith.extui %ge3A_302 : i1 to i32
      %cond3A_304 = arith.constant 0 : i32
      %cond3A_305 = arith.cmpi ne, %convert_element_type3A_303, %cond3A_304 : i32
      scf.if %cond3A_305 {
        %dma_wait3A_406 = arith.constant 1 : i32
        %dma_wait3A_407 = arith.constant 0 : i32
        %dma_wait3A_408 = tpu.memref_slice %arg4[%dma_wait3A_406, %dma_wait3A_407] : memref<8x128xi32, #tpu.memory_space<vmem>> -> memref<1x128xi32, #tpu.memory_space<vmem>>
        %dma_wait3A_409 = tpu.memref_squeeze %dma_wait3A_408 : memref<1x128xi32, #tpu.memory_space<vmem>> -> memref<128xi32, #tpu.memory_space<vmem>>
        %dma_wait3A_410 = arith.constant 0 : i32
        %dma_wait3A_411 = arith.constant 0 : i32
        %dma_wait3A_412 = tpu.memref_slice %arg6[%dma_wait3A_410, %dma_wait3A_411] : memref<10240x128xf32, #tpu.memory_space<vmem_shared>> -> memref<10240x128xf32, #tpu.memory_space<vmem_shared>>
        tpu.wait_indirect_dma semaphore(%arg16 : memref<!tpu.dma_semaphore, #tpu.memory_space<semaphore_mem>>) src(%arg5 : memref<128x128xf32, #tpu.memory_space<vmem>>) dst(%dma_wait3A_412 : memref<10240x128xf32, #tpu.memory_space<vmem_shared>>)
      } else {
      }
      %dma_wait3A_306 = arith.constant 5 : i32
      %dma_wait3A_307 = arith.constant 0 : i32
      %dma_wait3A_308 = tpu.memref_slice %arg4[%dma_wait3A_306, %dma_wait3A_307] : memref<8x128xi32, #tpu.memory_space<vmem>> -> memref<1x128xi32, #tpu.memory_space<vmem>>
      %dma_wait3A_309 = tpu.memref_squeeze %dma_wait3A_308 : memref<1x128xi32, #tpu.memory_space<vmem>> -> memref<128xi32, #tpu.memory_space<vmem>>
      %dma_wait3A_310 = arith.constant 0 : i32
      %dma_wait3A_311 = tpu.memref_slice %arg2[%mul3A_4, %dma_wait3A_310] : memref<2560x128xi32, #tpu.memory_space<hbm>> -> memref<1x128xi32, #tpu.memory_space<hbm>>
      %dma_wait3A_312 = tpu.memref_squeeze %dma_wait3A_311 : memref<1x128xi32, #tpu.memory_space<hbm>> -> memref<128xi32, #tpu.memory_space<hbm>>
      %dma_wait3A_313 = arith.constant 0 : i32
      %dma_wait3A_314 = tpu.memref_slice %arg4[%dma_wait3A_306, %dma_wait3A_313] : memref<8x128xi32, #tpu.memory_space<vmem>> -> memref<1x128xi32, #tpu.memory_space<vmem>>
      %dma_wait3A_315 = tpu.memref_squeeze %dma_wait3A_314 : memref<1x128xi32, #tpu.memory_space<vmem>> -> memref<128xi32, #tpu.memory_space<vmem>>
      %dma_wait3A_316 = arith.constant 0 : i32
      %dma_wait3A_317 = tpu.memref_slice %arg2[%mul3A_4, %dma_wait3A_316] : memref<2560x128xi32, #tpu.memory_space<hbm>> -> memref<1x128xi32, #tpu.memory_space<hbm>>
      %dma_wait3A_318 = tpu.memref_squeeze %dma_wait3A_317 : memref<1x128xi32, #tpu.memory_space<hbm>> -> memref<128xi32, #tpu.memory_space<hbm>>
      tpu.wait_dma2 semaphore(%arg12 : memref<!tpu.dma_semaphore, #tpu.memory_space<semaphore_mem>>) src(%dma_wait3A_318 : memref<128xi32, #tpu.memory_space<hbm>>) dst(%dma_wait3A_315 : memref<128xi32, #tpu.memory_space<vmem>>)
      %dma_start3A_319 = arith.constant 5 : i32
      %dma_start3A_320 = arith.constant 0 : i32
      %dma_start3A_321 = tpu.memref_slice %arg4[%dma_start3A_319, %dma_start3A_320] : memref<8x128xi32, #tpu.memory_space<vmem>> -> memref<1x128xi32, #tpu.memory_space<vmem>>
      %dma_start3A_322 = tpu.memref_squeeze %dma_start3A_321 : memref<1x128xi32, #tpu.memory_space<vmem>> -> memref<128xi32, #tpu.memory_space<vmem>>
      %dma_start3A_323 = arith.constant 0 : i32
      %dma_start3A_324 = arith.constant 0 : i32
      %dma_start3A_325 = tpu.memref_slice %arg6[%dma_start3A_323, %dma_start3A_324] : memref<10240x128xf32, #tpu.memory_space<vmem_shared>> -> memref<10240x128xf32, #tpu.memory_space<vmem_shared>>
      tpu.enqueue_indirect_dma source(%arg5 : memref<128x128xf32, #tpu.memory_space<vmem>>) target(%dma_start3A_325 : memref<10240x128xf32, #tpu.memory_space<vmem_shared>>) offsets(%dma_start3A_322 : memref<128xi32, #tpu.memory_space<vmem>>) semaphore(%arg16 : memref<!tpu.dma_semaphore, #tpu.memory_space<semaphore_mem>>) {add = true}
      %add3A_326 = arith.constant 4 : i32
      %add3A_327 = arith.addi %add3A_300, %add3A_326 : i32
      %lt3A_328 = arith.constant 80 : i32
      %lt3A_329 = arith.cmpi slt, %add3A_327, %lt3A_328 : i32
      %convert_element_type3A_330 = arith.extui %lt3A_329 : i1 to i32
      %cond3A_331 = arith.constant 0 : i32
      %cond3A_332 = arith.cmpi ne, %convert_element_type3A_330, %cond3A_331 : i32
      scf.if %cond3A_332 {
        %add3A_406 = arith.constant 4 : i32
        %add3A_407 = arith.addi %add3A_300, %add3A_406 : i32
        %add3A_408 = arith.addi %mul3A_4, %add3A_407 : i32
        %dma_start3A_409 = arith.constant 1 : i32
        %dma_start3A_410 = arith.constant 0 : i32
        %dma_start3A_411 = tpu.memref_slice %arg4[%dma_start3A_409, %dma_start3A_410] : memref<8x128xi32, #tpu.memory_space<vmem>> -> memref<1x128xi32, #tpu.memory_space<vmem>>
        %dma_start3A_412 = tpu.memref_squeeze %dma_start3A_411 : memref<1x128xi32, #tpu.memory_space<vmem>> -> memref<128xi32, #tpu.memory_space<vmem>>
        %dma_start3A_413 = arith.constant 0 : i32
        %dma_start3A_414 = tpu.memref_slice %arg2[%add3A_408, %dma_start3A_413] : memref<2560x128xi32, #tpu.memory_space<hbm>> -> memref<1x128xi32, #tpu.memory_space<hbm>>
        %dma_start3A_415 = tpu.memref_squeeze %dma_start3A_414 : memref<1x128xi32, #tpu.memory_space<hbm>> -> memref<128xi32, #tpu.memory_space<hbm>>
        %dma_start3A_416 = arith.constant 0 : i32
        %dma_start3A_417 = tpu.memref_slice %arg4[%dma_start3A_409, %dma_start3A_416] : memref<8x128xi32, #tpu.memory_space<vmem>> -> memref<1x128xi32, #tpu.memory_space<vmem>>
        %dma_start3A_418 = tpu.memref_squeeze %dma_start3A_417 : memref<1x128xi32, #tpu.memory_space<vmem>> -> memref<128xi32, #tpu.memory_space<vmem>>
        %dma_start3A_419 = arith.constant 0 : i32
        %dma_start3A_420 = tpu.memref_slice %arg2[%add3A_408, %dma_start3A_419] : memref<2560x128xi32, #tpu.memory_space<hbm>> -> memref<1x128xi32, #tpu.memory_space<hbm>>
        %dma_start3A_421 = tpu.memref_squeeze %dma_start3A_420 : memref<1x128xi32, #tpu.memory_space<hbm>> -> memref<128xi32, #tpu.memory_space<hbm>>
        tpu.enqueue_dma source(%dma_start3A_421 : memref<128xi32, #tpu.memory_space<hbm>>) target(%dma_start3A_418 : memref<128xi32, #tpu.memory_space<vmem>>) target_semaphore(%arg8 : memref<!tpu.dma_semaphore, #tpu.memory_space<semaphore_mem>>)
      } else {
      }
      %mul3A_333 = arith.constant 8 : i32
      %mul3A_334 = arith.muli %scan3A_119, %mul3A_333 : i32
      %add3A_335 = arith.constant 6 : i32
      %add3A_336 = arith.addi %mul3A_334, %add3A_335 : i32
      %ge3A_337 = arith.constant 4 : i32
      %ge3A_338 = arith.cmpi sge, %add3A_336, %ge3A_337 : i32
      %convert_element_type3A_339 = arith.extui %ge3A_338 : i1 to i32
      %cond3A_340 = arith.constant 0 : i32
      %cond3A_341 = arith.cmpi ne, %convert_element_type3A_339, %cond3A_340 : i32
      scf.if %cond3A_341 {
        %dma_wait3A_406 = arith.constant 2 : i32
        %dma_wait3A_407 = arith.constant 0 : i32
        %dma_wait3A_408 = tpu.memref_slice %arg4[%dma_wait3A_406, %dma_wait3A_407] : memref<8x128xi32, #tpu.memory_space<vmem>> -> memref<1x128xi32, #tpu.memory_space<vmem>>
        %dma_wait3A_409 = tpu.memref_squeeze %dma_wait3A_408 : memref<1x128xi32, #tpu.memory_space<vmem>> -> memref<128xi32, #tpu.memory_space<vmem>>
        %dma_wait3A_410 = arith.constant 0 : i32
        %dma_wait3A_411 = arith.constant 0 : i32
        %dma_wait3A_412 = tpu.memref_slice %arg6[%dma_wait3A_410, %dma_wait3A_411] : memref<10240x128xf32, #tpu.memory_space<vmem_shared>> -> memref<10240x128xf32, #tpu.memory_space<vmem_shared>>
        tpu.wait_indirect_dma semaphore(%arg17 : memref<!tpu.dma_semaphore, #tpu.memory_space<semaphore_mem>>) src(%arg5 : memref<128x128xf32, #tpu.memory_space<vmem>>) dst(%dma_wait3A_412 : memref<10240x128xf32, #tpu.memory_space<vmem_shared>>)
      } else {
      }
      %dma_wait3A_342 = arith.constant 6 : i32
      %dma_wait3A_343 = arith.constant 0 : i32
      %dma_wait3A_344 = tpu.memref_slice %arg4[%dma_wait3A_342, %dma_wait3A_343] : memref<8x128xi32, #tpu.memory_space<vmem>> -> memref<1x128xi32, #tpu.memory_space<vmem>>
      %dma_wait3A_345 = tpu.memref_squeeze %dma_wait3A_344 : memref<1x128xi32, #tpu.memory_space<vmem>> -> memref<128xi32, #tpu.memory_space<vmem>>
      %dma_wait3A_346 = arith.constant 0 : i32
      %dma_wait3A_347 = tpu.memref_slice %arg2[%mul3A_4, %dma_wait3A_346] : memref<2560x128xi32, #tpu.memory_space<hbm>> -> memref<1x128xi32, #tpu.memory_space<hbm>>
      %dma_wait3A_348 = tpu.memref_squeeze %dma_wait3A_347 : memref<1x128xi32, #tpu.memory_space<hbm>> -> memref<128xi32, #tpu.memory_space<hbm>>
      %dma_wait3A_349 = arith.constant 0 : i32
      %dma_wait3A_350 = tpu.memref_slice %arg4[%dma_wait3A_342, %dma_wait3A_349] : memref<8x128xi32, #tpu.memory_space<vmem>> -> memref<1x128xi32, #tpu.memory_space<vmem>>
      %dma_wait3A_351 = tpu.memref_squeeze %dma_wait3A_350 : memref<1x128xi32, #tpu.memory_space<vmem>> -> memref<128xi32, #tpu.memory_space<vmem>>
      %dma_wait3A_352 = arith.constant 0 : i32
      %dma_wait3A_353 = tpu.memref_slice %arg2[%mul3A_4, %dma_wait3A_352] : memref<2560x128xi32, #tpu.memory_space<hbm>> -> memref<1x128xi32, #tpu.memory_space<hbm>>
      %dma_wait3A_354 = tpu.memref_squeeze %dma_wait3A_353 : memref<1x128xi32, #tpu.memory_space<hbm>> -> memref<128xi32, #tpu.memory_space<hbm>>
      tpu.wait_dma2 semaphore(%arg13 : memref<!tpu.dma_semaphore, #tpu.memory_space<semaphore_mem>>) src(%dma_wait3A_354 : memref<128xi32, #tpu.memory_space<hbm>>) dst(%dma_wait3A_351 : memref<128xi32, #tpu.memory_space<vmem>>)
      %dma_start3A_355 = arith.constant 6 : i32
      %dma_start3A_356 = arith.constant 0 : i32
      %dma_start3A_357 = tpu.memref_slice %arg4[%dma_start3A_355, %dma_start3A_356] : memref<8x128xi32, #tpu.memory_space<vmem>> -> memref<1x128xi32, #tpu.memory_space<vmem>>
      %dma_start3A_358 = tpu.memref_squeeze %dma_start3A_357 : memref<1x128xi32, #tpu.memory_space<vmem>> -> memref<128xi32, #tpu.memory_space<vmem>>
      %dma_start3A_359 = arith.constant 0 : i32
      %dma_start3A_360 = arith.constant 0 : i32
      %dma_start3A_361 = tpu.memref_slice %arg6[%dma_start3A_359, %dma_start3A_360] : memref<10240x128xf32, #tpu.memory_space<vmem_shared>> -> memref<10240x128xf32, #tpu.memory_space<vmem_shared>>
      tpu.enqueue_indirect_dma source(%arg5 : memref<128x128xf32, #tpu.memory_space<vmem>>) target(%dma_start3A_361 : memref<10240x128xf32, #tpu.memory_space<vmem_shared>>) offsets(%dma_start3A_358 : memref<128xi32, #tpu.memory_space<vmem>>) semaphore(%arg17 : memref<!tpu.dma_semaphore, #tpu.memory_space<semaphore_mem>>) {add = true}
      %add3A_362 = arith.constant 4 : i32
      %add3A_363 = arith.addi %add3A_336, %add3A_362 : i32
      %lt3A_364 = arith.constant 80 : i32
      %lt3A_365 = arith.cmpi slt, %add3A_363, %lt3A_364 : i32
      %convert_element_type3A_366 = arith.extui %lt3A_365 : i1 to i32
      %cond3A_367 = arith.constant 0 : i32
      %cond3A_368 = arith.cmpi ne, %convert_element_type3A_366, %cond3A_367 : i32
      scf.if %cond3A_368 {
        %add3A_406 = arith.constant 4 : i32
        %add3A_407 = arith.addi %add3A_336, %add3A_406 : i32
        %add3A_408 = arith.addi %mul3A_4, %add3A_407 : i32
        %dma_start3A_409 = arith.constant 2 : i32
        %dma_start3A_410 = arith.constant 0 : i32
        %dma_start3A_411 = tpu.memref_slice %arg4[%dma_start3A_409, %dma_start3A_410] : memref<8x128xi32, #tpu.memory_space<vmem>> -> memref<1x128xi32, #tpu.memory_space<vmem>>
        %dma_start3A_412 = tpu.memref_squeeze %dma_start3A_411 : memref<1x128xi32, #tpu.memory_space<vmem>> -> memref<128xi32, #tpu.memory_space<vmem>>
        %dma_start3A_413 = arith.constant 0 : i32
        %dma_start3A_414 = tpu.memref_slice %arg2[%add3A_408, %dma_start3A_413] : memref<2560x128xi32, #tpu.memory_space<hbm>> -> memref<1x128xi32, #tpu.memory_space<hbm>>
        %dma_start3A_415 = tpu.memref_squeeze %dma_start3A_414 : memref<1x128xi32, #tpu.memory_space<hbm>> -> memref<128xi32, #tpu.memory_space<hbm>>
        %dma_start3A_416 = arith.constant 0 : i32
        %dma_start3A_417 = tpu.memref_slice %arg4[%dma_start3A_409, %dma_start3A_416] : memref<8x128xi32, #tpu.memory_space<vmem>> -> memref<1x128xi32, #tpu.memory_space<vmem>>
        %dma_start3A_418 = tpu.memref_squeeze %dma_start3A_417 : memref<1x128xi32, #tpu.memory_space<vmem>> -> memref<128xi32, #tpu.memory_space<vmem>>
        %dma_start3A_419 = arith.constant 0 : i32
        %dma_start3A_420 = tpu.memref_slice %arg2[%add3A_408, %dma_start3A_419] : memref<2560x128xi32, #tpu.memory_space<hbm>> -> memref<1x128xi32, #tpu.memory_space<hbm>>
        %dma_start3A_421 = tpu.memref_squeeze %dma_start3A_420 : memref<1x128xi32, #tpu.memory_space<hbm>> -> memref<128xi32, #tpu.memory_space<hbm>>
        tpu.enqueue_dma source(%dma_start3A_421 : memref<128xi32, #tpu.memory_space<hbm>>) target(%dma_start3A_418 : memref<128xi32, #tpu.memory_space<vmem>>) target_semaphore(%arg9 : memref<!tpu.dma_semaphore, #tpu.memory_space<semaphore_mem>>)
      } else {
      }
      %mul3A_369 = arith.constant 8 : i32
      %mul3A_370 = arith.muli %scan3A_119, %mul3A_369 : i32
      %add3A_371 = arith.constant 7 : i32
      %add3A_372 = arith.addi %mul3A_370, %add3A_371 : i32
      %ge3A_373 = arith.constant 4 : i32
      %ge3A_374 = arith.cmpi sge, %add3A_372, %ge3A_373 : i32
      %convert_element_type3A_375 = arith.extui %ge3A_374 : i1 to i32
      %cond3A_376 = arith.constant 0 : i32
      %cond3A_377 = arith.cmpi ne, %convert_element_type3A_375, %cond3A_376 : i32
      scf.if %cond3A_377 {
        %dma_wait3A_406 = arith.constant 3 : i32
        %dma_wait3A_407 = arith.constant 0 : i32
        %dma_wait3A_408 = tpu.memref_slice %arg4[%dma_wait3A_406, %dma_wait3A_407] : memref<8x128xi32, #tpu.memory_space<vmem>> -> memref<1x128xi32, #tpu.memory_space<vmem>>
        %dma_wait3A_409 = tpu.memref_squeeze %dma_wait3A_408 : memref<1x128xi32, #tpu.memory_space<vmem>> -> memref<128xi32, #tpu.memory_space<vmem>>
        %dma_wait3A_410 = arith.constant 0 : i32
        %dma_wait3A_411 = arith.constant 0 : i32
        %dma_wait3A_412 = tpu.memref_slice %arg6[%dma_wait3A_410, %dma_wait3A_411] : memref<10240x128xf32, #tpu.memory_space<vmem_shared>> -> memref<10240x128xf32, #tpu.memory_space<vmem_shared>>
        tpu.wait_indirect_dma semaphore(%arg18 : memref<!tpu.dma_semaphore, #tpu.memory_space<semaphore_mem>>) src(%arg5 : memref<128x128xf32, #tpu.memory_space<vmem>>) dst(%dma_wait3A_412 : memref<10240x128xf32, #tpu.memory_space<vmem_shared>>)
      } else {
      }
      %dma_wait3A_378 = arith.constant 7 : i32
      %dma_wait3A_379 = arith.constant 0 : i32
      %dma_wait3A_380 = tpu.memref_slice %arg4[%dma_wait3A_378, %dma_wait3A_379] : memref<8x128xi32, #tpu.memory_space<vmem>> -> memref<1x128xi32, #tpu.memory_space<vmem>>
      %dma_wait3A_381 = tpu.memref_squeeze %dma_wait3A_380 : memref<1x128xi32, #tpu.memory_space<vmem>> -> memref<128xi32, #tpu.memory_space<vmem>>
      %dma_wait3A_382 = arith.constant 0 : i32
      %dma_wait3A_383 = tpu.memref_slice %arg2[%mul3A_4, %dma_wait3A_382] : memref<2560x128xi32, #tpu.memory_space<hbm>> -> memref<1x128xi32, #tpu.memory_space<hbm>>
      %dma_wait3A_384 = tpu.memref_squeeze %dma_wait3A_383 : memref<1x128xi32, #tpu.memory_space<hbm>> -> memref<128xi32, #tpu.memory_space<hbm>>
      %dma_wait3A_385 = arith.constant 0 : i32
      %dma_wait3A_386 = tpu.memref_slice %arg4[%dma_wait3A_378, %dma_wait3A_385] : memref<8x128xi32, #tpu.memory_space<vmem>> -> memref<1x128xi32, #tpu.memory_space<vmem>>
      %dma_wait3A_387 = tpu.memref_squeeze %dma_wait3A_386 : memref<1x128xi32, #tpu.memory_space<vmem>> -> memref<128xi32, #tpu.memory_space<vmem>>
      %dma_wait3A_388 = arith.constant 0 : i32
      %dma_wait3A_389 = tpu.memref_slice %arg2[%mul3A_4, %dma_wait3A_388] : memref<2560x128xi32, #tpu.memory_space<hbm>> -> memref<1x128xi32, #tpu.memory_space<hbm>>
      %dma_wait3A_390 = tpu.memref_squeeze %dma_wait3A_389 : memref<1x128xi32, #tpu.memory_space<hbm>> -> memref<128xi32, #tpu.memory_space<hbm>>
      tpu.wait_dma2 semaphore(%arg14 : memref<!tpu.dma_semaphore, #tpu.memory_space<semaphore_mem>>) src(%dma_wait3A_390 : memref<128xi32, #tpu.memory_space<hbm>>) dst(%dma_wait3A_387 : memref<128xi32, #tpu.memory_space<vmem>>)
      %dma_start3A_391 = arith.constant 7 : i32
      %dma_start3A_392 = arith.constant 0 : i32
      %dma_start3A_393 = tpu.memref_slice %arg4[%dma_start3A_391, %dma_start3A_392] : memref<8x128xi32, #tpu.memory_space<vmem>> -> memref<1x128xi32, #tpu.memory_space<vmem>>
      %dma_start3A_394 = tpu.memref_squeeze %dma_start3A_393 : memref<1x128xi32, #tpu.memory_space<vmem>> -> memref<128xi32, #tpu.memory_space<vmem>>
      %dma_start3A_395 = arith.constant 0 : i32
      %dma_start3A_396 = arith.constant 0 : i32
      %dma_start3A_397 = tpu.memref_slice %arg6[%dma_start3A_395, %dma_start3A_396] : memref<10240x128xf32, #tpu.memory_space<vmem_shared>> -> memref<10240x128xf32, #tpu.memory_space<vmem_shared>>
      tpu.enqueue_indirect_dma source(%arg5 : memref<128x128xf32, #tpu.memory_space<vmem>>) target(%dma_start3A_397 : memref<10240x128xf32, #tpu.memory_space<vmem_shared>>) offsets(%dma_start3A_394 : memref<128xi32, #tpu.memory_space<vmem>>) semaphore(%arg18 : memref<!tpu.dma_semaphore, #tpu.memory_space<semaphore_mem>>) {add = true}
      %add3A_398 = arith.constant 4 : i32
      %add3A_399 = arith.addi %add3A_372, %add3A_398 : i32
      %lt3A_400 = arith.constant 80 : i32
      %lt3A_401 = arith.cmpi slt, %add3A_399, %lt3A_400 : i32
      %convert_element_type3A_402 = arith.extui %lt3A_401 : i1 to i32
      %cond3A_403 = arith.constant 0 : i32
      %cond3A_404 = arith.cmpi ne, %convert_element_type3A_402, %cond3A_403 : i32
      scf.if %cond3A_404 {
        %add3A_406 = arith.constant 4 : i32
        %add3A_407 = arith.addi %add3A_372, %add3A_406 : i32
        %add3A_408 = arith.addi %mul3A_4, %add3A_407 : i32
        %dma_start3A_409 = arith.constant 3 : i32
        %dma_start3A_410 = arith.constant 0 : i32
        %dma_start3A_411 = tpu.memref_slice %arg4[%dma_start3A_409, %dma_start3A_410] : memref<8x128xi32, #tpu.memory_space<vmem>> -> memref<1x128xi32, #tpu.memory_space<vmem>>
        %dma_start3A_412 = tpu.memref_squeeze %dma_start3A_411 : memref<1x128xi32, #tpu.memory_space<vmem>> -> memref<128xi32, #tpu.memory_space<vmem>>
        %dma_start3A_413 = arith.constant 0 : i32
        %dma_start3A_414 = tpu.memref_slice %arg2[%add3A_408, %dma_start3A_413] : memref<2560x128xi32, #tpu.memory_space<hbm>> -> memref<1x128xi32, #tpu.memory_space<hbm>>
        %dma_start3A_415 = tpu.memref_squeeze %dma_start3A_414 : memref<1x128xi32, #tpu.memory_space<hbm>> -> memref<128xi32, #tpu.memory_space<hbm>>
        %dma_start3A_416 = arith.constant 0 : i32
        %dma_start3A_417 = tpu.memref_slice %arg4[%dma_start3A_409, %dma_start3A_416] : memref<8x128xi32, #tpu.memory_space<vmem>> -> memref<1x128xi32, #tpu.memory_space<vmem>>
        %dma_start3A_418 = tpu.memref_squeeze %dma_start3A_417 : memref<1x128xi32, #tpu.memory_space<vmem>> -> memref<128xi32, #tpu.memory_space<vmem>>
        %dma_start3A_419 = arith.constant 0 : i32
        %dma_start3A_420 = tpu.memref_slice %arg2[%add3A_408, %dma_start3A_419] : memref<2560x128xi32, #tpu.memory_space<hbm>> -> memref<1x128xi32, #tpu.memory_space<hbm>>
        %dma_start3A_421 = tpu.memref_squeeze %dma_start3A_420 : memref<1x128xi32, #tpu.memory_space<hbm>> -> memref<128xi32, #tpu.memory_space<hbm>>
        tpu.enqueue_dma source(%dma_start3A_421 : memref<128xi32, #tpu.memory_space<hbm>>) target(%dma_start3A_418 : memref<128xi32, #tpu.memory_space<vmem>>) target_semaphore(%arg10 : memref<!tpu.dma_semaphore, #tpu.memory_space<semaphore_mem>>)
      } else {
      }
      %scan3A_405 = arith.constant 0 : i32
      scf.yield %scan3A_405 : i32
    }
    %scan3A_90 = arith.constant 10 : i32
    %dma_wait3A = arith.constant 4 : i32
    %dma_wait3A_91 = arith.constant 0 : i32
    %dma_wait3A_92 = tpu.memref_slice %arg4[%dma_wait3A, %dma_wait3A_91] : memref<8x128xi32, #tpu.memory_space<vmem>> -> memref<1x128xi32, #tpu.memory_space<vmem>>
    %dma_wait3A_93 = tpu.memref_squeeze %dma_wait3A_92 : memref<1x128xi32, #tpu.memory_space<vmem>> -> memref<128xi32, #tpu.memory_space<vmem>>
    %dma_wait3A_94 = arith.constant 0 : i32
    %dma_wait3A_95 = arith.constant 0 : i32
    %dma_wait3A_96 = tpu.memref_slice %arg6[%dma_wait3A_94, %dma_wait3A_95] : memref<10240x128xf32, #tpu.memory_space<vmem_shared>> -> memref<10240x128xf32, #tpu.memory_space<vmem_shared>>
    tpu.wait_indirect_dma semaphore(%arg15 : memref<!tpu.dma_semaphore, #tpu.memory_space<semaphore_mem>>) src(%arg5 : memref<128x128xf32, #tpu.memory_space<vmem>>) dst(%dma_wait3A_96 : memref<10240x128xf32, #tpu.memory_space<vmem_shared>>)
    %dma_wait3A_97 = arith.constant 5 : i32
    %dma_wait3A_98 = arith.constant 0 : i32
    %dma_wait3A_99 = tpu.memref_slice %arg4[%dma_wait3A_97, %dma_wait3A_98] : memref<8x128xi32, #tpu.memory_space<vmem>> -> memref<1x128xi32, #tpu.memory_space<vmem>>
    %dma_wait3A_100 = tpu.memref_squeeze %dma_wait3A_99 : memref<1x128xi32, #tpu.memory_space<vmem>> -> memref<128xi32, #tpu.memory_space<vmem>>
    %dma_wait3A_101 = arith.constant 0 : i32
    %dma_wait3A_102 = arith.constant 0 : i32
    %dma_wait3A_103 = tpu.memref_slice %arg6[%dma_wait3A_101, %dma_wait3A_102] : memref<10240x128xf32, #tpu.memory_space<vmem_shared>> -> memref<10240x128xf32, #tpu.memory_space<vmem_shared>>
    tpu.wait_indirect_dma semaphore(%arg16 : memref<!tpu.dma_semaphore, #tpu.memory_space<semaphore_mem>>) src(%arg5 : memref<128x128xf32, #tpu.memory_space<vmem>>) dst(%dma_wait3A_103 : memref<10240x128xf32, #tpu.memory_space<vmem_shared>>)
    %dma_wait3A_104 = arith.constant 6 : i32
    %dma_wait3A_105 = arith.constant 0 : i32
    %dma_wait3A_106 = tpu.memref_slice %arg4[%dma_wait3A_104, %dma_wait3A_105] : memref<8x128xi32, #tpu.memory_space<vmem>> -> memref<1x128xi32, #tpu.memory_space<vmem>>
    %dma_wait3A_107 = tpu.memref_squeeze %dma_wait3A_106 : memref<1x128xi32, #tpu.memory_space<vmem>> -> memref<128xi32, #tpu.memory_space<vmem>>
    %dma_wait3A_108 = arith.constant 0 : i32
    %dma_wait3A_109 = arith.constant 0 : i32
    %dma_wait3A_110 = tpu.memref_slice %arg6[%dma_wait3A_108, %dma_wait3A_109] : memref<10240x128xf32, #tpu.memory_space<vmem_shared>> -> memref<10240x128xf32, #tpu.memory_space<vmem_shared>>
    tpu.wait_indirect_dma semaphore(%arg17 : memref<!tpu.dma_semaphore, #tpu.memory_space<semaphore_mem>>) src(%arg5 : memref<128x128xf32, #tpu.memory_space<vmem>>) dst(%dma_wait3A_110 : memref<10240x128xf32, #tpu.memory_space<vmem_shared>>)
    %dma_wait3A_111 = arith.constant 7 : i32
    %dma_wait3A_112 = arith.constant 0 : i32
    %dma_wait3A_113 = tpu.memref_slice %arg4[%dma_wait3A_111, %dma_wait3A_112] : memref<8x128xi32, #tpu.memory_space<vmem>> -> memref<1x128xi32, #tpu.memory_space<vmem>>
    %dma_wait3A_114 = tpu.memref_squeeze %dma_wait3A_113 : memref<1x128xi32, #tpu.memory_space<vmem>> -> memref<128xi32, #tpu.memory_space<vmem>>
    %dma_wait3A_115 = arith.constant 0 : i32
    %dma_wait3A_116 = arith.constant 0 : i32
    %dma_wait3A_117 = tpu.memref_slice %arg6[%dma_wait3A_115, %dma_wait3A_116] : memref<10240x128xf32, #tpu.memory_space<vmem_shared>> -> memref<10240x128xf32, #tpu.memory_space<vmem_shared>>
    tpu.wait_indirect_dma semaphore(%arg18 : memref<!tpu.dma_semaphore, #tpu.memory_space<semaphore_mem>>) src(%arg5 : memref<128x128xf32, #tpu.memory_space<vmem>>) dst(%dma_wait3A_117 : memref<10240x128xf32, #tpu.memory_space<vmem_shared>>)
    %barrier3A_118 = arith.constant 0 : index
    tpu.barrier barrier_id(%barrier3A_118)
    "tpu.region"() ({
      %run_scoped3A = tpu.sem_alloc : memref<!tpu.dma_semaphore, #tpu.memory_space<semaphore_mem>>
      %dma_start3A_119 = arith.constant 0 : i32
      %dma_start3A_120 = tpu.memref_slice %arg3[%arg0, %mul3A_0, %dma_start3A_119] : memref<2x10240x128xf32, #tpu.memory_space<hbm>> -> memref<1x640x128xf32, #tpu.memory_space<hbm>>
      %dma_start3A_121 = tpu.memref_squeeze %dma_start3A_120 : memref<1x640x128xf32, #tpu.memory_space<hbm>> -> memref<640x128xf32, #tpu.memory_space<hbm>>
      %dma_start3A_122 = arith.constant 0 : i32
      %dma_start3A_123 = tpu.memref_slice %arg6[%mul3A_0, %dma_start3A_122] : memref<10240x128xf32, #tpu.memory_space<vmem_shared>> -> memref<640x128xf32, #tpu.memory_space<vmem_shared>>
      tpu.enqueue_dma source(%dma_start3A_123 : memref<640x128xf32, #tpu.memory_space<vmem_shared>>) target(%dma_start3A_121 : memref<640x128xf32, #tpu.memory_space<hbm>>) target_semaphore(%run_scoped3A : memref<!tpu.dma_semaphore, #tpu.memory_space<semaphore_mem>>)
      %dma_wait3A_124 = arith.constant 0 : i32
      %dma_wait3A_125 = tpu.memref_slice %arg3[%arg0, %mul3A_0, %dma_wait3A_124] : memref<2x10240x128xf32, #tpu.memory_space<hbm>> -> memref<1x640x128xf32, #tpu.memory_space<hbm>>
      %dma_wait3A_126 = tpu.memref_squeeze %dma_wait3A_125 : memref<1x640x128xf32, #tpu.memory_space<hbm>> -> memref<640x128xf32, #tpu.memory_space<hbm>>
      %dma_wait3A_127 = arith.constant 0 : i32
      %dma_wait3A_128 = tpu.memref_slice %arg6[%mul3A_0, %dma_wait3A_127] : memref<10240x128xf32, #tpu.memory_space<vmem_shared>> -> memref<640x128xf32, #tpu.memory_space<vmem_shared>>
      tpu.wait_dma2 semaphore(%run_scoped3A : memref<!tpu.dma_semaphore, #tpu.memory_space<semaphore_mem>>) src(%dma_wait3A_128 : memref<640x128xf32, #tpu.memory_space<vmem_shared>>) dst(%dma_wait3A_126 : memref<640x128xf32, #tpu.memory_space<hbm>>)
      tpu.yield
    }) : () -> ()
    return
  }
}

#map = affine_map<(d0, d1) -> (0, 0)>
#map1 = affine_map<(d0, d1) -> (0, 0, 0)>
module attributes {stable_mosaic.version = 14 : i64} {
  func.func @edge_k(%arg0: i32, %arg1: i32, %arg2: memref<10000x128xf32, #tpu.memory_space<hbm>>, %arg3: memref<2560x128xi32, #tpu.memory_space<hbm>>, %arg4: memref<2560x128xi32, #tpu.memory_space<hbm>>, %arg5: memref<2x10240x128xf32, #tpu.memory_space<hbm>>, %arg6: memref<4x128xi32, #tpu.memory_space<vmem>>, %arg7: memref<4x128xi32, #tpu.memory_space<vmem>>, %arg8: memref<10240x128xf32, #tpu.memory_space<vmem_shared>>, %arg9: memref<128x128xf32, #tpu.memory_space<vmem>>, %arg10: memref<128x128xf32, #tpu.memory_space<vmem>>, %arg11: memref<!tpu.dma_semaphore, #tpu.memory_space<semaphore_mem>>, %arg12: memref<!tpu.dma_semaphore, #tpu.memory_space<semaphore_mem>>, %arg13: memref<!tpu.dma_semaphore, #tpu.memory_space<semaphore_mem>>, %arg14: memref<!tpu.dma_semaphore, #tpu.memory_space<semaphore_mem>>, %arg15: memref<!tpu.dma_semaphore, #tpu.memory_space<semaphore_mem>>, %arg16: memref<!tpu.dma_semaphore, #tpu.memory_space<semaphore_mem>>, %arg17: memref<!tpu.dma_semaphore, #tpu.memory_space<semaphore_mem>>, %arg18: memref<!tpu.dma_semaphore, #tpu.memory_space<semaphore_mem>>) attributes {dimension_semantics = [#tpu.dimension_semantics<core_parallel>, #tpu.dimension_semantics<subcore_parallel>], iteration_bounds = array<i64: 2, 16>, scalar_prefetch = 0 : i64, scratch_operands = 13 : i64, tpu.core_type = #tpu.core_type<sc_vector_subcore>, window_params = [{transform_indices = #map}, {transform_indices = #map}, {transform_indices = #map}, {transform_indices = #map1}]} {
    %mul3A = arith.constant 640 : i32
    %mul3A_0 = arith.muli %arg1, %mul3A : i32
    %mul3A_1 = arith.constant 16 : i32
    %mul3A_2 = arith.muli %arg0, %mul3A_1 : i32
    %add3A = arith.addi %mul3A_2, %arg1 : i32
    %mul3A_3 = arith.constant 80 : i32
    %mul3A_4 = arith.muli %add3A, %mul3A_3 : i32
    %scan3A = arith.constant 0 : i32
    %scan3A_5 = arith.constant 0 : i32
    %scan3A_6 = arith.constant 128 : i32
    %scan3A_7 = arith.addi %scan3A_5, %scan3A_6 : i32
    %scan3A_8 = arith.constant 1 : i32
    %scan3A_9 = scf.for %scan3A_154 = %scan3A_5 to %scan3A_7 step %scan3A_8 iter_args(%scan3A_155 = %scan3A) -> (i32)  : i32 {
      %broadcast_in_dim3A = arith.constant 0.000000e+00 : f32
      %broadcast_in_dim3A_156 = vector.broadcast %broadcast_in_dim3A : f32 to vector<16xf32>
      %swap3A = arith.index_cast %scan3A_154 : i32 to index
      %swap3A_157 = arith.constant 0 : index
      %swap3A_158 = tpu.vector_load %arg9[%swap3A, %swap3A_157] {strides = array<i32>} : memref<128x128xf32, #tpu.memory_space<vmem>>, vector<1x16xf32>,
      %swap3A_159 = vector.shape_cast %swap3A_158 : vector<1x16xf32> to vector<16xf32>
      %swap3A_160 = vector.shape_cast %broadcast_in_dim3A_156 : vector<16xf32> to vector<1x16xf32>
      tpu.vector_store %arg9[%swap3A, %swap3A_157], %swap3A_160 {strides = array<i32>} : memref<128x128xf32, #tpu.memory_space<vmem>>, vector<1x16xf32>,
      %broadcast_in_dim3A_161 = arith.constant 0.000000e+00 : f32
      %broadcast_in_dim3A_162 = vector.broadcast %broadcast_in_dim3A_161 : f32 to vector<16xf32>
      %swap3A_163 = arith.index_cast %scan3A_154 : i32 to index
      %swap3A_164 = arith.constant 16 : index
      %swap3A_165 = tpu.vector_load %arg9[%swap3A_163, %swap3A_164] {strides = array<i32>} : memref<128x128xf32, #tpu.memory_space<vmem>>, vector<1x16xf32>,
      %swap3A_166 = vector.shape_cast %swap3A_165 : vector<1x16xf32> to vector<16xf32>
      %swap3A_167 = vector.shape_cast %broadcast_in_dim3A_162 : vector<16xf32> to vector<1x16xf32>
      tpu.vector_store %arg9[%swap3A_163, %swap3A_164], %swap3A_167 {strides = array<i32>} : memref<128x128xf32, #tpu.memory_space<vmem>>, vector<1x16xf32>,
      %broadcast_in_dim3A_168 = arith.constant 0.000000e+00 : f32
      %broadcast_in_dim3A_169 = vector.broadcast %broadcast_in_dim3A_168 : f32 to vector<16xf32>
      %swap3A_170 = arith.index_cast %scan3A_154 : i32 to index
      %swap3A_171 = arith.constant 32 : index
      %swap3A_172 = tpu.vector_load %arg9[%swap3A_170, %swap3A_171] {strides = array<i32>} : memref<128x128xf32, #tpu.memory_space<vmem>>, vector<1x16xf32>,
      %swap3A_173 = vector.shape_cast %swap3A_172 : vector<1x16xf32> to vector<16xf32>
      %swap3A_174 = vector.shape_cast %broadcast_in_dim3A_169 : vector<16xf32> to vector<1x16xf32>
      tpu.vector_store %arg9[%swap3A_170, %swap3A_171], %swap3A_174 {strides = array<i32>} : memref<128x128xf32, #tpu.memory_space<vmem>>, vector<1x16xf32>,
      %broadcast_in_dim3A_175 = arith.constant 0.000000e+00 : f32
      %broadcast_in_dim3A_176 = vector.broadcast %broadcast_in_dim3A_175 : f32 to vector<16xf32>
      %swap3A_177 = arith.index_cast %scan3A_154 : i32 to index
      %swap3A_178 = arith.constant 48 : index
      %swap3A_179 = tpu.vector_load %arg9[%swap3A_177, %swap3A_178] {strides = array<i32>} : memref<128x128xf32, #tpu.memory_space<vmem>>, vector<1x16xf32>,
      %swap3A_180 = vector.shape_cast %swap3A_179 : vector<1x16xf32> to vector<16xf32>
      %swap3A_181 = vector.shape_cast %broadcast_in_dim3A_176 : vector<16xf32> to vector<1x16xf32>
      tpu.vector_store %arg9[%swap3A_177, %swap3A_178], %swap3A_181 {strides = array<i32>} : memref<128x128xf32, #tpu.memory_space<vmem>>, vector<1x16xf32>,
      %broadcast_in_dim3A_182 = arith.constant 0.000000e+00 : f32
      %broadcast_in_dim3A_183 = vector.broadcast %broadcast_in_dim3A_182 : f32 to vector<16xf32>
      %swap3A_184 = arith.index_cast %scan3A_154 : i32 to index
      %swap3A_185 = arith.constant 64 : index
      %swap3A_186 = tpu.vector_load %arg9[%swap3A_184, %swap3A_185] {strides = array<i32>} : memref<128x128xf32, #tpu.memory_space<vmem>>, vector<1x16xf32>,
      %swap3A_187 = vector.shape_cast %swap3A_186 : vector<1x16xf32> to vector<16xf32>
      %swap3A_188 = vector.shape_cast %broadcast_in_dim3A_183 : vector<16xf32> to vector<1x16xf32>
      tpu.vector_store %arg9[%swap3A_184, %swap3A_185], %swap3A_188 {strides = array<i32>} : memref<128x128xf32, #tpu.memory_space<vmem>>, vector<1x16xf32>,
      %broadcast_in_dim3A_189 = arith.constant 0.000000e+00 : f32
      %broadcast_in_dim3A_190 = vector.broadcast %broadcast_in_dim3A_189 : f32 to vector<16xf32>
      %swap3A_191 = arith.index_cast %scan3A_154 : i32 to index
      %swap3A_192 = arith.constant 80 : index
      %swap3A_193 = tpu.vector_load %arg9[%swap3A_191, %swap3A_192] {strides = array<i32>} : memref<128x128xf32, #tpu.memory_space<vmem>>, vector<1x16xf32>,
      %swap3A_194 = vector.shape_cast %swap3A_193 : vector<1x16xf32> to vector<16xf32>
      %swap3A_195 = vector.shape_cast %broadcast_in_dim3A_190 : vector<16xf32> to vector<1x16xf32>
      tpu.vector_store %arg9[%swap3A_191, %swap3A_192], %swap3A_195 {strides = array<i32>} : memref<128x128xf32, #tpu.memory_space<vmem>>, vector<1x16xf32>,
      %broadcast_in_dim3A_196 = arith.constant 0.000000e+00 : f32
      %broadcast_in_dim3A_197 = vector.broadcast %broadcast_in_dim3A_196 : f32 to vector<16xf32>
      %swap3A_198 = arith.index_cast %scan3A_154 : i32 to index
      %swap3A_199 = arith.constant 96 : index
      %swap3A_200 = tpu.vector_load %arg9[%swap3A_198, %swap3A_199] {strides = array<i32>} : memref<128x128xf32, #tpu.memory_space<vmem>>, vector<1x16xf32>,
      %swap3A_201 = vector.shape_cast %swap3A_200 : vector<1x16xf32> to vector<16xf32>
      %swap3A_202 = vector.shape_cast %broadcast_in_dim3A_197 : vector<16xf32> to vector<1x16xf32>
      tpu.vector_store %arg9[%swap3A_198, %swap3A_199], %swap3A_202 {strides = array<i32>} : memref<128x128xf32, #tpu.memory_space<vmem>>, vector<1x16xf32>,
      %broadcast_in_dim3A_203 = arith.constant 0.000000e+00 : f32
      %broadcast_in_dim3A_204 = vector.broadcast %broadcast_in_dim3A_203 : f32 to vector<16xf32>
      %swap3A_205 = arith.index_cast %scan3A_154 : i32 to index
      %swap3A_206 = arith.constant 112 : index
      %swap3A_207 = tpu.vector_load %arg9[%swap3A_205, %swap3A_206] {strides = array<i32>} : memref<128x128xf32, #tpu.memory_space<vmem>>, vector<1x16xf32>,
      %swap3A_208 = vector.shape_cast %swap3A_207 : vector<1x16xf32> to vector<16xf32>
      %swap3A_209 = vector.shape_cast %broadcast_in_dim3A_204 : vector<16xf32> to vector<1x16xf32>
      tpu.vector_store %arg9[%swap3A_205, %swap3A_206], %swap3A_209 {strides = array<i32>} : memref<128x128xf32, #tpu.memory_space<vmem>>, vector<1x16xf32>,
      %scan3A_210 = arith.constant 0 : i32
      scf.yield %scan3A_210 : i32
    }
    %scan3A_10 = arith.constant 128 : i32
    %scan3A_11 = arith.constant 0 : i32
    %scan3A_12 = arith.constant 0 : i32
    %scan3A_13 = arith.constant 5 : i32
    %scan3A_14 = arith.addi %scan3A_12, %scan3A_13 : i32
    %scan3A_15 = arith.constant 1 : i32
    %scan3A_16 = scf.for %scan3A_154 = %scan3A_12 to %scan3A_14 step %scan3A_15 iter_args(%scan3A_155 = %scan3A_11) -> (i32)  : i32 {
      %mul3A_156 = arith.constant 128 : i32
      %mul3A_157 = arith.muli %scan3A_154, %mul3A_156 : i32
      %add3A_158 = arith.addi %mul3A_0, %mul3A_157 : i32
      "tpu.region"() ({
        %run_scoped3A = tpu.sem_alloc : memref<!tpu.dma_semaphore, #tpu.memory_space<semaphore_mem>>
        %dma_start3A_160 = arith.constant 0 : i32
        %dma_start3A_161 = tpu.memref_slice %arg8[%add3A_158, %dma_start3A_160] : memref<10240x128xf32, #tpu.memory_space<vmem_shared>> -> memref<128x128xf32, #tpu.memory_space<vmem_shared>>
        %dma_start3A_162 = arith.constant 0 : i32
        %dma_start3A_163 = tpu.memref_slice %arg8[%add3A_158, %dma_start3A_162] : memref<10240x128xf32, #tpu.memory_space<vmem_shared>> -> memref<128x128xf32, #tpu.memory_space<vmem_shared>>
        tpu.enqueue_dma source(%arg9 : memref<128x128xf32, #tpu.memory_space<vmem>>) target(%dma_start3A_163 : memref<128x128xf32, #tpu.memory_space<vmem_shared>>) target_semaphore(%run_scoped3A : memref<!tpu.dma_semaphore, #tpu.memory_space<semaphore_mem>>)
        %dma_wait3A_164 = arith.constant 0 : i32
        %dma_wait3A_165 = tpu.memref_slice %arg8[%add3A_158, %dma_wait3A_164] : memref<10240x128xf32, #tpu.memory_space<vmem_shared>> -> memref<128x128xf32, #tpu.memory_space<vmem_shared>>
        %dma_wait3A_166 = arith.constant 0 : i32
        %dma_wait3A_167 = tpu.memref_slice %arg8[%add3A_158, %dma_wait3A_166] : memref<10240x128xf32, #tpu.memory_space<vmem_shared>> -> memref<128x128xf32, #tpu.memory_space<vmem_shared>>
        tpu.wait_dma2 semaphore(%run_scoped3A : memref<!tpu.dma_semaphore, #tpu.memory_space<semaphore_mem>>) src(%arg9 : memref<128x128xf32, #tpu.memory_space<vmem>>) dst(%dma_wait3A_167 : memref<128x128xf32, #tpu.memory_space<vmem_shared>>)
        tpu.yield
      }) : () -> ()
      %scan3A_159 = arith.constant 0 : i32
      scf.yield %scan3A_159 : i32
    }
    %scan3A_17 = arith.constant 5 : i32
    %add3A_18 = arith.constant 0 : i32
    %add3A_19 = arith.addi %mul3A_4, %add3A_18 : i32
    %dma_start3A = arith.constant 0 : i32
    %dma_start3A_20 = arith.constant 0 : i32
    %dma_start3A_21 = tpu.memref_slice %arg6[%dma_start3A, %dma_start3A_20] : memref<4x128xi32, #tpu.memory_space<vmem>> -> memref<1x128xi32, #tpu.memory_space<vmem>>
    %dma_start3A_22 = tpu.memref_squeeze %dma_start3A_21 : memref<1x128xi32, #tpu.memory_space<vmem>> -> memref<128xi32, #tpu.memory_space<vmem>>
    %dma_start3A_23 = arith.constant 0 : i32
    %dma_start3A_24 = tpu.memref_slice %arg3[%add3A_19, %dma_start3A_23] : memref<2560x128xi32, #tpu.memory_space<hbm>> -> memref<1x128xi32, #tpu.memory_space<hbm>>
    %dma_start3A_25 = tpu.memref_squeeze %dma_start3A_24 : memref<1x128xi32, #tpu.memory_space<hbm>> -> memref<128xi32, #tpu.memory_space<hbm>>
    %dma_start3A_26 = arith.constant 0 : i32
    %dma_start3A_27 = tpu.memref_slice %arg6[%dma_start3A, %dma_start3A_26] : memref<4x128xi32, #tpu.memory_space<vmem>> -> memref<1x128xi32, #tpu.memory_space<vmem>>
    %dma_start3A_28 = tpu.memref_squeeze %dma_start3A_27 : memref<1x128xi32, #tpu.memory_space<vmem>> -> memref<128xi32, #tpu.memory_space<vmem>>
    %dma_start3A_29 = arith.constant 0 : i32
    %dma_start3A_30 = tpu.memref_slice %arg3[%add3A_19, %dma_start3A_29] : memref<2560x128xi32, #tpu.memory_space<hbm>> -> memref<1x128xi32, #tpu.memory_space<hbm>>
    %dma_start3A_31 = tpu.memref_squeeze %dma_start3A_30 : memref<1x128xi32, #tpu.memory_space<hbm>> -> memref<128xi32, #tpu.memory_space<hbm>>
    tpu.enqueue_dma source(%dma_start3A_31 : memref<128xi32, #tpu.memory_space<hbm>>) target(%dma_start3A_28 : memref<128xi32, #tpu.memory_space<vmem>>) target_semaphore(%arg11 : memref<!tpu.dma_semaphore, #tpu.memory_space<semaphore_mem>>)
    %add3A_32 = arith.constant 0 : i32
    %add3A_33 = arith.addi %mul3A_4, %add3A_32 : i32
    %dma_start3A_34 = arith.constant 0 : i32
    %dma_start3A_35 = arith.constant 0 : i32
    %dma_start3A_36 = tpu.memref_slice %arg7[%dma_start3A_34, %dma_start3A_35] : memref<4x128xi32, #tpu.memory_space<vmem>> -> memref<1x128xi32, #tpu.memory_space<vmem>>
    %dma_start3A_37 = tpu.memref_squeeze %dma_start3A_36 : memref<1x128xi32, #tpu.memory_space<vmem>> -> memref<128xi32, #tpu.memory_space<vmem>>
    %dma_start3A_38 = arith.constant 0 : i32
    %dma_start3A_39 = tpu.memref_slice %arg4[%add3A_33, %dma_start3A_38] : memref<2560x128xi32, #tpu.memory_space<hbm>> -> memref<1x128xi32, #tpu.memory_space<hbm>>
    %dma_start3A_40 = tpu.memref_squeeze %dma_start3A_39 : memref<1x128xi32, #tpu.memory_space<hbm>> -> memref<128xi32, #tpu.memory_space<hbm>>
    %dma_start3A_41 = arith.constant 0 : i32
    %dma_start3A_42 = tpu.memref_slice %arg7[%dma_start3A_34, %dma_start3A_41] : memref<4x128xi32, #tpu.memory_space<vmem>> -> memref<1x128xi32, #tpu.memory_space<vmem>>
    %dma_start3A_43 = tpu.memref_squeeze %dma_start3A_42 : memref<1x128xi32, #tpu.memory_space<vmem>> -> memref<128xi32, #tpu.memory_space<vmem>>
    %dma_start3A_44 = arith.constant 0 : i32
    %dma_start3A_45 = tpu.memref_slice %arg4[%add3A_33, %dma_start3A_44] : memref<2560x128xi32, #tpu.memory_space<hbm>> -> memref<1x128xi32, #tpu.memory_space<hbm>>
    %dma_start3A_46 = tpu.memref_squeeze %dma_start3A_45 : memref<1x128xi32, #tpu.memory_space<hbm>> -> memref<128xi32, #tpu.memory_space<hbm>>
    tpu.enqueue_dma source(%dma_start3A_46 : memref<128xi32, #tpu.memory_space<hbm>>) target(%dma_start3A_43 : memref<128xi32, #tpu.memory_space<vmem>>) target_semaphore(%arg11 : memref<!tpu.dma_semaphore, #tpu.memory_space<semaphore_mem>>)
    %add3A_47 = arith.constant 1 : i32
    %add3A_48 = arith.addi %mul3A_4, %add3A_47 : i32
    %dma_start3A_49 = arith.constant 1 : i32
    %dma_start3A_50 = arith.constant 0 : i32
    %dma_start3A_51 = tpu.memref_slice %arg6[%dma_start3A_49, %dma_start3A_50] : memref<4x128xi32, #tpu.memory_space<vmem>> -> memref<1x128xi32, #tpu.memory_space<vmem>>
    %dma_start3A_52 = tpu.memref_squeeze %dma_start3A_51 : memref<1x128xi32, #tpu.memory_space<vmem>> -> memref<128xi32, #tpu.memory_space<vmem>>
    %dma_start3A_53 = arith.constant 0 : i32
    %dma_start3A_54 = tpu.memref_slice %arg3[%add3A_48, %dma_start3A_53] : memref<2560x128xi32, #tpu.memory_space<hbm>> -> memref<1x128xi32, #tpu.memory_space<hbm>>
    %dma_start3A_55 = tpu.memref_squeeze %dma_start3A_54 : memref<1x128xi32, #tpu.memory_space<hbm>> -> memref<128xi32, #tpu.memory_space<hbm>>
    %dma_start3A_56 = arith.constant 0 : i32
    %dma_start3A_57 = tpu.memref_slice %arg6[%dma_start3A_49, %dma_start3A_56] : memref<4x128xi32, #tpu.memory_space<vmem>> -> memref<1x128xi32, #tpu.memory_space<vmem>>
    %dma_start3A_58 = tpu.memref_squeeze %dma_start3A_57 : memref<1x128xi32, #tpu.memory_space<vmem>> -> memref<128xi32, #tpu.memory_space<vmem>>
    %dma_start3A_59 = arith.constant 0 : i32
    %dma_start3A_60 = tpu.memref_slice %arg3[%add3A_48, %dma_start3A_59] : memref<2560x128xi32, #tpu.memory_space<hbm>> -> memref<1x128xi32, #tpu.memory_space<hbm>>
    %dma_start3A_61 = tpu.memref_squeeze %dma_start3A_60 : memref<1x128xi32, #tpu.memory_space<hbm>> -> memref<128xi32, #tpu.memory_space<hbm>>
    tpu.enqueue_dma source(%dma_start3A_61 : memref<128xi32, #tpu.memory_space<hbm>>) target(%dma_start3A_58 : memref<128xi32, #tpu.memory_space<vmem>>) target_semaphore(%arg12 : memref<!tpu.dma_semaphore, #tpu.memory_space<semaphore_mem>>)
    %add3A_62 = arith.constant 1 : i32
    %add3A_63 = arith.addi %mul3A_4, %add3A_62 : i32
    %dma_start3A_64 = arith.constant 1 : i32
    %dma_start3A_65 = arith.constant 0 : i32
    %dma_start3A_66 = tpu.memref_slice %arg7[%dma_start3A_64, %dma_start3A_65] : memref<4x128xi32, #tpu.memory_space<vmem>> -> memref<1x128xi32, #tpu.memory_space<vmem>>
    %dma_start3A_67 = tpu.memref_squeeze %dma_start3A_66 : memref<1x128xi32, #tpu.memory_space<vmem>> -> memref<128xi32, #tpu.memory_space<vmem>>
    %dma_start3A_68 = arith.constant 0 : i32
    %dma_start3A_69 = tpu.memref_slice %arg4[%add3A_63, %dma_start3A_68] : memref<2560x128xi32, #tpu.memory_space<hbm>> -> memref<1x128xi32, #tpu.memory_space<hbm>>
    %dma_start3A_70 = tpu.memref_squeeze %dma_start3A_69 : memref<1x128xi32, #tpu.memory_space<hbm>> -> memref<128xi32, #tpu.memory_space<hbm>>
    %dma_start3A_71 = arith.constant 0 : i32
    %dma_start3A_72 = tpu.memref_slice %arg7[%dma_start3A_64, %dma_start3A_71] : memref<4x128xi32, #tpu.memory_space<vmem>> -> memref<1x128xi32, #tpu.memory_space<vmem>>
    %dma_start3A_73 = tpu.memref_squeeze %dma_start3A_72 : memref<1x128xi32, #tpu.memory_space<vmem>> -> memref<128xi32, #tpu.memory_space<vmem>>
    %dma_start3A_74 = arith.constant 0 : i32
    %dma_start3A_75 = tpu.memref_slice %arg4[%add3A_63, %dma_start3A_74] : memref<2560x128xi32, #tpu.memory_space<hbm>> -> memref<1x128xi32, #tpu.memory_space<hbm>>
    %dma_start3A_76 = tpu.memref_squeeze %dma_start3A_75 : memref<1x128xi32, #tpu.memory_space<hbm>> -> memref<128xi32, #tpu.memory_space<hbm>>
    tpu.enqueue_dma source(%dma_start3A_76 : memref<128xi32, #tpu.memory_space<hbm>>) target(%dma_start3A_73 : memref<128xi32, #tpu.memory_space<vmem>>) target_semaphore(%arg12 : memref<!tpu.dma_semaphore, #tpu.memory_space<semaphore_mem>>)
    %add3A_77 = arith.constant 2 : i32
    %add3A_78 = arith.addi %mul3A_4, %add3A_77 : i32
    %dma_start3A_79 = arith.constant 2 : i32
    %dma_start3A_80 = arith.constant 0 : i32
    %dma_start3A_81 = tpu.memref_slice %arg6[%dma_start3A_79, %dma_start3A_80] : memref<4x128xi32, #tpu.memory_space<vmem>> -> memref<1x128xi32, #tpu.memory_space<vmem>>
    %dma_start3A_82 = tpu.memref_squeeze %dma_start3A_81 : memref<1x128xi32, #tpu.memory_space<vmem>> -> memref<128xi32, #tpu.memory_space<vmem>>
    %dma_start3A_83 = arith.constant 0 : i32
    %dma_start3A_84 = tpu.memref_slice %arg3[%add3A_78, %dma_start3A_83] : memref<2560x128xi32, #tpu.memory_space<hbm>> -> memref<1x128xi32, #tpu.memory_space<hbm>>
    %dma_start3A_85 = tpu.memref_squeeze %dma_start3A_84 : memref<1x128xi32, #tpu.memory_space<hbm>> -> memref<128xi32, #tpu.memory_space<hbm>>
    %dma_start3A_86 = arith.constant 0 : i32
    %dma_start3A_87 = tpu.memref_slice %arg6[%dma_start3A_79, %dma_start3A_86] : memref<4x128xi32, #tpu.memory_space<vmem>> -> memref<1x128xi32, #tpu.memory_space<vmem>>
    %dma_start3A_88 = tpu.memref_squeeze %dma_start3A_87 : memref<1x128xi32, #tpu.memory_space<vmem>> -> memref<128xi32, #tpu.memory_space<vmem>>
    %dma_start3A_89 = arith.constant 0 : i32
    %dma_start3A_90 = tpu.memref_slice %arg3[%add3A_78, %dma_start3A_89] : memref<2560x128xi32, #tpu.memory_space<hbm>> -> memref<1x128xi32, #tpu.memory_space<hbm>>
    %dma_start3A_91 = tpu.memref_squeeze %dma_start3A_90 : memref<1x128xi32, #tpu.memory_space<hbm>> -> memref<128xi32, #tpu.memory_space<hbm>>
    tpu.enqueue_dma source(%dma_start3A_91 : memref<128xi32, #tpu.memory_space<hbm>>) target(%dma_start3A_88 : memref<128xi32, #tpu.memory_space<vmem>>) target_semaphore(%arg13 : memref<!tpu.dma_semaphore, #tpu.memory_space<semaphore_mem>>)
    %add3A_92 = arith.constant 2 : i32
    %add3A_93 = arith.addi %mul3A_4, %add3A_92 : i32
    %dma_start3A_94 = arith.constant 2 : i32
    %dma_start3A_95 = arith.constant 0 : i32
    %dma_start3A_96 = tpu.memref_slice %arg7[%dma_start3A_94, %dma_start3A_95] : memref<4x128xi32, #tpu.memory_space<vmem>> -> memref<1x128xi32, #tpu.memory_space<vmem>>
    %dma_start3A_97 = tpu.memref_squeeze %dma_start3A_96 : memref<1x128xi32, #tpu.memory_space<vmem>> -> memref<128xi32, #tpu.memory_space<vmem>>
    %dma_start3A_98 = arith.constant 0 : i32
    %dma_start3A_99 = tpu.memref_slice %arg4[%add3A_93, %dma_start3A_98] : memref<2560x128xi32, #tpu.memory_space<hbm>> -> memref<1x128xi32, #tpu.memory_space<hbm>>
    %dma_start3A_100 = tpu.memref_squeeze %dma_start3A_99 : memref<1x128xi32, #tpu.memory_space<hbm>> -> memref<128xi32, #tpu.memory_space<hbm>>
    %dma_start3A_101 = arith.constant 0 : i32
    %dma_start3A_102 = tpu.memref_slice %arg7[%dma_start3A_94, %dma_start3A_101] : memref<4x128xi32, #tpu.memory_space<vmem>> -> memref<1x128xi32, #tpu.memory_space<vmem>>
    %dma_start3A_103 = tpu.memref_squeeze %dma_start3A_102 : memref<1x128xi32, #tpu.memory_space<vmem>> -> memref<128xi32, #tpu.memory_space<vmem>>
    %dma_start3A_104 = arith.constant 0 : i32
    %dma_start3A_105 = tpu.memref_slice %arg4[%add3A_93, %dma_start3A_104] : memref<2560x128xi32, #tpu.memory_space<hbm>> -> memref<1x128xi32, #tpu.memory_space<hbm>>
    %dma_start3A_106 = tpu.memref_squeeze %dma_start3A_105 : memref<1x128xi32, #tpu.memory_space<hbm>> -> memref<128xi32, #tpu.memory_space<hbm>>
    tpu.enqueue_dma source(%dma_start3A_106 : memref<128xi32, #tpu.memory_space<hbm>>) target(%dma_start3A_103 : memref<128xi32, #tpu.memory_space<vmem>>) target_semaphore(%arg13 : memref<!tpu.dma_semaphore, #tpu.memory_space<semaphore_mem>>)
    %dma_wait3A = arith.constant 0 : i32
    %dma_wait3A_107 = arith.constant 0 : i32
    %dma_wait3A_108 = tpu.memref_slice %arg6[%dma_wait3A, %dma_wait3A_107] : memref<4x128xi32, #tpu.memory_space<vmem>> -> memref<1x128xi32, #tpu.memory_space<vmem>>
    %dma_wait3A_109 = tpu.memref_squeeze %dma_wait3A_108 : memref<1x128xi32, #tpu.memory_space<vmem>> -> memref<128xi32, #tpu.memory_space<vmem>>
    %dma_wait3A_110 = arith.constant 0 : i32
    %dma_wait3A_111 = tpu.memref_slice %arg3[%mul3A_4, %dma_wait3A_110] : memref<2560x128xi32, #tpu.memory_space<hbm>> -> memref<1x128xi32, #tpu.memory_space<hbm>>
    %dma_wait3A_112 = tpu.memref_squeeze %dma_wait3A_111 : memref<1x128xi32, #tpu.memory_space<hbm>> -> memref<128xi32, #tpu.memory_space<hbm>>
    %dma_wait3A_113 = arith.constant 0 : i32
    %dma_wait3A_114 = tpu.memref_slice %arg6[%dma_wait3A, %dma_wait3A_113] : memref<4x128xi32, #tpu.memory_space<vmem>> -> memref<1x128xi32, #tpu.memory_space<vmem>>
    %dma_wait3A_115 = tpu.memref_squeeze %dma_wait3A_114 : memref<1x128xi32, #tpu.memory_space<vmem>> -> memref<128xi32, #tpu.memory_space<vmem>>
    %dma_wait3A_116 = arith.constant 0 : i32
    %dma_wait3A_117 = tpu.memref_slice %arg3[%mul3A_4, %dma_wait3A_116] : memref<2560x128xi32, #tpu.memory_space<hbm>> -> memref<1x128xi32, #tpu.memory_space<hbm>>
    %dma_wait3A_118 = tpu.memref_squeeze %dma_wait3A_117 : memref<1x128xi32, #tpu.memory_space<hbm>> -> memref<128xi32, #tpu.memory_space<hbm>>
    tpu.wait_dma2 semaphore(%arg11 : memref<!tpu.dma_semaphore, #tpu.memory_space<semaphore_mem>>) src(%dma_wait3A_118 : memref<128xi32, #tpu.memory_space<hbm>>) dst(%dma_wait3A_115 : memref<128xi32, #tpu.memory_space<vmem>>)
    %dma_wait3A_119 = arith.constant 0 : i32
    %dma_wait3A_120 = arith.constant 0 : i32
    %dma_wait3A_121 = tpu.memref_slice %arg7[%dma_wait3A_119, %dma_wait3A_120] : memref<4x128xi32, #tpu.memory_space<vmem>> -> memref<1x128xi32, #tpu.memory_space<vmem>>
    %dma_wait3A_122 = tpu.memref_squeeze %dma_wait3A_121 : memref<1x128xi32, #tpu.memory_space<vmem>> -> memref<128xi32, #tpu.memory_space<vmem>>
    %dma_wait3A_123 = arith.constant 0 : i32
    %dma_wait3A_124 = tpu.memref_slice %arg4[%mul3A_4, %dma_wait3A_123] : memref<2560x128xi32, #tpu.memory_space<hbm>> -> memref<1x128xi32, #tpu.memory_space<hbm>>
    %dma_wait3A_125 = tpu.memref_squeeze %dma_wait3A_124 : memref<1x128xi32, #tpu.memory_space<hbm>> -> memref<128xi32, #tpu.memory_space<hbm>>
    %dma_wait3A_126 = arith.constant 0 : i32
    %dma_wait3A_127 = tpu.memref_slice %arg7[%dma_wait3A_119, %dma_wait3A_126] : memref<4x128xi32, #tpu.memory_space<vmem>> -> memref<1x128xi32, #tpu.memory_space<vmem>>
    %dma_wait3A_128 = tpu.memref_squeeze %dma_wait3A_127 : memref<1x128xi32, #tpu.memory_space<vmem>> -> memref<128xi32, #tpu.memory_space<vmem>>
    %dma_wait3A_129 = arith.constant 0 : i32
    %dma_wait3A_130 = tpu.memref_slice %arg4[%mul3A_4, %dma_wait3A_129] : memref<2560x128xi32, #tpu.memory_space<hbm>> -> memref<1x128xi32, #tpu.memory_space<hbm>>
    %dma_wait3A_131 = tpu.memref_squeeze %dma_wait3A_130 : memref<1x128xi32, #tpu.memory_space<hbm>> -> memref<128xi32, #tpu.memory_space<hbm>>
    tpu.wait_dma2 semaphore(%arg11 : memref<!tpu.dma_semaphore, #tpu.memory_space<semaphore_mem>>) src(%dma_wait3A_131 : memref<128xi32, #tpu.memory_space<hbm>>) dst(%dma_wait3A_128 : memref<128xi32, #tpu.memory_space<vmem>>)
    %dma_start3A_132 = arith.constant 0 : i32
    %dma_start3A_133 = arith.constant 0 : i32
    %dma_start3A_134 = tpu.memref_slice %arg6[%dma_start3A_132, %dma_start3A_133] : memref<4x128xi32, #tpu.memory_space<vmem>> -> memref<1x128xi32, #tpu.memory_space<vmem>>
    %dma_start3A_135 = tpu.memref_squeeze %dma_start3A_134 : memref<1x128xi32, #tpu.memory_space<vmem>> -> memref<128xi32, #tpu.memory_space<vmem>>
    %dma_start3A_136 = arith.constant 0 : i32
    %dma_start3A_137 = arith.constant 0 : i32
    %dma_start3A_138 = tpu.memref_slice %arg2[%dma_start3A_136, %dma_start3A_137] : memref<10000x128xf32, #tpu.memory_space<hbm>> -> memref<10000x128xf32, #tpu.memory_space<hbm>>
    tpu.enqueue_indirect_dma source(%dma_start3A_138 : memref<10000x128xf32, #tpu.memory_space<hbm>>) target(%arg9 : memref<128x128xf32, #tpu.memory_space<vmem>>) offsets(%dma_start3A_135 : memref<128xi32, #tpu.memory_space<vmem>>) semaphore(%arg15 : memref<!tpu.dma_semaphore, #tpu.memory_space<semaphore_mem>>)
    %barrier3A = arith.constant 0 : index
    tpu.barrier barrier_id(%barrier3A)
    %scan3A_139 = arith.constant 0 : i32
    %scan3A_140 = arith.constant 0 : i32
    %scan3A_141 = arith.constant 20 : i32
    %scan3A_142 = arith.addi %scan3A_140, %scan3A_141 : i32
    %scan3A_143 = arith.constant 1 : i32
    %scan3A_144 = scf.for %scan3A_154 = %scan3A_140 to %scan3A_142 step %scan3A_143 iter_args(%scan3A_155 = %scan3A_139) -> (i32)  : i32 {
      %mul3A_156 = arith.constant 4 : i32
      %mul3A_157 = arith.muli %scan3A_154, %mul3A_156 : i32
      %add3A_158 = arith.constant 0 : i32
      %add3A_159 = arith.addi %mul3A_157, %add3A_158 : i32
      %ge3A = arith.constant 1 : i32
      %ge3A_160 = arith.cmpi sge, %add3A_159, %ge3A : i32
      %convert_element_type3A = arith.extui %ge3A_160 : i1 to i32
      %cond3A = arith.constant 0 : i32
      %cond3A_161 = arith.cmpi ne, %convert_element_type3A, %cond3A : i32
      scf.if %cond3A_161 {
        %dma_wait3A_301 = arith.constant 3 : i32
        %dma_wait3A_302 = arith.constant 0 : i32
        %dma_wait3A_303 = tpu.memref_slice %arg7[%dma_wait3A_301, %dma_wait3A_302] : memref<4x128xi32, #tpu.memory_space<vmem>> -> memref<1x128xi32, #tpu.memory_space<vmem>>
        %dma_wait3A_304 = tpu.memref_squeeze %dma_wait3A_303 : memref<1x128xi32, #tpu.memory_space<vmem>> -> memref<128xi32, #tpu.memory_space<vmem>>
        %dma_wait3A_305 = arith.constant 0 : i32
        %dma_wait3A_306 = arith.constant 0 : i32
        %dma_wait3A_307 = tpu.memref_slice %arg8[%dma_wait3A_305, %dma_wait3A_306] : memref<10240x128xf32, #tpu.memory_space<vmem_shared>> -> memref<10240x128xf32, #tpu.memory_space<vmem_shared>>
        tpu.wait_indirect_dma semaphore(%arg18 : memref<!tpu.dma_semaphore, #tpu.memory_space<semaphore_mem>>) src(%arg10 : memref<128x128xf32, #tpu.memory_space<vmem>>) dst(%dma_wait3A_307 : memref<10240x128xf32, #tpu.memory_space<vmem_shared>>)
      } else {
      }
      %add3A_162 = arith.constant 1 : i32
      %add3A_163 = arith.addi %add3A_159, %add3A_162 : i32
      %lt3A = arith.constant 80 : i32
      %lt3A_164 = arith.cmpi slt, %add3A_163, %lt3A : i32
      %convert_element_type3A_165 = arith.extui %lt3A_164 : i1 to i32
      %cond3A_166 = arith.constant 0 : i32
      %cond3A_167 = arith.cmpi ne, %convert_element_type3A_165, %cond3A_166 : i32
      scf.if %cond3A_167 {
        %dma_wait3A_301 = arith.constant 1 : i32
        %dma_wait3A_302 = arith.constant 0 : i32
        %dma_wait3A_303 = tpu.memref_slice %arg6[%dma_wait3A_301, %dma_wait3A_302] : memref<4x128xi32, #tpu.memory_space<vmem>> -> memref<1x128xi32, #tpu.memory_space<vmem>>
        %dma_wait3A_304 = tpu.memref_squeeze %dma_wait3A_303 : memref<1x128xi32, #tpu.memory_space<vmem>> -> memref<128xi32, #tpu.memory_space<vmem>>
        %dma_wait3A_305 = arith.constant 0 : i32
        %dma_wait3A_306 = tpu.memref_slice %arg3[%mul3A_4, %dma_wait3A_305] : memref<2560x128xi32, #tpu.memory_space<hbm>> -> memref<1x128xi32, #tpu.memory_space<hbm>>
        %dma_wait3A_307 = tpu.memref_squeeze %dma_wait3A_306 : memref<1x128xi32, #tpu.memory_space<hbm>> -> memref<128xi32, #tpu.memory_space<hbm>>
        %dma_wait3A_308 = arith.constant 0 : i32
        %dma_wait3A_309 = tpu.memref_slice %arg6[%dma_wait3A_301, %dma_wait3A_308] : memref<4x128xi32, #tpu.memory_space<vmem>> -> memref<1x128xi32, #tpu.memory_space<vmem>>
        %dma_wait3A_310 = tpu.memref_squeeze %dma_wait3A_309 : memref<1x128xi32, #tpu.memory_space<vmem>> -> memref<128xi32, #tpu.memory_space<vmem>>
        %dma_wait3A_311 = arith.constant 0 : i32
        %dma_wait3A_312 = tpu.memref_slice %arg3[%mul3A_4, %dma_wait3A_311] : memref<2560x128xi32, #tpu.memory_space<hbm>> -> memref<1x128xi32, #tpu.memory_space<hbm>>
        %dma_wait3A_313 = tpu.memref_squeeze %dma_wait3A_312 : memref<1x128xi32, #tpu.memory_space<hbm>> -> memref<128xi32, #tpu.memory_space<hbm>>
        tpu.wait_dma2 semaphore(%arg12 : memref<!tpu.dma_semaphore, #tpu.memory_space<semaphore_mem>>) src(%dma_wait3A_313 : memref<128xi32, #tpu.memory_space<hbm>>) dst(%dma_wait3A_310 : memref<128xi32, #tpu.memory_space<vmem>>)
        %dma_wait3A_314 = arith.constant 1 : i32
        %dma_wait3A_315 = arith.constant 0 : i32
        %dma_wait3A_316 = tpu.memref_slice %arg7[%dma_wait3A_314, %dma_wait3A_315] : memref<4x128xi32, #tpu.memory_space<vmem>> -> memref<1x128xi32, #tpu.memory_space<vmem>>
        %dma_wait3A_317 = tpu.memref_squeeze %dma_wait3A_316 : memref<1x128xi32, #tpu.memory_space<vmem>> -> memref<128xi32, #tpu.memory_space<vmem>>
        %dma_wait3A_318 = arith.constant 0 : i32
        %dma_wait3A_319 = tpu.memref_slice %arg4[%mul3A_4, %dma_wait3A_318] : memref<2560x128xi32, #tpu.memory_space<hbm>> -> memref<1x128xi32, #tpu.memory_space<hbm>>
        %dma_wait3A_320 = tpu.memref_squeeze %dma_wait3A_319 : memref<1x128xi32, #tpu.memory_space<hbm>> -> memref<128xi32, #tpu.memory_space<hbm>>
        %dma_wait3A_321 = arith.constant 0 : i32
        %dma_wait3A_322 = tpu.memref_slice %arg7[%dma_wait3A_314, %dma_wait3A_321] : memref<4x128xi32, #tpu.memory_space<vmem>> -> memref<1x128xi32, #tpu.memory_space<vmem>>
        %dma_wait3A_323 = tpu.memref_squeeze %dma_wait3A_322 : memref<1x128xi32, #tpu.memory_space<vmem>> -> memref<128xi32, #tpu.memory_space<vmem>>
        %dma_wait3A_324 = arith.constant 0 : i32
        %dma_wait3A_325 = tpu.memref_slice %arg4[%mul3A_4, %dma_wait3A_324] : memref<2560x128xi32, #tpu.memory_space<hbm>> -> memref<1x128xi32, #tpu.memory_space<hbm>>
        %dma_wait3A_326 = tpu.memref_squeeze %dma_wait3A_325 : memref<1x128xi32, #tpu.memory_space<hbm>> -> memref<128xi32, #tpu.memory_space<hbm>>
        tpu.wait_dma2 semaphore(%arg12 : memref<!tpu.dma_semaphore, #tpu.memory_space<semaphore_mem>>) src(%dma_wait3A_326 : memref<128xi32, #tpu.memory_space<hbm>>) dst(%dma_wait3A_323 : memref<128xi32, #tpu.memory_space<vmem>>)
        %add3A_327 = arith.constant 1 : i32
        %add3A_328 = arith.addi %add3A_159, %add3A_327 : i32
        %dma_start3A_329 = arith.constant 1 : i32
        %dma_start3A_330 = arith.constant 0 : i32
        %dma_start3A_331 = tpu.memref_slice %arg6[%dma_start3A_329, %dma_start3A_330] : memref<4x128xi32, #tpu.memory_space<vmem>> -> memref<1x128xi32, #tpu.memory_space<vmem>>
        %dma_start3A_332 = tpu.memref_squeeze %dma_start3A_331 : memref<1x128xi32, #tpu.memory_space<vmem>> -> memref<128xi32, #tpu.memory_space<vmem>>
        %dma_start3A_333 = arith.constant 0 : i32
        %dma_start3A_334 = arith.constant 0 : i32
        %dma_start3A_335 = tpu.memref_slice %arg2[%dma_start3A_333, %dma_start3A_334] : memref<10000x128xf32, #tpu.memory_space<hbm>> -> memref<10000x128xf32, #tpu.memory_space<hbm>>
        tpu.enqueue_indirect_dma source(%dma_start3A_335 : memref<10000x128xf32, #tpu.memory_space<hbm>>) target(%arg10 : memref<128x128xf32, #tpu.memory_space<vmem>>) offsets(%dma_start3A_332 : memref<128xi32, #tpu.memory_space<vmem>>) semaphore(%arg16 : memref<!tpu.dma_semaphore, #tpu.memory_space<semaphore_mem>>)
      } else {
      }
      %dma_wait3A_168 = arith.constant 0 : i32
      %dma_wait3A_169 = arith.constant 0 : i32
      %dma_wait3A_170 = tpu.memref_slice %arg6[%dma_wait3A_168, %dma_wait3A_169] : memref<4x128xi32, #tpu.memory_space<vmem>> -> memref<1x128xi32, #tpu.memory_space<vmem>>
      %dma_wait3A_171 = tpu.memref_squeeze %dma_wait3A_170 : memref<1x128xi32, #tpu.memory_space<vmem>> -> memref<128xi32, #tpu.memory_space<vmem>>
      %dma_wait3A_172 = arith.constant 0 : i32
      %dma_wait3A_173 = arith.constant 0 : i32
      %dma_wait3A_174 = tpu.memref_slice %arg2[%dma_wait3A_172, %dma_wait3A_173] : memref<10000x128xf32, #tpu.memory_space<hbm>> -> memref<10000x128xf32, #tpu.memory_space<hbm>>
      tpu.wait_indirect_dma semaphore(%arg15 : memref<!tpu.dma_semaphore, #tpu.memory_space<semaphore_mem>>) src(%dma_wait3A_174 : memref<10000x128xf32, #tpu.memory_space<hbm>>) dst(%arg9 : memref<128x128xf32, #tpu.memory_space<vmem>>)
      %dma_start3A_175 = arith.constant 0 : i32
      %dma_start3A_176 = arith.constant 0 : i32
      %dma_start3A_177 = tpu.memref_slice %arg7[%dma_start3A_175, %dma_start3A_176] : memref<4x128xi32, #tpu.memory_space<vmem>> -> memref<1x128xi32, #tpu.memory_space<vmem>>
      %dma_start3A_178 = tpu.memref_squeeze %dma_start3A_177 : memref<1x128xi32, #tpu.memory_space<vmem>> -> memref<128xi32, #tpu.memory_space<vmem>>
      %dma_start3A_179 = arith.constant 0 : i32
      %dma_start3A_180 = arith.constant 0 : i32
      %dma_start3A_181 = tpu.memref_slice %arg8[%dma_start3A_179, %dma_start3A_180] : memref<10240x128xf32, #tpu.memory_space<vmem_shared>> -> memref<10240x128xf32, #tpu.memory_space<vmem_shared>>
      tpu.enqueue_indirect_dma source(%arg9 : memref<128x128xf32, #tpu.memory_space<vmem>>) target(%dma_start3A_181 : memref<10240x128xf32, #tpu.memory_space<vmem_shared>>) offsets(%dma_start3A_178 : memref<128xi32, #tpu.memory_space<vmem>>) semaphore(%arg17 : memref<!tpu.dma_semaphore, #tpu.memory_space<semaphore_mem>>) {add = true}
      %add3A_182 = arith.constant 3 : i32
      %add3A_183 = arith.addi %add3A_159, %add3A_182 : i32
      %lt3A_184 = arith.constant 80 : i32
      %lt3A_185 = arith.cmpi slt, %add3A_183, %lt3A_184 : i32
      %convert_element_type3A_186 = arith.extui %lt3A_185 : i1 to i32
      %cond3A_187 = arith.constant 0 : i32
      %cond3A_188 = arith.cmpi ne, %convert_element_type3A_186, %cond3A_187 : i32
      scf.if %cond3A_188 {
        %add3A_301 = arith.constant 3 : i32
        %add3A_302 = arith.addi %add3A_159, %add3A_301 : i32
        %add3A_303 = arith.addi %mul3A_4, %add3A_302 : i32
        %dma_start3A_304 = arith.constant 3 : i32
        %dma_start3A_305 = arith.constant 0 : i32
        %dma_start3A_306 = tpu.memref_slice %arg6[%dma_start3A_304, %dma_start3A_305] : memref<4x128xi32, #tpu.memory_space<vmem>> -> memref<1x128xi32, #tpu.memory_space<vmem>>
        %dma_start3A_307 = tpu.memref_squeeze %dma_start3A_306 : memref<1x128xi32, #tpu.memory_space<vmem>> -> memref<128xi32, #tpu.memory_space<vmem>>
        %dma_start3A_308 = arith.constant 0 : i32
        %dma_start3A_309 = tpu.memref_slice %arg3[%add3A_303, %dma_start3A_308] : memref<2560x128xi32, #tpu.memory_space<hbm>> -> memref<1x128xi32, #tpu.memory_space<hbm>>
        %dma_start3A_310 = tpu.memref_squeeze %dma_start3A_309 : memref<1x128xi32, #tpu.memory_space<hbm>> -> memref<128xi32, #tpu.memory_space<hbm>>
        %dma_start3A_311 = arith.constant 0 : i32
        %dma_start3A_312 = tpu.memref_slice %arg6[%dma_start3A_304, %dma_start3A_311] : memref<4x128xi32, #tpu.memory_space<vmem>> -> memref<1x128xi32, #tpu.memory_space<vmem>>
        %dma_start3A_313 = tpu.memref_squeeze %dma_start3A_312 : memref<1x128xi32, #tpu.memory_space<vmem>> -> memref<128xi32, #tpu.memory_space<vmem>>
        %dma_start3A_314 = arith.constant 0 : i32
        %dma_start3A_315 = tpu.memref_slice %arg3[%add3A_303, %dma_start3A_314] : memref<2560x128xi32, #tpu.memory_space<hbm>> -> memref<1x128xi32, #tpu.memory_space<hbm>>
        %dma_start3A_316 = tpu.memref_squeeze %dma_start3A_315 : memref<1x128xi32, #tpu.memory_space<hbm>> -> memref<128xi32, #tpu.memory_space<hbm>>
        tpu.enqueue_dma source(%dma_start3A_316 : memref<128xi32, #tpu.memory_space<hbm>>) target(%dma_start3A_313 : memref<128xi32, #tpu.memory_space<vmem>>) target_semaphore(%arg14 : memref<!tpu.dma_semaphore, #tpu.memory_space<semaphore_mem>>)
        %add3A_317 = arith.addi %mul3A_4, %add3A_302 : i32
        %dma_start3A_318 = arith.constant 3 : i32
        %dma_start3A_319 = arith.constant 0 : i32
        %dma_start3A_320 = tpu.memref_slice %arg7[%dma_start3A_318, %dma_start3A_319] : memref<4x128xi32, #tpu.memory_space<vmem>> -> memref<1x128xi32, #tpu.memory_space<vmem>>
        %dma_start3A_321 = tpu.memref_squeeze %dma_start3A_320 : memref<1x128xi32, #tpu.memory_space<vmem>> -> memref<128xi32, #tpu.memory_space<vmem>>
        %dma_start3A_322 = arith.constant 0 : i32
        %dma_start3A_323 = tpu.memref_slice %arg4[%add3A_317, %dma_start3A_322] : memref<2560x128xi32, #tpu.memory_space<hbm>> -> memref<1x128xi32, #tpu.memory_space<hbm>>
        %dma_start3A_324 = tpu.memref_squeeze %dma_start3A_323 : memref<1x128xi32, #tpu.memory_space<hbm>> -> memref<128xi32, #tpu.memory_space<hbm>>
        %dma_start3A_325 = arith.constant 0 : i32
        %dma_start3A_326 = tpu.memref_slice %arg7[%dma_start3A_318, %dma_start3A_325] : memref<4x128xi32, #tpu.memory_space<vmem>> -> memref<1x128xi32, #tpu.memory_space<vmem>>
        %dma_start3A_327 = tpu.memref_squeeze %dma_start3A_326 : memref<1x128xi32, #tpu.memory_space<vmem>> -> memref<128xi32, #tpu.memory_space<vmem>>
        %dma_start3A_328 = arith.constant 0 : i32
        %dma_start3A_329 = tpu.memref_slice %arg4[%add3A_317, %dma_start3A_328] : memref<2560x128xi32, #tpu.memory_space<hbm>> -> memref<1x128xi32, #tpu.memory_space<hbm>>
        %dma_start3A_330 = tpu.memref_squeeze %dma_start3A_329 : memref<1x128xi32, #tpu.memory_space<hbm>> -> memref<128xi32, #tpu.memory_space<hbm>>
        tpu.enqueue_dma source(%dma_start3A_330 : memref<128xi32, #tpu.memory_space<hbm>>) target(%dma_start3A_327 : memref<128xi32, #tpu.memory_space<vmem>>) target_semaphore(%arg14 : memref<!tpu.dma_semaphore, #tpu.memory_space<semaphore_mem>>)
      } else {
      }
      %mul3A_189 = arith.constant 4 : i32
      %mul3A_190 = arith.muli %scan3A_154, %mul3A_189 : i32
      %add3A_191 = arith.constant 1 : i32
      %add3A_192 = arith.addi %mul3A_190, %add3A_191 : i32
      %ge3A_193 = arith.constant 1 : i32
      %ge3A_194 = arith.cmpi sge, %add3A_192, %ge3A_193 : i32
      %convert_element_type3A_195 = arith.extui %ge3A_194 : i1 to i32
      %cond3A_196 = arith.constant 0 : i32
      %cond3A_197 = arith.cmpi ne, %convert_element_type3A_195, %cond3A_196 : i32
      scf.if %cond3A_197 {
        %dma_wait3A_301 = arith.constant 0 : i32
        %dma_wait3A_302 = arith.constant 0 : i32
        %dma_wait3A_303 = tpu.memref_slice %arg7[%dma_wait3A_301, %dma_wait3A_302] : memref<4x128xi32, #tpu.memory_space<vmem>> -> memref<1x128xi32, #tpu.memory_space<vmem>>
        %dma_wait3A_304 = tpu.memref_squeeze %dma_wait3A_303 : memref<1x128xi32, #tpu.memory_space<vmem>> -> memref<128xi32, #tpu.memory_space<vmem>>
        %dma_wait3A_305 = arith.constant 0 : i32
        %dma_wait3A_306 = arith.constant 0 : i32
        %dma_wait3A_307 = tpu.memref_slice %arg8[%dma_wait3A_305, %dma_wait3A_306] : memref<10240x128xf32, #tpu.memory_space<vmem_shared>> -> memref<10240x128xf32, #tpu.memory_space<vmem_shared>>
        tpu.wait_indirect_dma semaphore(%arg17 : memref<!tpu.dma_semaphore, #tpu.memory_space<semaphore_mem>>) src(%arg9 : memref<128x128xf32, #tpu.memory_space<vmem>>) dst(%dma_wait3A_307 : memref<10240x128xf32, #tpu.memory_space<vmem_shared>>)
      } else {
      }
      %add3A_198 = arith.constant 1 : i32
      %add3A_199 = arith.addi %add3A_192, %add3A_198 : i32
      %lt3A_200 = arith.constant 80 : i32
      %lt3A_201 = arith.cmpi slt, %add3A_199, %lt3A_200 : i32
      %convert_element_type3A_202 = arith.extui %lt3A_201 : i1 to i32
      %cond3A_203 = arith.constant 0 : i32
      %cond3A_204 = arith.cmpi ne, %convert_element_type3A_202, %cond3A_203 : i32
      scf.if %cond3A_204 {
        %dma_wait3A_301 = arith.constant 2 : i32
        %dma_wait3A_302 = arith.constant 0 : i32
        %dma_wait3A_303 = tpu.memref_slice %arg6[%dma_wait3A_301, %dma_wait3A_302] : memref<4x128xi32, #tpu.memory_space<vmem>> -> memref<1x128xi32, #tpu.memory_space<vmem>>
        %dma_wait3A_304 = tpu.memref_squeeze %dma_wait3A_303 : memref<1x128xi32, #tpu.memory_space<vmem>> -> memref<128xi32, #tpu.memory_space<vmem>>
        %dma_wait3A_305 = arith.constant 0 : i32
        %dma_wait3A_306 = tpu.memref_slice %arg3[%mul3A_4, %dma_wait3A_305] : memref<2560x128xi32, #tpu.memory_space<hbm>> -> memref<1x128xi32, #tpu.memory_space<hbm>>
        %dma_wait3A_307 = tpu.memref_squeeze %dma_wait3A_306 : memref<1x128xi32, #tpu.memory_space<hbm>> -> memref<128xi32, #tpu.memory_space<hbm>>
        %dma_wait3A_308 = arith.constant 0 : i32
        %dma_wait3A_309 = tpu.memref_slice %arg6[%dma_wait3A_301, %dma_wait3A_308] : memref<4x128xi32, #tpu.memory_space<vmem>> -> memref<1x128xi32, #tpu.memory_space<vmem>>
        %dma_wait3A_310 = tpu.memref_squeeze %dma_wait3A_309 : memref<1x128xi32, #tpu.memory_space<vmem>> -> memref<128xi32, #tpu.memory_space<vmem>>
        %dma_wait3A_311 = arith.constant 0 : i32
        %dma_wait3A_312 = tpu.memref_slice %arg3[%mul3A_4, %dma_wait3A_311] : memref<2560x128xi32, #tpu.memory_space<hbm>> -> memref<1x128xi32, #tpu.memory_space<hbm>>
        %dma_wait3A_313 = tpu.memref_squeeze %dma_wait3A_312 : memref<1x128xi32, #tpu.memory_space<hbm>> -> memref<128xi32, #tpu.memory_space<hbm>>
        tpu.wait_dma2 semaphore(%arg13 : memref<!tpu.dma_semaphore, #tpu.memory_space<semaphore_mem>>) src(%dma_wait3A_313 : memref<128xi32, #tpu.memory_space<hbm>>) dst(%dma_wait3A_310 : memref<128xi32, #tpu.memory_space<vmem>>)
        %dma_wait3A_314 = arith.constant 2 : i32
        %dma_wait3A_315 = arith.constant 0 : i32
        %dma_wait3A_316 = tpu.memref_slice %arg7[%dma_wait3A_314, %dma_wait3A_315] : memref<4x128xi32, #tpu.memory_space<vmem>> -> memref<1x128xi32, #tpu.memory_space<vmem>>
        %dma_wait3A_317 = tpu.memref_squeeze %dma_wait3A_316 : memref<1x128xi32, #tpu.memory_space<vmem>> -> memref<128xi32, #tpu.memory_space<vmem>>
        %dma_wait3A_318 = arith.constant 0 : i32
        %dma_wait3A_319 = tpu.memref_slice %arg4[%mul3A_4, %dma_wait3A_318] : memref<2560x128xi32, #tpu.memory_space<hbm>> -> memref<1x128xi32, #tpu.memory_space<hbm>>
        %dma_wait3A_320 = tpu.memref_squeeze %dma_wait3A_319 : memref<1x128xi32, #tpu.memory_space<hbm>> -> memref<128xi32, #tpu.memory_space<hbm>>
        %dma_wait3A_321 = arith.constant 0 : i32
        %dma_wait3A_322 = tpu.memref_slice %arg7[%dma_wait3A_314, %dma_wait3A_321] : memref<4x128xi32, #tpu.memory_space<vmem>> -> memref<1x128xi32, #tpu.memory_space<vmem>>
        %dma_wait3A_323 = tpu.memref_squeeze %dma_wait3A_322 : memref<1x128xi32, #tpu.memory_space<vmem>> -> memref<128xi32, #tpu.memory_space<vmem>>
        %dma_wait3A_324 = arith.constant 0 : i32
        %dma_wait3A_325 = tpu.memref_slice %arg4[%mul3A_4, %dma_wait3A_324] : memref<2560x128xi32, #tpu.memory_space<hbm>> -> memref<1x128xi32, #tpu.memory_space<hbm>>
        %dma_wait3A_326 = tpu.memref_squeeze %dma_wait3A_325 : memref<1x128xi32, #tpu.memory_space<hbm>> -> memref<128xi32, #tpu.memory_space<hbm>>
        tpu.wait_dma2 semaphore(%arg13 : memref<!tpu.dma_semaphore, #tpu.memory_space<semaphore_mem>>) src(%dma_wait3A_326 : memref<128xi32, #tpu.memory_space<hbm>>) dst(%dma_wait3A_323 : memref<128xi32, #tpu.memory_space<vmem>>)
        %add3A_327 = arith.constant 1 : i32
        %add3A_328 = arith.addi %add3A_192, %add3A_327 : i32
        %dma_start3A_329 = arith.constant 2 : i32
        %dma_start3A_330 = arith.constant 0 : i32
        %dma_start3A_331 = tpu.memref_slice %arg6[%dma_start3A_329, %dma_start3A_330] : memref<4x128xi32, #tpu.memory_space<vmem>> -> memref<1x128xi32, #tpu.memory_space<vmem>>
        %dma_start3A_332 = tpu.memref_squeeze %dma_start3A_331 : memref<1x128xi32, #tpu.memory_space<vmem>> -> memref<128xi32, #tpu.memory_space<vmem>>
        %dma_start3A_333 = arith.constant 0 : i32
        %dma_start3A_334 = arith.constant 0 : i32
        %dma_start3A_335 = tpu.memref_slice %arg2[%dma_start3A_333, %dma_start3A_334] : memref<10000x128xf32, #tpu.memory_space<hbm>> -> memref<10000x128xf32, #tpu.memory_space<hbm>>
        tpu.enqueue_indirect_dma source(%dma_start3A_335 : memref<10000x128xf32, #tpu.memory_space<hbm>>) target(%arg9 : memref<128x128xf32, #tpu.memory_space<vmem>>) offsets(%dma_start3A_332 : memref<128xi32, #tpu.memory_space<vmem>>) semaphore(%arg15 : memref<!tpu.dma_semaphore, #tpu.memory_space<semaphore_mem>>)
      } else {
      }
      %dma_wait3A_205 = arith.constant 1 : i32
      %dma_wait3A_206 = arith.constant 0 : i32
      %dma_wait3A_207 = tpu.memref_slice %arg6[%dma_wait3A_205, %dma_wait3A_206] : memref<4x128xi32, #tpu.memory_space<vmem>> -> memref<1x128xi32, #tpu.memory_space<vmem>>
      %dma_wait3A_208 = tpu.memref_squeeze %dma_wait3A_207 : memref<1x128xi32, #tpu.memory_space<vmem>> -> memref<128xi32, #tpu.memory_space<vmem>>
      %dma_wait3A_209 = arith.constant 0 : i32
      %dma_wait3A_210 = arith.constant 0 : i32
      %dma_wait3A_211 = tpu.memref_slice %arg2[%dma_wait3A_209, %dma_wait3A_210] : memref<10000x128xf32, #tpu.memory_space<hbm>> -> memref<10000x128xf32, #tpu.memory_space<hbm>>
      tpu.wait_indirect_dma semaphore(%arg16 : memref<!tpu.dma_semaphore, #tpu.memory_space<semaphore_mem>>) src(%dma_wait3A_211 : memref<10000x128xf32, #tpu.memory_space<hbm>>) dst(%arg10 : memref<128x128xf32, #tpu.memory_space<vmem>>)
      %dma_start3A_212 = arith.constant 1 : i32
      %dma_start3A_213 = arith.constant 0 : i32
      %dma_start3A_214 = tpu.memref_slice %arg7[%dma_start3A_212, %dma_start3A_213] : memref<4x128xi32, #tpu.memory_space<vmem>> -> memref<1x128xi32, #tpu.memory_space<vmem>>
      %dma_start3A_215 = tpu.memref_squeeze %dma_start3A_214 : memref<1x128xi32, #tpu.memory_space<vmem>> -> memref<128xi32, #tpu.memory_space<vmem>>
      %dma_start3A_216 = arith.constant 0 : i32
      %dma_start3A_217 = arith.constant 0 : i32
      %dma_start3A_218 = tpu.memref_slice %arg8[%dma_start3A_216, %dma_start3A_217] : memref<10240x128xf32, #tpu.memory_space<vmem_shared>> -> memref<10240x128xf32, #tpu.memory_space<vmem_shared>>
      tpu.enqueue_indirect_dma source(%arg10 : memref<128x128xf32, #tpu.memory_space<vmem>>) target(%dma_start3A_218 : memref<10240x128xf32, #tpu.memory_space<vmem_shared>>) offsets(%dma_start3A_215 : memref<128xi32, #tpu.memory_space<vmem>>) semaphore(%arg18 : memref<!tpu.dma_semaphore, #tpu.memory_space<semaphore_mem>>) {add = true}
      %add3A_219 = arith.constant 3 : i32
      %add3A_220 = arith.addi %add3A_192, %add3A_219 : i32
      %lt3A_221 = arith.constant 80 : i32
      %lt3A_222 = arith.cmpi slt, %add3A_220, %lt3A_221 : i32
      %convert_element_type3A_223 = arith.extui %lt3A_222 : i1 to i32
      %cond3A_224 = arith.constant 0 : i32
      %cond3A_225 = arith.cmpi ne, %convert_element_type3A_223, %cond3A_224 : i32
      scf.if %cond3A_225 {
        %add3A_301 = arith.constant 3 : i32
        %add3A_302 = arith.addi %add3A_192, %add3A_301 : i32
        %add3A_303 = arith.addi %mul3A_4, %add3A_302 : i32
        %dma_start3A_304 = arith.constant 0 : i32
        %dma_start3A_305 = arith.constant 0 : i32
        %dma_start3A_306 = tpu.memref_slice %arg6[%dma_start3A_304, %dma_start3A_305] : memref<4x128xi32, #tpu.memory_space<vmem>> -> memref<1x128xi32, #tpu.memory_space<vmem>>
        %dma_start3A_307 = tpu.memref_squeeze %dma_start3A_306 : memref<1x128xi32, #tpu.memory_space<vmem>> -> memref<128xi32, #tpu.memory_space<vmem>>
        %dma_start3A_308 = arith.constant 0 : i32
        %dma_start3A_309 = tpu.memref_slice %arg3[%add3A_303, %dma_start3A_308] : memref<2560x128xi32, #tpu.memory_space<hbm>> -> memref<1x128xi32, #tpu.memory_space<hbm>>
        %dma_start3A_310 = tpu.memref_squeeze %dma_start3A_309 : memref<1x128xi32, #tpu.memory_space<hbm>> -> memref<128xi32, #tpu.memory_space<hbm>>
        %dma_start3A_311 = arith.constant 0 : i32
        %dma_start3A_312 = tpu.memref_slice %arg6[%dma_start3A_304, %dma_start3A_311] : memref<4x128xi32, #tpu.memory_space<vmem>> -> memref<1x128xi32, #tpu.memory_space<vmem>>
        %dma_start3A_313 = tpu.memref_squeeze %dma_start3A_312 : memref<1x128xi32, #tpu.memory_space<vmem>> -> memref<128xi32, #tpu.memory_space<vmem>>
        %dma_start3A_314 = arith.constant 0 : i32
        %dma_start3A_315 = tpu.memref_slice %arg3[%add3A_303, %dma_start3A_314] : memref<2560x128xi32, #tpu.memory_space<hbm>> -> memref<1x128xi32, #tpu.memory_space<hbm>>
        %dma_start3A_316 = tpu.memref_squeeze %dma_start3A_315 : memref<1x128xi32, #tpu.memory_space<hbm>> -> memref<128xi32, #tpu.memory_space<hbm>>
        tpu.enqueue_dma source(%dma_start3A_316 : memref<128xi32, #tpu.memory_space<hbm>>) target(%dma_start3A_313 : memref<128xi32, #tpu.memory_space<vmem>>) target_semaphore(%arg11 : memref<!tpu.dma_semaphore, #tpu.memory_space<semaphore_mem>>)
        %add3A_317 = arith.addi %mul3A_4, %add3A_302 : i32
        %dma_start3A_318 = arith.constant 0 : i32
        %dma_start3A_319 = arith.constant 0 : i32
        %dma_start3A_320 = tpu.memref_slice %arg7[%dma_start3A_318, %dma_start3A_319] : memref<4x128xi32, #tpu.memory_space<vmem>> -> memref<1x128xi32, #tpu.memory_space<vmem>>
        %dma_start3A_321 = tpu.memref_squeeze %dma_start3A_320 : memref<1x128xi32, #tpu.memory_space<vmem>> -> memref<128xi32, #tpu.memory_space<vmem>>
        %dma_start3A_322 = arith.constant 0 : i32
        %dma_start3A_323 = tpu.memref_slice %arg4[%add3A_317, %dma_start3A_322] : memref<2560x128xi32, #tpu.memory_space<hbm>> -> memref<1x128xi32, #tpu.memory_space<hbm>>
        %dma_start3A_324 = tpu.memref_squeeze %dma_start3A_323 : memref<1x128xi32, #tpu.memory_space<hbm>> -> memref<128xi32, #tpu.memory_space<hbm>>
        %dma_start3A_325 = arith.constant 0 : i32
        %dma_start3A_326 = tpu.memref_slice %arg7[%dma_start3A_318, %dma_start3A_325] : memref<4x128xi32, #tpu.memory_space<vmem>> -> memref<1x128xi32, #tpu.memory_space<vmem>>
        %dma_start3A_327 = tpu.memref_squeeze %dma_start3A_326 : memref<1x128xi32, #tpu.memory_space<vmem>> -> memref<128xi32, #tpu.memory_space<vmem>>
        %dma_start3A_328 = arith.constant 0 : i32
        %dma_start3A_329 = tpu.memref_slice %arg4[%add3A_317, %dma_start3A_328] : memref<2560x128xi32, #tpu.memory_space<hbm>> -> memref<1x128xi32, #tpu.memory_space<hbm>>
        %dma_start3A_330 = tpu.memref_squeeze %dma_start3A_329 : memref<1x128xi32, #tpu.memory_space<hbm>> -> memref<128xi32, #tpu.memory_space<hbm>>
        tpu.enqueue_dma source(%dma_start3A_330 : memref<128xi32, #tpu.memory_space<hbm>>) target(%dma_start3A_327 : memref<128xi32, #tpu.memory_space<vmem>>) target_semaphore(%arg11 : memref<!tpu.dma_semaphore, #tpu.memory_space<semaphore_mem>>)
      } else {
      }
      %mul3A_226 = arith.constant 4 : i32
      %mul3A_227 = arith.muli %scan3A_154, %mul3A_226 : i32
      %add3A_228 = arith.constant 2 : i32
      %add3A_229 = arith.addi %mul3A_227, %add3A_228 : i32
      %ge3A_230 = arith.constant 1 : i32
      %ge3A_231 = arith.cmpi sge, %add3A_229, %ge3A_230 : i32
      %convert_element_type3A_232 = arith.extui %ge3A_231 : i1 to i32
      %cond3A_233 = arith.constant 0 : i32
      %cond3A_234 = arith.cmpi ne, %convert_element_type3A_232, %cond3A_233 : i32
      scf.if %cond3A_234 {
        %dma_wait3A_301 = arith.constant 1 : i32
        %dma_wait3A_302 = arith.constant 0 : i32
        %dma_wait3A_303 = tpu.memref_slice %arg7[%dma_wait3A_301, %dma_wait3A_302] : memref<4x128xi32, #tpu.memory_space<vmem>> -> memref<1x128xi32, #tpu.memory_space<vmem>>
        %dma_wait3A_304 = tpu.memref_squeeze %dma_wait3A_303 : memref<1x128xi32, #tpu.memory_space<vmem>> -> memref<128xi32, #tpu.memory_space<vmem>>
        %dma_wait3A_305 = arith.constant 0 : i32
        %dma_wait3A_306 = arith.constant 0 : i32
        %dma_wait3A_307 = tpu.memref_slice %arg8[%dma_wait3A_305, %dma_wait3A_306] : memref<10240x128xf32, #tpu.memory_space<vmem_shared>> -> memref<10240x128xf32, #tpu.memory_space<vmem_shared>>
        tpu.wait_indirect_dma semaphore(%arg18 : memref<!tpu.dma_semaphore, #tpu.memory_space<semaphore_mem>>) src(%arg10 : memref<128x128xf32, #tpu.memory_space<vmem>>) dst(%dma_wait3A_307 : memref<10240x128xf32, #tpu.memory_space<vmem_shared>>)
      } else {
      }
      %add3A_235 = arith.constant 1 : i32
      %add3A_236 = arith.addi %add3A_229, %add3A_235 : i32
      %lt3A_237 = arith.constant 80 : i32
      %lt3A_238 = arith.cmpi slt, %add3A_236, %lt3A_237 : i32
      %convert_element_type3A_239 = arith.extui %lt3A_238 : i1 to i32
      %cond3A_240 = arith.constant 0 : i32
      %cond3A_241 = arith.cmpi ne, %convert_element_type3A_239, %cond3A_240 : i32
      scf.if %cond3A_241 {
        %dma_wait3A_301 = arith.constant 3 : i32
        %dma_wait3A_302 = arith.constant 0 : i32
        %dma_wait3A_303 = tpu.memref_slice %arg6[%dma_wait3A_301, %dma_wait3A_302] : memref<4x128xi32, #tpu.memory_space<vmem>> -> memref<1x128xi32, #tpu.memory_space<vmem>>
        %dma_wait3A_304 = tpu.memref_squeeze %dma_wait3A_303 : memref<1x128xi32, #tpu.memory_space<vmem>> -> memref<128xi32, #tpu.memory_space<vmem>>
        %dma_wait3A_305 = arith.constant 0 : i32
        %dma_wait3A_306 = tpu.memref_slice %arg3[%mul3A_4, %dma_wait3A_305] : memref<2560x128xi32, #tpu.memory_space<hbm>> -> memref<1x128xi32, #tpu.memory_space<hbm>>
        %dma_wait3A_307 = tpu.memref_squeeze %dma_wait3A_306 : memref<1x128xi32, #tpu.memory_space<hbm>> -> memref<128xi32, #tpu.memory_space<hbm>>
        %dma_wait3A_308 = arith.constant 0 : i32
        %dma_wait3A_309 = tpu.memref_slice %arg6[%dma_wait3A_301, %dma_wait3A_308] : memref<4x128xi32, #tpu.memory_space<vmem>> -> memref<1x128xi32, #tpu.memory_space<vmem>>
        %dma_wait3A_310 = tpu.memref_squeeze %dma_wait3A_309 : memref<1x128xi32, #tpu.memory_space<vmem>> -> memref<128xi32, #tpu.memory_space<vmem>>
        %dma_wait3A_311 = arith.constant 0 : i32
        %dma_wait3A_312 = tpu.memref_slice %arg3[%mul3A_4, %dma_wait3A_311] : memref<2560x128xi32, #tpu.memory_space<hbm>> -> memref<1x128xi32, #tpu.memory_space<hbm>>
        %dma_wait3A_313 = tpu.memref_squeeze %dma_wait3A_312 : memref<1x128xi32, #tpu.memory_space<hbm>> -> memref<128xi32, #tpu.memory_space<hbm>>
        tpu.wait_dma2 semaphore(%arg14 : memref<!tpu.dma_semaphore, #tpu.memory_space<semaphore_mem>>) src(%dma_wait3A_313 : memref<128xi32, #tpu.memory_space<hbm>>) dst(%dma_wait3A_310 : memref<128xi32, #tpu.memory_space<vmem>>)
        %dma_wait3A_314 = arith.constant 3 : i32
        %dma_wait3A_315 = arith.constant 0 : i32
        %dma_wait3A_316 = tpu.memref_slice %arg7[%dma_wait3A_314, %dma_wait3A_315] : memref<4x128xi32, #tpu.memory_space<vmem>> -> memref<1x128xi32, #tpu.memory_space<vmem>>
        %dma_wait3A_317 = tpu.memref_squeeze %dma_wait3A_316 : memref<1x128xi32, #tpu.memory_space<vmem>> -> memref<128xi32, #tpu.memory_space<vmem>>
        %dma_wait3A_318 = arith.constant 0 : i32
        %dma_wait3A_319 = tpu.memref_slice %arg4[%mul3A_4, %dma_wait3A_318] : memref<2560x128xi32, #tpu.memory_space<hbm>> -> memref<1x128xi32, #tpu.memory_space<hbm>>
        %dma_wait3A_320 = tpu.memref_squeeze %dma_wait3A_319 : memref<1x128xi32, #tpu.memory_space<hbm>> -> memref<128xi32, #tpu.memory_space<hbm>>
        %dma_wait3A_321 = arith.constant 0 : i32
        %dma_wait3A_322 = tpu.memref_slice %arg7[%dma_wait3A_314, %dma_wait3A_321] : memref<4x128xi32, #tpu.memory_space<vmem>> -> memref<1x128xi32, #tpu.memory_space<vmem>>
        %dma_wait3A_323 = tpu.memref_squeeze %dma_wait3A_322 : memref<1x128xi32, #tpu.memory_space<vmem>> -> memref<128xi32, #tpu.memory_space<vmem>>
        %dma_wait3A_324 = arith.constant 0 : i32
        %dma_wait3A_325 = tpu.memref_slice %arg4[%mul3A_4, %dma_wait3A_324] : memref<2560x128xi32, #tpu.memory_space<hbm>> -> memref<1x128xi32, #tpu.memory_space<hbm>>
        %dma_wait3A_326 = tpu.memref_squeeze %dma_wait3A_325 : memref<1x128xi32, #tpu.memory_space<hbm>> -> memref<128xi32, #tpu.memory_space<hbm>>
        tpu.wait_dma2 semaphore(%arg14 : memref<!tpu.dma_semaphore, #tpu.memory_space<semaphore_mem>>) src(%dma_wait3A_326 : memref<128xi32, #tpu.memory_space<hbm>>) dst(%dma_wait3A_323 : memref<128xi32, #tpu.memory_space<vmem>>)
        %add3A_327 = arith.constant 1 : i32
        %add3A_328 = arith.addi %add3A_229, %add3A_327 : i32
        %dma_start3A_329 = arith.constant 3 : i32
        %dma_start3A_330 = arith.constant 0 : i32
        %dma_start3A_331 = tpu.memref_slice %arg6[%dma_start3A_329, %dma_start3A_330] : memref<4x128xi32, #tpu.memory_space<vmem>> -> memref<1x128xi32, #tpu.memory_space<vmem>>
        %dma_start3A_332 = tpu.memref_squeeze %dma_start3A_331 : memref<1x128xi32, #tpu.memory_space<vmem>> -> memref<128xi32, #tpu.memory_space<vmem>>
        %dma_start3A_333 = arith.constant 0 : i32
        %dma_start3A_334 = arith.constant 0 : i32
        %dma_start3A_335 = tpu.memref_slice %arg2[%dma_start3A_333, %dma_start3A_334] : memref<10000x128xf32, #tpu.memory_space<hbm>> -> memref<10000x128xf32, #tpu.memory_space<hbm>>
        tpu.enqueue_indirect_dma source(%dma_start3A_335 : memref<10000x128xf32, #tpu.memory_space<hbm>>) target(%arg10 : memref<128x128xf32, #tpu.memory_space<vmem>>) offsets(%dma_start3A_332 : memref<128xi32, #tpu.memory_space<vmem>>) semaphore(%arg16 : memref<!tpu.dma_semaphore, #tpu.memory_space<semaphore_mem>>)
      } else {
      }
      %dma_wait3A_242 = arith.constant 2 : i32
      %dma_wait3A_243 = arith.constant 0 : i32
      %dma_wait3A_244 = tpu.memref_slice %arg6[%dma_wait3A_242, %dma_wait3A_243] : memref<4x128xi32, #tpu.memory_space<vmem>> -> memref<1x128xi32, #tpu.memory_space<vmem>>
      %dma_wait3A_245 = tpu.memref_squeeze %dma_wait3A_244 : memref<1x128xi32, #tpu.memory_space<vmem>> -> memref<128xi32, #tpu.memory_space<vmem>>
      %dma_wait3A_246 = arith.constant 0 : i32
      %dma_wait3A_247 = arith.constant 0 : i32
      %dma_wait3A_248 = tpu.memref_slice %arg2[%dma_wait3A_246, %dma_wait3A_247] : memref<10000x128xf32, #tpu.memory_space<hbm>> -> memref<10000x128xf32, #tpu.memory_space<hbm>>
      tpu.wait_indirect_dma semaphore(%arg15 : memref<!tpu.dma_semaphore, #tpu.memory_space<semaphore_mem>>) src(%dma_wait3A_248 : memref<10000x128xf32, #tpu.memory_space<hbm>>) dst(%arg9 : memref<128x128xf32, #tpu.memory_space<vmem>>)
      %dma_start3A_249 = arith.constant 2 : i32
      %dma_start3A_250 = arith.constant 0 : i32
      %dma_start3A_251 = tpu.memref_slice %arg7[%dma_start3A_249, %dma_start3A_250] : memref<4x128xi32, #tpu.memory_space<vmem>> -> memref<1x128xi32, #tpu.memory_space<vmem>>
      %dma_start3A_252 = tpu.memref_squeeze %dma_start3A_251 : memref<1x128xi32, #tpu.memory_space<vmem>> -> memref<128xi32, #tpu.memory_space<vmem>>
      %dma_start3A_253 = arith.constant 0 : i32
      %dma_start3A_254 = arith.constant 0 : i32
      %dma_start3A_255 = tpu.memref_slice %arg8[%dma_start3A_253, %dma_start3A_254] : memref<10240x128xf32, #tpu.memory_space<vmem_shared>> -> memref<10240x128xf32, #tpu.memory_space<vmem_shared>>
      tpu.enqueue_indirect_dma source(%arg9 : memref<128x128xf32, #tpu.memory_space<vmem>>) target(%dma_start3A_255 : memref<10240x128xf32, #tpu.memory_space<vmem_shared>>) offsets(%dma_start3A_252 : memref<128xi32, #tpu.memory_space<vmem>>) semaphore(%arg17 : memref<!tpu.dma_semaphore, #tpu.memory_space<semaphore_mem>>) {add = true}
      %add3A_256 = arith.constant 3 : i32
      %add3A_257 = arith.addi %add3A_229, %add3A_256 : i32
      %lt3A_258 = arith.constant 80 : i32
      %lt3A_259 = arith.cmpi slt, %add3A_257, %lt3A_258 : i32
      %convert_element_type3A_260 = arith.extui %lt3A_259 : i1 to i32
      %cond3A_261 = arith.constant 0 : i32
      %cond3A_262 = arith.cmpi ne, %convert_element_type3A_260, %cond3A_261 : i32
      scf.if %cond3A_262 {
        %add3A_301 = arith.constant 3 : i32
        %add3A_302 = arith.addi %add3A_229, %add3A_301 : i32
        %add3A_303 = arith.addi %mul3A_4, %add3A_302 : i32
        %dma_start3A_304 = arith.constant 1 : i32
        %dma_start3A_305 = arith.constant 0 : i32
        %dma_start3A_306 = tpu.memref_slice %arg6[%dma_start3A_304, %dma_start3A_305] : memref<4x128xi32, #tpu.memory_space<vmem>> -> memref<1x128xi32, #tpu.memory_space<vmem>>
        %dma_start3A_307 = tpu.memref_squeeze %dma_start3A_306 : memref<1x128xi32, #tpu.memory_space<vmem>> -> memref<128xi32, #tpu.memory_space<vmem>>
        %dma_start3A_308 = arith.constant 0 : i32
        %dma_start3A_309 = tpu.memref_slice %arg3[%add3A_303, %dma_start3A_308] : memref<2560x128xi32, #tpu.memory_space<hbm>> -> memref<1x128xi32, #tpu.memory_space<hbm>>
        %dma_start3A_310 = tpu.memref_squeeze %dma_start3A_309 : memref<1x128xi32, #tpu.memory_space<hbm>> -> memref<128xi32, #tpu.memory_space<hbm>>
        %dma_start3A_311 = arith.constant 0 : i32
        %dma_start3A_312 = tpu.memref_slice %arg6[%dma_start3A_304, %dma_start3A_311] : memref<4x128xi32, #tpu.memory_space<vmem>> -> memref<1x128xi32, #tpu.memory_space<vmem>>
        %dma_start3A_313 = tpu.memref_squeeze %dma_start3A_312 : memref<1x128xi32, #tpu.memory_space<vmem>> -> memref<128xi32, #tpu.memory_space<vmem>>
        %dma_start3A_314 = arith.constant 0 : i32
        %dma_start3A_315 = tpu.memref_slice %arg3[%add3A_303, %dma_start3A_314] : memref<2560x128xi32, #tpu.memory_space<hbm>> -> memref<1x128xi32, #tpu.memory_space<hbm>>
        %dma_start3A_316 = tpu.memref_squeeze %dma_start3A_315 : memref<1x128xi32, #tpu.memory_space<hbm>> -> memref<128xi32, #tpu.memory_space<hbm>>
        tpu.enqueue_dma source(%dma_start3A_316 : memref<128xi32, #tpu.memory_space<hbm>>) target(%dma_start3A_313 : memref<128xi32, #tpu.memory_space<vmem>>) target_semaphore(%arg12 : memref<!tpu.dma_semaphore, #tpu.memory_space<semaphore_mem>>)
        %add3A_317 = arith.addi %mul3A_4, %add3A_302 : i32
        %dma_start3A_318 = arith.constant 1 : i32
        %dma_start3A_319 = arith.constant 0 : i32
        %dma_start3A_320 = tpu.memref_slice %arg7[%dma_start3A_318, %dma_start3A_319] : memref<4x128xi32, #tpu.memory_space<vmem>> -> memref<1x128xi32, #tpu.memory_space<vmem>>
        %dma_start3A_321 = tpu.memref_squeeze %dma_start3A_320 : memref<1x128xi32, #tpu.memory_space<vmem>> -> memref<128xi32, #tpu.memory_space<vmem>>
        %dma_start3A_322 = arith.constant 0 : i32
        %dma_start3A_323 = tpu.memref_slice %arg4[%add3A_317, %dma_start3A_322] : memref<2560x128xi32, #tpu.memory_space<hbm>> -> memref<1x128xi32, #tpu.memory_space<hbm>>
        %dma_start3A_324 = tpu.memref_squeeze %dma_start3A_323 : memref<1x128xi32, #tpu.memory_space<hbm>> -> memref<128xi32, #tpu.memory_space<hbm>>
        %dma_start3A_325 = arith.constant 0 : i32
        %dma_start3A_326 = tpu.memref_slice %arg7[%dma_start3A_318, %dma_start3A_325] : memref<4x128xi32, #tpu.memory_space<vmem>> -> memref<1x128xi32, #tpu.memory_space<vmem>>
        %dma_start3A_327 = tpu.memref_squeeze %dma_start3A_326 : memref<1x128xi32, #tpu.memory_space<vmem>> -> memref<128xi32, #tpu.memory_space<vmem>>
        %dma_start3A_328 = arith.constant 0 : i32
        %dma_start3A_329 = tpu.memref_slice %arg4[%add3A_317, %dma_start3A_328] : memref<2560x128xi32, #tpu.memory_space<hbm>> -> memref<1x128xi32, #tpu.memory_space<hbm>>
        %dma_start3A_330 = tpu.memref_squeeze %dma_start3A_329 : memref<1x128xi32, #tpu.memory_space<hbm>> -> memref<128xi32, #tpu.memory_space<hbm>>
        tpu.enqueue_dma source(%dma_start3A_330 : memref<128xi32, #tpu.memory_space<hbm>>) target(%dma_start3A_327 : memref<128xi32, #tpu.memory_space<vmem>>) target_semaphore(%arg12 : memref<!tpu.dma_semaphore, #tpu.memory_space<semaphore_mem>>)
      } else {
      }
      %mul3A_263 = arith.constant 4 : i32
      %mul3A_264 = arith.muli %scan3A_154, %mul3A_263 : i32
      %add3A_265 = arith.constant 3 : i32
      %add3A_266 = arith.addi %mul3A_264, %add3A_265 : i32
      %ge3A_267 = arith.constant 1 : i32
      %ge3A_268 = arith.cmpi sge, %add3A_266, %ge3A_267 : i32
      %convert_element_type3A_269 = arith.extui %ge3A_268 : i1 to i32
      %cond3A_270 = arith.constant 0 : i32
      %cond3A_271 = arith.cmpi ne, %convert_element_type3A_269, %cond3A_270 : i32
      scf.if %cond3A_271 {
        %dma_wait3A_301 = arith.constant 2 : i32
        %dma_wait3A_302 = arith.constant 0 : i32
        %dma_wait3A_303 = tpu.memref_slice %arg7[%dma_wait3A_301, %dma_wait3A_302] : memref<4x128xi32, #tpu.memory_space<vmem>> -> memref<1x128xi32, #tpu.memory_space<vmem>>
        %dma_wait3A_304 = tpu.memref_squeeze %dma_wait3A_303 : memref<1x128xi32, #tpu.memory_space<vmem>> -> memref<128xi32, #tpu.memory_space<vmem>>
        %dma_wait3A_305 = arith.constant 0 : i32
        %dma_wait3A_306 = arith.constant 0 : i32
        %dma_wait3A_307 = tpu.memref_slice %arg8[%dma_wait3A_305, %dma_wait3A_306] : memref<10240x128xf32, #tpu.memory_space<vmem_shared>> -> memref<10240x128xf32, #tpu.memory_space<vmem_shared>>
        tpu.wait_indirect_dma semaphore(%arg17 : memref<!tpu.dma_semaphore, #tpu.memory_space<semaphore_mem>>) src(%arg9 : memref<128x128xf32, #tpu.memory_space<vmem>>) dst(%dma_wait3A_307 : memref<10240x128xf32, #tpu.memory_space<vmem_shared>>)
      } else {
      }
      %add3A_272 = arith.constant 1 : i32
      %add3A_273 = arith.addi %add3A_266, %add3A_272 : i32
      %lt3A_274 = arith.constant 80 : i32
      %lt3A_275 = arith.cmpi slt, %add3A_273, %lt3A_274 : i32
      %convert_element_type3A_276 = arith.extui %lt3A_275 : i1 to i32
      %cond3A_277 = arith.constant 0 : i32
      %cond3A_278 = arith.cmpi ne, %convert_element_type3A_276, %cond3A_277 : i32
      scf.if %cond3A_278 {
        %dma_wait3A_301 = arith.constant 0 : i32
        %dma_wait3A_302 = arith.constant 0 : i32
        %dma_wait3A_303 = tpu.memref_slice %arg6[%dma_wait3A_301, %dma_wait3A_302] : memref<4x128xi32, #tpu.memory_space<vmem>> -> memref<1x128xi32, #tpu.memory_space<vmem>>
        %dma_wait3A_304 = tpu.memref_squeeze %dma_wait3A_303 : memref<1x128xi32, #tpu.memory_space<vmem>> -> memref<128xi32, #tpu.memory_space<vmem>>
        %dma_wait3A_305 = arith.constant 0 : i32
        %dma_wait3A_306 = tpu.memref_slice %arg3[%mul3A_4, %dma_wait3A_305] : memref<2560x128xi32, #tpu.memory_space<hbm>> -> memref<1x128xi32, #tpu.memory_space<hbm>>
        %dma_wait3A_307 = tpu.memref_squeeze %dma_wait3A_306 : memref<1x128xi32, #tpu.memory_space<hbm>> -> memref<128xi32, #tpu.memory_space<hbm>>
        %dma_wait3A_308 = arith.constant 0 : i32
        %dma_wait3A_309 = tpu.memref_slice %arg6[%dma_wait3A_301, %dma_wait3A_308] : memref<4x128xi32, #tpu.memory_space<vmem>> -> memref<1x128xi32, #tpu.memory_space<vmem>>
        %dma_wait3A_310 = tpu.memref_squeeze %dma_wait3A_309 : memref<1x128xi32, #tpu.memory_space<vmem>> -> memref<128xi32, #tpu.memory_space<vmem>>
        %dma_wait3A_311 = arith.constant 0 : i32
        %dma_wait3A_312 = tpu.memref_slice %arg3[%mul3A_4, %dma_wait3A_311] : memref<2560x128xi32, #tpu.memory_space<hbm>> -> memref<1x128xi32, #tpu.memory_space<hbm>>
        %dma_wait3A_313 = tpu.memref_squeeze %dma_wait3A_312 : memref<1x128xi32, #tpu.memory_space<hbm>> -> memref<128xi32, #tpu.memory_space<hbm>>
        tpu.wait_dma2 semaphore(%arg11 : memref<!tpu.dma_semaphore, #tpu.memory_space<semaphore_mem>>) src(%dma_wait3A_313 : memref<128xi32, #tpu.memory_space<hbm>>) dst(%dma_wait3A_310 : memref<128xi32, #tpu.memory_space<vmem>>)
        %dma_wait3A_314 = arith.constant 0 : i32
        %dma_wait3A_315 = arith.constant 0 : i32
        %dma_wait3A_316 = tpu.memref_slice %arg7[%dma_wait3A_314, %dma_wait3A_315] : memref<4x128xi32, #tpu.memory_space<vmem>> -> memref<1x128xi32, #tpu.memory_space<vmem>>
        %dma_wait3A_317 = tpu.memref_squeeze %dma_wait3A_316 : memref<1x128xi32, #tpu.memory_space<vmem>> -> memref<128xi32, #tpu.memory_space<vmem>>
        %dma_wait3A_318 = arith.constant 0 : i32
        %dma_wait3A_319 = tpu.memref_slice %arg4[%mul3A_4, %dma_wait3A_318] : memref<2560x128xi32, #tpu.memory_space<hbm>> -> memref<1x128xi32, #tpu.memory_space<hbm>>
        %dma_wait3A_320 = tpu.memref_squeeze %dma_wait3A_319 : memref<1x128xi32, #tpu.memory_space<hbm>> -> memref<128xi32, #tpu.memory_space<hbm>>
        %dma_wait3A_321 = arith.constant 0 : i32
        %dma_wait3A_322 = tpu.memref_slice %arg7[%dma_wait3A_314, %dma_wait3A_321] : memref<4x128xi32, #tpu.memory_space<vmem>> -> memref<1x128xi32, #tpu.memory_space<vmem>>
        %dma_wait3A_323 = tpu.memref_squeeze %dma_wait3A_322 : memref<1x128xi32, #tpu.memory_space<vmem>> -> memref<128xi32, #tpu.memory_space<vmem>>
        %dma_wait3A_324 = arith.constant 0 : i32
        %dma_wait3A_325 = tpu.memref_slice %arg4[%mul3A_4, %dma_wait3A_324] : memref<2560x128xi32, #tpu.memory_space<hbm>> -> memref<1x128xi32, #tpu.memory_space<hbm>>
        %dma_wait3A_326 = tpu.memref_squeeze %dma_wait3A_325 : memref<1x128xi32, #tpu.memory_space<hbm>> -> memref<128xi32, #tpu.memory_space<hbm>>
        tpu.wait_dma2 semaphore(%arg11 : memref<!tpu.dma_semaphore, #tpu.memory_space<semaphore_mem>>) src(%dma_wait3A_326 : memref<128xi32, #tpu.memory_space<hbm>>) dst(%dma_wait3A_323 : memref<128xi32, #tpu.memory_space<vmem>>)
        %add3A_327 = arith.constant 1 : i32
        %add3A_328 = arith.addi %add3A_266, %add3A_327 : i32
        %dma_start3A_329 = arith.constant 0 : i32
        %dma_start3A_330 = arith.constant 0 : i32
        %dma_start3A_331 = tpu.memref_slice %arg6[%dma_start3A_329, %dma_start3A_330] : memref<4x128xi32, #tpu.memory_space<vmem>> -> memref<1x128xi32, #tpu.memory_space<vmem>>
        %dma_start3A_332 = tpu.memref_squeeze %dma_start3A_331 : memref<1x128xi32, #tpu.memory_space<vmem>> -> memref<128xi32, #tpu.memory_space<vmem>>
        %dma_start3A_333 = arith.constant 0 : i32
        %dma_start3A_334 = arith.constant 0 : i32
        %dma_start3A_335 = tpu.memref_slice %arg2[%dma_start3A_333, %dma_start3A_334] : memref<10000x128xf32, #tpu.memory_space<hbm>> -> memref<10000x128xf32, #tpu.memory_space<hbm>>
        tpu.enqueue_indirect_dma source(%dma_start3A_335 : memref<10000x128xf32, #tpu.memory_space<hbm>>) target(%arg9 : memref<128x128xf32, #tpu.memory_space<vmem>>) offsets(%dma_start3A_332 : memref<128xi32, #tpu.memory_space<vmem>>) semaphore(%arg15 : memref<!tpu.dma_semaphore, #tpu.memory_space<semaphore_mem>>)
      } else {
      }
      %dma_wait3A_279 = arith.constant 3 : i32
      %dma_wait3A_280 = arith.constant 0 : i32
      %dma_wait3A_281 = tpu.memref_slice %arg6[%dma_wait3A_279, %dma_wait3A_280] : memref<4x128xi32, #tpu.memory_space<vmem>> -> memref<1x128xi32, #tpu.memory_space<vmem>>
      %dma_wait3A_282 = tpu.memref_squeeze %dma_wait3A_281 : memref<1x128xi32, #tpu.memory_space<vmem>> -> memref<128xi32, #tpu.memory_space<vmem>>
      %dma_wait3A_283 = arith.constant 0 : i32
      %dma_wait3A_284 = arith.constant 0 : i32
      %dma_wait3A_285 = tpu.memref_slice %arg2[%dma_wait3A_283, %dma_wait3A_284] : memref<10000x128xf32, #tpu.memory_space<hbm>> -> memref<10000x128xf32, #tpu.memory_space<hbm>>
      tpu.wait_indirect_dma semaphore(%arg16 : memref<!tpu.dma_semaphore, #tpu.memory_space<semaphore_mem>>) src(%dma_wait3A_285 : memref<10000x128xf32, #tpu.memory_space<hbm>>) dst(%arg10 : memref<128x128xf32, #tpu.memory_space<vmem>>)
      %dma_start3A_286 = arith.constant 3 : i32
      %dma_start3A_287 = arith.constant 0 : i32
      %dma_start3A_288 = tpu.memref_slice %arg7[%dma_start3A_286, %dma_start3A_287] : memref<4x128xi32, #tpu.memory_space<vmem>> -> memref<1x128xi32, #tpu.memory_space<vmem>>
      %dma_start3A_289 = tpu.memref_squeeze %dma_start3A_288 : memref<1x128xi32, #tpu.memory_space<vmem>> -> memref<128xi32, #tpu.memory_space<vmem>>
      %dma_start3A_290 = arith.constant 0 : i32
      %dma_start3A_291 = arith.constant 0 : i32
      %dma_start3A_292 = tpu.memref_slice %arg8[%dma_start3A_290, %dma_start3A_291] : memref<10240x128xf32, #tpu.memory_space<vmem_shared>> -> memref<10240x128xf32, #tpu.memory_space<vmem_shared>>
      tpu.enqueue_indirect_dma source(%arg10 : memref<128x128xf32, #tpu.memory_space<vmem>>) target(%dma_start3A_292 : memref<10240x128xf32, #tpu.memory_space<vmem_shared>>) offsets(%dma_start3A_289 : memref<128xi32, #tpu.memory_space<vmem>>) semaphore(%arg18 : memref<!tpu.dma_semaphore, #tpu.memory_space<semaphore_mem>>) {add = true}
      %add3A_293 = arith.constant 3 : i32
      %add3A_294 = arith.addi %add3A_266, %add3A_293 : i32
      %lt3A_295 = arith.constant 80 : i32
      %lt3A_296 = arith.cmpi slt, %add3A_294, %lt3A_295 : i32
      %convert_element_type3A_297 = arith.extui %lt3A_296 : i1 to i32
      %cond3A_298 = arith.constant 0 : i32
      %cond3A_299 = arith.cmpi ne, %convert_element_type3A_297, %cond3A_298 : i32
      scf.if %cond3A_299 {
        %add3A_301 = arith.constant 3 : i32
        %add3A_302 = arith.addi %add3A_266, %add3A_301 : i32
        %add3A_303 = arith.addi %mul3A_4, %add3A_302 : i32
        %dma_start3A_304 = arith.constant 2 : i32
        %dma_start3A_305 = arith.constant 0 : i32
        %dma_start3A_306 = tpu.memref_slice %arg6[%dma_start3A_304, %dma_start3A_305] : memref<4x128xi32, #tpu.memory_space<vmem>> -> memref<1x128xi32, #tpu.memory_space<vmem>>
        %dma_start3A_307 = tpu.memref_squeeze %dma_start3A_306 : memref<1x128xi32, #tpu.memory_space<vmem>> -> memref<128xi32, #tpu.memory_space<vmem>>
        %dma_start3A_308 = arith.constant 0 : i32
        %dma_start3A_309 = tpu.memref_slice %arg3[%add3A_303, %dma_start3A_308] : memref<2560x128xi32, #tpu.memory_space<hbm>> -> memref<1x128xi32, #tpu.memory_space<hbm>>
        %dma_start3A_310 = tpu.memref_squeeze %dma_start3A_309 : memref<1x128xi32, #tpu.memory_space<hbm>> -> memref<128xi32, #tpu.memory_space<hbm>>
        %dma_start3A_311 = arith.constant 0 : i32
        %dma_start3A_312 = tpu.memref_slice %arg6[%dma_start3A_304, %dma_start3A_311] : memref<4x128xi32, #tpu.memory_space<vmem>> -> memref<1x128xi32, #tpu.memory_space<vmem>>
        %dma_start3A_313 = tpu.memref_squeeze %dma_start3A_312 : memref<1x128xi32, #tpu.memory_space<vmem>> -> memref<128xi32, #tpu.memory_space<vmem>>
        %dma_start3A_314 = arith.constant 0 : i32
        %dma_start3A_315 = tpu.memref_slice %arg3[%add3A_303, %dma_start3A_314] : memref<2560x128xi32, #tpu.memory_space<hbm>> -> memref<1x128xi32, #tpu.memory_space<hbm>>
        %dma_start3A_316 = tpu.memref_squeeze %dma_start3A_315 : memref<1x128xi32, #tpu.memory_space<hbm>> -> memref<128xi32, #tpu.memory_space<hbm>>
        tpu.enqueue_dma source(%dma_start3A_316 : memref<128xi32, #tpu.memory_space<hbm>>) target(%dma_start3A_313 : memref<128xi32, #tpu.memory_space<vmem>>) target_semaphore(%arg13 : memref<!tpu.dma_semaphore, #tpu.memory_space<semaphore_mem>>)
        %add3A_317 = arith.addi %mul3A_4, %add3A_302 : i32
        %dma_start3A_318 = arith.constant 2 : i32
        %dma_start3A_319 = arith.constant 0 : i32
        %dma_start3A_320 = tpu.memref_slice %arg7[%dma_start3A_318, %dma_start3A_319] : memref<4x128xi32, #tpu.memory_space<vmem>> -> memref<1x128xi32, #tpu.memory_space<vmem>>
        %dma_start3A_321 = tpu.memref_squeeze %dma_start3A_320 : memref<1x128xi32, #tpu.memory_space<vmem>> -> memref<128xi32, #tpu.memory_space<vmem>>
        %dma_start3A_322 = arith.constant 0 : i32
        %dma_start3A_323 = tpu.memref_slice %arg4[%add3A_317, %dma_start3A_322] : memref<2560x128xi32, #tpu.memory_space<hbm>> -> memref<1x128xi32, #tpu.memory_space<hbm>>
        %dma_start3A_324 = tpu.memref_squeeze %dma_start3A_323 : memref<1x128xi32, #tpu.memory_space<hbm>> -> memref<128xi32, #tpu.memory_space<hbm>>
        %dma_start3A_325 = arith.constant 0 : i32
        %dma_start3A_326 = tpu.memref_slice %arg7[%dma_start3A_318, %dma_start3A_325] : memref<4x128xi32, #tpu.memory_space<vmem>> -> memref<1x128xi32, #tpu.memory_space<vmem>>
        %dma_start3A_327 = tpu.memref_squeeze %dma_start3A_326 : memref<1x128xi32, #tpu.memory_space<vmem>> -> memref<128xi32, #tpu.memory_space<vmem>>
        %dma_start3A_328 = arith.constant 0 : i32
        %dma_start3A_329 = tpu.memref_slice %arg4[%add3A_317, %dma_start3A_328] : memref<2560x128xi32, #tpu.memory_space<hbm>> -> memref<1x128xi32, #tpu.memory_space<hbm>>
        %dma_start3A_330 = tpu.memref_squeeze %dma_start3A_329 : memref<1x128xi32, #tpu.memory_space<hbm>> -> memref<128xi32, #tpu.memory_space<hbm>>
        tpu.enqueue_dma source(%dma_start3A_330 : memref<128xi32, #tpu.memory_space<hbm>>) target(%dma_start3A_327 : memref<128xi32, #tpu.memory_space<vmem>>) target_semaphore(%arg13 : memref<!tpu.dma_semaphore, #tpu.memory_space<semaphore_mem>>)
      } else {
      }
      %scan3A_300 = arith.constant 0 : i32
      scf.yield %scan3A_300 : i32
    }
    %scan3A_145 = arith.constant 20 : i32
    %dma_wait3A_146 = arith.constant 3 : i32
    %dma_wait3A_147 = arith.constant 0 : i32
    %dma_wait3A_148 = tpu.memref_slice %arg7[%dma_wait3A_146, %dma_wait3A_147] : memref<4x128xi32, #tpu.memory_space<vmem>> -> memref<1x128xi32, #tpu.memory_space<vmem>>
    %dma_wait3A_149 = tpu.memref_squeeze %dma_wait3A_148 : memref<1x128xi32, #tpu.memory_space<vmem>> -> memref<128xi32, #tpu.memory_space<vmem>>
    %dma_wait3A_150 = arith.constant 0 : i32
    %dma_wait3A_151 = arith.constant 0 : i32
    %dma_wait3A_152 = tpu.memref_slice %arg8[%dma_wait3A_150, %dma_wait3A_151] : memref<10240x128xf32, #tpu.memory_space<vmem_shared>> -> memref<10240x128xf32, #tpu.memory_space<vmem_shared>>
    tpu.wait_indirect_dma semaphore(%arg18 : memref<!tpu.dma_semaphore, #tpu.memory_space<semaphore_mem>>) src(%arg10 : memref<128x128xf32, #tpu.memory_space<vmem>>) dst(%dma_wait3A_152 : memref<10240x128xf32, #tpu.memory_space<vmem_shared>>)
    %barrier3A_153 = arith.constant 0 : index
    tpu.barrier barrier_id(%barrier3A_153)
    "tpu.region"() ({
      %run_scoped3A = tpu.sem_alloc : memref<!tpu.dma_semaphore, #tpu.memory_space<semaphore_mem>>
      %dma_start3A_154 = arith.constant 0 : i32
      %dma_start3A_155 = tpu.memref_slice %arg5[%arg0, %mul3A_0, %dma_start3A_154] : memref<2x10240x128xf32, #tpu.memory_space<hbm>> -> memref<1x640x128xf32, #tpu.memory_space<hbm>>
      %dma_start3A_156 = tpu.memref_squeeze %dma_start3A_155 : memref<1x640x128xf32, #tpu.memory_space<hbm>> -> memref<640x128xf32, #tpu.memory_space<hbm>>
      %dma_start3A_157 = arith.constant 0 : i32
      %dma_start3A_158 = tpu.memref_slice %arg8[%mul3A_0, %dma_start3A_157] : memref<10240x128xf32, #tpu.memory_space<vmem_shared>> -> memref<640x128xf32, #tpu.memory_space<vmem_shared>>
      tpu.enqueue_dma source(%dma_start3A_158 : memref<640x128xf32, #tpu.memory_space<vmem_shared>>) target(%dma_start3A_156 : memref<640x128xf32, #tpu.memory_space<hbm>>) target_semaphore(%run_scoped3A : memref<!tpu.dma_semaphore, #tpu.memory_space<semaphore_mem>>)
      %dma_wait3A_159 = arith.constant 0 : i32
      %dma_wait3A_160 = tpu.memref_slice %arg5[%arg0, %mul3A_0, %dma_wait3A_159] : memref<2x10240x128xf32, #tpu.memory_space<hbm>> -> memref<1x640x128xf32, #tpu.memory_space<hbm>>
      %dma_wait3A_161 = tpu.memref_squeeze %dma_wait3A_160 : memref<1x640x128xf32, #tpu.memory_space<hbm>> -> memref<640x128xf32, #tpu.memory_space<hbm>>
      %dma_wait3A_162 = arith.constant 0 : i32
      %dma_wait3A_163 = tpu.memref_slice %arg8[%mul3A_0, %dma_wait3A_162] : memref<10240x128xf32, #tpu.memory_space<vmem_shared>> -> memref<640x128xf32, #tpu.memory_space<vmem_shared>>
      tpu.wait_dma2 semaphore(%run_scoped3A : memref<!tpu.dma_semaphore, #tpu.memory_space<semaphore_mem>>) src(%dma_wait3A_163 : memref<640x128xf32, #tpu.memory_space<vmem_shared>>) dst(%dma_wait3A_161 : memref<640x128xf32, #tpu.memory_space<hbm>>)
      tpu.yield
    }) : () -> ()
    return
  }
}

#map = affine_map<(d0, d1) -> (0, 0)>
#map1 = affine_map<(d0, d1) -> (0, 0, 0)>
module attributes {stable_mosaic.version = 14 : i64} {
  func.func @edge_k(%arg0: i32, %arg1: i32, %arg2: memref<10000x128xf32, #tpu.memory_space<hbm>>, %arg3: memref<2560x128xi32, #tpu.memory_space<hbm>>, %arg4: memref<2560x128xi32, #tpu.memory_space<hbm>>, %arg5: memref<2x10240x128xf32, #tpu.memory_space<hbm>>, %arg6: memref<4x128xi32, #tpu.memory_space<vmem>>, %arg7: memref<4x128xi32, #tpu.memory_space<vmem>>, %arg8: memref<10240x128xf32, #tpu.memory_space<vmem_shared>>, %arg9: memref<128x128xf32, #tpu.memory_space<vmem>>, %arg10: memref<128x128xf32, #tpu.memory_space<vmem>>, %arg11: memref<!tpu.dma_semaphore, #tpu.memory_space<semaphore_mem>>, %arg12: memref<!tpu.dma_semaphore, #tpu.memory_space<semaphore_mem>>, %arg13: memref<!tpu.dma_semaphore, #tpu.memory_space<semaphore_mem>>, %arg14: memref<!tpu.dma_semaphore, #tpu.memory_space<semaphore_mem>>, %arg15: memref<!tpu.dma_semaphore, #tpu.memory_space<semaphore_mem>>, %arg16: memref<!tpu.dma_semaphore, #tpu.memory_space<semaphore_mem>>, %arg17: memref<!tpu.dma_semaphore, #tpu.memory_space<semaphore_mem>>, %arg18: memref<!tpu.dma_semaphore, #tpu.memory_space<semaphore_mem>>) attributes {dimension_semantics = [#tpu.dimension_semantics<core_parallel>, #tpu.dimension_semantics<subcore_parallel>], iteration_bounds = array<i64: 2, 16>, scalar_prefetch = 0 : i64, scratch_operands = 13 : i64, tpu.core_type = #tpu.core_type<sc_vector_subcore>, window_params = [{transform_indices = #map}, {transform_indices = #map}, {transform_indices = #map}, {transform_indices = #map1}]} {
    %mul3A = arith.constant 640 : i32
    %mul3A_0 = arith.muli %arg1, %mul3A : i32
    %mul3A_1 = arith.constant 16 : i32
    %mul3A_2 = arith.muli %arg0, %mul3A_1 : i32
    %add3A = arith.addi %mul3A_2, %arg1 : i32
    %mul3A_3 = arith.constant 80 : i32
    %mul3A_4 = arith.muli %add3A, %mul3A_3 : i32
    %scan3A = arith.constant 0 : i32
    %scan3A_5 = arith.constant 0 : i32
    %scan3A_6 = arith.constant 128 : i32
    %scan3A_7 = arith.addi %scan3A_5, %scan3A_6 : i32
    %scan3A_8 = arith.constant 1 : i32
    %scan3A_9 = scf.for %scan3A_154 = %scan3A_5 to %scan3A_7 step %scan3A_8 iter_args(%scan3A_155 = %scan3A) -> (i32)  : i32 {
      %broadcast_in_dim3A = arith.constant 0.000000e+00 : f32
      %broadcast_in_dim3A_156 = vector.broadcast %broadcast_in_dim3A : f32 to vector<16xf32>
      %swap3A = arith.index_cast %scan3A_154 : i32 to index
      %swap3A_157 = arith.constant 0 : index
      %swap3A_158 = tpu.vector_load %arg9[%swap3A, %swap3A_157] {strides = array<i32>} : memref<128x128xf32, #tpu.memory_space<vmem>>, vector<1x16xf32>,
      %swap3A_159 = vector.shape_cast %swap3A_158 : vector<1x16xf32> to vector<16xf32>
      %swap3A_160 = vector.shape_cast %broadcast_in_dim3A_156 : vector<16xf32> to vector<1x16xf32>
      tpu.vector_store %arg9[%swap3A, %swap3A_157], %swap3A_160 {strides = array<i32>} : memref<128x128xf32, #tpu.memory_space<vmem>>, vector<1x16xf32>,
      %broadcast_in_dim3A_161 = arith.constant 0.000000e+00 : f32
      %broadcast_in_dim3A_162 = vector.broadcast %broadcast_in_dim3A_161 : f32 to vector<16xf32>
      %swap3A_163 = arith.index_cast %scan3A_154 : i32 to index
      %swap3A_164 = arith.constant 16 : index
      %swap3A_165 = tpu.vector_load %arg9[%swap3A_163, %swap3A_164] {strides = array<i32>} : memref<128x128xf32, #tpu.memory_space<vmem>>, vector<1x16xf32>,
      %swap3A_166 = vector.shape_cast %swap3A_165 : vector<1x16xf32> to vector<16xf32>
      %swap3A_167 = vector.shape_cast %broadcast_in_dim3A_162 : vector<16xf32> to vector<1x16xf32>
      tpu.vector_store %arg9[%swap3A_163, %swap3A_164], %swap3A_167 {strides = array<i32>} : memref<128x128xf32, #tpu.memory_space<vmem>>, vector<1x16xf32>,
      %broadcast_in_dim3A_168 = arith.constant 0.000000e+00 : f32
      %broadcast_in_dim3A_169 = vector.broadcast %broadcast_in_dim3A_168 : f32 to vector<16xf32>
      %swap3A_170 = arith.index_cast %scan3A_154 : i32 to index
      %swap3A_171 = arith.constant 32 : index
      %swap3A_172 = tpu.vector_load %arg9[%swap3A_170, %swap3A_171] {strides = array<i32>} : memref<128x128xf32, #tpu.memory_space<vmem>>, vector<1x16xf32>,
      %swap3A_173 = vector.shape_cast %swap3A_172 : vector<1x16xf32> to vector<16xf32>
      %swap3A_174 = vector.shape_cast %broadcast_in_dim3A_169 : vector<16xf32> to vector<1x16xf32>
      tpu.vector_store %arg9[%swap3A_170, %swap3A_171], %swap3A_174 {strides = array<i32>} : memref<128x128xf32, #tpu.memory_space<vmem>>, vector<1x16xf32>,
      %broadcast_in_dim3A_175 = arith.constant 0.000000e+00 : f32
      %broadcast_in_dim3A_176 = vector.broadcast %broadcast_in_dim3A_175 : f32 to vector<16xf32>
      %swap3A_177 = arith.index_cast %scan3A_154 : i32 to index
      %swap3A_178 = arith.constant 48 : index
      %swap3A_179 = tpu.vector_load %arg9[%swap3A_177, %swap3A_178] {strides = array<i32>} : memref<128x128xf32, #tpu.memory_space<vmem>>, vector<1x16xf32>,
      %swap3A_180 = vector.shape_cast %swap3A_179 : vector<1x16xf32> to vector<16xf32>
      %swap3A_181 = vector.shape_cast %broadcast_in_dim3A_176 : vector<16xf32> to vector<1x16xf32>
      tpu.vector_store %arg9[%swap3A_177, %swap3A_178], %swap3A_181 {strides = array<i32>} : memref<128x128xf32, #tpu.memory_space<vmem>>, vector<1x16xf32>,
      %broadcast_in_dim3A_182 = arith.constant 0.000000e+00 : f32
      %broadcast_in_dim3A_183 = vector.broadcast %broadcast_in_dim3A_182 : f32 to vector<16xf32>
      %swap3A_184 = arith.index_cast %scan3A_154 : i32 to index
      %swap3A_185 = arith.constant 64 : index
      %swap3A_186 = tpu.vector_load %arg9[%swap3A_184, %swap3A_185] {strides = array<i32>} : memref<128x128xf32, #tpu.memory_space<vmem>>, vector<1x16xf32>,
      %swap3A_187 = vector.shape_cast %swap3A_186 : vector<1x16xf32> to vector<16xf32>
      %swap3A_188 = vector.shape_cast %broadcast_in_dim3A_183 : vector<16xf32> to vector<1x16xf32>
      tpu.vector_store %arg9[%swap3A_184, %swap3A_185], %swap3A_188 {strides = array<i32>} : memref<128x128xf32, #tpu.memory_space<vmem>>, vector<1x16xf32>,
      %broadcast_in_dim3A_189 = arith.constant 0.000000e+00 : f32
      %broadcast_in_dim3A_190 = vector.broadcast %broadcast_in_dim3A_189 : f32 to vector<16xf32>
      %swap3A_191 = arith.index_cast %scan3A_154 : i32 to index
      %swap3A_192 = arith.constant 80 : index
      %swap3A_193 = tpu.vector_load %arg9[%swap3A_191, %swap3A_192] {strides = array<i32>} : memref<128x128xf32, #tpu.memory_space<vmem>>, vector<1x16xf32>,
      %swap3A_194 = vector.shape_cast %swap3A_193 : vector<1x16xf32> to vector<16xf32>
      %swap3A_195 = vector.shape_cast %broadcast_in_dim3A_190 : vector<16xf32> to vector<1x16xf32>
      tpu.vector_store %arg9[%swap3A_191, %swap3A_192], %swap3A_195 {strides = array<i32>} : memref<128x128xf32, #tpu.memory_space<vmem>>, vector<1x16xf32>,
      %broadcast_in_dim3A_196 = arith.constant 0.000000e+00 : f32
      %broadcast_in_dim3A_197 = vector.broadcast %broadcast_in_dim3A_196 : f32 to vector<16xf32>
      %swap3A_198 = arith.index_cast %scan3A_154 : i32 to index
      %swap3A_199 = arith.constant 96 : index
      %swap3A_200 = tpu.vector_load %arg9[%swap3A_198, %swap3A_199] {strides = array<i32>} : memref<128x128xf32, #tpu.memory_space<vmem>>, vector<1x16xf32>,
      %swap3A_201 = vector.shape_cast %swap3A_200 : vector<1x16xf32> to vector<16xf32>
      %swap3A_202 = vector.shape_cast %broadcast_in_dim3A_197 : vector<16xf32> to vector<1x16xf32>
      tpu.vector_store %arg9[%swap3A_198, %swap3A_199], %swap3A_202 {strides = array<i32>} : memref<128x128xf32, #tpu.memory_space<vmem>>, vector<1x16xf32>,
      %broadcast_in_dim3A_203 = arith.constant 0.000000e+00 : f32
      %broadcast_in_dim3A_204 = vector.broadcast %broadcast_in_dim3A_203 : f32 to vector<16xf32>
      %swap3A_205 = arith.index_cast %scan3A_154 : i32 to index
      %swap3A_206 = arith.constant 112 : index
      %swap3A_207 = tpu.vector_load %arg9[%swap3A_205, %swap3A_206] {strides = array<i32>} : memref<128x128xf32, #tpu.memory_space<vmem>>, vector<1x16xf32>,
      %swap3A_208 = vector.shape_cast %swap3A_207 : vector<1x16xf32> to vector<16xf32>
      %swap3A_209 = vector.shape_cast %broadcast_in_dim3A_204 : vector<16xf32> to vector<1x16xf32>
      tpu.vector_store %arg9[%swap3A_205, %swap3A_206], %swap3A_209 {strides = array<i32>} : memref<128x128xf32, #tpu.memory_space<vmem>>, vector<1x16xf32>,
      %scan3A_210 = arith.constant 0 : i32
      scf.yield %scan3A_210 : i32
    }
    %scan3A_10 = arith.constant 128 : i32
    %scan3A_11 = arith.constant 0 : i32
    %scan3A_12 = arith.constant 0 : i32
    %scan3A_13 = arith.constant 5 : i32
    %scan3A_14 = arith.addi %scan3A_12, %scan3A_13 : i32
    %scan3A_15 = arith.constant 1 : i32
    %scan3A_16 = scf.for %scan3A_154 = %scan3A_12 to %scan3A_14 step %scan3A_15 iter_args(%scan3A_155 = %scan3A_11) -> (i32)  : i32 {
      %mul3A_156 = arith.constant 128 : i32
      %mul3A_157 = arith.muli %scan3A_154, %mul3A_156 : i32
      %add3A_158 = arith.addi %mul3A_0, %mul3A_157 : i32
      "tpu.region"() ({
        %run_scoped3A = tpu.sem_alloc : memref<!tpu.dma_semaphore, #tpu.memory_space<semaphore_mem>>
        %dma_start3A_160 = arith.constant 0 : i32
        %dma_start3A_161 = tpu.memref_slice %arg8[%add3A_158, %dma_start3A_160] : memref<10240x128xf32, #tpu.memory_space<vmem_shared>> -> memref<128x128xf32, #tpu.memory_space<vmem_shared>>
        %dma_start3A_162 = arith.constant 0 : i32
        %dma_start3A_163 = tpu.memref_slice %arg8[%add3A_158, %dma_start3A_162] : memref<10240x128xf32, #tpu.memory_space<vmem_shared>> -> memref<128x128xf32, #tpu.memory_space<vmem_shared>>
        tpu.enqueue_dma source(%arg9 : memref<128x128xf32, #tpu.memory_space<vmem>>) target(%dma_start3A_163 : memref<128x128xf32, #tpu.memory_space<vmem_shared>>) target_semaphore(%run_scoped3A : memref<!tpu.dma_semaphore, #tpu.memory_space<semaphore_mem>>)
        %dma_wait3A_164 = arith.constant 0 : i32
        %dma_wait3A_165 = tpu.memref_slice %arg8[%add3A_158, %dma_wait3A_164] : memref<10240x128xf32, #tpu.memory_space<vmem_shared>> -> memref<128x128xf32, #tpu.memory_space<vmem_shared>>
        %dma_wait3A_166 = arith.constant 0 : i32
        %dma_wait3A_167 = tpu.memref_slice %arg8[%add3A_158, %dma_wait3A_166] : memref<10240x128xf32, #tpu.memory_space<vmem_shared>> -> memref<128x128xf32, #tpu.memory_space<vmem_shared>>
        tpu.wait_dma2 semaphore(%run_scoped3A : memref<!tpu.dma_semaphore, #tpu.memory_space<semaphore_mem>>) src(%arg9 : memref<128x128xf32, #tpu.memory_space<vmem>>) dst(%dma_wait3A_167 : memref<128x128xf32, #tpu.memory_space<vmem_shared>>)
        tpu.yield
      }) : () -> ()
      %scan3A_159 = arith.constant 0 : i32
      scf.yield %scan3A_159 : i32
    }
    %scan3A_17 = arith.constant 5 : i32
    %add3A_18 = arith.constant 0 : i32
    %add3A_19 = arith.addi %mul3A_4, %add3A_18 : i32
    %dma_start3A = arith.constant 0 : i32
    %dma_start3A_20 = arith.constant 0 : i32
    %dma_start3A_21 = tpu.memref_slice %arg6[%dma_start3A, %dma_start3A_20] : memref<4x128xi32, #tpu.memory_space<vmem>> -> memref<1x128xi32, #tpu.memory_space<vmem>>
    %dma_start3A_22 = tpu.memref_squeeze %dma_start3A_21 : memref<1x128xi32, #tpu.memory_space<vmem>> -> memref<128xi32, #tpu.memory_space<vmem>>
    %dma_start3A_23 = arith.constant 0 : i32
    %dma_start3A_24 = tpu.memref_slice %arg3[%add3A_19, %dma_start3A_23] : memref<2560x128xi32, #tpu.memory_space<hbm>> -> memref<1x128xi32, #tpu.memory_space<hbm>>
    %dma_start3A_25 = tpu.memref_squeeze %dma_start3A_24 : memref<1x128xi32, #tpu.memory_space<hbm>> -> memref<128xi32, #tpu.memory_space<hbm>>
    %dma_start3A_26 = arith.constant 0 : i32
    %dma_start3A_27 = tpu.memref_slice %arg6[%dma_start3A, %dma_start3A_26] : memref<4x128xi32, #tpu.memory_space<vmem>> -> memref<1x128xi32, #tpu.memory_space<vmem>>
    %dma_start3A_28 = tpu.memref_squeeze %dma_start3A_27 : memref<1x128xi32, #tpu.memory_space<vmem>> -> memref<128xi32, #tpu.memory_space<vmem>>
    %dma_start3A_29 = arith.constant 0 : i32
    %dma_start3A_30 = tpu.memref_slice %arg3[%add3A_19, %dma_start3A_29] : memref<2560x128xi32, #tpu.memory_space<hbm>> -> memref<1x128xi32, #tpu.memory_space<hbm>>
    %dma_start3A_31 = tpu.memref_squeeze %dma_start3A_30 : memref<1x128xi32, #tpu.memory_space<hbm>> -> memref<128xi32, #tpu.memory_space<hbm>>
    tpu.enqueue_dma source(%dma_start3A_31 : memref<128xi32, #tpu.memory_space<hbm>>) target(%dma_start3A_28 : memref<128xi32, #tpu.memory_space<vmem>>) target_semaphore(%arg11 : memref<!tpu.dma_semaphore, #tpu.memory_space<semaphore_mem>>)
    %add3A_32 = arith.constant 0 : i32
    %add3A_33 = arith.addi %mul3A_4, %add3A_32 : i32
    %dma_start3A_34 = arith.constant 0 : i32
    %dma_start3A_35 = arith.constant 0 : i32
    %dma_start3A_36 = tpu.memref_slice %arg7[%dma_start3A_34, %dma_start3A_35] : memref<4x128xi32, #tpu.memory_space<vmem>> -> memref<1x128xi32, #tpu.memory_space<vmem>>
    %dma_start3A_37 = tpu.memref_squeeze %dma_start3A_36 : memref<1x128xi32, #tpu.memory_space<vmem>> -> memref<128xi32, #tpu.memory_space<vmem>>
    %dma_start3A_38 = arith.constant 0 : i32
    %dma_start3A_39 = tpu.memref_slice %arg4[%add3A_33, %dma_start3A_38] : memref<2560x128xi32, #tpu.memory_space<hbm>> -> memref<1x128xi32, #tpu.memory_space<hbm>>
    %dma_start3A_40 = tpu.memref_squeeze %dma_start3A_39 : memref<1x128xi32, #tpu.memory_space<hbm>> -> memref<128xi32, #tpu.memory_space<hbm>>
    %dma_start3A_41 = arith.constant 0 : i32
    %dma_start3A_42 = tpu.memref_slice %arg7[%dma_start3A_34, %dma_start3A_41] : memref<4x128xi32, #tpu.memory_space<vmem>> -> memref<1x128xi32, #tpu.memory_space<vmem>>
    %dma_start3A_43 = tpu.memref_squeeze %dma_start3A_42 : memref<1x128xi32, #tpu.memory_space<vmem>> -> memref<128xi32, #tpu.memory_space<vmem>>
    %dma_start3A_44 = arith.constant 0 : i32
    %dma_start3A_45 = tpu.memref_slice %arg4[%add3A_33, %dma_start3A_44] : memref<2560x128xi32, #tpu.memory_space<hbm>> -> memref<1x128xi32, #tpu.memory_space<hbm>>
    %dma_start3A_46 = tpu.memref_squeeze %dma_start3A_45 : memref<1x128xi32, #tpu.memory_space<hbm>> -> memref<128xi32, #tpu.memory_space<hbm>>
    tpu.enqueue_dma source(%dma_start3A_46 : memref<128xi32, #tpu.memory_space<hbm>>) target(%dma_start3A_43 : memref<128xi32, #tpu.memory_space<vmem>>) target_semaphore(%arg11 : memref<!tpu.dma_semaphore, #tpu.memory_space<semaphore_mem>>)
    %add3A_47 = arith.constant 1 : i32
    %add3A_48 = arith.addi %mul3A_4, %add3A_47 : i32
    %dma_start3A_49 = arith.constant 1 : i32
    %dma_start3A_50 = arith.constant 0 : i32
    %dma_start3A_51 = tpu.memref_slice %arg6[%dma_start3A_49, %dma_start3A_50] : memref<4x128xi32, #tpu.memory_space<vmem>> -> memref<1x128xi32, #tpu.memory_space<vmem>>
    %dma_start3A_52 = tpu.memref_squeeze %dma_start3A_51 : memref<1x128xi32, #tpu.memory_space<vmem>> -> memref<128xi32, #tpu.memory_space<vmem>>
    %dma_start3A_53 = arith.constant 0 : i32
    %dma_start3A_54 = tpu.memref_slice %arg3[%add3A_48, %dma_start3A_53] : memref<2560x128xi32, #tpu.memory_space<hbm>> -> memref<1x128xi32, #tpu.memory_space<hbm>>
    %dma_start3A_55 = tpu.memref_squeeze %dma_start3A_54 : memref<1x128xi32, #tpu.memory_space<hbm>> -> memref<128xi32, #tpu.memory_space<hbm>>
    %dma_start3A_56 = arith.constant 0 : i32
    %dma_start3A_57 = tpu.memref_slice %arg6[%dma_start3A_49, %dma_start3A_56] : memref<4x128xi32, #tpu.memory_space<vmem>> -> memref<1x128xi32, #tpu.memory_space<vmem>>
    %dma_start3A_58 = tpu.memref_squeeze %dma_start3A_57 : memref<1x128xi32, #tpu.memory_space<vmem>> -> memref<128xi32, #tpu.memory_space<vmem>>
    %dma_start3A_59 = arith.constant 0 : i32
    %dma_start3A_60 = tpu.memref_slice %arg3[%add3A_48, %dma_start3A_59] : memref<2560x128xi32, #tpu.memory_space<hbm>> -> memref<1x128xi32, #tpu.memory_space<hbm>>
    %dma_start3A_61 = tpu.memref_squeeze %dma_start3A_60 : memref<1x128xi32, #tpu.memory_space<hbm>> -> memref<128xi32, #tpu.memory_space<hbm>>
    tpu.enqueue_dma source(%dma_start3A_61 : memref<128xi32, #tpu.memory_space<hbm>>) target(%dma_start3A_58 : memref<128xi32, #tpu.memory_space<vmem>>) target_semaphore(%arg12 : memref<!tpu.dma_semaphore, #tpu.memory_space<semaphore_mem>>)
    %add3A_62 = arith.constant 1 : i32
    %add3A_63 = arith.addi %mul3A_4, %add3A_62 : i32
    %dma_start3A_64 = arith.constant 1 : i32
    %dma_start3A_65 = arith.constant 0 : i32
    %dma_start3A_66 = tpu.memref_slice %arg7[%dma_start3A_64, %dma_start3A_65] : memref<4x128xi32, #tpu.memory_space<vmem>> -> memref<1x128xi32, #tpu.memory_space<vmem>>
    %dma_start3A_67 = tpu.memref_squeeze %dma_start3A_66 : memref<1x128xi32, #tpu.memory_space<vmem>> -> memref<128xi32, #tpu.memory_space<vmem>>
    %dma_start3A_68 = arith.constant 0 : i32
    %dma_start3A_69 = tpu.memref_slice %arg4[%add3A_63, %dma_start3A_68] : memref<2560x128xi32, #tpu.memory_space<hbm>> -> memref<1x128xi32, #tpu.memory_space<hbm>>
    %dma_start3A_70 = tpu.memref_squeeze %dma_start3A_69 : memref<1x128xi32, #tpu.memory_space<hbm>> -> memref<128xi32, #tpu.memory_space<hbm>>
    %dma_start3A_71 = arith.constant 0 : i32
    %dma_start3A_72 = tpu.memref_slice %arg7[%dma_start3A_64, %dma_start3A_71] : memref<4x128xi32, #tpu.memory_space<vmem>> -> memref<1x128xi32, #tpu.memory_space<vmem>>
    %dma_start3A_73 = tpu.memref_squeeze %dma_start3A_72 : memref<1x128xi32, #tpu.memory_space<vmem>> -> memref<128xi32, #tpu.memory_space<vmem>>
    %dma_start3A_74 = arith.constant 0 : i32
    %dma_start3A_75 = tpu.memref_slice %arg4[%add3A_63, %dma_start3A_74] : memref<2560x128xi32, #tpu.memory_space<hbm>> -> memref<1x128xi32, #tpu.memory_space<hbm>>
    %dma_start3A_76 = tpu.memref_squeeze %dma_start3A_75 : memref<1x128xi32, #tpu.memory_space<hbm>> -> memref<128xi32, #tpu.memory_space<hbm>>
    tpu.enqueue_dma source(%dma_start3A_76 : memref<128xi32, #tpu.memory_space<hbm>>) target(%dma_start3A_73 : memref<128xi32, #tpu.memory_space<vmem>>) target_semaphore(%arg12 : memref<!tpu.dma_semaphore, #tpu.memory_space<semaphore_mem>>)
    %add3A_77 = arith.constant 2 : i32
    %add3A_78 = arith.addi %mul3A_4, %add3A_77 : i32
    %dma_start3A_79 = arith.constant 2 : i32
    %dma_start3A_80 = arith.constant 0 : i32
    %dma_start3A_81 = tpu.memref_slice %arg6[%dma_start3A_79, %dma_start3A_80] : memref<4x128xi32, #tpu.memory_space<vmem>> -> memref<1x128xi32, #tpu.memory_space<vmem>>
    %dma_start3A_82 = tpu.memref_squeeze %dma_start3A_81 : memref<1x128xi32, #tpu.memory_space<vmem>> -> memref<128xi32, #tpu.memory_space<vmem>>
    %dma_start3A_83 = arith.constant 0 : i32
    %dma_start3A_84 = tpu.memref_slice %arg3[%add3A_78, %dma_start3A_83] : memref<2560x128xi32, #tpu.memory_space<hbm>> -> memref<1x128xi32, #tpu.memory_space<hbm>>
    %dma_start3A_85 = tpu.memref_squeeze %dma_start3A_84 : memref<1x128xi32, #tpu.memory_space<hbm>> -> memref<128xi32, #tpu.memory_space<hbm>>
    %dma_start3A_86 = arith.constant 0 : i32
    %dma_start3A_87 = tpu.memref_slice %arg6[%dma_start3A_79, %dma_start3A_86] : memref<4x128xi32, #tpu.memory_space<vmem>> -> memref<1x128xi32, #tpu.memory_space<vmem>>
    %dma_start3A_88 = tpu.memref_squeeze %dma_start3A_87 : memref<1x128xi32, #tpu.memory_space<vmem>> -> memref<128xi32, #tpu.memory_space<vmem>>
    %dma_start3A_89 = arith.constant 0 : i32
    %dma_start3A_90 = tpu.memref_slice %arg3[%add3A_78, %dma_start3A_89] : memref<2560x128xi32, #tpu.memory_space<hbm>> -> memref<1x128xi32, #tpu.memory_space<hbm>>
    %dma_start3A_91 = tpu.memref_squeeze %dma_start3A_90 : memref<1x128xi32, #tpu.memory_space<hbm>> -> memref<128xi32, #tpu.memory_space<hbm>>
    tpu.enqueue_dma source(%dma_start3A_91 : memref<128xi32, #tpu.memory_space<hbm>>) target(%dma_start3A_88 : memref<128xi32, #tpu.memory_space<vmem>>) target_semaphore(%arg13 : memref<!tpu.dma_semaphore, #tpu.memory_space<semaphore_mem>>)
    %add3A_92 = arith.constant 2 : i32
    %add3A_93 = arith.addi %mul3A_4, %add3A_92 : i32
    %dma_start3A_94 = arith.constant 2 : i32
    %dma_start3A_95 = arith.constant 0 : i32
    %dma_start3A_96 = tpu.memref_slice %arg7[%dma_start3A_94, %dma_start3A_95] : memref<4x128xi32, #tpu.memory_space<vmem>> -> memref<1x128xi32, #tpu.memory_space<vmem>>
    %dma_start3A_97 = tpu.memref_squeeze %dma_start3A_96 : memref<1x128xi32, #tpu.memory_space<vmem>> -> memref<128xi32, #tpu.memory_space<vmem>>
    %dma_start3A_98 = arith.constant 0 : i32
    %dma_start3A_99 = tpu.memref_slice %arg4[%add3A_93, %dma_start3A_98] : memref<2560x128xi32, #tpu.memory_space<hbm>> -> memref<1x128xi32, #tpu.memory_space<hbm>>
    %dma_start3A_100 = tpu.memref_squeeze %dma_start3A_99 : memref<1x128xi32, #tpu.memory_space<hbm>> -> memref<128xi32, #tpu.memory_space<hbm>>
    %dma_start3A_101 = arith.constant 0 : i32
    %dma_start3A_102 = tpu.memref_slice %arg7[%dma_start3A_94, %dma_start3A_101] : memref<4x128xi32, #tpu.memory_space<vmem>> -> memref<1x128xi32, #tpu.memory_space<vmem>>
    %dma_start3A_103 = tpu.memref_squeeze %dma_start3A_102 : memref<1x128xi32, #tpu.memory_space<vmem>> -> memref<128xi32, #tpu.memory_space<vmem>>
    %dma_start3A_104 = arith.constant 0 : i32
    %dma_start3A_105 = tpu.memref_slice %arg4[%add3A_93, %dma_start3A_104] : memref<2560x128xi32, #tpu.memory_space<hbm>> -> memref<1x128xi32, #tpu.memory_space<hbm>>
    %dma_start3A_106 = tpu.memref_squeeze %dma_start3A_105 : memref<1x128xi32, #tpu.memory_space<hbm>> -> memref<128xi32, #tpu.memory_space<hbm>>
    tpu.enqueue_dma source(%dma_start3A_106 : memref<128xi32, #tpu.memory_space<hbm>>) target(%dma_start3A_103 : memref<128xi32, #tpu.memory_space<vmem>>) target_semaphore(%arg13 : memref<!tpu.dma_semaphore, #tpu.memory_space<semaphore_mem>>)
    %dma_wait3A = arith.constant 0 : i32
    %dma_wait3A_107 = arith.constant 0 : i32
    %dma_wait3A_108 = tpu.memref_slice %arg6[%dma_wait3A, %dma_wait3A_107] : memref<4x128xi32, #tpu.memory_space<vmem>> -> memref<1x128xi32, #tpu.memory_space<vmem>>
    %dma_wait3A_109 = tpu.memref_squeeze %dma_wait3A_108 : memref<1x128xi32, #tpu.memory_space<vmem>> -> memref<128xi32, #tpu.memory_space<vmem>>
    %dma_wait3A_110 = arith.constant 0 : i32
    %dma_wait3A_111 = tpu.memref_slice %arg3[%mul3A_4, %dma_wait3A_110] : memref<2560x128xi32, #tpu.memory_space<hbm>> -> memref<1x128xi32, #tpu.memory_space<hbm>>
    %dma_wait3A_112 = tpu.memref_squeeze %dma_wait3A_111 : memref<1x128xi32, #tpu.memory_space<hbm>> -> memref<128xi32, #tpu.memory_space<hbm>>
    %dma_wait3A_113 = arith.constant 0 : i32
    %dma_wait3A_114 = tpu.memref_slice %arg6[%dma_wait3A, %dma_wait3A_113] : memref<4x128xi32, #tpu.memory_space<vmem>> -> memref<1x128xi32, #tpu.memory_space<vmem>>
    %dma_wait3A_115 = tpu.memref_squeeze %dma_wait3A_114 : memref<1x128xi32, #tpu.memory_space<vmem>> -> memref<128xi32, #tpu.memory_space<vmem>>
    %dma_wait3A_116 = arith.constant 0 : i32
    %dma_wait3A_117 = tpu.memref_slice %arg3[%mul3A_4, %dma_wait3A_116] : memref<2560x128xi32, #tpu.memory_space<hbm>> -> memref<1x128xi32, #tpu.memory_space<hbm>>
    %dma_wait3A_118 = tpu.memref_squeeze %dma_wait3A_117 : memref<1x128xi32, #tpu.memory_space<hbm>> -> memref<128xi32, #tpu.memory_space<hbm>>
    tpu.wait_dma2 semaphore(%arg11 : memref<!tpu.dma_semaphore, #tpu.memory_space<semaphore_mem>>) src(%dma_wait3A_118 : memref<128xi32, #tpu.memory_space<hbm>>) dst(%dma_wait3A_115 : memref<128xi32, #tpu.memory_space<vmem>>)
    %dma_wait3A_119 = arith.constant 0 : i32
    %dma_wait3A_120 = arith.constant 0 : i32
    %dma_wait3A_121 = tpu.memref_slice %arg7[%dma_wait3A_119, %dma_wait3A_120] : memref<4x128xi32, #tpu.memory_space<vmem>> -> memref<1x128xi32, #tpu.memory_space<vmem>>
    %dma_wait3A_122 = tpu.memref_squeeze %dma_wait3A_121 : memref<1x128xi32, #tpu.memory_space<vmem>> -> memref<128xi32, #tpu.memory_space<vmem>>
    %dma_wait3A_123 = arith.constant 0 : i32
    %dma_wait3A_124 = tpu.memref_slice %arg4[%mul3A_4, %dma_wait3A_123] : memref<2560x128xi32, #tpu.memory_space<hbm>> -> memref<1x128xi32, #tpu.memory_space<hbm>>
    %dma_wait3A_125 = tpu.memref_squeeze %dma_wait3A_124 : memref<1x128xi32, #tpu.memory_space<hbm>> -> memref<128xi32, #tpu.memory_space<hbm>>
    %dma_wait3A_126 = arith.constant 0 : i32
    %dma_wait3A_127 = tpu.memref_slice %arg7[%dma_wait3A_119, %dma_wait3A_126] : memref<4x128xi32, #tpu.memory_space<vmem>> -> memref<1x128xi32, #tpu.memory_space<vmem>>
    %dma_wait3A_128 = tpu.memref_squeeze %dma_wait3A_127 : memref<1x128xi32, #tpu.memory_space<vmem>> -> memref<128xi32, #tpu.memory_space<vmem>>
    %dma_wait3A_129 = arith.constant 0 : i32
    %dma_wait3A_130 = tpu.memref_slice %arg4[%mul3A_4, %dma_wait3A_129] : memref<2560x128xi32, #tpu.memory_space<hbm>> -> memref<1x128xi32, #tpu.memory_space<hbm>>
    %dma_wait3A_131 = tpu.memref_squeeze %dma_wait3A_130 : memref<1x128xi32, #tpu.memory_space<hbm>> -> memref<128xi32, #tpu.memory_space<hbm>>
    tpu.wait_dma2 semaphore(%arg11 : memref<!tpu.dma_semaphore, #tpu.memory_space<semaphore_mem>>) src(%dma_wait3A_131 : memref<128xi32, #tpu.memory_space<hbm>>) dst(%dma_wait3A_128 : memref<128xi32, #tpu.memory_space<vmem>>)
    %dma_start3A_132 = arith.constant 0 : i32
    %dma_start3A_133 = arith.constant 0 : i32
    %dma_start3A_134 = tpu.memref_slice %arg6[%dma_start3A_132, %dma_start3A_133] : memref<4x128xi32, #tpu.memory_space<vmem>> -> memref<1x128xi32, #tpu.memory_space<vmem>>
    %dma_start3A_135 = tpu.memref_squeeze %dma_start3A_134 : memref<1x128xi32, #tpu.memory_space<vmem>> -> memref<128xi32, #tpu.memory_space<vmem>>
    %dma_start3A_136 = arith.constant 0 : i32
    %dma_start3A_137 = arith.constant 0 : i32
    %dma_start3A_138 = tpu.memref_slice %arg2[%dma_start3A_136, %dma_start3A_137] : memref<10000x128xf32, #tpu.memory_space<hbm>> -> memref<10000x128xf32, #tpu.memory_space<hbm>>
    tpu.enqueue_indirect_dma source(%dma_start3A_138 : memref<10000x128xf32, #tpu.memory_space<hbm>>) target(%arg9 : memref<128x128xf32, #tpu.memory_space<vmem>>) offsets(%dma_start3A_135 : memref<128xi32, #tpu.memory_space<vmem>>) semaphore(%arg15 : memref<!tpu.dma_semaphore, #tpu.memory_space<semaphore_mem>>)
    %barrier3A = arith.constant 0 : index
    tpu.barrier barrier_id(%barrier3A)
    %scan3A_139 = arith.constant 0 : i32
    %scan3A_140 = arith.constant 0 : i32
    %scan3A_141 = arith.constant 20 : i32
    %scan3A_142 = arith.addi %scan3A_140, %scan3A_141 : i32
    %scan3A_143 = arith.constant 1 : i32
    %scan3A_144 = scf.for %scan3A_154 = %scan3A_140 to %scan3A_142 step %scan3A_143 iter_args(%scan3A_155 = %scan3A_139) -> (i32)  : i32 {
      %mul3A_156 = arith.constant 4 : i32
      %mul3A_157 = arith.muli %scan3A_154, %mul3A_156 : i32
      %add3A_158 = arith.constant 0 : i32
      %add3A_159 = arith.addi %mul3A_157, %add3A_158 : i32
      %ge3A = arith.constant 1 : i32
      %ge3A_160 = arith.cmpi sge, %add3A_159, %ge3A : i32
      %convert_element_type3A = arith.extui %ge3A_160 : i1 to i32
      %cond3A = arith.constant 0 : i32
      %cond3A_161 = arith.cmpi ne, %convert_element_type3A, %cond3A : i32
      scf.if %cond3A_161 {
        %dma_wait3A_301 = arith.constant 3 : i32
        %dma_wait3A_302 = arith.constant 0 : i32
        %dma_wait3A_303 = tpu.memref_slice %arg7[%dma_wait3A_301, %dma_wait3A_302] : memref<4x128xi32, #tpu.memory_space<vmem>> -> memref<1x128xi32, #tpu.memory_space<vmem>>
        %dma_wait3A_304 = tpu.memref_squeeze %dma_wait3A_303 : memref<1x128xi32, #tpu.memory_space<vmem>> -> memref<128xi32, #tpu.memory_space<vmem>>
        %dma_wait3A_305 = arith.constant 0 : i32
        %dma_wait3A_306 = arith.constant 0 : i32
        %dma_wait3A_307 = tpu.memref_slice %arg8[%dma_wait3A_305, %dma_wait3A_306] : memref<10240x128xf32, #tpu.memory_space<vmem_shared>> -> memref<10240x128xf32, #tpu.memory_space<vmem_shared>>
        tpu.wait_indirect_dma semaphore(%arg18 : memref<!tpu.dma_semaphore, #tpu.memory_space<semaphore_mem>>) src(%arg10 : memref<128x128xf32, #tpu.memory_space<vmem>>) dst(%dma_wait3A_307 : memref<10240x128xf32, #tpu.memory_space<vmem_shared>>)
      } else {
      }
      %add3A_162 = arith.constant 1 : i32
      %add3A_163 = arith.addi %add3A_159, %add3A_162 : i32
      %lt3A = arith.constant 80 : i32
      %lt3A_164 = arith.cmpi slt, %add3A_163, %lt3A : i32
      %convert_element_type3A_165 = arith.extui %lt3A_164 : i1 to i32
      %cond3A_166 = arith.constant 0 : i32
      %cond3A_167 = arith.cmpi ne, %convert_element_type3A_165, %cond3A_166 : i32
      scf.if %cond3A_167 {
        %dma_wait3A_301 = arith.constant 1 : i32
        %dma_wait3A_302 = arith.constant 0 : i32
        %dma_wait3A_303 = tpu.memref_slice %arg6[%dma_wait3A_301, %dma_wait3A_302] : memref<4x128xi32, #tpu.memory_space<vmem>> -> memref<1x128xi32, #tpu.memory_space<vmem>>
        %dma_wait3A_304 = tpu.memref_squeeze %dma_wait3A_303 : memref<1x128xi32, #tpu.memory_space<vmem>> -> memref<128xi32, #tpu.memory_space<vmem>>
        %dma_wait3A_305 = arith.constant 0 : i32
        %dma_wait3A_306 = tpu.memref_slice %arg3[%mul3A_4, %dma_wait3A_305] : memref<2560x128xi32, #tpu.memory_space<hbm>> -> memref<1x128xi32, #tpu.memory_space<hbm>>
        %dma_wait3A_307 = tpu.memref_squeeze %dma_wait3A_306 : memref<1x128xi32, #tpu.memory_space<hbm>> -> memref<128xi32, #tpu.memory_space<hbm>>
        %dma_wait3A_308 = arith.constant 0 : i32
        %dma_wait3A_309 = tpu.memref_slice %arg6[%dma_wait3A_301, %dma_wait3A_308] : memref<4x128xi32, #tpu.memory_space<vmem>> -> memref<1x128xi32, #tpu.memory_space<vmem>>
        %dma_wait3A_310 = tpu.memref_squeeze %dma_wait3A_309 : memref<1x128xi32, #tpu.memory_space<vmem>> -> memref<128xi32, #tpu.memory_space<vmem>>
        %dma_wait3A_311 = arith.constant 0 : i32
        %dma_wait3A_312 = tpu.memref_slice %arg3[%mul3A_4, %dma_wait3A_311] : memref<2560x128xi32, #tpu.memory_space<hbm>> -> memref<1x128xi32, #tpu.memory_space<hbm>>
        %dma_wait3A_313 = tpu.memref_squeeze %dma_wait3A_312 : memref<1x128xi32, #tpu.memory_space<hbm>> -> memref<128xi32, #tpu.memory_space<hbm>>
        tpu.wait_dma2 semaphore(%arg12 : memref<!tpu.dma_semaphore, #tpu.memory_space<semaphore_mem>>) src(%dma_wait3A_313 : memref<128xi32, #tpu.memory_space<hbm>>) dst(%dma_wait3A_310 : memref<128xi32, #tpu.memory_space<vmem>>)
        %dma_wait3A_314 = arith.constant 1 : i32
        %dma_wait3A_315 = arith.constant 0 : i32
        %dma_wait3A_316 = tpu.memref_slice %arg7[%dma_wait3A_314, %dma_wait3A_315] : memref<4x128xi32, #tpu.memory_space<vmem>> -> memref<1x128xi32, #tpu.memory_space<vmem>>
        %dma_wait3A_317 = tpu.memref_squeeze %dma_wait3A_316 : memref<1x128xi32, #tpu.memory_space<vmem>> -> memref<128xi32, #tpu.memory_space<vmem>>
        %dma_wait3A_318 = arith.constant 0 : i32
        %dma_wait3A_319 = tpu.memref_slice %arg4[%mul3A_4, %dma_wait3A_318] : memref<2560x128xi32, #tpu.memory_space<hbm>> -> memref<1x128xi32, #tpu.memory_space<hbm>>
        %dma_wait3A_320 = tpu.memref_squeeze %dma_wait3A_319 : memref<1x128xi32, #tpu.memory_space<hbm>> -> memref<128xi32, #tpu.memory_space<hbm>>
        %dma_wait3A_321 = arith.constant 0 : i32
        %dma_wait3A_322 = tpu.memref_slice %arg7[%dma_wait3A_314, %dma_wait3A_321] : memref<4x128xi32, #tpu.memory_space<vmem>> -> memref<1x128xi32, #tpu.memory_space<vmem>>
        %dma_wait3A_323 = tpu.memref_squeeze %dma_wait3A_322 : memref<1x128xi32, #tpu.memory_space<vmem>> -> memref<128xi32, #tpu.memory_space<vmem>>
        %dma_wait3A_324 = arith.constant 0 : i32
        %dma_wait3A_325 = tpu.memref_slice %arg4[%mul3A_4, %dma_wait3A_324] : memref<2560x128xi32, #tpu.memory_space<hbm>> -> memref<1x128xi32, #tpu.memory_space<hbm>>
        %dma_wait3A_326 = tpu.memref_squeeze %dma_wait3A_325 : memref<1x128xi32, #tpu.memory_space<hbm>> -> memref<128xi32, #tpu.memory_space<hbm>>
        tpu.wait_dma2 semaphore(%arg12 : memref<!tpu.dma_semaphore, #tpu.memory_space<semaphore_mem>>) src(%dma_wait3A_326 : memref<128xi32, #tpu.memory_space<hbm>>) dst(%dma_wait3A_323 : memref<128xi32, #tpu.memory_space<vmem>>)
        %add3A_327 = arith.constant 1 : i32
        %add3A_328 = arith.addi %add3A_159, %add3A_327 : i32
        %dma_start3A_329 = arith.constant 1 : i32
        %dma_start3A_330 = arith.constant 0 : i32
        %dma_start3A_331 = tpu.memref_slice %arg6[%dma_start3A_329, %dma_start3A_330] : memref<4x128xi32, #tpu.memory_space<vmem>> -> memref<1x128xi32, #tpu.memory_space<vmem>>
        %dma_start3A_332 = tpu.memref_squeeze %dma_start3A_331 : memref<1x128xi32, #tpu.memory_space<vmem>> -> memref<128xi32, #tpu.memory_space<vmem>>
        %dma_start3A_333 = arith.constant 0 : i32
        %dma_start3A_334 = arith.constant 0 : i32
        %dma_start3A_335 = tpu.memref_slice %arg2[%dma_start3A_333, %dma_start3A_334] : memref<10000x128xf32, #tpu.memory_space<hbm>> -> memref<10000x128xf32, #tpu.memory_space<hbm>>
        tpu.enqueue_indirect_dma source(%dma_start3A_335 : memref<10000x128xf32, #tpu.memory_space<hbm>>) target(%arg10 : memref<128x128xf32, #tpu.memory_space<vmem>>) offsets(%dma_start3A_332 : memref<128xi32, #tpu.memory_space<vmem>>) semaphore(%arg16 : memref<!tpu.dma_semaphore, #tpu.memory_space<semaphore_mem>>)
      } else {
      }
      %dma_wait3A_168 = arith.constant 0 : i32
      %dma_wait3A_169 = arith.constant 0 : i32
      %dma_wait3A_170 = tpu.memref_slice %arg6[%dma_wait3A_168, %dma_wait3A_169] : memref<4x128xi32, #tpu.memory_space<vmem>> -> memref<1x128xi32, #tpu.memory_space<vmem>>
      %dma_wait3A_171 = tpu.memref_squeeze %dma_wait3A_170 : memref<1x128xi32, #tpu.memory_space<vmem>> -> memref<128xi32, #tpu.memory_space<vmem>>
      %dma_wait3A_172 = arith.constant 0 : i32
      %dma_wait3A_173 = arith.constant 0 : i32
      %dma_wait3A_174 = tpu.memref_slice %arg2[%dma_wait3A_172, %dma_wait3A_173] : memref<10000x128xf32, #tpu.memory_space<hbm>> -> memref<10000x128xf32, #tpu.memory_space<hbm>>
      tpu.wait_indirect_dma semaphore(%arg15 : memref<!tpu.dma_semaphore, #tpu.memory_space<semaphore_mem>>) src(%dma_wait3A_174 : memref<10000x128xf32, #tpu.memory_space<hbm>>) dst(%arg9 : memref<128x128xf32, #tpu.memory_space<vmem>>)
      %dma_start3A_175 = arith.constant 0 : i32
      %dma_start3A_176 = arith.constant 0 : i32
      %dma_start3A_177 = tpu.memref_slice %arg7[%dma_start3A_175, %dma_start3A_176] : memref<4x128xi32, #tpu.memory_space<vmem>> -> memref<1x128xi32, #tpu.memory_space<vmem>>
      %dma_start3A_178 = tpu.memref_squeeze %dma_start3A_177 : memref<1x128xi32, #tpu.memory_space<vmem>> -> memref<128xi32, #tpu.memory_space<vmem>>
      %dma_start3A_179 = arith.constant 0 : i32
      %dma_start3A_180 = arith.constant 0 : i32
      %dma_start3A_181 = tpu.memref_slice %arg8[%dma_start3A_179, %dma_start3A_180] : memref<10240x128xf32, #tpu.memory_space<vmem_shared>> -> memref<10240x128xf32, #tpu.memory_space<vmem_shared>>
      tpu.enqueue_indirect_dma source(%arg9 : memref<128x128xf32, #tpu.memory_space<vmem>>) target(%dma_start3A_181 : memref<10240x128xf32, #tpu.memory_space<vmem_shared>>) offsets(%dma_start3A_178 : memref<128xi32, #tpu.memory_space<vmem>>) semaphore(%arg17 : memref<!tpu.dma_semaphore, #tpu.memory_space<semaphore_mem>>) {add = true}
      %add3A_182 = arith.constant 3 : i32
      %add3A_183 = arith.addi %add3A_159, %add3A_182 : i32
      %lt3A_184 = arith.constant 80 : i32
      %lt3A_185 = arith.cmpi slt, %add3A_183, %lt3A_184 : i32
      %convert_element_type3A_186 = arith.extui %lt3A_185 : i1 to i32
      %cond3A_187 = arith.constant 0 : i32
      %cond3A_188 = arith.cmpi ne, %convert_element_type3A_186, %cond3A_187 : i32
      scf.if %cond3A_188 {
        %add3A_301 = arith.constant 3 : i32
        %add3A_302 = arith.addi %add3A_159, %add3A_301 : i32
        %add3A_303 = arith.addi %mul3A_4, %add3A_302 : i32
        %dma_start3A_304 = arith.constant 3 : i32
        %dma_start3A_305 = arith.constant 0 : i32
        %dma_start3A_306 = tpu.memref_slice %arg6[%dma_start3A_304, %dma_start3A_305] : memref<4x128xi32, #tpu.memory_space<vmem>> -> memref<1x128xi32, #tpu.memory_space<vmem>>
        %dma_start3A_307 = tpu.memref_squeeze %dma_start3A_306 : memref<1x128xi32, #tpu.memory_space<vmem>> -> memref<128xi32, #tpu.memory_space<vmem>>
        %dma_start3A_308 = arith.constant 0 : i32
        %dma_start3A_309 = tpu.memref_slice %arg3[%add3A_303, %dma_start3A_308] : memref<2560x128xi32, #tpu.memory_space<hbm>> -> memref<1x128xi32, #tpu.memory_space<hbm>>
        %dma_start3A_310 = tpu.memref_squeeze %dma_start3A_309 : memref<1x128xi32, #tpu.memory_space<hbm>> -> memref<128xi32, #tpu.memory_space<hbm>>
        %dma_start3A_311 = arith.constant 0 : i32
        %dma_start3A_312 = tpu.memref_slice %arg6[%dma_start3A_304, %dma_start3A_311] : memref<4x128xi32, #tpu.memory_space<vmem>> -> memref<1x128xi32, #tpu.memory_space<vmem>>
        %dma_start3A_313 = tpu.memref_squeeze %dma_start3A_312 : memref<1x128xi32, #tpu.memory_space<vmem>> -> memref<128xi32, #tpu.memory_space<vmem>>
        %dma_start3A_314 = arith.constant 0 : i32
        %dma_start3A_315 = tpu.memref_slice %arg3[%add3A_303, %dma_start3A_314] : memref<2560x128xi32, #tpu.memory_space<hbm>> -> memref<1x128xi32, #tpu.memory_space<hbm>>
        %dma_start3A_316 = tpu.memref_squeeze %dma_start3A_315 : memref<1x128xi32, #tpu.memory_space<hbm>> -> memref<128xi32, #tpu.memory_space<hbm>>
        tpu.enqueue_dma source(%dma_start3A_316 : memref<128xi32, #tpu.memory_space<hbm>>) target(%dma_start3A_313 : memref<128xi32, #tpu.memory_space<vmem>>) target_semaphore(%arg14 : memref<!tpu.dma_semaphore, #tpu.memory_space<semaphore_mem>>)
        %add3A_317 = arith.addi %mul3A_4, %add3A_302 : i32
        %dma_start3A_318 = arith.constant 3 : i32
        %dma_start3A_319 = arith.constant 0 : i32
        %dma_start3A_320 = tpu.memref_slice %arg7[%dma_start3A_318, %dma_start3A_319] : memref<4x128xi32, #tpu.memory_space<vmem>> -> memref<1x128xi32, #tpu.memory_space<vmem>>
        %dma_start3A_321 = tpu.memref_squeeze %dma_start3A_320 : memref<1x128xi32, #tpu.memory_space<vmem>> -> memref<128xi32, #tpu.memory_space<vmem>>
        %dma_start3A_322 = arith.constant 0 : i32
        %dma_start3A_323 = tpu.memref_slice %arg4[%add3A_317, %dma_start3A_322] : memref<2560x128xi32, #tpu.memory_space<hbm>> -> memref<1x128xi32, #tpu.memory_space<hbm>>
        %dma_start3A_324 = tpu.memref_squeeze %dma_start3A_323 : memref<1x128xi32, #tpu.memory_space<hbm>> -> memref<128xi32, #tpu.memory_space<hbm>>
        %dma_start3A_325 = arith.constant 0 : i32
        %dma_start3A_326 = tpu.memref_slice %arg7[%dma_start3A_318, %dma_start3A_325] : memref<4x128xi32, #tpu.memory_space<vmem>> -> memref<1x128xi32, #tpu.memory_space<vmem>>
        %dma_start3A_327 = tpu.memref_squeeze %dma_start3A_326 : memref<1x128xi32, #tpu.memory_space<vmem>> -> memref<128xi32, #tpu.memory_space<vmem>>
        %dma_start3A_328 = arith.constant 0 : i32
        %dma_start3A_329 = tpu.memref_slice %arg4[%add3A_317, %dma_start3A_328] : memref<2560x128xi32, #tpu.memory_space<hbm>> -> memref<1x128xi32, #tpu.memory_space<hbm>>
        %dma_start3A_330 = tpu.memref_squeeze %dma_start3A_329 : memref<1x128xi32, #tpu.memory_space<hbm>> -> memref<128xi32, #tpu.memory_space<hbm>>
        tpu.enqueue_dma source(%dma_start3A_330 : memref<128xi32, #tpu.memory_space<hbm>>) target(%dma_start3A_327 : memref<128xi32, #tpu.memory_space<vmem>>) target_semaphore(%arg14 : memref<!tpu.dma_semaphore, #tpu.memory_space<semaphore_mem>>)
      } else {
      }
      %mul3A_189 = arith.constant 4 : i32
      %mul3A_190 = arith.muli %scan3A_154, %mul3A_189 : i32
      %add3A_191 = arith.constant 1 : i32
      %add3A_192 = arith.addi %mul3A_190, %add3A_191 : i32
      %ge3A_193 = arith.constant 1 : i32
      %ge3A_194 = arith.cmpi sge, %add3A_192, %ge3A_193 : i32
      %convert_element_type3A_195 = arith.extui %ge3A_194 : i1 to i32
      %cond3A_196 = arith.constant 0 : i32
      %cond3A_197 = arith.cmpi ne, %convert_element_type3A_195, %cond3A_196 : i32
      scf.if %cond3A_197 {
        %dma_wait3A_301 = arith.constant 0 : i32
        %dma_wait3A_302 = arith.constant 0 : i32
        %dma_wait3A_303 = tpu.memref_slice %arg7[%dma_wait3A_301, %dma_wait3A_302] : memref<4x128xi32, #tpu.memory_space<vmem>> -> memref<1x128xi32, #tpu.memory_space<vmem>>
        %dma_wait3A_304 = tpu.memref_squeeze %dma_wait3A_303 : memref<1x128xi32, #tpu.memory_space<vmem>> -> memref<128xi32, #tpu.memory_space<vmem>>
        %dma_wait3A_305 = arith.constant 0 : i32
        %dma_wait3A_306 = arith.constant 0 : i32
        %dma_wait3A_307 = tpu.memref_slice %arg8[%dma_wait3A_305, %dma_wait3A_306] : memref<10240x128xf32, #tpu.memory_space<vmem_shared>> -> memref<10240x128xf32, #tpu.memory_space<vmem_shared>>
        tpu.wait_indirect_dma semaphore(%arg17 : memref<!tpu.dma_semaphore, #tpu.memory_space<semaphore_mem>>) src(%arg9 : memref<128x128xf32, #tpu.memory_space<vmem>>) dst(%dma_wait3A_307 : memref<10240x128xf32, #tpu.memory_space<vmem_shared>>)
      } else {
      }
      %add3A_198 = arith.constant 1 : i32
      %add3A_199 = arith.addi %add3A_192, %add3A_198 : i32
      %lt3A_200 = arith.constant 80 : i32
      %lt3A_201 = arith.cmpi slt, %add3A_199, %lt3A_200 : i32
      %convert_element_type3A_202 = arith.extui %lt3A_201 : i1 to i32
      %cond3A_203 = arith.constant 0 : i32
      %cond3A_204 = arith.cmpi ne, %convert_element_type3A_202, %cond3A_203 : i32
      scf.if %cond3A_204 {
        %dma_wait3A_301 = arith.constant 2 : i32
        %dma_wait3A_302 = arith.constant 0 : i32
        %dma_wait3A_303 = tpu.memref_slice %arg6[%dma_wait3A_301, %dma_wait3A_302] : memref<4x128xi32, #tpu.memory_space<vmem>> -> memref<1x128xi32, #tpu.memory_space<vmem>>
        %dma_wait3A_304 = tpu.memref_squeeze %dma_wait3A_303 : memref<1x128xi32, #tpu.memory_space<vmem>> -> memref<128xi32, #tpu.memory_space<vmem>>
        %dma_wait3A_305 = arith.constant 0 : i32
        %dma_wait3A_306 = tpu.memref_slice %arg3[%mul3A_4, %dma_wait3A_305] : memref<2560x128xi32, #tpu.memory_space<hbm>> -> memref<1x128xi32, #tpu.memory_space<hbm>>
        %dma_wait3A_307 = tpu.memref_squeeze %dma_wait3A_306 : memref<1x128xi32, #tpu.memory_space<hbm>> -> memref<128xi32, #tpu.memory_space<hbm>>
        %dma_wait3A_308 = arith.constant 0 : i32
        %dma_wait3A_309 = tpu.memref_slice %arg6[%dma_wait3A_301, %dma_wait3A_308] : memref<4x128xi32, #tpu.memory_space<vmem>> -> memref<1x128xi32, #tpu.memory_space<vmem>>
        %dma_wait3A_310 = tpu.memref_squeeze %dma_wait3A_309 : memref<1x128xi32, #tpu.memory_space<vmem>> -> memref<128xi32, #tpu.memory_space<vmem>>
        %dma_wait3A_311 = arith.constant 0 : i32
        %dma_wait3A_312 = tpu.memref_slice %arg3[%mul3A_4, %dma_wait3A_311] : memref<2560x128xi32, #tpu.memory_space<hbm>> -> memref<1x128xi32, #tpu.memory_space<hbm>>
        %dma_wait3A_313 = tpu.memref_squeeze %dma_wait3A_312 : memref<1x128xi32, #tpu.memory_space<hbm>> -> memref<128xi32, #tpu.memory_space<hbm>>
        tpu.wait_dma2 semaphore(%arg13 : memref<!tpu.dma_semaphore, #tpu.memory_space<semaphore_mem>>) src(%dma_wait3A_313 : memref<128xi32, #tpu.memory_space<hbm>>) dst(%dma_wait3A_310 : memref<128xi32, #tpu.memory_space<vmem>>)
        %dma_wait3A_314 = arith.constant 2 : i32
        %dma_wait3A_315 = arith.constant 0 : i32
        %dma_wait3A_316 = tpu.memref_slice %arg7[%dma_wait3A_314, %dma_wait3A_315] : memref<4x128xi32, #tpu.memory_space<vmem>> -> memref<1x128xi32, #tpu.memory_space<vmem>>
        %dma_wait3A_317 = tpu.memref_squeeze %dma_wait3A_316 : memref<1x128xi32, #tpu.memory_space<vmem>> -> memref<128xi32, #tpu.memory_space<vmem>>
        %dma_wait3A_318 = arith.constant 0 : i32
        %dma_wait3A_319 = tpu.memref_slice %arg4[%mul3A_4, %dma_wait3A_318] : memref<2560x128xi32, #tpu.memory_space<hbm>> -> memref<1x128xi32, #tpu.memory_space<hbm>>
        %dma_wait3A_320 = tpu.memref_squeeze %dma_wait3A_319 : memref<1x128xi32, #tpu.memory_space<hbm>> -> memref<128xi32, #tpu.memory_space<hbm>>
        %dma_wait3A_321 = arith.constant 0 : i32
        %dma_wait3A_322 = tpu.memref_slice %arg7[%dma_wait3A_314, %dma_wait3A_321] : memref<4x128xi32, #tpu.memory_space<vmem>> -> memref<1x128xi32, #tpu.memory_space<vmem>>
        %dma_wait3A_323 = tpu.memref_squeeze %dma_wait3A_322 : memref<1x128xi32, #tpu.memory_space<vmem>> -> memref<128xi32, #tpu.memory_space<vmem>>
        %dma_wait3A_324 = arith.constant 0 : i32
        %dma_wait3A_325 = tpu.memref_slice %arg4[%mul3A_4, %dma_wait3A_324] : memref<2560x128xi32, #tpu.memory_space<hbm>> -> memref<1x128xi32, #tpu.memory_space<hbm>>
        %dma_wait3A_326 = tpu.memref_squeeze %dma_wait3A_325 : memref<1x128xi32, #tpu.memory_space<hbm>> -> memref<128xi32, #tpu.memory_space<hbm>>
        tpu.wait_dma2 semaphore(%arg13 : memref<!tpu.dma_semaphore, #tpu.memory_space<semaphore_mem>>) src(%dma_wait3A_326 : memref<128xi32, #tpu.memory_space<hbm>>) dst(%dma_wait3A_323 : memref<128xi32, #tpu.memory_space<vmem>>)
        %add3A_327 = arith.constant 1 : i32
        %add3A_328 = arith.addi %add3A_192, %add3A_327 : i32
        %dma_start3A_329 = arith.constant 2 : i32
        %dma_start3A_330 = arith.constant 0 : i32
        %dma_start3A_331 = tpu.memref_slice %arg6[%dma_start3A_329, %dma_start3A_330] : memref<4x128xi32, #tpu.memory_space<vmem>> -> memref<1x128xi32, #tpu.memory_space<vmem>>
        %dma_start3A_332 = tpu.memref_squeeze %dma_start3A_331 : memref<1x128xi32, #tpu.memory_space<vmem>> -> memref<128xi32, #tpu.memory_space<vmem>>
        %dma_start3A_333 = arith.constant 0 : i32
        %dma_start3A_334 = arith.constant 0 : i32
        %dma_start3A_335 = tpu.memref_slice %arg2[%dma_start3A_333, %dma_start3A_334] : memref<10000x128xf32, #tpu.memory_space<hbm>> -> memref<10000x128xf32, #tpu.memory_space<hbm>>
        tpu.enqueue_indirect_dma source(%dma_start3A_335 : memref<10000x128xf32, #tpu.memory_space<hbm>>) target(%arg9 : memref<128x128xf32, #tpu.memory_space<vmem>>) offsets(%dma_start3A_332 : memref<128xi32, #tpu.memory_space<vmem>>) semaphore(%arg15 : memref<!tpu.dma_semaphore, #tpu.memory_space<semaphore_mem>>)
      } else {
      }
      %dma_wait3A_205 = arith.constant 1 : i32
      %dma_wait3A_206 = arith.constant 0 : i32
      %dma_wait3A_207 = tpu.memref_slice %arg6[%dma_wait3A_205, %dma_wait3A_206] : memref<4x128xi32, #tpu.memory_space<vmem>> -> memref<1x128xi32, #tpu.memory_space<vmem>>
      %dma_wait3A_208 = tpu.memref_squeeze %dma_wait3A_207 : memref<1x128xi32, #tpu.memory_space<vmem>> -> memref<128xi32, #tpu.memory_space<vmem>>
      %dma_wait3A_209 = arith.constant 0 : i32
      %dma_wait3A_210 = arith.constant 0 : i32
      %dma_wait3A_211 = tpu.memref_slice %arg2[%dma_wait3A_209, %dma_wait3A_210] : memref<10000x128xf32, #tpu.memory_space<hbm>> -> memref<10000x128xf32, #tpu.memory_space<hbm>>
      tpu.wait_indirect_dma semaphore(%arg16 : memref<!tpu.dma_semaphore, #tpu.memory_space<semaphore_mem>>) src(%dma_wait3A_211 : memref<10000x128xf32, #tpu.memory_space<hbm>>) dst(%arg10 : memref<128x128xf32, #tpu.memory_space<vmem>>)
      %dma_start3A_212 = arith.constant 1 : i32
      %dma_start3A_213 = arith.constant 0 : i32
      %dma_start3A_214 = tpu.memref_slice %arg7[%dma_start3A_212, %dma_start3A_213] : memref<4x128xi32, #tpu.memory_space<vmem>> -> memref<1x128xi32, #tpu.memory_space<vmem>>
      %dma_start3A_215 = tpu.memref_squeeze %dma_start3A_214 : memref<1x128xi32, #tpu.memory_space<vmem>> -> memref<128xi32, #tpu.memory_space<vmem>>
      %dma_start3A_216 = arith.constant 0 : i32
      %dma_start3A_217 = arith.constant 0 : i32
      %dma_start3A_218 = tpu.memref_slice %arg8[%dma_start3A_216, %dma_start3A_217] : memref<10240x128xf32, #tpu.memory_space<vmem_shared>> -> memref<10240x128xf32, #tpu.memory_space<vmem_shared>>
      tpu.enqueue_indirect_dma source(%arg10 : memref<128x128xf32, #tpu.memory_space<vmem>>) target(%dma_start3A_218 : memref<10240x128xf32, #tpu.memory_space<vmem_shared>>) offsets(%dma_start3A_215 : memref<128xi32, #tpu.memory_space<vmem>>) semaphore(%arg18 : memref<!tpu.dma_semaphore, #tpu.memory_space<semaphore_mem>>) {add = true}
      %add3A_219 = arith.constant 3 : i32
      %add3A_220 = arith.addi %add3A_192, %add3A_219 : i32
      %lt3A_221 = arith.constant 80 : i32
      %lt3A_222 = arith.cmpi slt, %add3A_220, %lt3A_221 : i32
      %convert_element_type3A_223 = arith.extui %lt3A_222 : i1 to i32
      %cond3A_224 = arith.constant 0 : i32
      %cond3A_225 = arith.cmpi ne, %convert_element_type3A_223, %cond3A_224 : i32
      scf.if %cond3A_225 {
        %add3A_301 = arith.constant 3 : i32
        %add3A_302 = arith.addi %add3A_192, %add3A_301 : i32
        %add3A_303 = arith.addi %mul3A_4, %add3A_302 : i32
        %dma_start3A_304 = arith.constant 0 : i32
        %dma_start3A_305 = arith.constant 0 : i32
        %dma_start3A_306 = tpu.memref_slice %arg6[%dma_start3A_304, %dma_start3A_305] : memref<4x128xi32, #tpu.memory_space<vmem>> -> memref<1x128xi32, #tpu.memory_space<vmem>>
        %dma_start3A_307 = tpu.memref_squeeze %dma_start3A_306 : memref<1x128xi32, #tpu.memory_space<vmem>> -> memref<128xi32, #tpu.memory_space<vmem>>
        %dma_start3A_308 = arith.constant 0 : i32
        %dma_start3A_309 = tpu.memref_slice %arg3[%add3A_303, %dma_start3A_308] : memref<2560x128xi32, #tpu.memory_space<hbm>> -> memref<1x128xi32, #tpu.memory_space<hbm>>
        %dma_start3A_310 = tpu.memref_squeeze %dma_start3A_309 : memref<1x128xi32, #tpu.memory_space<hbm>> -> memref<128xi32, #tpu.memory_space<hbm>>
        %dma_start3A_311 = arith.constant 0 : i32
        %dma_start3A_312 = tpu.memref_slice %arg6[%dma_start3A_304, %dma_start3A_311] : memref<4x128xi32, #tpu.memory_space<vmem>> -> memref<1x128xi32, #tpu.memory_space<vmem>>
        %dma_start3A_313 = tpu.memref_squeeze %dma_start3A_312 : memref<1x128xi32, #tpu.memory_space<vmem>> -> memref<128xi32, #tpu.memory_space<vmem>>
        %dma_start3A_314 = arith.constant 0 : i32
        %dma_start3A_315 = tpu.memref_slice %arg3[%add3A_303, %dma_start3A_314] : memref<2560x128xi32, #tpu.memory_space<hbm>> -> memref<1x128xi32, #tpu.memory_space<hbm>>
        %dma_start3A_316 = tpu.memref_squeeze %dma_start3A_315 : memref<1x128xi32, #tpu.memory_space<hbm>> -> memref<128xi32, #tpu.memory_space<hbm>>
        tpu.enqueue_dma source(%dma_start3A_316 : memref<128xi32, #tpu.memory_space<hbm>>) target(%dma_start3A_313 : memref<128xi32, #tpu.memory_space<vmem>>) target_semaphore(%arg11 : memref<!tpu.dma_semaphore, #tpu.memory_space<semaphore_mem>>)
        %add3A_317 = arith.addi %mul3A_4, %add3A_302 : i32
        %dma_start3A_318 = arith.constant 0 : i32
        %dma_start3A_319 = arith.constant 0 : i32
        %dma_start3A_320 = tpu.memref_slice %arg7[%dma_start3A_318, %dma_start3A_319] : memref<4x128xi32, #tpu.memory_space<vmem>> -> memref<1x128xi32, #tpu.memory_space<vmem>>
        %dma_start3A_321 = tpu.memref_squeeze %dma_start3A_320 : memref<1x128xi32, #tpu.memory_space<vmem>> -> memref<128xi32, #tpu.memory_space<vmem>>
        %dma_start3A_322 = arith.constant 0 : i32
        %dma_start3A_323 = tpu.memref_slice %arg4[%add3A_317, %dma_start3A_322] : memref<2560x128xi32, #tpu.memory_space<hbm>> -> memref<1x128xi32, #tpu.memory_space<hbm>>
        %dma_start3A_324 = tpu.memref_squeeze %dma_start3A_323 : memref<1x128xi32, #tpu.memory_space<hbm>> -> memref<128xi32, #tpu.memory_space<hbm>>
        %dma_start3A_325 = arith.constant 0 : i32
        %dma_start3A_326 = tpu.memref_slice %arg7[%dma_start3A_318, %dma_start3A_325] : memref<4x128xi32, #tpu.memory_space<vmem>> -> memref<1x128xi32, #tpu.memory_space<vmem>>
        %dma_start3A_327 = tpu.memref_squeeze %dma_start3A_326 : memref<1x128xi32, #tpu.memory_space<vmem>> -> memref<128xi32, #tpu.memory_space<vmem>>
        %dma_start3A_328 = arith.constant 0 : i32
        %dma_start3A_329 = tpu.memref_slice %arg4[%add3A_317, %dma_start3A_328] : memref<2560x128xi32, #tpu.memory_space<hbm>> -> memref<1x128xi32, #tpu.memory_space<hbm>>
        %dma_start3A_330 = tpu.memref_squeeze %dma_start3A_329 : memref<1x128xi32, #tpu.memory_space<hbm>> -> memref<128xi32, #tpu.memory_space<hbm>>
        tpu.enqueue_dma source(%dma_start3A_330 : memref<128xi32, #tpu.memory_space<hbm>>) target(%dma_start3A_327 : memref<128xi32, #tpu.memory_space<vmem>>) target_semaphore(%arg11 : memref<!tpu.dma_semaphore, #tpu.memory_space<semaphore_mem>>)
      } else {
      }
      %mul3A_226 = arith.constant 4 : i32
      %mul3A_227 = arith.muli %scan3A_154, %mul3A_226 : i32
      %add3A_228 = arith.constant 2 : i32
      %add3A_229 = arith.addi %mul3A_227, %add3A_228 : i32
      %ge3A_230 = arith.constant 1 : i32
      %ge3A_231 = arith.cmpi sge, %add3A_229, %ge3A_230 : i32
      %convert_element_type3A_232 = arith.extui %ge3A_231 : i1 to i32
      %cond3A_233 = arith.constant 0 : i32
      %cond3A_234 = arith.cmpi ne, %convert_element_type3A_232, %cond3A_233 : i32
      scf.if %cond3A_234 {
        %dma_wait3A_301 = arith.constant 1 : i32
        %dma_wait3A_302 = arith.constant 0 : i32
        %dma_wait3A_303 = tpu.memref_slice %arg7[%dma_wait3A_301, %dma_wait3A_302] : memref<4x128xi32, #tpu.memory_space<vmem>> -> memref<1x128xi32, #tpu.memory_space<vmem>>
        %dma_wait3A_304 = tpu.memref_squeeze %dma_wait3A_303 : memref<1x128xi32, #tpu.memory_space<vmem>> -> memref<128xi32, #tpu.memory_space<vmem>>
        %dma_wait3A_305 = arith.constant 0 : i32
        %dma_wait3A_306 = arith.constant 0 : i32
        %dma_wait3A_307 = tpu.memref_slice %arg8[%dma_wait3A_305, %dma_wait3A_306] : memref<10240x128xf32, #tpu.memory_space<vmem_shared>> -> memref<10240x128xf32, #tpu.memory_space<vmem_shared>>
        tpu.wait_indirect_dma semaphore(%arg18 : memref<!tpu.dma_semaphore, #tpu.memory_space<semaphore_mem>>) src(%arg10 : memref<128x128xf32, #tpu.memory_space<vmem>>) dst(%dma_wait3A_307 : memref<10240x128xf32, #tpu.memory_space<vmem_shared>>)
      } else {
      }
      %add3A_235 = arith.constant 1 : i32
      %add3A_236 = arith.addi %add3A_229, %add3A_235 : i32
      %lt3A_237 = arith.constant 80 : i32
      %lt3A_238 = arith.cmpi slt, %add3A_236, %lt3A_237 : i32
      %convert_element_type3A_239 = arith.extui %lt3A_238 : i1 to i32
      %cond3A_240 = arith.constant 0 : i32
      %cond3A_241 = arith.cmpi ne, %convert_element_type3A_239, %cond3A_240 : i32
      scf.if %cond3A_241 {
        %dma_wait3A_301 = arith.constant 3 : i32
        %dma_wait3A_302 = arith.constant 0 : i32
        %dma_wait3A_303 = tpu.memref_slice %arg6[%dma_wait3A_301, %dma_wait3A_302] : memref<4x128xi32, #tpu.memory_space<vmem>> -> memref<1x128xi32, #tpu.memory_space<vmem>>
        %dma_wait3A_304 = tpu.memref_squeeze %dma_wait3A_303 : memref<1x128xi32, #tpu.memory_space<vmem>> -> memref<128xi32, #tpu.memory_space<vmem>>
        %dma_wait3A_305 = arith.constant 0 : i32
        %dma_wait3A_306 = tpu.memref_slice %arg3[%mul3A_4, %dma_wait3A_305] : memref<2560x128xi32, #tpu.memory_space<hbm>> -> memref<1x128xi32, #tpu.memory_space<hbm>>
        %dma_wait3A_307 = tpu.memref_squeeze %dma_wait3A_306 : memref<1x128xi32, #tpu.memory_space<hbm>> -> memref<128xi32, #tpu.memory_space<hbm>>
        %dma_wait3A_308 = arith.constant 0 : i32
        %dma_wait3A_309 = tpu.memref_slice %arg6[%dma_wait3A_301, %dma_wait3A_308] : memref<4x128xi32, #tpu.memory_space<vmem>> -> memref<1x128xi32, #tpu.memory_space<vmem>>
        %dma_wait3A_310 = tpu.memref_squeeze %dma_wait3A_309 : memref<1x128xi32, #tpu.memory_space<vmem>> -> memref<128xi32, #tpu.memory_space<vmem>>
        %dma_wait3A_311 = arith.constant 0 : i32
        %dma_wait3A_312 = tpu.memref_slice %arg3[%mul3A_4, %dma_wait3A_311] : memref<2560x128xi32, #tpu.memory_space<hbm>> -> memref<1x128xi32, #tpu.memory_space<hbm>>
        %dma_wait3A_313 = tpu.memref_squeeze %dma_wait3A_312 : memref<1x128xi32, #tpu.memory_space<hbm>> -> memref<128xi32, #tpu.memory_space<hbm>>
        tpu.wait_dma2 semaphore(%arg14 : memref<!tpu.dma_semaphore, #tpu.memory_space<semaphore_mem>>) src(%dma_wait3A_313 : memref<128xi32, #tpu.memory_space<hbm>>) dst(%dma_wait3A_310 : memref<128xi32, #tpu.memory_space<vmem>>)
        %dma_wait3A_314 = arith.constant 3 : i32
        %dma_wait3A_315 = arith.constant 0 : i32
        %dma_wait3A_316 = tpu.memref_slice %arg7[%dma_wait3A_314, %dma_wait3A_315] : memref<4x128xi32, #tpu.memory_space<vmem>> -> memref<1x128xi32, #tpu.memory_space<vmem>>
        %dma_wait3A_317 = tpu.memref_squeeze %dma_wait3A_316 : memref<1x128xi32, #tpu.memory_space<vmem>> -> memref<128xi32, #tpu.memory_space<vmem>>
        %dma_wait3A_318 = arith.constant 0 : i32
        %dma_wait3A_319 = tpu.memref_slice %arg4[%mul3A_4, %dma_wait3A_318] : memref<2560x128xi32, #tpu.memory_space<hbm>> -> memref<1x128xi32, #tpu.memory_space<hbm>>
        %dma_wait3A_320 = tpu.memref_squeeze %dma_wait3A_319 : memref<1x128xi32, #tpu.memory_space<hbm>> -> memref<128xi32, #tpu.memory_space<hbm>>
        %dma_wait3A_321 = arith.constant 0 : i32
        %dma_wait3A_322 = tpu.memref_slice %arg7[%dma_wait3A_314, %dma_wait3A_321] : memref<4x128xi32, #tpu.memory_space<vmem>> -> memref<1x128xi32, #tpu.memory_space<vmem>>
        %dma_wait3A_323 = tpu.memref_squeeze %dma_wait3A_322 : memref<1x128xi32, #tpu.memory_space<vmem>> -> memref<128xi32, #tpu.memory_space<vmem>>
        %dma_wait3A_324 = arith.constant 0 : i32
        %dma_wait3A_325 = tpu.memref_slice %arg4[%mul3A_4, %dma_wait3A_324] : memref<2560x128xi32, #tpu.memory_space<hbm>> -> memref<1x128xi32, #tpu.memory_space<hbm>>
        %dma_wait3A_326 = tpu.memref_squeeze %dma_wait3A_325 : memref<1x128xi32, #tpu.memory_space<hbm>> -> memref<128xi32, #tpu.memory_space<hbm>>
        tpu.wait_dma2 semaphore(%arg14 : memref<!tpu.dma_semaphore, #tpu.memory_space<semaphore_mem>>) src(%dma_wait3A_326 : memref<128xi32, #tpu.memory_space<hbm>>) dst(%dma_wait3A_323 : memref<128xi32, #tpu.memory_space<vmem>>)
        %add3A_327 = arith.constant 1 : i32
        %add3A_328 = arith.addi %add3A_229, %add3A_327 : i32
        %dma_start3A_329 = arith.constant 3 : i32
        %dma_start3A_330 = arith.constant 0 : i32
        %dma_start3A_331 = tpu.memref_slice %arg6[%dma_start3A_329, %dma_start3A_330] : memref<4x128xi32, #tpu.memory_space<vmem>> -> memref<1x128xi32, #tpu.memory_space<vmem>>
        %dma_start3A_332 = tpu.memref_squeeze %dma_start3A_331 : memref<1x128xi32, #tpu.memory_space<vmem>> -> memref<128xi32, #tpu.memory_space<vmem>>
        %dma_start3A_333 = arith.constant 0 : i32
        %dma_start3A_334 = arith.constant 0 : i32
        %dma_start3A_335 = tpu.memref_slice %arg2[%dma_start3A_333, %dma_start3A_334] : memref<10000x128xf32, #tpu.memory_space<hbm>> -> memref<10000x128xf32, #tpu.memory_space<hbm>>
        tpu.enqueue_indirect_dma source(%dma_start3A_335 : memref<10000x128xf32, #tpu.memory_space<hbm>>) target(%arg10 : memref<128x128xf32, #tpu.memory_space<vmem>>) offsets(%dma_start3A_332 : memref<128xi32, #tpu.memory_space<vmem>>) semaphore(%arg16 : memref<!tpu.dma_semaphore, #tpu.memory_space<semaphore_mem>>)
      } else {
      }
      %dma_wait3A_242 = arith.constant 2 : i32
      %dma_wait3A_243 = arith.constant 0 : i32
      %dma_wait3A_244 = tpu.memref_slice %arg6[%dma_wait3A_242, %dma_wait3A_243] : memref<4x128xi32, #tpu.memory_space<vmem>> -> memref<1x128xi32, #tpu.memory_space<vmem>>
      %dma_wait3A_245 = tpu.memref_squeeze %dma_wait3A_244 : memref<1x128xi32, #tpu.memory_space<vmem>> -> memref<128xi32, #tpu.memory_space<vmem>>
      %dma_wait3A_246 = arith.constant 0 : i32
      %dma_wait3A_247 = arith.constant 0 : i32
      %dma_wait3A_248 = tpu.memref_slice %arg2[%dma_wait3A_246, %dma_wait3A_247] : memref<10000x128xf32, #tpu.memory_space<hbm>> -> memref<10000x128xf32, #tpu.memory_space<hbm>>
      tpu.wait_indirect_dma semaphore(%arg15 : memref<!tpu.dma_semaphore, #tpu.memory_space<semaphore_mem>>) src(%dma_wait3A_248 : memref<10000x128xf32, #tpu.memory_space<hbm>>) dst(%arg9 : memref<128x128xf32, #tpu.memory_space<vmem>>)
      %dma_start3A_249 = arith.constant 2 : i32
      %dma_start3A_250 = arith.constant 0 : i32
      %dma_start3A_251 = tpu.memref_slice %arg7[%dma_start3A_249, %dma_start3A_250] : memref<4x128xi32, #tpu.memory_space<vmem>> -> memref<1x128xi32, #tpu.memory_space<vmem>>
      %dma_start3A_252 = tpu.memref_squeeze %dma_start3A_251 : memref<1x128xi32, #tpu.memory_space<vmem>> -> memref<128xi32, #tpu.memory_space<vmem>>
      %dma_start3A_253 = arith.constant 0 : i32
      %dma_start3A_254 = arith.constant 0 : i32
      %dma_start3A_255 = tpu.memref_slice %arg8[%dma_start3A_253, %dma_start3A_254] : memref<10240x128xf32, #tpu.memory_space<vmem_shared>> -> memref<10240x128xf32, #tpu.memory_space<vmem_shared>>
      tpu.enqueue_indirect_dma source(%arg9 : memref<128x128xf32, #tpu.memory_space<vmem>>) target(%dma_start3A_255 : memref<10240x128xf32, #tpu.memory_space<vmem_shared>>) offsets(%dma_start3A_252 : memref<128xi32, #tpu.memory_space<vmem>>) semaphore(%arg17 : memref<!tpu.dma_semaphore, #tpu.memory_space<semaphore_mem>>) {add = true}
      %add3A_256 = arith.constant 3 : i32
      %add3A_257 = arith.addi %add3A_229, %add3A_256 : i32
      %lt3A_258 = arith.constant 80 : i32
      %lt3A_259 = arith.cmpi slt, %add3A_257, %lt3A_258 : i32
      %convert_element_type3A_260 = arith.extui %lt3A_259 : i1 to i32
      %cond3A_261 = arith.constant 0 : i32
      %cond3A_262 = arith.cmpi ne, %convert_element_type3A_260, %cond3A_261 : i32
      scf.if %cond3A_262 {
        %add3A_301 = arith.constant 3 : i32
        %add3A_302 = arith.addi %add3A_229, %add3A_301 : i32
        %add3A_303 = arith.addi %mul3A_4, %add3A_302 : i32
        %dma_start3A_304 = arith.constant 1 : i32
        %dma_start3A_305 = arith.constant 0 : i32
        %dma_start3A_306 = tpu.memref_slice %arg6[%dma_start3A_304, %dma_start3A_305] : memref<4x128xi32, #tpu.memory_space<vmem>> -> memref<1x128xi32, #tpu.memory_space<vmem>>
        %dma_start3A_307 = tpu.memref_squeeze %dma_start3A_306 : memref<1x128xi32, #tpu.memory_space<vmem>> -> memref<128xi32, #tpu.memory_space<vmem>>
        %dma_start3A_308 = arith.constant 0 : i32
        %dma_start3A_309 = tpu.memref_slice %arg3[%add3A_303, %dma_start3A_308] : memref<2560x128xi32, #tpu.memory_space<hbm>> -> memref<1x128xi32, #tpu.memory_space<hbm>>
        %dma_start3A_310 = tpu.memref_squeeze %dma_start3A_309 : memref<1x128xi32, #tpu.memory_space<hbm>> -> memref<128xi32, #tpu.memory_space<hbm>>
        %dma_start3A_311 = arith.constant 0 : i32
        %dma_start3A_312 = tpu.memref_slice %arg6[%dma_start3A_304, %dma_start3A_311] : memref<4x128xi32, #tpu.memory_space<vmem>> -> memref<1x128xi32, #tpu.memory_space<vmem>>
        %dma_start3A_313 = tpu.memref_squeeze %dma_start3A_312 : memref<1x128xi32, #tpu.memory_space<vmem>> -> memref<128xi32, #tpu.memory_space<vmem>>
        %dma_start3A_314 = arith.constant 0 : i32
        %dma_start3A_315 = tpu.memref_slice %arg3[%add3A_303, %dma_start3A_314] : memref<2560x128xi32, #tpu.memory_space<hbm>> -> memref<1x128xi32, #tpu.memory_space<hbm>>
        %dma_start3A_316 = tpu.memref_squeeze %dma_start3A_315 : memref<1x128xi32, #tpu.memory_space<hbm>> -> memref<128xi32, #tpu.memory_space<hbm>>
        tpu.enqueue_dma source(%dma_start3A_316 : memref<128xi32, #tpu.memory_space<hbm>>) target(%dma_start3A_313 : memref<128xi32, #tpu.memory_space<vmem>>) target_semaphore(%arg12 : memref<!tpu.dma_semaphore, #tpu.memory_space<semaphore_mem>>)
        %add3A_317 = arith.addi %mul3A_4, %add3A_302 : i32
        %dma_start3A_318 = arith.constant 1 : i32
        %dma_start3A_319 = arith.constant 0 : i32
        %dma_start3A_320 = tpu.memref_slice %arg7[%dma_start3A_318, %dma_start3A_319] : memref<4x128xi32, #tpu.memory_space<vmem>> -> memref<1x128xi32, #tpu.memory_space<vmem>>
        %dma_start3A_321 = tpu.memref_squeeze %dma_start3A_320 : memref<1x128xi32, #tpu.memory_space<vmem>> -> memref<128xi32, #tpu.memory_space<vmem>>
        %dma_start3A_322 = arith.constant 0 : i32
        %dma_start3A_323 = tpu.memref_slice %arg4[%add3A_317, %dma_start3A_322] : memref<2560x128xi32, #tpu.memory_space<hbm>> -> memref<1x128xi32, #tpu.memory_space<hbm>>
        %dma_start3A_324 = tpu.memref_squeeze %dma_start3A_323 : memref<1x128xi32, #tpu.memory_space<hbm>> -> memref<128xi32, #tpu.memory_space<hbm>>
        %dma_start3A_325 = arith.constant 0 : i32
        %dma_start3A_326 = tpu.memref_slice %arg7[%dma_start3A_318, %dma_start3A_325] : memref<4x128xi32, #tpu.memory_space<vmem>> -> memref<1x128xi32, #tpu.memory_space<vmem>>
        %dma_start3A_327 = tpu.memref_squeeze %dma_start3A_326 : memref<1x128xi32, #tpu.memory_space<vmem>> -> memref<128xi32, #tpu.memory_space<vmem>>
        %dma_start3A_328 = arith.constant 0 : i32
        %dma_start3A_329 = tpu.memref_slice %arg4[%add3A_317, %dma_start3A_328] : memref<2560x128xi32, #tpu.memory_space<hbm>> -> memref<1x128xi32, #tpu.memory_space<hbm>>
        %dma_start3A_330 = tpu.memref_squeeze %dma_start3A_329 : memref<1x128xi32, #tpu.memory_space<hbm>> -> memref<128xi32, #tpu.memory_space<hbm>>
        tpu.enqueue_dma source(%dma_start3A_330 : memref<128xi32, #tpu.memory_space<hbm>>) target(%dma_start3A_327 : memref<128xi32, #tpu.memory_space<vmem>>) target_semaphore(%arg12 : memref<!tpu.dma_semaphore, #tpu.memory_space<semaphore_mem>>)
      } else {
      }
      %mul3A_263 = arith.constant 4 : i32
      %mul3A_264 = arith.muli %scan3A_154, %mul3A_263 : i32
      %add3A_265 = arith.constant 3 : i32
      %add3A_266 = arith.addi %mul3A_264, %add3A_265 : i32
      %ge3A_267 = arith.constant 1 : i32
      %ge3A_268 = arith.cmpi sge, %add3A_266, %ge3A_267 : i32
      %convert_element_type3A_269 = arith.extui %ge3A_268 : i1 to i32
      %cond3A_270 = arith.constant 0 : i32
      %cond3A_271 = arith.cmpi ne, %convert_element_type3A_269, %cond3A_270 : i32
      scf.if %cond3A_271 {
        %dma_wait3A_301 = arith.constant 2 : i32
        %dma_wait3A_302 = arith.constant 0 : i32
        %dma_wait3A_303 = tpu.memref_slice %arg7[%dma_wait3A_301, %dma_wait3A_302] : memref<4x128xi32, #tpu.memory_space<vmem>> -> memref<1x128xi32, #tpu.memory_space<vmem>>
        %dma_wait3A_304 = tpu.memref_squeeze %dma_wait3A_303 : memref<1x128xi32, #tpu.memory_space<vmem>> -> memref<128xi32, #tpu.memory_space<vmem>>
        %dma_wait3A_305 = arith.constant 0 : i32
        %dma_wait3A_306 = arith.constant 0 : i32
        %dma_wait3A_307 = tpu.memref_slice %arg8[%dma_wait3A_305, %dma_wait3A_306] : memref<10240x128xf32, #tpu.memory_space<vmem_shared>> -> memref<10240x128xf32, #tpu.memory_space<vmem_shared>>
        tpu.wait_indirect_dma semaphore(%arg17 : memref<!tpu.dma_semaphore, #tpu.memory_space<semaphore_mem>>) src(%arg9 : memref<128x128xf32, #tpu.memory_space<vmem>>) dst(%dma_wait3A_307 : memref<10240x128xf32, #tpu.memory_space<vmem_shared>>)
      } else {
      }
      %add3A_272 = arith.constant 1 : i32
      %add3A_273 = arith.addi %add3A_266, %add3A_272 : i32
      %lt3A_274 = arith.constant 80 : i32
      %lt3A_275 = arith.cmpi slt, %add3A_273, %lt3A_274 : i32
      %convert_element_type3A_276 = arith.extui %lt3A_275 : i1 to i32
      %cond3A_277 = arith.constant 0 : i32
      %cond3A_278 = arith.cmpi ne, %convert_element_type3A_276, %cond3A_277 : i32
      scf.if %cond3A_278 {
        %dma_wait3A_301 = arith.constant 0 : i32
        %dma_wait3A_302 = arith.constant 0 : i32
        %dma_wait3A_303 = tpu.memref_slice %arg6[%dma_wait3A_301, %dma_wait3A_302] : memref<4x128xi32, #tpu.memory_space<vmem>> -> memref<1x128xi32, #tpu.memory_space<vmem>>
        %dma_wait3A_304 = tpu.memref_squeeze %dma_wait3A_303 : memref<1x128xi32, #tpu.memory_space<vmem>> -> memref<128xi32, #tpu.memory_space<vmem>>
        %dma_wait3A_305 = arith.constant 0 : i32
        %dma_wait3A_306 = tpu.memref_slice %arg3[%mul3A_4, %dma_wait3A_305] : memref<2560x128xi32, #tpu.memory_space<hbm>> -> memref<1x128xi32, #tpu.memory_space<hbm>>
        %dma_wait3A_307 = tpu.memref_squeeze %dma_wait3A_306 : memref<1x128xi32, #tpu.memory_space<hbm>> -> memref<128xi32, #tpu.memory_space<hbm>>
        %dma_wait3A_308 = arith.constant 0 : i32
        %dma_wait3A_309 = tpu.memref_slice %arg6[%dma_wait3A_301, %dma_wait3A_308] : memref<4x128xi32, #tpu.memory_space<vmem>> -> memref<1x128xi32, #tpu.memory_space<vmem>>
        %dma_wait3A_310 = tpu.memref_squeeze %dma_wait3A_309 : memref<1x128xi32, #tpu.memory_space<vmem>> -> memref<128xi32, #tpu.memory_space<vmem>>
        %dma_wait3A_311 = arith.constant 0 : i32
        %dma_wait3A_312 = tpu.memref_slice %arg3[%mul3A_4, %dma_wait3A_311] : memref<2560x128xi32, #tpu.memory_space<hbm>> -> memref<1x128xi32, #tpu.memory_space<hbm>>
        %dma_wait3A_313 = tpu.memref_squeeze %dma_wait3A_312 : memref<1x128xi32, #tpu.memory_space<hbm>> -> memref<128xi32, #tpu.memory_space<hbm>>
        tpu.wait_dma2 semaphore(%arg11 : memref<!tpu.dma_semaphore, #tpu.memory_space<semaphore_mem>>) src(%dma_wait3A_313 : memref<128xi32, #tpu.memory_space<hbm>>) dst(%dma_wait3A_310 : memref<128xi32, #tpu.memory_space<vmem>>)
        %dma_wait3A_314 = arith.constant 0 : i32
        %dma_wait3A_315 = arith.constant 0 : i32
        %dma_wait3A_316 = tpu.memref_slice %arg7[%dma_wait3A_314, %dma_wait3A_315] : memref<4x128xi32, #tpu.memory_space<vmem>> -> memref<1x128xi32, #tpu.memory_space<vmem>>
        %dma_wait3A_317 = tpu.memref_squeeze %dma_wait3A_316 : memref<1x128xi32, #tpu.memory_space<vmem>> -> memref<128xi32, #tpu.memory_space<vmem>>
        %dma_wait3A_318 = arith.constant 0 : i32
        %dma_wait3A_319 = tpu.memref_slice %arg4[%mul3A_4, %dma_wait3A_318] : memref<2560x128xi32, #tpu.memory_space<hbm>> -> memref<1x128xi32, #tpu.memory_space<hbm>>
        %dma_wait3A_320 = tpu.memref_squeeze %dma_wait3A_319 : memref<1x128xi32, #tpu.memory_space<hbm>> -> memref<128xi32, #tpu.memory_space<hbm>>
        %dma_wait3A_321 = arith.constant 0 : i32
        %dma_wait3A_322 = tpu.memref_slice %arg7[%dma_wait3A_314, %dma_wait3A_321] : memref<4x128xi32, #tpu.memory_space<vmem>> -> memref<1x128xi32, #tpu.memory_space<vmem>>
        %dma_wait3A_323 = tpu.memref_squeeze %dma_wait3A_322 : memref<1x128xi32, #tpu.memory_space<vmem>> -> memref<128xi32, #tpu.memory_space<vmem>>
        %dma_wait3A_324 = arith.constant 0 : i32
        %dma_wait3A_325 = tpu.memref_slice %arg4[%mul3A_4, %dma_wait3A_324] : memref<2560x128xi32, #tpu.memory_space<hbm>> -> memref<1x128xi32, #tpu.memory_space<hbm>>
        %dma_wait3A_326 = tpu.memref_squeeze %dma_wait3A_325 : memref<1x128xi32, #tpu.memory_space<hbm>> -> memref<128xi32, #tpu.memory_space<hbm>>
        tpu.wait_dma2 semaphore(%arg11 : memref<!tpu.dma_semaphore, #tpu.memory_space<semaphore_mem>>) src(%dma_wait3A_326 : memref<128xi32, #tpu.memory_space<hbm>>) dst(%dma_wait3A_323 : memref<128xi32, #tpu.memory_space<vmem>>)
        %add3A_327 = arith.constant 1 : i32
        %add3A_328 = arith.addi %add3A_266, %add3A_327 : i32
        %dma_start3A_329 = arith.constant 0 : i32
        %dma_start3A_330 = arith.constant 0 : i32
        %dma_start3A_331 = tpu.memref_slice %arg6[%dma_start3A_329, %dma_start3A_330] : memref<4x128xi32, #tpu.memory_space<vmem>> -> memref<1x128xi32, #tpu.memory_space<vmem>>
        %dma_start3A_332 = tpu.memref_squeeze %dma_start3A_331 : memref<1x128xi32, #tpu.memory_space<vmem>> -> memref<128xi32, #tpu.memory_space<vmem>>
        %dma_start3A_333 = arith.constant 0 : i32
        %dma_start3A_334 = arith.constant 0 : i32
        %dma_start3A_335 = tpu.memref_slice %arg2[%dma_start3A_333, %dma_start3A_334] : memref<10000x128xf32, #tpu.memory_space<hbm>> -> memref<10000x128xf32, #tpu.memory_space<hbm>>
        tpu.enqueue_indirect_dma source(%dma_start3A_335 : memref<10000x128xf32, #tpu.memory_space<hbm>>) target(%arg9 : memref<128x128xf32, #tpu.memory_space<vmem>>) offsets(%dma_start3A_332 : memref<128xi32, #tpu.memory_space<vmem>>) semaphore(%arg15 : memref<!tpu.dma_semaphore, #tpu.memory_space<semaphore_mem>>)
      } else {
      }
      %dma_wait3A_279 = arith.constant 3 : i32
      %dma_wait3A_280 = arith.constant 0 : i32
      %dma_wait3A_281 = tpu.memref_slice %arg6[%dma_wait3A_279, %dma_wait3A_280] : memref<4x128xi32, #tpu.memory_space<vmem>> -> memref<1x128xi32, #tpu.memory_space<vmem>>
      %dma_wait3A_282 = tpu.memref_squeeze %dma_wait3A_281 : memref<1x128xi32, #tpu.memory_space<vmem>> -> memref<128xi32, #tpu.memory_space<vmem>>
      %dma_wait3A_283 = arith.constant 0 : i32
      %dma_wait3A_284 = arith.constant 0 : i32
      %dma_wait3A_285 = tpu.memref_slice %arg2[%dma_wait3A_283, %dma_wait3A_284] : memref<10000x128xf32, #tpu.memory_space<hbm>> -> memref<10000x128xf32, #tpu.memory_space<hbm>>
      tpu.wait_indirect_dma semaphore(%arg16 : memref<!tpu.dma_semaphore, #tpu.memory_space<semaphore_mem>>) src(%dma_wait3A_285 : memref<10000x128xf32, #tpu.memory_space<hbm>>) dst(%arg10 : memref<128x128xf32, #tpu.memory_space<vmem>>)
      %dma_start3A_286 = arith.constant 3 : i32
      %dma_start3A_287 = arith.constant 0 : i32
      %dma_start3A_288 = tpu.memref_slice %arg7[%dma_start3A_286, %dma_start3A_287] : memref<4x128xi32, #tpu.memory_space<vmem>> -> memref<1x128xi32, #tpu.memory_space<vmem>>
      %dma_start3A_289 = tpu.memref_squeeze %dma_start3A_288 : memref<1x128xi32, #tpu.memory_space<vmem>> -> memref<128xi32, #tpu.memory_space<vmem>>
      %dma_start3A_290 = arith.constant 0 : i32
      %dma_start3A_291 = arith.constant 0 : i32
      %dma_start3A_292 = tpu.memref_slice %arg8[%dma_start3A_290, %dma_start3A_291] : memref<10240x128xf32, #tpu.memory_space<vmem_shared>> -> memref<10240x128xf32, #tpu.memory_space<vmem_shared>>
      tpu.enqueue_indirect_dma source(%arg10 : memref<128x128xf32, #tpu.memory_space<vmem>>) target(%dma_start3A_292 : memref<10240x128xf32, #tpu.memory_space<vmem_shared>>) offsets(%dma_start3A_289 : memref<128xi32, #tpu.memory_space<vmem>>) semaphore(%arg18 : memref<!tpu.dma_semaphore, #tpu.memory_space<semaphore_mem>>) {add = true}
      %add3A_293 = arith.constant 3 : i32
      %add3A_294 = arith.addi %add3A_266, %add3A_293 : i32
      %lt3A_295 = arith.constant 80 : i32
      %lt3A_296 = arith.cmpi slt, %add3A_294, %lt3A_295 : i32
      %convert_element_type3A_297 = arith.extui %lt3A_296 : i1 to i32
      %cond3A_298 = arith.constant 0 : i32
      %cond3A_299 = arith.cmpi ne, %convert_element_type3A_297, %cond3A_298 : i32
      scf.if %cond3A_299 {
        %add3A_301 = arith.constant 3 : i32
        %add3A_302 = arith.addi %add3A_266, %add3A_301 : i32
        %add3A_303 = arith.addi %mul3A_4, %add3A_302 : i32
        %dma_start3A_304 = arith.constant 2 : i32
        %dma_start3A_305 = arith.constant 0 : i32
        %dma_start3A_306 = tpu.memref_slice %arg6[%dma_start3A_304, %dma_start3A_305] : memref<4x128xi32, #tpu.memory_space<vmem>> -> memref<1x128xi32, #tpu.memory_space<vmem>>
        %dma_start3A_307 = tpu.memref_squeeze %dma_start3A_306 : memref<1x128xi32, #tpu.memory_space<vmem>> -> memref<128xi32, #tpu.memory_space<vmem>>
        %dma_start3A_308 = arith.constant 0 : i32
        %dma_start3A_309 = tpu.memref_slice %arg3[%add3A_303, %dma_start3A_308] : memref<2560x128xi32, #tpu.memory_space<hbm>> -> memref<1x128xi32, #tpu.memory_space<hbm>>
        %dma_start3A_310 = tpu.memref_squeeze %dma_start3A_309 : memref<1x128xi32, #tpu.memory_space<hbm>> -> memref<128xi32, #tpu.memory_space<hbm>>
        %dma_start3A_311 = arith.constant 0 : i32
        %dma_start3A_312 = tpu.memref_slice %arg6[%dma_start3A_304, %dma_start3A_311] : memref<4x128xi32, #tpu.memory_space<vmem>> -> memref<1x128xi32, #tpu.memory_space<vmem>>
        %dma_start3A_313 = tpu.memref_squeeze %dma_start3A_312 : memref<1x128xi32, #tpu.memory_space<vmem>> -> memref<128xi32, #tpu.memory_space<vmem>>
        %dma_start3A_314 = arith.constant 0 : i32
        %dma_start3A_315 = tpu.memref_slice %arg3[%add3A_303, %dma_start3A_314] : memref<2560x128xi32, #tpu.memory_space<hbm>> -> memref<1x128xi32, #tpu.memory_space<hbm>>
        %dma_start3A_316 = tpu.memref_squeeze %dma_start3A_315 : memref<1x128xi32, #tpu.memory_space<hbm>> -> memref<128xi32, #tpu.memory_space<hbm>>
        tpu.enqueue_dma source(%dma_start3A_316 : memref<128xi32, #tpu.memory_space<hbm>>) target(%dma_start3A_313 : memref<128xi32, #tpu.memory_space<vmem>>) target_semaphore(%arg13 : memref<!tpu.dma_semaphore, #tpu.memory_space<semaphore_mem>>)
        %add3A_317 = arith.addi %mul3A_4, %add3A_302 : i32
        %dma_start3A_318 = arith.constant 2 : i32
        %dma_start3A_319 = arith.constant 0 : i32
        %dma_start3A_320 = tpu.memref_slice %arg7[%dma_start3A_318, %dma_start3A_319] : memref<4x128xi32, #tpu.memory_space<vmem>> -> memref<1x128xi32, #tpu.memory_space<vmem>>
        %dma_start3A_321 = tpu.memref_squeeze %dma_start3A_320 : memref<1x128xi32, #tpu.memory_space<vmem>> -> memref<128xi32, #tpu.memory_space<vmem>>
        %dma_start3A_322 = arith.constant 0 : i32
        %dma_start3A_323 = tpu.memref_slice %arg4[%add3A_317, %dma_start3A_322] : memref<2560x128xi32, #tpu.memory_space<hbm>> -> memref<1x128xi32, #tpu.memory_space<hbm>>
        %dma_start3A_324 = tpu.memref_squeeze %dma_start3A_323 : memref<1x128xi32, #tpu.memory_space<hbm>> -> memref<128xi32, #tpu.memory_space<hbm>>
        %dma_start3A_325 = arith.constant 0 : i32
        %dma_start3A_326 = tpu.memref_slice %arg7[%dma_start3A_318, %dma_start3A_325] : memref<4x128xi32, #tpu.memory_space<vmem>> -> memref<1x128xi32, #tpu.memory_space<vmem>>
        %dma_start3A_327 = tpu.memref_squeeze %dma_start3A_326 : memref<1x128xi32, #tpu.memory_space<vmem>> -> memref<128xi32, #tpu.memory_space<vmem>>
        %dma_start3A_328 = arith.constant 0 : i32
        %dma_start3A_329 = tpu.memref_slice %arg4[%add3A_317, %dma_start3A_328] : memref<2560x128xi32, #tpu.memory_space<hbm>> -> memref<1x128xi32, #tpu.memory_space<hbm>>
        %dma_start3A_330 = tpu.memref_squeeze %dma_start3A_329 : memref<1x128xi32, #tpu.memory_space<hbm>> -> memref<128xi32, #tpu.memory_space<hbm>>
        tpu.enqueue_dma source(%dma_start3A_330 : memref<128xi32, #tpu.memory_space<hbm>>) target(%dma_start3A_327 : memref<128xi32, #tpu.memory_space<vmem>>) target_semaphore(%arg13 : memref<!tpu.dma_semaphore, #tpu.memory_space<semaphore_mem>>)
      } else {
      }
      %scan3A_300 = arith.constant 0 : i32
      scf.yield %scan3A_300 : i32
    }
    %scan3A_145 = arith.constant 20 : i32
    %dma_wait3A_146 = arith.constant 3 : i32
    %dma_wait3A_147 = arith.constant 0 : i32
    %dma_wait3A_148 = tpu.memref_slice %arg7[%dma_wait3A_146, %dma_wait3A_147] : memref<4x128xi32, #tpu.memory_space<vmem>> -> memref<1x128xi32, #tpu.memory_space<vmem>>
    %dma_wait3A_149 = tpu.memref_squeeze %dma_wait3A_148 : memref<1x128xi32, #tpu.memory_space<vmem>> -> memref<128xi32, #tpu.memory_space<vmem>>
    %dma_wait3A_150 = arith.constant 0 : i32
    %dma_wait3A_151 = arith.constant 0 : i32
    %dma_wait3A_152 = tpu.memref_slice %arg8[%dma_wait3A_150, %dma_wait3A_151] : memref<10240x128xf32, #tpu.memory_space<vmem_shared>> -> memref<10240x128xf32, #tpu.memory_space<vmem_shared>>
    tpu.wait_indirect_dma semaphore(%arg18 : memref<!tpu.dma_semaphore, #tpu.memory_space<semaphore_mem>>) src(%arg10 : memref<128x128xf32, #tpu.memory_space<vmem>>) dst(%dma_wait3A_152 : memref<10240x128xf32, #tpu.memory_space<vmem_shared>>)
    %barrier3A_153 = arith.constant 0 : index
    tpu.barrier barrier_id(%barrier3A_153)
    "tpu.region"() ({
      %run_scoped3A = tpu.sem_alloc : memref<!tpu.dma_semaphore, #tpu.memory_space<semaphore_mem>>
      %dma_start3A_154 = arith.constant 0 : i32
      %dma_start3A_155 = tpu.memref_slice %arg5[%arg0, %mul3A_0, %dma_start3A_154] : memref<2x10240x128xf32, #tpu.memory_space<hbm>> -> memref<1x640x128xf32, #tpu.memory_space<hbm>>
      %dma_start3A_156 = tpu.memref_squeeze %dma_start3A_155 : memref<1x640x128xf32, #tpu.memory_space<hbm>> -> memref<640x128xf32, #tpu.memory_space<hbm>>
      %dma_start3A_157 = arith.constant 0 : i32
      %dma_start3A_158 = tpu.memref_slice %arg8[%mul3A_0, %dma_start3A_157] : memref<10240x128xf32, #tpu.memory_space<vmem_shared>> -> memref<640x128xf32, #tpu.memory_space<vmem_shared>>
      tpu.enqueue_dma source(%dma_start3A_158 : memref<640x128xf32, #tpu.memory_space<vmem_shared>>) target(%dma_start3A_156 : memref<640x128xf32, #tpu.memory_space<hbm>>) target_semaphore(%run_scoped3A : memref<!tpu.dma_semaphore, #tpu.memory_space<semaphore_mem>>)
      %dma_wait3A_159 = arith.constant 0 : i32
      %dma_wait3A_160 = tpu.memref_slice %arg5[%arg0, %mul3A_0, %dma_wait3A_159] : memref<2x10240x128xf32, #tpu.memory_space<hbm>> -> memref<1x640x128xf32, #tpu.memory_space<hbm>>
      %dma_wait3A_161 = tpu.memref_squeeze %dma_wait3A_160 : memref<1x640x128xf32, #tpu.memory_space<hbm>> -> memref<640x128xf32, #tpu.memory_space<hbm>>
      %dma_wait3A_162 = arith.constant 0 : i32
      %dma_wait3A_163 = tpu.memref_slice %arg8[%mul3A_0, %dma_wait3A_162] : memref<10240x128xf32, #tpu.memory_space<vmem_shared>> -> memref<640x128xf32, #tpu.memory_space<vmem_shared>>
      tpu.wait_dma2 semaphore(%run_scoped3A : memref<!tpu.dma_semaphore, #tpu.memory_space<semaphore_mem>>) src(%dma_wait3A_163 : memref<640x128xf32, #tpu.memory_space<vmem_shared>>) dst(%dma_wait3A_161 : memref<640x128xf32, #tpu.memory_space<hbm>>)
      tpu.yield
    }) : () -> ()
    return
  }
}

module attributes {stable_mosaic.version = 14 : i64} {
  func.func @_t1_body(%arg0: i32, %arg1: memref<2x400x128xf32, #tpu.memory_space<vmem>>, %arg2: memref<400x128xf32, #tpu.memory_space<vmem>>, %arg3: memref<400x1xf32, #tpu.memory_space<vmem>>, %arg4: memref<128x128xf32, #tpu.memory_space<vmem>>, %arg5: memref<1x128xf32, #tpu.memory_space<vmem>>, %arg6: memref<400x128xf32, #tpu.memory_space<vmem>>, %arg7: memref<400x128xf32, #tpu.memory_space<vmem>>) attributes {dimension_semantics = [#tpu.dimension_semantics<arbitrary>], iteration_bounds = array<i64: 25>, scalar_prefetch = 0 : i64, scratch_operands = 0 : i64, tpu.core_type = #tpu.core_type<tc>, window_params = [{transform_indices = @transform_0, window_bounds = array<i64: 2, 400, 128>}, {transform_indices = @transform_1, window_bounds = array<i64: 400, 128>}, {transform_indices = @transform_2, window_bounds = array<i64: 400, 1>}, {pipeline_mode = #tpu.pipeline_mode<synchronous>, transform_indices = @transform_3, window_bounds = array<i64: 128, 128>}, {pipeline_mode = #tpu.pipeline_mode<synchronous>, transform_indices = @transform_4, window_bounds = array<i64: 1, 128>}, {transform_indices = @transform_5, window_bounds = array<i64: 400, 128>}, {transform_indices = @transform_6, window_bounds = array<i64: 400, 128>}]} {
    %get3A = arith.constant 0 : index
    %get3A_0 = arith.constant 0 : index
    %get3A_1 = vector.load %arg3[%get3A, %get3A_0] : memref<400x1xf32, #tpu.memory_space<vmem>>, vector<400x1xf32>
    %get3A_2 = arith.constant 0 : index
    %get3A_3 = arith.constant 0 : index
    %get3A_4 = arith.constant 0 : index
    %get3A_5 = vector.load %arg1[%get3A_2, %get3A_3, %get3A_4] : memref<2x400x128xf32, #tpu.memory_space<vmem>>, vector<1x400x128xf32>
    %get3A_6 = vector.shape_cast %get3A_5 : vector<1x400x128xf32> to vector<400x128xf32>
    %get3A_7 = arith.constant 1 : index
    %get3A_8 = arith.constant 0 : index
    %get3A_9 = arith.constant 0 : index
    %get3A_10 = vector.load %arg1[%get3A_7, %get3A_8, %get3A_9] : memref<2x400x128xf32, #tpu.memory_space<vmem>>, vector<1x400x128xf32>
    %get3A_11 = vector.shape_cast %get3A_10 : vector<1x400x128xf32> to vector<400x128xf32>
    %add3A = arith.addf %get3A_6, %get3A_11 : vector<400x128xf32>
    %get3A_12 = arith.constant 0 : index
    %get3A_13 = arith.constant 0 : index
    %get3A_14 = vector.load %arg2[%get3A_12, %get3A_13] : memref<400x128xf32, #tpu.memory_space<vmem>>, vector<400x128xf32>
    %add3A_15 = arith.addf %add3A, %get3A_14 : vector<400x128xf32>
    %mul3A = vector.broadcast %get3A_1 : vector<400x1xf32> to vector<400x128xf32>
    %mul3A_16 = arith.mulf %add3A_15, %mul3A : vector<400x128xf32>
    %get3A_17 = arith.constant 0 : index
    %get3A_18 = arith.constant 0 : index
    %get3A_19 = vector.load %arg4[%get3A_17, %get3A_18] : memref<128x128xf32, #tpu.memory_space<vmem>>, vector<128x128xf32>
    %dot_general3A = arith.constant dense<0.000000e+00> : vector<400x128xf32>
    %dot_general3A_20 = tpu.matmul %mul3A_16, %get3A_19, %dot_general3A {dimension_numbers = #tpu.dot_dimension_numbers<[1], [0], [0], [1], [0, 0, 1, 1], [], []>, transpose_lhs_hint = false} : vector<400x128xf32>, vector<128x128xf32>, vector<400x128xf32> -> vector<400x128xf32>
    %get3A_21 = arith.constant 0 : index
    %get3A_22 = arith.constant 0 : index
    %get3A_23 = vector.load %arg5[%get3A_21, %get3A_22] : memref<1x128xf32, #tpu.memory_space<vmem>>, vector<1x128xf32>
    %add3A_24 = vector.broadcast %get3A_23 : vector<1x128xf32> to vector<400x128xf32>
    %add3A_25 = arith.addf %dot_general3A_20, %add3A_24 : vector<400x128xf32>
    %max3A = arith.constant 0.000000e+00 : f32
    %max3A_26 = vector.broadcast %max3A : f32 to vector<400x128xf32>
    %max3A_27 = arith.maximumf %add3A_25, %max3A_26 : vector<400x128xf32>
    %swap3A = arith.constant 0 : index
    %swap3A_28 = arith.constant 0 : index
    %swap3A_29 = vector.load %arg6[%swap3A, %swap3A_28] : memref<400x128xf32, #tpu.memory_space<vmem>>, vector<400x128xf32>
    tpu.vector_store %arg6[%swap3A, %swap3A_28], %max3A_27 {strides = array<i32>} : memref<400x128xf32, #tpu.memory_space<vmem>>, vector<400x128xf32>,
    %mul3A_30 = vector.broadcast %get3A_1 : vector<400x1xf32> to vector<400x128xf32>
    %mul3A_31 = arith.mulf %max3A_27, %mul3A_30 : vector<400x128xf32>
    %swap3A_32 = arith.constant 0 : index
    %swap3A_33 = arith.constant 0 : index
    %swap3A_34 = vector.load %arg7[%swap3A_32, %swap3A_33] : memref<400x128xf32, #tpu.memory_space<vmem>>, vector<400x128xf32>
    tpu.vector_store %arg7[%swap3A_32, %swap3A_33], %mul3A_31 {strides = array<i32>} : memref<400x128xf32, #tpu.memory_space<vmem>>, vector<400x128xf32>,
    return
  }
  func.func @transform_0(%arg0: i32) -> (i32, i32, i32) {
    %c0_i32 = arith.constant 0 : i32
    %c0_i32_0 = arith.constant 0 : i32
    %c0_i32_1 = arith.constant 0 : i32
    return %c0_i32, %arg0, %c0_i32_0 : i32, i32, i32
  }
  func.func @transform_1(%arg0: i32) -> (i32, i32) {
    %c0_i32 = arith.constant 0 : i32
    %c0_i32_0 = arith.constant 0 : i32
    return %arg0, %c0_i32 : i32, i32
  }
  func.func @transform_2(%arg0: i32) -> (i32, i32) {
    %c0_i32 = arith.constant 0 : i32
    %c0_i32_0 = arith.constant 0 : i32
    return %arg0, %c0_i32 : i32, i32
  }
  func.func @transform_3(%arg0: i32) -> (i32, i32) {
    %c0_i32 = arith.constant 0 : i32
    %c0_i32_0 = arith.constant 0 : i32
    %c0_i32_1 = arith.constant 0 : i32
    return %c0_i32, %c0_i32_0 : i32, i32
  }
  func.func @transform_4(%arg0: i32) -> (i32, i32) {
    %c0_i32 = arith.constant 0 : i32
    %c0_i32_0 = arith.constant 0 : i32
    %c0_i32_1 = arith.constant 0 : i32
    return %c0_i32, %c0_i32_0 : i32, i32
  }
  func.func @transform_5(%arg0: i32) -> (i32, i32) {
    %c0_i32 = arith.constant 0 : i32
    %c0_i32_0 = arith.constant 0 : i32
    return %arg0, %c0_i32 : i32, i32
  }
  func.func @transform_6(%arg0: i32) -> (i32, i32) {
    %c0_i32 = arith.constant 0 : i32
    %c0_i32_0 = arith.constant 0 : i32
    return %arg0, %c0_i32 : i32, i32
  }
}

module attributes {stable_mosaic.version = 14 : i64} {
  func.func @_t0_body(%arg0: i32, %arg1: memref<2x400x128xf32, #tpu.memory_space<vmem>>, %arg2: memref<400x128xf32, #tpu.memory_space<vmem>>, %arg3: memref<400x1xf32, #tpu.memory_space<vmem>>, %arg4: memref<400x128xf32, #tpu.memory_space<vmem>>) attributes {dimension_semantics = [#tpu.dimension_semantics<arbitrary>], iteration_bounds = array<i64: 25>, scalar_prefetch = 0 : i64, scratch_operands = 0 : i64, tpu.core_type = #tpu.core_type<tc>, window_params = [{transform_indices = @transform_0, window_bounds = array<i64: 2, 400, 128>}, {transform_indices = @transform_1, window_bounds = array<i64: 400, 128>}, {transform_indices = @transform_2, window_bounds = array<i64: 400, 1>}, {transform_indices = @transform_3, window_bounds = array<i64: 400, 128>}]} {
    %get3A = arith.constant 0 : index
    %get3A_0 = arith.constant 0 : index
    %get3A_1 = arith.constant 0 : index
    %get3A_2 = vector.load %arg1[%get3A, %get3A_0, %get3A_1] : memref<2x400x128xf32, #tpu.memory_space<vmem>>, vector<1x400x1xf32>
    %get3A_3 = vector.shape_cast %get3A_2 : vector<1x400x1xf32> to vector<400x1xf32>
    %get3A_4 = arith.constant 1 : index
    %get3A_5 = arith.constant 0 : index
    %get3A_6 = arith.constant 0 : index
    %get3A_7 = vector.load %arg1[%get3A_4, %get3A_5, %get3A_6] : memref<2x400x128xf32, #tpu.memory_space<vmem>>, vector<1x400x1xf32>
    %get3A_8 = vector.shape_cast %get3A_7 : vector<1x400x1xf32> to vector<400x1xf32>
    %add3A = arith.addf %get3A_3, %get3A_8 : vector<400x1xf32>
    %add3A_9 = arith.constant 1.000000e+00 : f32
    %add3A_10 = vector.broadcast %add3A_9 : f32 to vector<400x1xf32>
    %add3A_11 = arith.addf %add3A, %add3A_10 : vector<400x1xf32>
    %rsqrt3A = math.rsqrt %add3A_11 : vector<400x1xf32>
    %swap3A = arith.constant 0 : index
    %swap3A_12 = arith.constant 0 : index
    %swap3A_13 = vector.load %arg3[%swap3A, %swap3A_12] : memref<400x1xf32, #tpu.memory_space<vmem>>, vector<400x1xf32>
    tpu.vector_store %arg3[%swap3A, %swap3A_12], %rsqrt3A {strides = array<i32>} : memref<400x1xf32, #tpu.memory_space<vmem>>, vector<400x1xf32>,
    %get3A_14 = arith.constant 0 : index
    %get3A_15 = arith.constant 0 : index
    %get3A_16 = vector.load %arg2[%get3A_14, %get3A_15] : memref<400x128xf32, #tpu.memory_space<vmem>>, vector<400x128xf32>
    %mul3A = vector.broadcast %rsqrt3A : vector<400x1xf32> to vector<400x128xf32>
    %mul3A_17 = arith.mulf %get3A_16, %mul3A : vector<400x128xf32>
    %swap3A_18 = arith.constant 0 : index
    %swap3A_19 = arith.constant 0 : index
    %swap3A_20 = vector.load %arg4[%swap3A_18, %swap3A_19] : memref<400x128xf32, #tpu.memory_space<vmem>>, vector<400x128xf32>
    tpu.vector_store %arg4[%swap3A_18, %swap3A_19], %mul3A_17 {strides = array<i32>} : memref<400x128xf32, #tpu.memory_space<vmem>>, vector<400x128xf32>,
    return
  }
  func.func @transform_0(%arg0: i32) -> (i32, i32, i32) {
    %c0_i32 = arith.constant 0 : i32
    %c0_i32_0 = arith.constant 0 : i32
    %c0_i32_1 = arith.constant 0 : i32
    return %c0_i32, %arg0, %c0_i32_0 : i32, i32, i32
  }
  func.func @transform_1(%arg0: i32) -> (i32, i32) {
    %c0_i32 = arith.constant 0 : i32
    %c0_i32_0 = arith.constant 0 : i32
    return %arg0, %c0_i32 : i32, i32
  }
  func.func @transform_2(%arg0: i32) -> (i32, i32) {
    %c0_i32 = arith.constant 0 : i32
    %c0_i32_0 = arith.constant 0 : i32
    return %arg0, %c0_i32 : i32, i32
  }
  func.func @transform_3(%arg0: i32) -> (i32, i32) {
    %c0_i32 = arith.constant 0 : i32
    %c0_i32_0 = arith.constant 0 : i32
    return %arg0, %c0_i32 : i32, i32
  }
}

module attributes {stable_mosaic.version = 14 : i64} {
  func.func @_t2_body(%arg0: i32, %arg1: memref<2x400x128xf32, #tpu.memory_space<vmem>>, %arg2: memref<400x128xf32, #tpu.memory_space<vmem>>, %arg3: memref<400x1xf32, #tpu.memory_space<vmem>>, %arg4: memref<128x256xf32, #tpu.memory_space<vmem>>, %arg5: memref<128x256xf32, #tpu.memory_space<vmem>>, %arg6: memref<1x256xf32, #tpu.memory_space<vmem>>, %arg7: memref<400x256xf32, #tpu.memory_space<vmem>>, %arg8: memref<2x400x128xf32, #tpu.memory_space<vmem>>) attributes {dimension_semantics = [#tpu.dimension_semantics<arbitrary>], iteration_bounds = array<i64: 25>, scalar_prefetch = 0 : i64, scratch_operands = 0 : i64, tpu.core_type = #tpu.core_type<tc>, window_params = [{transform_indices = @transform_0, window_bounds = array<i64: 2, 400, 128>}, {transform_indices = @transform_1, window_bounds = array<i64: 400, 128>}, {transform_indices = @transform_2, window_bounds = array<i64: 400, 1>}, {pipeline_mode = #tpu.pipeline_mode<synchronous>, transform_indices = @transform_3, window_bounds = array<i64: 128, 256>}, {pipeline_mode = #tpu.pipeline_mode<synchronous>, transform_indices = @transform_4, window_bounds = array<i64: 128, 256>}, {pipeline_mode = #tpu.pipeline_mode<synchronous>, transform_indices = @transform_5, window_bounds = array<i64: 1, 256>}, {transform_indices = @transform_6, window_bounds = array<i64: 400, 256>}, {transform_indices = @transform_7, window_bounds = array<i64: 2, 400, 128>}]} {
    %get3A = arith.constant 0 : index
    %get3A_0 = arith.constant 0 : index
    %get3A_1 = vector.load %arg3[%get3A, %get3A_0] : memref<400x1xf32, #tpu.memory_space<vmem>>, vector<400x1xf32>
    %get3A_2 = arith.constant 0 : index
    %get3A_3 = arith.constant 0 : index
    %get3A_4 = arith.constant 0 : index
    %get3A_5 = vector.load %arg1[%get3A_2, %get3A_3, %get3A_4] : memref<2x400x128xf32, #tpu.memory_space<vmem>>, vector<1x400x128xf32>
    %get3A_6 = vector.shape_cast %get3A_5 : vector<1x400x128xf32> to vector<400x128xf32>
    %get3A_7 = arith.constant 1 : index
    %get3A_8 = arith.constant 0 : index
    %get3A_9 = arith.constant 0 : index
    %get3A_10 = vector.load %arg1[%get3A_7, %get3A_8, %get3A_9] : memref<2x400x128xf32, #tpu.memory_space<vmem>>, vector<1x400x128xf32>
    %get3A_11 = vector.shape_cast %get3A_10 : vector<1x400x128xf32> to vector<400x128xf32>
    %add3A = arith.addf %get3A_6, %get3A_11 : vector<400x128xf32>
    %get3A_12 = arith.constant 0 : index
    %get3A_13 = arith.constant 0 : index
    %get3A_14 = vector.load %arg2[%get3A_12, %get3A_13] : memref<400x128xf32, #tpu.memory_space<vmem>>, vector<400x128xf32>
    %mul3A = vector.broadcast %get3A_1 : vector<400x1xf32> to vector<400x128xf32>
    %mul3A_15 = arith.mulf %get3A_14, %mul3A : vector<400x128xf32>
    %add3A_16 = arith.addf %add3A, %mul3A_15 : vector<400x128xf32>
    %mul3A_17 = vector.broadcast %get3A_1 : vector<400x1xf32> to vector<400x128xf32>
    %mul3A_18 = arith.mulf %add3A_16, %mul3A_17 : vector<400x128xf32>
    %get3A_19 = arith.constant 0 : index
    %get3A_20 = arith.constant 0 : index
    %get3A_21 = vector.load %arg4[%get3A_19, %get3A_20] : memref<128x256xf32, #tpu.memory_space<vmem>>, vector<128x256xf32>
    %dot_general3A = arith.constant dense<0.000000e+00> : vector<400x256xf32>
    %dot_general3A_22 = tpu.matmul %mul3A_18, %get3A_21, %dot_general3A {dimension_numbers = #tpu.dot_dimension_numbers<[1], [0], [0], [1], [0, 0, 1, 1], [], []>, transpose_lhs_hint = false} : vector<400x128xf32>, vector<128x256xf32>, vector<400x256xf32> -> vector<400x256xf32>
    %get3A_23 = arith.constant 0 : index
    %get3A_24 = arith.constant 0 : index
    %get3A_25 = vector.load %arg2[%get3A_23, %get3A_24] : memref<400x128xf32, #tpu.memory_space<vmem>>, vector<400x128xf32>
    %get3A_26 = arith.constant 0 : index
    %get3A_27 = arith.constant 0 : index
    %get3A_28 = vector.load %arg5[%get3A_26, %get3A_27] : memref<128x256xf32, #tpu.memory_space<vmem>>, vector<128x256xf32>
    %dot_general3A_29 = arith.constant dense<0.000000e+00> : vector<400x256xf32>
    %dot_general3A_30 = tpu.matmul %get3A_25, %get3A_28, %dot_general3A_29 {dimension_numbers = #tpu.dot_dimension_numbers<[1], [0], [0], [1], [0, 0, 1, 1], [], []>, transpose_lhs_hint = false} : vector<400x128xf32>, vector<128x256xf32>, vector<400x256xf32> -> vector<400x256xf32>
    %add3A_31 = arith.addf %dot_general3A_22, %dot_general3A_30 : vector<400x256xf32>
    %get3A_32 = arith.constant 0 : index
    %get3A_33 = arith.constant 0 : index
    %get3A_34 = vector.load %arg6[%get3A_32, %get3A_33] : memref<1x256xf32, #tpu.memory_space<vmem>>, vector<1x256xf32>
    %add3A_35 = vector.broadcast %get3A_34 : vector<1x256xf32> to vector<400x256xf32>
    %add3A_36 = arith.addf %add3A_31, %add3A_35 : vector<400x256xf32>
    %max3A = arith.constant 0.000000e+00 : f32
    %max3A_37 = vector.broadcast %max3A : f32 to vector<400x256xf32>
    %max3A_38 = arith.maximumf %add3A_36, %max3A_37 : vector<400x256xf32>
    %swap3A = arith.constant 0 : index
    %swap3A_39 = arith.constant 0 : index
    %swap3A_40 = vector.load %arg7[%swap3A, %swap3A_39] : memref<400x256xf32, #tpu.memory_space<vmem>>, vector<400x256xf32>
    tpu.vector_store %arg7[%swap3A, %swap3A_39], %max3A_38 {strides = array<i32>} : memref<400x256xf32, #tpu.memory_space<vmem>>, vector<400x256xf32>,
    %mul3A_41 = vector.broadcast %get3A_1 : vector<400x1xf32> to vector<400x256xf32>
    %mul3A_42 = arith.mulf %max3A_38, %mul3A_41 : vector<400x256xf32>
    %slice3A = vector.extract_strided_slice %mul3A_42 {offsets = [0, 0], sizes = [400, 128], strides = [1, 1]} : vector<400x256xf32> to vector<400x128xf32>
    %swap3A_43 = arith.constant 0 : index
    %swap3A_44 = arith.constant 0 : index
    %swap3A_45 = arith.constant 0 : index
    %swap3A_46 = vector.load %arg8[%swap3A_43, %swap3A_44, %swap3A_45] : memref<2x400x128xf32, #tpu.memory_space<vmem>>, vector<1x400x128xf32>
    %swap3A_47 = vector.shape_cast %swap3A_46 : vector<1x400x128xf32> to vector<400x128xf32>
    %swap3A_48 = vector.shape_cast %slice3A : vector<400x128xf32> to vector<1x400x128xf32>
    tpu.vector_store %arg8[%swap3A_43, %swap3A_44, %swap3A_45], %swap3A_48 {strides = array<i32>} : memref<2x400x128xf32, #tpu.memory_space<vmem>>, vector<1x400x128xf32>,
    %slice3A_49 = vector.extract_strided_slice %mul3A_42 {offsets = [0, 128], sizes = [400, 128], strides = [1, 1]} : vector<400x256xf32> to vector<400x128xf32>
    %swap3A_50 = arith.constant 1 : index
    %swap3A_51 = arith.constant 0 : index
    %swap3A_52 = arith.constant 0 : index
    %swap3A_53 = vector.load %arg8[%swap3A_50, %swap3A_51, %swap3A_52] : memref<2x400x128xf32, #tpu.memory_space<vmem>>, vector<1x400x128xf32>
    %swap3A_54 = vector.shape_cast %swap3A_53 : vector<1x400x128xf32> to vector<400x128xf32>
    %swap3A_55 = vector.shape_cast %slice3A_49 : vector<400x128xf32> to vector<1x400x128xf32>
    tpu.vector_store %arg8[%swap3A_50, %swap3A_51, %swap3A_52], %swap3A_55 {strides = array<i32>} : memref<2x400x128xf32, #tpu.memory_space<vmem>>, vector<1x400x128xf32>,
    return
  }
  func.func @transform_0(%arg0: i32) -> (i32, i32, i32) {
    %c0_i32 = arith.constant 0 : i32
    %c0_i32_0 = arith.constant 0 : i32
    %c0_i32_1 = arith.constant 0 : i32
    return %c0_i32, %arg0, %c0_i32_0 : i32, i32, i32
  }
  func.func @transform_1(%arg0: i32) -> (i32, i32) {
    %c0_i32 = arith.constant 0 : i32
    %c0_i32_0 = arith.constant 0 : i32
    return %arg0, %c0_i32 : i32, i32
  }
  func.func @transform_2(%arg0: i32) -> (i32, i32) {
    %c0_i32 = arith.constant 0 : i32
    %c0_i32_0 = arith.constant 0 : i32
    return %arg0, %c0_i32 : i32, i32
  }
  func.func @transform_3(%arg0: i32) -> (i32, i32) {
    %c0_i32 = arith.constant 0 : i32
    %c0_i32_0 = arith.constant 0 : i32
    %c0_i32_1 = arith.constant 0 : i32
    return %c0_i32, %c0_i32_0 : i32, i32
  }
  func.func @transform_4(%arg0: i32) -> (i32, i32) {
    %c0_i32 = arith.constant 0 : i32
    %c0_i32_0 = arith.constant 0 : i32
    %c0_i32_1 = arith.constant 0 : i32
    return %c0_i32, %c0_i32_0 : i32, i32
  }
  func.func @transform_5(%arg0: i32) -> (i32, i32) {
    %c0_i32 = arith.constant 0 : i32
    %c0_i32_0 = arith.constant 0 : i32
    %c0_i32_1 = arith.constant 0 : i32
    return %c0_i32, %c0_i32_0 : i32, i32
  }
  func.func @transform_6(%arg0: i32) -> (i32, i32) {
    %c0_i32 = arith.constant 0 : i32
    %c0_i32_0 = arith.constant 0 : i32
    return %arg0, %c0_i32 : i32, i32
  }
  func.func @transform_7(%arg0: i32) -> (i32, i32, i32) {
    %c0_i32 = arith.constant 0 : i32
    %c0_i32_0 = arith.constant 0 : i32
    %c0_i32_1 = arith.constant 0 : i32
    return %c0_i32, %arg0, %c0_i32_0 : i32, i32, i32
  }
}

module attributes {stable_mosaic.version = 14 : i64} {
  func.func @_t3_body(%arg0: i32, %arg1: memref<2x400x128xf32, #tpu.memory_space<vmem>>, %arg2: memref<400x256xf32, #tpu.memory_space<vmem>>, %arg3: memref<400x1xf32, #tpu.memory_space<vmem>>, %arg4: memref<256x256xf32, #tpu.memory_space<vmem>>, %arg5: memref<256x256xf32, #tpu.memory_space<vmem>>, %arg6: memref<1x256xf32, #tpu.memory_space<vmem>>, %arg7: memref<256x256xf32, #tpu.memory_space<vmem>>, %arg8: memref<400x1xi32, #tpu.memory_space<vmem>>, %arg9: memref<256x2048xf32, #tpu.memory_space<vmem>>, %arg10: memref<256x128xf32, #tpu.memory_space<vmem>>, %arg11: memref<2048x256xf32, #tpu.memory_space<vmem>>, %arg12: memref<1x256xf32, #tpu.memory_space<vmem>>, %arg13: memref<128x256xf32, #tpu.memory_space<vmem>>, %arg14: memref<1x256xf32, #tpu.memory_space<vmem>>, %arg15: memref<256x1xf32, #tpu.memory_space<vmem>>, %arg16: memref<1x1xf32, #tpu.memory_space<vmem>>, %arg17: memref<256x1xf32, #tpu.memory_space<vmem>>, %arg18: memref<256x256xf32, #tpu.memory_space<vmem>>, %arg19: memref<256x128xf32, #tpu.memory_space<vmem>>) attributes {dimension_semantics = [#tpu.dimension_semantics<arbitrary>], iteration_bounds = array<i64: 25>, scalar_prefetch = 0 : i64, scratch_operands = 2 : i64, tpu.core_type = #tpu.core_type<tc>, window_params = [{transform_indices = @transform_0, window_bounds = array<i64: 2, 400, 128>}, {transform_indices = @transform_1, window_bounds = array<i64: 400, 256>}, {transform_indices = @transform_2, window_bounds = array<i64: 400, 1>}, {pipeline_mode = #tpu.pipeline_mode<synchronous>, transform_indices = @transform_3, window_bounds = array<i64: 256, 256>}, {pipeline_mode = #tpu.pipeline_mode<synchronous>, transform_indices = @transform_4, window_bounds = array<i64: 256, 256>}, {pipeline_mode = #tpu.pipeline_mode<synchronous>, transform_indices = @transform_5, window_bounds = array<i64: 1, 256>}, {pipeline_mode = #tpu.pipeline_mode<synchronous>, transform_indices = @transform_6, window_bounds = array<i64: 256, 256>}, {transform_indices = @transform_7, window_bounds = array<i64: 400, 1>}, {pipeline_mode = #tpu.pipeline_mode<synchronous>, transform_indices = @transform_8, window_bounds = array<i64: 256, 2048>}, {pipeline_mode = #tpu.pipeline_mode<synchronous>, transform_indices = @transform_9, window_bounds = array<i64: 256, 128>}, {pipeline_mode = #tpu.pipeline_mode<synchronous>, transform_indices = @transform_10, window_bounds = array<i64: 2048, 256>}, {pipeline_mode = #tpu.pipeline_mode<synchronous>, transform_indices = @transform_11, window_bounds = array<i64: 1, 256>}, {pipeline_mode = #tpu.pipeline_mode<synchronous>, transform_indices = @transform_12, window_bounds = array<i64: 128, 256>}, {pipeline_mode = #tpu.pipeline_mode<synchronous>, transform_indices = @transform_13, window_bounds = array<i64: 1, 256>}, {pipeline_mode = #tpu.pipeline_mode<synchronous>, transform_indices = @transform_14, window_bounds = array<i64: 256, 1>}, {pipeline_mode = #tpu.pipeline_mode<synchronous>, transform_indices = @transform_15, window_bounds = array<i64: 1, 1>}, {pipeline_mode = #tpu.pipeline_mode<synchronous>, transform_indices = @transform_16, window_bounds = array<i64: 256, 1>}]} {
    %get3A = arith.constant 0 : index
    %get3A_0 = arith.constant 0 : index
    %get3A_1 = vector.load %arg3[%get3A, %get3A_0] : memref<400x1xf32, #tpu.memory_space<vmem>>, vector<400x1xf32>
    %get3A_2 = arith.constant 0 : index
    %get3A_3 = arith.constant 0 : index
    %get3A_4 = vector.load %arg2[%get3A_2, %get3A_3] : memref<400x256xf32, #tpu.memory_space<vmem>>, vector<400x256xf32>
    %get3A_5 = arith.constant 0 : index
    %get3A_6 = arith.constant 0 : index
    %get3A_7 = arith.constant 0 : index
    %get3A_8 = vector.load %arg1[%get3A_5, %get3A_6, %get3A_7] : memref<2x400x128xf32, #tpu.memory_space<vmem>>, vector<1x400x128xf32>
    %get3A_9 = vector.shape_cast %get3A_8 : vector<1x400x128xf32> to vector<400x128xf32>
    %get3A_10 = arith.constant 1 : index
    %get3A_11 = arith.constant 0 : index
    %get3A_12 = arith.constant 0 : index
    %get3A_13 = vector.load %arg1[%get3A_10, %get3A_11, %get3A_12] : memref<2x400x128xf32, #tpu.memory_space<vmem>>, vector<1x400x128xf32>
    %get3A_14 = vector.shape_cast %get3A_13 : vector<1x400x128xf32> to vector<400x128xf32>
    %concatenate3A = tpu.concatenate %get3A_9, %get3A_14 in 1 : vector<400x128xf32>, vector<400x128xf32> -> vector<400x256xf32>
    %mul3A = vector.broadcast %get3A_1 : vector<400x1xf32> to vector<400x256xf32>
    %mul3A_15 = arith.mulf %get3A_4, %mul3A : vector<400x256xf32>
    %add3A = arith.addf %concatenate3A, %mul3A_15 : vector<400x256xf32>
    %mul3A_16 = vector.broadcast %get3A_1 : vector<400x1xf32> to vector<400x256xf32>
    %mul3A_17 = arith.mulf %add3A, %mul3A_16 : vector<400x256xf32>
    %get3A_18 = arith.constant 0 : index
    %get3A_19 = arith.constant 0 : index
    %get3A_20 = vector.load %arg4[%get3A_18, %get3A_19] : memref<256x256xf32, #tpu.memory_space<vmem>>, vector<256x256xf32>
    %dot_general3A = arith.constant dense<0.000000e+00> : vector<400x256xf32>
    %dot_general3A_21 = tpu.matmul %mul3A_17, %get3A_20, %dot_general3A {dimension_numbers = #tpu.dot_dimension_numbers<[1], [0], [0], [1], [0, 0, 1, 1], [], []>, transpose_lhs_hint = false} : vector<400x256xf32>, vector<256x256xf32>, vector<400x256xf32> -> vector<400x256xf32>
    %get3A_22 = arith.constant 0 : index
    %get3A_23 = arith.constant 0 : index
    %get3A_24 = vector.load %arg5[%get3A_22, %get3A_23] : memref<256x256xf32, #tpu.memory_space<vmem>>, vector<256x256xf32>
    %dot_general3A_25 = arith.constant dense<0.000000e+00> : vector<400x256xf32>
    %dot_general3A_26 = tpu.matmul %get3A_4, %get3A_24, %dot_general3A_25 {dimension_numbers = #tpu.dot_dimension_numbers<[1], [0], [0], [1], [0, 0, 1, 1], [], []>, transpose_lhs_hint = false} : vector<400x256xf32>, vector<256x256xf32>, vector<400x256xf32> -> vector<400x256xf32>
    %add3A_27 = arith.addf %dot_general3A_21, %dot_general3A_26 : vector<400x256xf32>
    %get3A_28 = arith.constant 0 : index
    %get3A_29 = arith.constant 0 : index
    %get3A_30 = vector.load %arg6[%get3A_28, %get3A_29] : memref<1x256xf32, #tpu.memory_space<vmem>>, vector<1x256xf32>
    %add3A_31 = vector.broadcast %get3A_30 : vector<1x256xf32> to vector<400x256xf32>
    %add3A_32 = arith.addf %add3A_27, %add3A_31 : vector<400x256xf32>
    %max3A = arith.constant 0.000000e+00 : f32
    %max3A_33 = vector.broadcast %max3A : f32 to vector<400x256xf32>
    %max3A_34 = arith.maximumf %add3A_32, %max3A_33 : vector<400x256xf32>
    %get3A_35 = arith.constant 0 : index
    %get3A_36 = arith.constant 0 : index
    %get3A_37 = vector.load %arg7[%get3A_35, %get3A_36] : memref<256x256xf32, #tpu.memory_space<vmem>>, vector<256x256xf32>
    %dot_general3A_38 = arith.constant dense<0.000000e+00> : vector<400x256xf32>
    %dot_general3A_39 = tpu.matmul %max3A_34, %get3A_37, %dot_general3A_38 {dimension_numbers = #tpu.dot_dimension_numbers<[1], [0], [0], [1], [0, 0, 1, 1], [], []>, transpose_lhs_hint = false} : vector<400x256xf32>, vector<256x256xf32>, vector<400x256xf32> -> vector<400x256xf32>
    %reduce_max3A = arith.constant dense<0xFF800000> : vector<400xf32>
    %reduce_max3A_40 = vector.multi_reduction <maximumf>, %dot_general3A_39, %reduce_max3A [1] : vector<400x256xf32> to vector<400xf32>
    %broadcast_in_dim3A = vector.shape_cast %reduce_max3A_40 : vector<400xf32> to vector<400x1xf32>
    %sub3A = vector.broadcast %broadcast_in_dim3A : vector<400x1xf32> to vector<400x256xf32>
    %sub3A_41 = arith.subf %dot_general3A_39, %sub3A : vector<400x256xf32>
    %exp3A = math.exp %sub3A_41 : vector<400x256xf32>
    %reduce_sum3A = arith.constant dense<0.000000e+00> : vector<400xf32>
    %reduce_sum3A_42 = vector.multi_reduction <add>, %exp3A, %reduce_sum3A [1] : vector<400x256xf32> to vector<400xf32>
    %broadcast_in_dim3A_43 = vector.shape_cast %reduce_sum3A_42 : vector<400xf32> to vector<400x1xf32>
    %div3A = vector.broadcast %broadcast_in_dim3A_43 : vector<400x1xf32> to vector<400x256xf32>
    %div3A_44 = arith.divf %exp3A, %div3A : vector<400x256xf32>
    %mul3A_45 = arith.mulf %div3A_44, %max3A_34 : vector<400x256xf32>
    %get3A_46 = arith.constant 0 : index
    %get3A_47 = arith.constant 0 : index
    %get3A_48 = vector.load %arg8[%get3A_46, %get3A_47] : memref<400x1xi32, #tpu.memory_space<vmem>>, vector<400x1xi32>
    %iota3A = tpu.iota {dimensions = array<i32: 1>} : vector<400x256xi32>
    %eq3A = vector.broadcast %get3A_48 : vector<400x1xi32> to vector<400x256xi32>
    %eq3A_49 = arith.cmpi eq, %eq3A, %iota3A : vector<400x256xi32>
    %convert_element_type3A = arith.extui %eq3A_49 : vector<400x256xi1> to vector<400x256xi32>
    %convert_element_type3A_50 = arith.sitofp %convert_element_type3A : vector<400x256xi32> to vector<400x256xf32>
    %dot_general3A_51 = arith.constant dense<0.000000e+00> : vector<256x256xf32>
    %dot_general3A_52 = tpu.matmul %convert_element_type3A_50, %mul3A_45, %dot_general3A_51 {dimension_numbers = #tpu.dot_dimension_numbers<[0], [0], [1], [1], [0, 1, 1, 1], [], []>, transpose_lhs_hint = false} : vector<400x256xf32>, vector<400x256xf32>, vector<256x256xf32> -> vector<256x256xf32>
    %broadcast_in_dim3A_53 = arith.constant 1.000000e+00 : f32
    %broadcast_in_dim3A_54 = vector.broadcast %broadcast_in_dim3A_53 : f32 to vector<400x128xf32>
    %dot_general3A_55 = arith.constant dense<0.000000e+00> : vector<256x128xf32>
    %dot_general3A_56 = tpu.matmul %convert_element_type3A_50, %broadcast_in_dim3A_54, %dot_general3A_55 {dimension_numbers = #tpu.dot_dimension_numbers<[0], [0], [1], [1], [0, 1, 1, 1], [], []>, transpose_lhs_hint = false} : vector<400x256xf32>, vector<400x128xf32>, vector<256x128xf32> -> vector<256x128xf32>
    %eq3A_57 = arith.constant 0 : i32
    %eq3A_58 = arith.cmpi eq, %arg0, %eq3A_57 : i32
    %convert_element_type3A_59 = arith.extui %eq3A_58 : i1 to i32
    %cond3A = arith.constant 0 : i32
    %cond3A_60 = arith.cmpi ne, %convert_element_type3A_59, %cond3A : i32
    scf.if %cond3A_60 {
      %broadcast_in_dim3A_79 = arith.constant 0.000000e+00 : f32
      %broadcast_in_dim3A_80 = vector.broadcast %broadcast_in_dim3A_79 : f32 to vector<256x256xf32>
      %swap3A_81 = arith.constant 0 : index
      %swap3A_82 = arith.constant 0 : index
      %swap3A_83 = vector.load %arg18[%swap3A_81, %swap3A_82] : memref<256x256xf32, #tpu.memory_space<vmem>>, vector<256x256xf32>
      tpu.vector_store %arg18[%swap3A_81, %swap3A_82], %broadcast_in_dim3A_80 {strides = array<i32>} : memref<256x256xf32, #tpu.memory_space<vmem>>, vector<256x256xf32>,
      %broadcast_in_dim3A_84 = arith.constant 0.000000e+00 : f32
      %broadcast_in_dim3A_85 = vector.broadcast %broadcast_in_dim3A_84 : f32 to vector<256x128xf32>
      %swap3A_86 = arith.constant 0 : index
      %swap3A_87 = arith.constant 0 : index
      %swap3A_88 = vector.load %arg19[%swap3A_86, %swap3A_87] : memref<256x128xf32, #tpu.memory_space<vmem>>, vector<256x128xf32>
      tpu.vector_store %arg19[%swap3A_86, %swap3A_87], %broadcast_in_dim3A_85 {strides = array<i32>} : memref<256x128xf32, #tpu.memory_space<vmem>>, vector<256x128xf32>,
    } else {
    }
    %get3A_61 = arith.constant 0 : index
    %get3A_62 = arith.constant 0 : index
    %get3A_63 = vector.load %arg18[%get3A_61, %get3A_62] : memref<256x256xf32, #tpu.memory_space<vmem>>, vector<256x256xf32>
    %add3A_64 = arith.addf %get3A_63, %dot_general3A_52 : vector<256x256xf32>
    %swap3A = arith.constant 0 : index
    %swap3A_65 = arith.constant 0 : index
    %swap3A_66 = vector.load %arg18[%swap3A, %swap3A_65] : memref<256x256xf32, #tpu.memory_space<vmem>>, vector<256x256xf32>
    tpu.vector_store %arg18[%swap3A, %swap3A_65], %add3A_64 {strides = array<i32>} : memref<256x256xf32, #tpu.memory_space<vmem>>, vector<256x256xf32>,
    %get3A_67 = arith.constant 0 : index
    %get3A_68 = arith.constant 0 : index
    %get3A_69 = vector.load %arg19[%get3A_67, %get3A_68] : memref<256x128xf32, #tpu.memory_space<vmem>>, vector<256x128xf32>
    %add3A_70 = arith.addf %get3A_69, %dot_general3A_56 : vector<256x128xf32>
    %swap3A_71 = arith.constant 0 : index
    %swap3A_72 = arith.constant 0 : index
    %swap3A_73 = vector.load %arg19[%swap3A_71, %swap3A_72] : memref<256x128xf32, #tpu.memory_space<vmem>>, vector<256x128xf32>
    tpu.vector_store %arg19[%swap3A_71, %swap3A_72], %add3A_70 {strides = array<i32>} : memref<256x128xf32, #tpu.memory_space<vmem>>, vector<256x128xf32>,
    %eq3A_74 = arith.constant 24 : i32
    %eq3A_75 = arith.cmpi eq, %arg0, %eq3A_74 : i32
    %convert_element_type3A_76 = arith.extui %eq3A_75 : i1 to i32
    %cond3A_77 = arith.constant 0 : i32
    %cond3A_78 = arith.cmpi ne, %convert_element_type3A_76, %cond3A_77 : i32
    scf.if %cond3A_78 {
      %get3A_79 = arith.constant 0 : index
      %get3A_80 = arith.constant 0 : index
      %get3A_81 = vector.load %arg18[%get3A_79, %get3A_80] : memref<256x256xf32, #tpu.memory_space<vmem>>, vector<256x256xf32>
      %get3A_82 = arith.constant 0 : index
      %get3A_83 = arith.constant 0 : index
      %get3A_84 = vector.load %arg19[%get3A_82, %get3A_83] : memref<256x128xf32, #tpu.memory_space<vmem>>, vector<256x1xf32>
      %max3A_85 = arith.constant 1.000000e+00 : f32
      %max3A_86 = vector.broadcast %max3A_85 : f32 to vector<256x1xf32>
      %max3A_87 = arith.maximumf %get3A_84, %max3A_86 : vector<256x1xf32>
      %div3A_88 = vector.broadcast %max3A_87 : vector<256x1xf32> to vector<256x256xf32>
      %div3A_89 = arith.divf %get3A_81, %div3A_88 : vector<256x256xf32>
      %get3A_90 = arith.constant 0 : index
      %get3A_91 = arith.constant 0 : index
      %get3A_92 = vector.load %arg9[%get3A_90, %get3A_91] : memref<256x2048xf32, #tpu.memory_space<vmem>>, vector<256x2048xf32>
      %get3A_93 = arith.constant 0 : index
      %get3A_94 = arith.constant 0 : index
      %get3A_95 = vector.load %arg11[%get3A_93, %get3A_94] : memref<2048x256xf32, #tpu.memory_space<vmem>>, vector<2048x256xf32>
      %dot_general3A_96 = arith.constant dense<0.000000e+00> : vector<256x256xf32>
      %dot_general3A_97 = tpu.matmul %get3A_92, %get3A_95, %dot_general3A_96 {dimension_numbers = #tpu.dot_dimension_numbers<[1], [0], [0], [1], [0, 0, 1, 1], [], []>, transpose_lhs_hint = false} : vector<256x2048xf32>, vector<2048x256xf32>, vector<256x256xf32> -> vector<256x256xf32>
      %get3A_98 = arith.constant 0 : index
      %get3A_99 = arith.constant 0 : index
      %get3A_100 = vector.load %arg12[%get3A_98, %get3A_99] : memref<1x256xf32, #tpu.memory_space<vmem>>, vector<1x256xf32>
      %add3A_101 = vector.broadcast %get3A_100 : vector<1x256xf32> to vector<256x256xf32>
      %add3A_102 = arith.addf %dot_general3A_97, %add3A_101 : vector<256x256xf32>
      %max3A_103 = arith.constant 0.000000e+00 : f32
      %max3A_104 = vector.broadcast %max3A_103 : f32 to vector<256x256xf32>
      %max3A_105 = arith.maximumf %add3A_102, %max3A_104 : vector<256x256xf32>
      %get3A_106 = arith.constant 0 : index
      %get3A_107 = arith.constant 0 : index
      %get3A_108 = vector.load %arg10[%get3A_106, %get3A_107] : memref<256x128xf32, #tpu.memory_space<vmem>>, vector<256x128xf32>
      %get3A_109 = arith.constant 0 : index
      %get3A_110 = arith.constant 0 : index
      %get3A_111 = vector.load %arg13[%get3A_109, %get3A_110] : memref<128x256xf32, #tpu.memory_space<vmem>>, vector<128x256xf32>
      %dot_general3A_112 = arith.constant dense<0.000000e+00> : vector<256x256xf32>
      %dot_general3A_113 = tpu.matmul %get3A_108, %get3A_111, %dot_general3A_112 {dimension_numbers = #tpu.dot_dimension_numbers<[1], [0], [0], [1], [0, 0, 1, 1], [], []>, transpose_lhs_hint = false} : vector<256x128xf32>, vector<128x256xf32>, vector<256x256xf32> -> vector<256x256xf32>
      %get3A_114 = arith.constant 0 : index
      %get3A_115 = arith.constant 0 : index
      %get3A_116 = vector.load %arg14[%get3A_114, %get3A_115] : memref<1x256xf32, #tpu.memory_space<vmem>>, vector<1x256xf32>
      %add3A_117 = vector.broadcast %get3A_116 : vector<1x256xf32> to vector<256x256xf32>
      %add3A_118 = arith.addf %dot_general3A_113, %add3A_117 : vector<256x256xf32>
      %max3A_119 = arith.constant 0.000000e+00 : f32
      %max3A_120 = vector.broadcast %max3A_119 : f32 to vector<256x256xf32>
      %max3A_121 = arith.maximumf %add3A_118, %max3A_120 : vector<256x256xf32>
      %add3A_122 = arith.addf %div3A_89, %max3A_105 : vector<256x256xf32>
      %add3A_123 = arith.addf %add3A_122, %max3A_121 : vector<256x256xf32>
      %get3A_124 = arith.constant 0 : index
      %get3A_125 = arith.constant 0 : index
      %get3A_126 = vector.load %arg15[%get3A_124, %get3A_125] : memref<256x1xf32, #tpu.memory_space<vmem>>, vector<256x1xf32>
      %dot_general3A_127 = arith.constant dense<0.000000e+00> : vector<256x1xf32>
      %dot_general3A_128 = tpu.matmul %add3A_123, %get3A_126, %dot_general3A_127 {dimension_numbers = #tpu.dot_dimension_numbers<[1], [0], [0], [1], [0, 0, 1, 1], [], []>, transpose_lhs_hint = false} : vector<256x256xf32>, vector<256x1xf32>, vector<256x1xf32> -> vector<256x1xf32>
      %get3A_129 = arith.constant 0 : index
      %get3A_130 = arith.constant 0 : index
      %get3A_131 = vector.load %arg16[%get3A_129, %get3A_130] : memref<1x1xf32, #tpu.memory_space<vmem>>, vector<1x1xf32>
      %add3A_132 = vector.broadcast %get3A_131 : vector<1x1xf32> to vector<256x1xf32>
      %add3A_133 = arith.addf %dot_general3A_128, %add3A_132 : vector<256x1xf32>
      %swap3A_134 = arith.constant 0 : index
      %swap3A_135 = arith.constant 0 : index
      %swap3A_136 = vector.load %arg17[%swap3A_134, %swap3A_135] : memref<256x1xf32, #tpu.memory_space<vmem>>, vector<256x1xf32>
      tpu.vector_store %arg17[%swap3A_134, %swap3A_135], %add3A_133 {strides = array<i32>} : memref<256x1xf32, #tpu.memory_space<vmem>>, vector<256x1xf32>,
    } else {
    }
    return
  }
  func.func @transform_0(%arg0: i32) -> (i32, i32, i32) {
    %c0_i32 = arith.constant 0 : i32
    %c0_i32_0 = arith.constant 0 : i32
    %c0_i32_1 = arith.constant 0 : i32
    return %c0_i32, %arg0, %c0_i32_0 : i32, i32, i32
  }
  func.func @transform_1(%arg0: i32) -> (i32, i32) {
    %c0_i32 = arith.constant 0 : i32
    %c0_i32_0 = arith.constant 0 : i32
    return %arg0, %c0_i32 : i32, i32
  }
  func.func @transform_2(%arg0: i32) -> (i32, i32) {
    %c0_i32 = arith.constant 0 : i32
    %c0_i32_0 = arith.constant 0 : i32
    return %arg0, %c0_i32 : i32, i32
  }
  func.func @transform_3(%arg0: i32) -> (i32, i32) {
    %c0_i32 = arith.constant 0 : i32
    %c0_i32_0 = arith.constant 0 : i32
    %c0_i32_1 = arith.constant 0 : i32
    return %c0_i32, %c0_i32_0 : i32, i32
  }
  func.func @transform_4(%arg0: i32) -> (i32, i32) {
    %c0_i32 = arith.constant 0 : i32
    %c0_i32_0 = arith.constant 0 : i32
    %c0_i32_1 = arith.constant 0 : i32
    return %c0_i32, %c0_i32_0 : i32, i32
  }
  func.func @transform_5(%arg0: i32) -> (i32, i32) {
    %c0_i32 = arith.constant 0 : i32
    %c0_i32_0 = arith.constant 0 : i32
    %c0_i32_1 = arith.constant 0 : i32
    return %c0_i32, %c0_i32_0 : i32, i32
  }
  func.func @transform_6(%arg0: i32) -> (i32, i32) {
    %c0_i32 = arith.constant 0 : i32
    %c0_i32_0 = arith.constant 0 : i32
    %c0_i32_1 = arith.constant 0 : i32
    return %c0_i32, %c0_i32_0 : i32, i32
  }
  func.func @transform_7(%arg0: i32) -> (i32, i32) {
    %c0_i32 = arith.constant 0 : i32
    %c0_i32_0 = arith.constant 0 : i32
    return %arg0, %c0_i32 : i32, i32
  }
  func.func @transform_8(%arg0: i32) -> (i32, i32) {
    %c0_i32 = arith.constant 0 : i32
    %c0_i32_0 = arith.constant 0 : i32
    %c0_i32_1 = arith.constant 0 : i32
    return %c0_i32, %c0_i32_0 : i32, i32
  }
  func.func @transform_9(%arg0: i32) -> (i32, i32) {
    %c0_i32 = arith.constant 0 : i32
    %c0_i32_0 = arith.constant 0 : i32
    %c0_i32_1 = arith.constant 0 : i32
    return %c0_i32, %c0_i32_0 : i32, i32
  }
  func.func @transform_10(%arg0: i32) -> (i32, i32) {
    %c0_i32 = arith.constant 0 : i32
    %c0_i32_0 = arith.constant 0 : i32
    %c0_i32_1 = arith.constant 0 : i32
    return %c0_i32, %c0_i32_0 : i32, i32
  }
  func.func @transform_11(%arg0: i32) -> (i32, i32) {
    %c0_i32 = arith.constant 0 : i32
    %c0_i32_0 = arith.constant 0 : i32
    %c0_i32_1 = arith.constant 0 : i32
    return %c0_i32, %c0_i32_0 : i32, i32
  }
  func.func @transform_12(%arg0: i32) -> (i32, i32) {
    %c0_i32 = arith.constant 0 : i32
    %c0_i32_0 = arith.constant 0 : i32
    %c0_i32_1 = arith.constant 0 : i32
    return %c0_i32, %c0_i32_0 : i32, i32
  }
  func.func @transform_13(%arg0: i32) -> (i32, i32) {
    %c0_i32 = arith.constant 0 : i32
    %c0_i32_0 = arith.constant 0 : i32
    %c0_i32_1 = arith.constant 0 : i32
    return %c0_i32, %c0_i32_0 : i32, i32
  }
  func.func @transform_14(%arg0: i32) -> (i32, i32) {
    %c0_i32 = arith.constant 0 : i32
    %c0_i32_0 = arith.constant 0 : i32
    %c0_i32_1 = arith.constant 0 : i32
    return %c0_i32, %c0_i32_0 : i32, i32
  }
  func.func @transform_15(%arg0: i32) -> (i32, i32) {
    %c0_i32 = arith.constant 0 : i32
    %c0_i32_0 = arith.constant 0 : i32
    %c0_i32_1 = arith.constant 0 : i32
    return %c0_i32, %c0_i32_0 : i32, i32
  }
  func.func @transform_16(%arg0: i32) -> (i32, i32) {
    %c0_i32 = arith.constant 0 : i32
    %c0_i32_0 = arith.constant 0 : i32
    %c0_i32_1 = arith.constant 0 : i32
    return %c0_i32, %c0_i32_0 : i32, i32
  }
}

</mosaic_0001>

<sc_bundles>
// kernel: kernel.10.cloned.1.call-start
scs
__scs_entry_jumppad:
0x0: {  	(pc) =	sbr.rel $0x88, $3  }
0x1: {  	(tag) =	ssettag $0x0;
	lr =	simm.s32 $0x1  }
0x2: {  	[smem:$0x3F8B] =	sst lr;
	_ =	strace $0xD0000000  }
0x3: {  	_ = 	snop  }
0x4: {  	_ = 	snop  }
0x5: {  	_ = 	snop  }
0x6: {  	_ = 	snop  }
0x7: {  	_ = 	snop  }
__scs_overlays_trampoline_lowered:
0x8: {  	[smem:$0x3F9A] =	sst s0  }
0x9: {  	[smem:$0x3F9B] =	sst s1  }
0xa: {  	[smem:$0x3F9C] =	sst s2  }
0xb: {  	[smem:$0x3F9D] =	sst s3  }
0xc: {  	[smem:$0x3F9E] =	sst s4  }
0xd: {  	[smem:$0x3F9F] =	sst s5  }
0xe: {  	[smem:$0x3FA0] =	sst s6  }
0xf: {  	[smem:$0x3FA1] =	sst s7  }
0x10: {  	[smem:$0x3FA2] =	sst s8  }
0x11: {  	[smem:$0x3FA3] =	sst s9;
	s0 =	simm.s32 @!p0 $0x0  }
0x12: {  	s1 =	sld [smem:$0x3F89];
	s0 =	simm.s32 @p0 $0x1  }
0x13: {  	[smem:$0x3FA4] =	sst s0;
	s0 =	simm.s32 @!p1 $0x0  }
0x14: {  	s2 =	sld [smem:$0x3F88];
	s0 =	simm.s32 @p1 $0x1  }
0x15: {  	[smem:$0x3FA5] =	sst s0;
	s0 =	simm.s32 @!p2 $0x0  }
0x16: {  	s3 =	sld [smem:$0x3FDB];
	s0 =	simm.s32 @p2 $0x1  }
0x17: {  	s4 =	simm.s32 $0x1BF5;
	[smem:$0x3FA7] =	sst s0  }
0x18: {  	s0 =	sld [smem:$0x3F8A];
	_ =	swait.ge [sflag:s4], $0x0  }
0x19: {  	s7 =	sld [smem:$0x3F8B]  }
0x1a: {  	s8 =	sadd.s32 $0xFFFFE003, lr  }
0x1b: {  	s9 =	sadd.s32 $0xFFFFFEF7, lr;
	s5 =	simm.s32 $0xFFFFFFFF;
	p2 =	slt.u32 s8, $0xFFFFF086  }
0x1c: {  	p1 =	slt.u32 s9, $0xF7A;
	s5 =	simm.s32 @!p2 $0x0  }
0x1d: {  	s5 =	simm.s32 @p1 $0x1;
	p0 =	seq.s32 s7, s2  }
0x1e: {  	s7 =	smul.u32 @!p0 $0xF7A, s2;
	p2 =	seq.s32 @!p0 s5, $0x0  }
0x1f: {  	s9 =	smul.u32 $0xF7A, s1;
	s8 =	simm.s32 @!p0 $0x1BF5;
	p2 =	por !p2, p0  }
0x20: {  	[sflag:s8] =	ssyncset.s32 @!p0 $0xFFFFF086;
	s6 =	sadd.s32 @!p0 s3, s7;
	s7 =	simm.s32 @!p0 $0x108  }
0x21: {  	s3 =	sadd.s32 s3, s9;
	s6 =	sadd.s32 @!p0 $0x88, s6;
	s7 =	simm.s32 @p2 $0x1082  }
0x22: {  	[simem:s7], [sflag:s8] =	dma.local @!p0 [hbm:s6], $0xF7A  }
0x23: {  	s9 =	sor.u32 $0xD0000000, s2;
	s6 =	simm.s32 $0x108;
	_ =	swait.ge @!p0 [sflag:s8], $0x0  }
0x24: {  	s3 =	sadd.s32 $0x88, s3;
	s6 =	simm.s32 @!p1 $0x1082;
	[sflag:s4] =	ssyncset.s32 $0xFFFFF086  }
0x25: {  	[simem:s6], [sflag:s4] =	dma.local [hbm:s3], $0xF7A  }
0x26: {  	[smem:$0x3F8B] =	sst s1;
	(tag) =	ssettag s2;
	_ =	strace s9  }
0x27: {  	s1 =	sld [smem:$0x3F9B]  }
0x28: {  	s2 =	sld [smem:$0x3F9C]  }
0x29: {  	s4 =	sld [smem:$0x3F9E]  }
0x2a: {  	p0 =	seq.s32 s5, $0x0;
	s5 =	sld [smem:$0x3F9F]  }
0x2b: {  	s6 =	sld [smem:$0x3FA0]  }
0x2c: {  	s7 =	sld [smem:$0x3FA1]  }
0x2d: {  	s3 =	simm.s32 $0x108;
	s8 =	sld [smem:$0x3FA2]  }
0x2e: {  	s3 =	simm.s32 @!p0 $0x1082;
	s9 =	sld [smem:$0x3FA3]  }
0x2f: {  	lr =	sadd.s32 s0, s3;
	s0 =	sld [smem:$0x3F9A]  }
0x30: {  	s3 =	sld [smem:$0x3F9D]  }
0x31: {  	[smem:$0x3FA6] =	sst s10  }
0x32: {  	s10 =	sld [smem:$0x3FA4];
	_ =	sdelay $0x3  }
0x33: {  	p0 =	seq.s32 s10, $0x1;
	s10 =	sld [smem:$0x3FA6];
	_ =	sdelay $0x3  }
0x34: {  	[smem:$0x3FA6] =	sst s10  }
0x35: {  	s10 =	sld [smem:$0x3FA5];
	_ =	sdelay $0x3  }
0x36: {  	p1 =	seq.s32 s10, $0x1;
	s10 =	sld [smem:$0x3FA6];
	_ =	sdelay $0x3  }
0x37: {  	[smem:$0x3FA6] =	sst s10  }
0x38: {  	s10 =	sld [smem:$0x3FA7]  }
0x39: {  	_ = 	snop;
	(pc) =	sbr.ind lr, $3  }
0x3a: {  	_ = 	snop  }
0x3b: {  	_ = 	snop  }
0x3c: {  	p2 =	seq.s32 s10, $0x1;
	s10 =	sld [smem:$0x3FA6]  }
0x3d: {  	_ =	shalt  }
0x3e: {  	_ =	shalt  }
0x3f: {  	_ =	shalt  }
0x40: {  	_ =	shalt  }
0x41: {  	_ =	shalt  }
0x42: {  	_ =	shalt  }
0x43: {  	_ =	shalt  }
0x44: {  	_ =	shalt  }
0x45: {  	_ =	shalt  }
0x46: {  	_ =	shalt  }
0x47: {  	_ =	shalt  }
0x48: {  	_ =	shalt  }
0x49: {  	_ =	shalt  }
0x4a: {  	_ =	shalt  }
0x4b: {  	_ =	shalt  }
0x4c: {  	_ =	shalt  }
0x4d: {  	_ =	shalt  }
0x4e: {  	_ =	shalt  }
0x4f: {  	_ =	shalt  }
0x50: {  	_ =	shalt  }
0x51: {  	_ =	shalt  }
0x52: {  	_ =	shalt  }
0x53: {  	_ =	shalt  }
0x54: {  	_ =	shalt  }
0x55: {  	_ =	shalt  }
0x56: {  	_ =	shalt  }
0x57: {  	_ =	shalt  }
0x58: {  	_ =	shalt  }
0x59: {  	_ =	shalt  }
0x5a: {  	_ =	shalt  }
0x5b: {  	_ =	shalt  }
0x5c: {  	_ =	shalt  }
0x5d: {  	_ =	shalt  }
0x5e: {  	_ =	shalt  }
0x5f: {  	_ =	shalt  }
0x60: {  	_ =	shalt  }
0x61: {  	_ =	shalt  }
0x62: {  	_ =	shalt  }
0x63: {  	_ =	shalt  }
0x64: {  	_ =	shalt  }
0x65: {  	_ =	shalt  }
0x66: {  	_ =	shalt  }
0x67: {  	_ =	shalt  }
0x68: {  	_ =	shalt  }
0x69: {  	_ =	shalt  }
0x6a: {  	_ =	shalt  }
0x6b: {  	_ =	shalt  }
0x6c: {  	_ =	shalt  }
0x6d: {  	_ =	shalt  }
0x6e: {  	_ =	shalt  }
0x6f: {  	_ =	shalt  }
0x70: {  	_ =	shalt  }
0x71: {  	_ =	shalt  }
0x72: {  	_ =	shalt  }
0x73: {  	_ =	shalt  }
0x74: {  	_ =	shalt  }
0x75: {  	_ =	shalt  }
0x76: {  	_ =	shalt  }
0x77: {  	_ =	shalt  }
0x78: {  	_ =	shalt  }
0x79: {  	_ =	shalt  }
0x7a: {  	_ =	shalt  }
0x7b: {  	_ =	shalt  }
0x7c: {  	_ =	shalt  }
0x7d: {  	_ =	shalt  }
0x7e: {  	_ =	shalt  }
0x7f: {  	_ =	shalt  }
0x80: {  	_ =	shalt  }
0x81: {  	_ =	shalt  }
0x82: {  	_ =	shalt  }
0x83: {  	_ =	shalt  }
0x84: {  	_ =	shalt  }
0x85: {  	_ =	shalt  }
0x86: {  	_ =	shalt  }
0x87: {  	_ =	shalt  }
.Lfunc_end0:
.L_simem_size_0:
called_computation_lowered:
.L_overlay_start_0:
0x88: {  	s2 =	sld [smem:$0x3FD9]  }
0x89: {  	s3 =	sld [smem:$0x3FFE];
	_ =	sdelay $0x1  }
0x8a: {  	s1 =	srdreg.scid  }
0x8b: {  	s0 =	sand.u32 $0x1, s1  }
0x8c: {  	s16 =	sshll.u32 s0, $0xA;
	s2 =	sadd.s32 s3, s2  }
0x8d: {  	s2 =	sadd.s32 s2, s16  }
0x8e: {  	[smem:$0x3FB2] =	sst s2  }
0x8f: {  	_ = 	snop  }
0x90: {  	(tm) =	ssettm $0x1  }
0x91: {  	s17 =	sld [smem:$0x3FFB];
	_ =	sdelay $0x3  }
0x92: {  	_ =	strace s17  }
0x93: {  	s2 =	sld [smem:$0x3FFC];
	_ =	sdelay $0x3  }
0x94: {  	_ =	strace s2  }
0x95: {  	s2 =	sld [smem:$0x3FFD];
	_ =	sdelay $0x3  }
0x96: {  	_ =	strace s2  }
0x97: {  	_ =	strace $0x8FFFFFFF  }
0x98: {  	s18 =	sld [smem:$0x3FDB];
	_ =	sdelay $0x1  }
0x99: {  	s19 =	simm.s32 $_scs_section_size  }
0x9a: {  	s4 =	simm.s32 $_size__tile_overlayer_lowered;
	s5 =	simm.s32 $_tile_overlayer_lowered  }
0x9b: {  	s22 =	simm.s32 $0x1BFF;
	s21 =	sshll.u32 s5, $0x1;
	s2 =	sadd.s32 s19, s18  }
0x9c: {  	s6 =	simm.s32 $0x0;
	s20 =	sshll.u32 s4, $0x1;
	s4 =	sadd.s32 s21, s2  }
0x9d: {  	[timem:s6], [sflag:s22] =	dma.local [hbm:s4], s20  }
0x9e: {  	_ =	swait.ge [sflag:s22], s20  }
0x9f: {  	s3 =	ssub.s32 $0x0, s20;
	[sflag:s22] =	ssyncset.done $0x0  }
0xa0: {  	[sflag:s22] =	ssyncadd.s32 s3;
	_ =	sdelay $0x1  }
0xa1: {  	s23 =	simm.s32 $0x1B8B  }
0xa2: {  	_ =	swait.ge [sflag:s23], $0x1  }
0xa3: {  	[sflag:s23] =	ssyncset.done $0x0  }
0xa4: {  	s25 =	simm.s32 $0x1B8E;
	s24 =	sld [smem:$0x3FFE];
	[sflag:s23] =	ssyncadd.s32 $0xFFFFFFFF  }
0xa5: {  	s26 =	simm.s32 $execute0_lowered;
	[smem:$0x3FD2] =	sst s25  }
0xa6: {  	s4 =	sshll.u32 s26, $0x1;
	_ =	strace $0x80000046;
	[dreg:$0x1] =	wrdreg $0xFFFFFFFF  }
0xa7: {  	s28 =	simm.s32 $_size_execute0_lowered;
	s2 =	sadd.s32 s2, s4;
	[dreg:$0x0] =	wrdreg $0x0  }
0xa8: {  	s4 =	sshll.u32 s28, $0x1;
	[dreg:$0x2] =	wrdreg s2  }
0xa9: {  	[dreg:$0x3] =	wrdreg s4  }
0xaa: {  	[dreg:$0x4] =	wrdreg $0xC0  }
0xab: {  	_ =	task [dreg:s6], $0x5FFFF  }
0xac: {  	[dreg:$0x1] =	wrdreg $0xFFFFFFFF  }
0xad: {  	[dreg:$0x0] =	wrdreg $0x60  }
0xae: {  	[dreg:$0x2] =	wrdreg s24  }
0xaf: {  	[dreg:$0x3] =	wrdreg $0x44000  }
0xb0: {  	[dreg:$0x4] =	wrdreg $0x9  }
0xb1: {  	_ =	task.clear_ibuf [dreg:s6], $0x5FFFF;
	_ =	strace $0x90000046  }
0xb2: {  	s29 =	simm.s32 $0x9;
	_ =	strace $0x80000048  }
0xb3: {  	_ =	swait.ge [sflag:s29], $0x1  }
0xb4: {  	[sflag:s29] =	ssyncadd.s32 $0xFFFFFFFF  }
0xb5: {  	_ =	strace $0x90000048  }
0xb6: {  	_ =	sfence  }
0xb7: {  	s30 =	sld [smem:$0x0];
	_ =	sdelay $0x2  }
0xb8: {  	s31 =	sshll.u32 s1, $0xD;
	s1 =	sshrl.u32 s1, $0x2  }
0xb9: {  	s3 =	sand.u32 $0x4000, s31;
	s1 =	sadd.s32 s1, s30  }
0xba: {  	s0 =	sor.u32 s3, s0;
	s1 =	sshll.u32 s1, $0x11  }
0xbb: {  	s0 =	sor.u32 s1, s0  }
0xbc: {  	s0 =	sadd.s32 $0x8F2B, s0  }
0xbd: {  	[sflag:s0] =	ssyncadd.remote.s32 $0x1  }
0xbe: {  	_ =	sfence.sel $0xFFFF  }
0xbf: {  	[dreg:$0x0] =	wrdreg $0xFFFFFFFF;
	(pc) =	sbr.abs _section_cstart, $3  }
0xc0: {  	[dreg:$0x1] =	wrdreg $0xFFFFFFFF  }
0xc1: {  	_ =	task.clear_ibuf [dreg:s6], $0x2FFFF;
	_ =	strace $0x9FFFFFFF  }
0xc2: {  	(tm) =	ssettm $0x7FFFFFFF  }
0xc3: {  	_ =	shalt  }
tec
execute0_lowered:
.L_overlay_start_1:
0x0: {  	(tag) =	ssettag $0x1  }
0x1: {  	s0 =	rddreg [dreg:$0x0]  }
0x2: {  	s1 =	rddreg [dreg:$0x1]  }
0x3: {  	s2 =	srdreg.scid;
	s3 =	simm.s32 $0x0;
	s9 =	stileid.u32  }
0x4: {  	s28 =	simm.s32 $0x2;
	s29 =	simm.s32 $0x280;
	s30 =	simm.s32 $0x3  }
0x5: {  	s31 =	simm.s32 $0x300;
	s10 =	simm.s32 $0xC;
	s11 =	simm.s32 $0x8  }
0x6: {  	s14 =	simm.s32 $0x0;
	s2 =	sand.u32 $0x1, s2;
	s5 =	smul.u32 $0x14000, s9  }
0x7: {  	[smem:$0x7FF] =	sst s3;
	s6 =	sadd.s32 $0x4C00, s0;
	s17 =	smul.u32 $0x50000, s9  }
0x8: {  	s4 =	smul.u32 $0x140000, s2;
	_ =	strace $0x80000047;
	s7 =	sshll.u32 s2, $0x4  }
0x9: {  	s8 =	ssub.s32 $0x2, s2;
	s2 =	smul.u32 $0x500, s2;
	s16 =	sor.u32 s9, s7  }
0xa: {  	s18 =	sshrl.u32 s8, $0x1;
	s7 =	sshrl.u32 s17, $0x2;
	s9 =	smul.u32 $0x50, s9  }
0xb: {  	s4 =	sadd.s32 s5, s4;
	s5 =	smul.u32 $0x500, s16;
	s12 =	sadd.s32 s7, s1  }
0xc: {  	s7 =	simm.s32 $0x5;
	s4 =	sshrl.u32 s4, $0x3;
	s2 =	sadd.s32 s9, s2  }
0xd: {  	s23 =	sadd.s32 $0x4000, s12;
	s24 =	sadd.s32 $0x8000, s12;
	[dreg:$0x4] =	wrdreg s12  }
0xe: {  	s25 =	sadd.s32 $0xC000, s12;
	s26 =	sadd.s32 $0x10000, s12;
	[dreg:$0xa] =	wrdreg s23  }
0xf: {  	s9 =	simm.s32 $0x7;
	s0 =	sadd.s32 s4, s0;
	[dreg:$0xb] =	wrdreg s24  }
0x10: {  	s5 =	sadd.s32 s6, s5;
	s4 =	ssub.s32 s8, s18;
	[dreg:$0xc] =	wrdreg s25  }
0x11: {  	s22 =	sshll.u32 s2, $0x4;
	[dreg:$0xd] =	wrdreg s26;
	s23 =	simm.s32 $0x100  }
0x12: {  	s24 =	simm.s32 $0x180;
	s25 =	simm.s32 $0x1;
	s26 =	simm.s32 $0x200  }
0x13: {  	s2 =	simm.s32 $0x380;
	s19 =	sadd.s32 $0x10, s5;
	[dreg:$0x3] =	wrdreg s5  }
0x14: {  	s8 =	simm.s32 $0xB;
	s20 =	sadd.s32 $0x20, s5;
	[dreg:$0x5] =	wrdreg s19  }
0x15: {  	s5 =	sadd.s32 $0x30, s5;
	s0 =	sadd.s32 $0x18C00, s0;
	[dreg:$0x6] =	wrdreg s20  }
.Ltmp0:
0x16: {  	s21 =	smax.u32 s4, $0x1;
	[dreg:$0x7] =	wrdreg s5;
	(pc) =	sbr.rel .LBB2_1-.Ltmp0, $4  }
0x17: {  	s13 =	sadd.s32 s22, s6;
	s22 =	simm.s32 $0x80;
	[dreg:$0x8] =	wrdreg s0  }
0x18: {  	s6 =	simm.s32 $0x9;
	[dreg:$0x9] =	wrdreg s21;
	s16 =	sadd.s32 $0xA0, s13  }
0x19: {  	s17 =	sadd.s32 $0x80, s13;
	s18 =	sadd.s32 $0x60, s13;
	s19 =	sadd.s32 $0x40, s13  }
0x1a: {  	v0 =	vimm.f32 $0.0e+00;
	v1 =	vimm.f32 $1.000000000e+00;
	s20 =	simm.s32 $0x400;
	s5 =	simm.s32 $0xD;
	s0 =	simm.s32 $0x4  }
.LBB2_8:
0x1b: {  	_ =	swait.ge [sflag:s10], $0x4000  }
0x1c: {  	[sflag:s10] =	ssyncset.done $0x0  }
0x1d: {  	[sflag:s10] =	ssyncadd.s32 $0xFFFFC000  }
0x1e: {  	_ =	swait.ge [sflag:s11], $0x80  }
0x1f: {  	[sflag:s11] =	ssyncset.done $0x0  }
0x20: {  	[sflag:s11] =	ssyncadd.s32 $0xFFFFFF80  }
0x21: {  	[spmem:s1] =	stream.indirect.scatter.add.f32 [tilespmem:s20], [sflag:$0xC], $0x80, s2, s22, $0xb8;
	[tilespmem:$0x18400] =	vst v63  }
0x22: {  	_ =	swait.ge [sflag:s6], $0x4000  }
0x23: {  	[sflag:s6] =	ssyncset.done $0x0  }
0x24: {  	s4 =	simm.s32 $0xA;
	[sflag:s6] =	ssyncadd.s32 $0xFFFFC000  }
0x25: {  	_ =	swait.ge [sflag:s4], $0x4000  }
0x26: {  	[sflag:s4] =	ssyncset.done $0x0  }
0x27: {  	[sflag:s4] =	ssyncadd.s32 $0xFFFFC000  }
0x28: {  	_ =	swait.ge [sflag:s8], $0x4000  }
0x29: {  	[sflag:s8] =	ssyncset.done $0x0  }
0x2a: {  	[sflag:s8] =	ssyncadd.s32 $0xFFFFC000  }
0x2b: {  	_ =	swait.ge [sflag:s10], $0x4000  }
0x2c: {  	[sflag:s10] =	ssyncset.done $0x0  }
0x2d: {  	[sflag:s10] =	ssyncadd.s32 $0xFFFFC000  }
0x2e: {  	s14 =	stileid.u32;
	[bflag:$0x0] =	sbarrier.arrive $0xFFFF  }
0x2f: {  	s4 =	sshll.u32 s14, $0x6;
	s12 =	rddreg [dreg:$0x4]  }
0x30: {  	s4 =	sor.u32 $0x1C0D, s4;
	s14 =	rddreg [dreg:$0x8];
	s5 =	sshrl.u32 s12, $0x3  }
0x31: {  	[hbm:s14], [sflag:s4] =	dma.local [spmem:s5], $0x2800  }
0x32: {  	s5 =	simm.s32 $0xD  }
0x33: {  	_ =	swait.ge [sflag:s5], $0x2800  }
0x34: {  	s15 =	rddreg [dreg:$0xe]  }
0x35: {  	s21 =	rddreg [dreg:$0x9];
	s14 =	sadd.s32 $0x1, s15  }
0x36: {  	p0 =	sne.s32 s14, s21  }
.Ltmp1:
0x37: {  	_ = 	snop;
	(pc) =	sbr.rel @!p0 .LBB2_9-.Ltmp1, $3  }
0x38: {  	_ =	sdelay $0x1  }
0x39: {  	[sflag:s5] =	ssyncset.done $0x0  }
0x3a: {  	[sflag:s5] =	ssyncadd.s32 $0xFFFFD800  }
.LBB2_1:
0x3b: {  	s4 =	simm.s32 $0x0;
	s15 =	simm.s32 $0x200  }
.LBB2_2:
0x3c: {  	p0 =	sne.s32 s15, $0xFE00;
	[tilespmem:s4+$0x470] =	vst v0  }
0x3d: {  	[tilespmem:s4+$0x400] =	vst v0  }
0x3e: {  	[tilespmem:s4+$0x410] =	vst v0  }
.Ltmp2:
0x3f: {  	[tilespmem:s4+$0x420] =	vst v0;
	(pc) =	sbr.rel @p0 .LBB2_2-.Ltmp2, $4  }
0x40: {  	[tilespmem:s4+$0x430] =	vst v0  }
0x41: {  	[tilespmem:s4+$0x440] =	vst v0  }
0x42: {  	[tilespmem:s4+$0x450] =	vst v0  }
0x43: {  	[tilespmem:s4+$0x460] =	vst v0;
	s4 =	sshra.s32 s15, $0x2;
	s15 =	sadd.s32 $0x200, s15  }
0x44: {  	[tilespmem:s4+$0x470] =	vst v0  }
0x45: {  	[tilespmem:s4+$0x400] =	vst v0  }
0x46: {  	[tilespmem:s4+$0x410] =	vst v0  }
0x47: {  	[tilespmem:s4+$0x420] =	vst v0  }
0x48: {  	[tilespmem:s4+$0x430] =	vst v0  }
0x49: {  	[tilespmem:s4+$0x440] =	vst v0  }
0x4a: {  	[tilespmem:s4+$0x450] =	vst v0  }
0x4b: {  	[dreg:$0xe] =	wrdreg s14;
	[tilespmem:s4+$0x460] =	vst v0  }
0x4c: {  	[spmem:s12] =	stream.linear.scatter [tilespmem:s20], [sflag:$0xD], $0x4000, $0x38;
	[tilespmem:$0x18400] =	vst v63  }
0x4d: {  	_ =	swait.ge [sflag:s5], $0x4000  }
0x4e: {  	[sflag:s5] =	ssyncset.done $0x0  }
0x4f: {  	s12 =	rddreg [dreg:$0xa];
	[sflag:s5] =	ssyncadd.s32 $0xFFFFC000  }
0x50: {  	[spmem:s12] =	stream.linear.scatter [tilespmem:s20], [sflag:$0xD], $0x4000, $0x38;
	[tilespmem:$0x18400] =	vst v63  }
0x51: {  	_ =	swait.ge [sflag:s5], $0x4000  }
0x52: {  	[sflag:s5] =	ssyncset.done $0x0  }
0x53: {  	s14 =	rddreg [dreg:$0xb];
	[sflag:s5] =	ssyncadd.s32 $0xFFFFC000  }
0x54: {  	[spmem:s14] =	stream.linear.scatter [tilespmem:s20], [sflag:$0xD], $0x4000, $0x38;
	[tilespmem:$0x18400] =	vst v63  }
0x55: {  	_ =	swait.ge [sflag:s5], $0x4000  }
0x56: {  	[sflag:s5] =	ssyncset.done $0x0  }
0x57: {  	s15 =	rddreg [dreg:$0xc];
	[sflag:s5] =	ssyncadd.s32 $0xFFFFC000  }
0x58: {  	[spmem:s15] =	stream.linear.scatter [tilespmem:s20], [sflag:$0xD], $0x4000, $0x38;
	[tilespmem:$0x18400] =	vst v63  }
0x59: {  	_ =	swait.ge [sflag:s5], $0x4000  }
0x5a: {  	[sflag:s5] =	ssyncset.done $0x0  }
0x5b: {  	s21 =	rddreg [dreg:$0xd];
	[sflag:s5] =	ssyncadd.s32 $0xFFFFC000  }
0x5c: {  	[spmem:s21] =	stream.linear.scatter [tilespmem:s20], [sflag:$0xD], $0x4000, $0x38;
	[tilespmem:$0x18400] =	vst v63  }
0x5d: {  	_ =	swait.ge [sflag:s5], $0x4000  }
0x5e: {  	[sflag:s5] =	ssyncset.done $0x0  }
0x5f: {  	s4 =	simm.s32 $0x0;
	s15 =	simm.s32 $0x200;
	[sflag:s5] =	ssyncadd.s32 $0xFFFFC000  }
.LBB2_4:
0x60: {  	p0 =	sne.s32 s15, $0xFE00;
	[tilespmem:s4+$0x470] =	vst v1  }
0x61: {  	[tilespmem:s4+$0x400] =	vst v1  }
0x62: {  	[tilespmem:s4+$0x410] =	vst v1  }
.Ltmp3:
0x63: {  	[tilespmem:s4+$0x420] =	vst v1;
	(pc) =	sbr.rel @p0 .LBB2_4-.Ltmp3, $4  }
0x64: {  	[tilespmem:s4+$0x430] =	vst v1  }
0x65: {  	[tilespmem:s4+$0x440] =	vst v1  }
0x66: {  	[tilespmem:s4+$0x450] =	vst v1  }
0x67: {  	[tilespmem:s4+$0x460] =	vst v1;
	s4 =	sshra.s32 s15, $0x2;
	s15 =	sadd.s32 $0x200, s15  }
0x68: {  	[tilespmem:s4+$0x470] =	vst v1  }
0x69: {  	[tilespmem:s4+$0x400] =	vst v1  }
0x6a: {  	[tilespmem:s4+$0x410] =	vst v1  }
0x6b: {  	[tilespmem:s4+$0x420] =	vst v1  }
0x6c: {  	[tilespmem:s4+$0x430] =	vst v1  }
0x6d: {  	[tilespmem:s4+$0x440] =	vst v1  }
0x6e: {  	[tilespmem:s4+$0x450] =	vst v1  }
0x6f: {  	[tilespmem:s4+$0x460] =	vst v1;
	s15 =	simm.s32 $0x0;
	s5 =	rddreg [dreg:$0x3]  }
0x70: {  	[tilespmem:s15], [sflag:$0x1] =	stream.linear.gather [hbm4b:s5+s15], $0x80, $0x38;
	[tilespmem:$0x18400] =	vst v63  }
0x71: {  	s12 =	rddreg [dreg:$0x5]  }
0x72: {  	[tilespmem:s22], [sflag:$0x2] =	stream.linear.gather [hbm4b:s12+s15], $0x80, $0x38;
	[tilespmem:$0x18400] =	vst v63  }
0x73: {  	s14 =	rddreg [dreg:$0x6]  }
0x74: {  	[tilespmem:s23], [sflag:$0x3] =	stream.linear.gather [hbm4b:s14+s15], $0x80, $0x38;
	[tilespmem:$0x18400] =	vst v63  }
0x75: {  	s21 =	rddreg [dreg:$0x7]  }
0x76: {  	[tilespmem:s24], [sflag:$0x4] =	stream.linear.gather [hbm4b:s21+s15], $0x80, $0x38;
	[tilespmem:$0x18400] =	vst v63  }
0x77: {  	[bflag:$0x0] =	sbarrier.arrive $0xFFFF  }
.LBB2_6:
0x78: {  	p0 =	seq.s32 s15, $0x0  }
0x79: {  	s4 =	simm.s32 @!p0 $0x9  }
0x7a: {  	_ =	swait.ge @!p0 [sflag:s4], $0x4000  }
0x7b: {  	[sflag:s4] =	ssyncset.done @!p0 $0x0  }
0x7c: {  	[sflag:s4] =	ssyncadd.s32 @!p0 $0xFFFFC000  }
0x7d: {  	_ =	swait.ge [sflag:s25], $0x80  }
0x7e: {  	[sflag:s25] =	ssyncset.done $0x0  }
0x7f: {  	[sflag:s25] =	ssyncadd.s32 $0xFFFFFF80  }
0x80: {  	[spmem:s1] =	stream.indirect.scatter.add.f32 [tilespmem:s20], [sflag:$0x9], $0x80, s3, s22, $0xb8;
	[tilespmem:$0x18400] =	vst v63  }
0x81: {  	s12 =	sadd.s32 s15, s19;
	s4 =	simm.s32 @!p0 $0xA  }
0x82: {  	[tilespmem:s26], [sflag:$0x5] =	stream.linear.gather [hbm4b:s12+s3], $0x80, $0x38;
	[tilespmem:$0x18400] =	vst v63  }
0x83: {  	_ =	swait.ge @!p0 [sflag:s4], $0x4000  }
0x84: {  	[sflag:s4] =	ssyncset.done @!p0 $0x0  }
0x85: {  	[sflag:s4] =	ssyncadd.s32 @!p0 $0xFFFFC000  }
0x86: {  	_ =	swait.ge [sflag:s28], $0x80  }
0x87: {  	[sflag:s28] =	ssyncset.done $0x0  }
0x88: {  	s4 =	sadd.s32 s15, s13;
	[sflag:s28] =	ssyncadd.s32 $0xFFFFFF80  }
0x89: {  	[spmem:s1] =	stream.indirect.scatter.add.f32 [tilespmem:s20], [sflag:$0xA], $0x80, s22, s22, $0xb8;
	[tilespmem:$0x18400] =	vst v63  }
0x8a: {  	s12 =	sadd.s32 $0x50, s4  }
0x8b: {  	[tilespmem:s29], [sflag:$0x6] =	stream.linear.gather [hbm4b:s12+s3], $0x80, $0x38;
	[tilespmem:$0x18400] =	vst v63  }
0x8c: {  	s12 =	simm.s32 @!p0 $0xB  }
0x8d: {  	_ =	swait.ge @!p0 [sflag:s12], $0x4000  }
0x8e: {  	[sflag:s12] =	ssyncset.done @!p0 $0x0  }
0x8f: {  	[sflag:s12] =	ssyncadd.s32 @!p0 $0xFFFFC000  }
0x90: {  	_ =	swait.ge [sflag:s30], $0x80  }
0x91: {  	[sflag:s30] =	ssyncset.done $0x0  }
0x92: {  	[sflag:s30] =	ssyncadd.s32 $0xFFFFFF80  }
0x93: {  	[spmem:s1] =	stream.indirect.scatter.add.f32 [tilespmem:s20], [sflag:$0xB], $0x80, s23, s22, $0xb8;
	[tilespmem:$0x18400] =	vst v63  }
0x94: {  	s14 =	sadd.s32 s15, s18;
	s12 =	simm.s32 @!p0 $0xC  }
0x95: {  	[tilespmem:s31], [sflag:$0x7] =	stream.linear.gather [hbm4b:s14+s3], $0x80, $0x38;
	[tilespmem:$0x18400] =	vst v63  }
0x96: {  	_ =	swait.ge @!p0 [sflag:s12], $0x4000  }
0x97: {  	[sflag:s12] =	ssyncset.done @!p0 $0x0  }
0x98: {  	[sflag:s12] =	ssyncadd.s32 @!p0 $0xFFFFC000  }
0x99: {  	_ =	swait.ge [sflag:s0], $0x80  }
0x9a: {  	[sflag:s0] =	ssyncset.done $0x0  }
0x9b: {  	[sflag:s0] =	ssyncadd.s32 $0xFFFFFF80  }
0x9c: {  	[spmem:s1] =	stream.indirect.scatter.add.f32 [tilespmem:s20], [sflag:$0xC], $0x80, s24, s22, $0xb8;
	[tilespmem:$0x18400] =	vst v63  }
0x9d: {  	s21 =	sadd.s32 $0x70, s4  }
0x9e: {  	[tilespmem:s2], [sflag:$0x8] =	stream.linear.gather [hbm4b:s21+s3], $0x80, $0x38;
	[tilespmem:$0x18400] =	vst v63  }
0x9f: {  	_ =	swait.ge [sflag:s6], $0x4000  }
0xa0: {  	[sflag:s6] =	ssyncset.done $0x0  }
0xa1: {  	[sflag:s6] =	ssyncadd.s32 $0xFFFFC000  }
0xa2: {  	_ =	swait.ge [sflag:s7], $0x80  }
0xa3: {  	p0 =	seq.s32 s15, $0x480;
	[sflag:s7] =	ssyncset.done $0x0  }
0xa4: {  	s12 =	simm.s32 @p0 $0xA;
	[sflag:s7] =	ssyncadd.s32 $0xFFFFFF80  }
0xa5: {  	[spmem:s1] =	stream.indirect.scatter.add.f32 [tilespmem:s20], [sflag:$0x9], $0x80, s26, s22, $0xb8;
	[tilespmem:$0x18400] =	vst v63  }
0xa6: {  	_ =	swait.ge @p0 [sflag:s12], $0x4000  }
0xa7: {  	[sflag:s12] =	ssyncset.done @p0 $0x0  }
0xa8: {  	[sflag:s12] =	ssyncadd.s32 @p0 $0xFFFFC000;
	s12 =	simm.s32 @p0 $0x6  }
0xa9: {  	_ =	swait.ge @p0 [sflag:s12], $0x80  }
0xaa: {  	s5 =	simm.s32 @p0 $0x280;
	[sflag:s12] =	ssyncset.done @p0 $0x0  }
0xab: {  	s14 =	simm.s32 @p0 $0x400;
	[sflag:s12] =	ssyncadd.s32 @p0 $0xFFFFFF80;
	s12 =	simm.s32 @p0 $0x80  }
0xac: {  	[spmem:s1] =	stream.indirect.scatter.add.f32 @p0 [tilespmem:s14], [sflag:$0xA], $0x80, s5, s12, $0xb8;
	[tilespmem:$0x18400] =	vst v63  }
0xad: {  	s5 =	sadd.s32 @!p0 s15, s17;
	s12 =	simm.s32 @!p0 $0x0  }
0xae: {  	[tilespmem:s12], [sflag:$0x1] =	stream.linear.gather @!p0 [hbm4b:s5+s12], $0x80, $0x38;
	[tilespmem:$0x18400] =	vst v63  }
0xaf: {  	s5 =	simm.s32 @!p0 $0xA  }
0xb0: {  	_ =	swait.ge @!p0 [sflag:s5], $0x4000  }
0xb1: {  	[sflag:s5] =	ssyncset.done @!p0 $0x0  }
0xb2: {  	[sflag:s5] =	ssyncadd.s32 @!p0 $0xFFFFC000;
	s5 =	simm.s32 @!p0 $0x6  }
0xb3: {  	_ =	swait.ge @!p0 [sflag:s5], $0x80  }
0xb4: {  	s21 =	simm.s32 @!p0 $0x400;
	[sflag:s5] =	ssyncset.done @!p0 $0x0  }
0xb5: {  	s14 =	simm.s32 @!p0 $0x280;
	[sflag:s5] =	ssyncadd.s32 @!p0 $0xFFFFFF80;
	s5 =	simm.s32 @!p0 $0x80  }
0xb6: {  	[spmem:s1] =	stream.indirect.scatter.add.f32 @!p0 [tilespmem:s21], [sflag:$0xA], $0x80, s14, s5, $0xb8;
	[tilespmem:$0x18400] =	vst v63  }
0xb7: {  	s14 =	sadd.s32 @!p0 s15, s13  }
0xb8: {  	s14 =	sadd.s32 @!p0 $0x90, s14  }
0xb9: {  	[tilespmem:s5], [sflag:$0x2] =	stream.linear.gather @!p0 [hbm4b:s14+s12], $0x80, $0x38;
	[tilespmem:$0x18400] =	vst v63  }
0xba: {  	_ =	swait.ge [sflag:s8], $0x4000  }
0xbb: {  	[sflag:s8] =	ssyncset.done $0x0  }
.Ltmp4:
0xbc: {  	[sflag:s8] =	ssyncadd.s32 $0xFFFFC000;
	(pc) =	sbr.rel @p0 .LBB2_8-.Ltmp4, $4  }
0xbd: {  	_ =	swait.ge [sflag:s9], $0x80  }
0xbe: {  	[sflag:s9] =	ssyncset.done $0x0  }
0xbf: {  	[sflag:s9] =	ssyncadd.s32 $0xFFFFFF80  }
0xc0: {  	[spmem:s1] =	stream.indirect.scatter.add.f32 [tilespmem:s20], [sflag:$0xB], $0x80, s31, s22, $0xb8;
	[tilespmem:$0x18400] =	vst v63  }
0xc1: {  	s5 =	sadd.s32 s15, s16  }
0xc2: {  	[tilespmem:s23], [sflag:$0x3] =	stream.linear.gather [hbm4b:s5+s3], $0x80, $0x38;
	[tilespmem:$0x18400] =	vst v63  }
0xc3: {  	_ =	swait.ge [sflag:s10], $0x4000  }
0xc4: {  	[sflag:s10] =	ssyncset.done $0x0  }
0xc5: {  	[sflag:s10] =	ssyncadd.s32 $0xFFFFC000  }
0xc6: {  	_ =	swait.ge [sflag:s11], $0x80  }
.Ltmp5:
0xc7: {  	[sflag:s11] =	ssyncset.done $0x0;
	(pc) =	sbr.rel .LBB2_6-.Ltmp5, $4  }
0xc8: {  	[sflag:s11] =	ssyncadd.s32 $0xFFFFFF80  }
0xc9: {  	[spmem:s1] =	stream.indirect.scatter.add.f32 [tilespmem:s20], [sflag:$0xC], $0x80, s2, s22, $0xb8;
	[tilespmem:$0x18400] =	vst v63  }
0xca: {  	s4 =	sadd.s32 $0xB0, s4;
	s15 =	sadd.s32 $0x80, s15  }
0xcb: {  	[tilespmem:s24], [sflag:$0x4] =	stream.linear.gather [hbm4b:s4+s3], $0x80, $0x38;
	[tilespmem:$0x18400] =	vst v63  }
.LBB2_9:
0xcc: {  	_ =	sfence.sel $0x180000  }
0xcd: {  	[bflag:$0x0] =	sbarrier.arrive $0xFFFF  }
0xce: {  	_ =	strace $0x90000047  }
0xcf: {  	s0 =	stileid.u32;
	[bflag:$0x2] =	sbarrier.arrive $0xFFFF  }
0xd0: {  	p0 =	sne.s32 s0, $0x0;
	s0 =	rddreg [dreg:$0x2]  }
0xd1: {  	s0 =	sadd.s32 @!p0 $0x100000, s0  }
0xd2: {  	[sflag:s0] =	ssyncadd.tile.s32 @!p0 $0x1;
	_ =	shalt  }
.Lfunc_end2:
_tile_overlayer_lowered:
.L_overlay_start_2:
0xd3: {  	(tag) =	ssettag $0x2  }
0xd4: {  	s0 =	rddreg [dreg:$0x0];
	s2 =	stileid.u32  }
0xd5: {  	s1 =	rddreg [dreg:$0x1];
	p0 =	sne.s32 s2, $0x0  }
0xd6: {  	s3 =	rddreg [dreg:$0x2];
	[bflag:$0x3] =	sbarrier.arrive $0xFFFF;
	s2 =	simm.s32 @!p0 $0x1C0D  }
0xd7: {  	[timem:s3], [sflag:s2] =	dma.local @!p0 [hbm:s0], s1  }
0xd8: {  	s0 =	simm.s32 @!p0 $0xD  }
0xd9: {  	_ =	swait.ge @!p0 [sflag:s0], s1  }
0xda: {  	s1 =	ssub.s32 @!p0 $0x0, s1;
	[sflag:s0] =	ssyncset.done @!p0 $0x0  }
0xdb: {  	[sflag:s0] =	ssyncadd.s32 @!p0 s1  }
0xdc: {  	[bflag:$0x3] =	sbarrier.arrive $0xFFFF  }
0xdd: {  	_ =	shalt  }

// kernel: kernel.13.cloned.1.call-start
scs
__scs_entry_jumppad:
0x0: {  	(pc) =	sbr.rel $0x88, $3  }
0x1: {  	(tag) =	ssettag $0x0;
	lr =	simm.s32 $0x1  }
0x2: {  	[smem:$0x3F8B] =	sst lr;
	_ =	strace $0xD0000000  }
0x3: {  	_ = 	snop  }
0x4: {  	_ = 	snop  }
0x5: {  	_ = 	snop  }
0x6: {  	_ = 	snop  }
0x7: {  	_ = 	snop  }
__scs_overlays_trampoline_lowered:
0x8: {  	[smem:$0x3F9A] =	sst s0  }
0x9: {  	[smem:$0x3F9B] =	sst s1  }
0xa: {  	[smem:$0x3F9C] =	sst s2  }
0xb: {  	[smem:$0x3F9D] =	sst s3  }
0xc: {  	[smem:$0x3F9E] =	sst s4  }
0xd: {  	[smem:$0x3F9F] =	sst s5  }
0xe: {  	[smem:$0x3FA0] =	sst s6  }
0xf: {  	[smem:$0x3FA1] =	sst s7  }
0x10: {  	[smem:$0x3FA2] =	sst s8  }
0x11: {  	[smem:$0x3FA3] =	sst s9;
	s0 =	simm.s32 @!p0 $0x0  }
0x12: {  	s1 =	sld [smem:$0x3F89];
	s0 =	simm.s32 @p0 $0x1  }
0x13: {  	[smem:$0x3FA4] =	sst s0;
	s0 =	simm.s32 @!p1 $0x0  }
0x14: {  	s2 =	sld [smem:$0x3F88];
	s0 =	simm.s32 @p1 $0x1  }
0x15: {  	[smem:$0x3FA5] =	sst s0;
	s0 =	simm.s32 @!p2 $0x0  }
0x16: {  	s3 =	sld [smem:$0x3FDB];
	s0 =	simm.s32 @p2 $0x1  }
0x17: {  	s4 =	simm.s32 $0x1BF5;
	[smem:$0x3FA7] =	sst s0  }
0x18: {  	s0 =	sld [smem:$0x3F8A];
	_ =	swait.ge [sflag:s4], $0x0  }
0x19: {  	s7 =	sld [smem:$0x3F8B]  }
0x1a: {  	s8 =	sadd.s32 $0xFFFFE003, lr  }
0x1b: {  	s9 =	sadd.s32 $0xFFFFFEF7, lr;
	s5 =	simm.s32 $0xFFFFFFFF;
	p2 =	slt.u32 s8, $0xFFFFF086  }
0x1c: {  	p1 =	slt.u32 s9, $0xF7A;
	s5 =	simm.s32 @!p2 $0x0  }
0x1d: {  	s5 =	simm.s32 @p1 $0x1;
	p0 =	seq.s32 s7, s2  }
0x1e: {  	s7 =	smul.u32 @!p0 $0xF7A, s2;
	p2 =	seq.s32 @!p0 s5, $0x0  }
0x1f: {  	s9 =	smul.u32 $0xF7A, s1;
	s8 =	simm.s32 @!p0 $0x1BF5;
	p2 =	por !p2, p0  }
0x20: {  	[sflag:s8] =	ssyncset.s32 @!p0 $0xFFFFF086;
	s6 =	sadd.s32 @!p0 s3, s7;
	s7 =	simm.s32 @!p0 $0x108  }
0x21: {  	s3 =	sadd.s32 s3, s9;
	s6 =	sadd.s32 @!p0 $0x88, s6;
	s7 =	simm.s32 @p2 $0x1082  }
0x22: {  	[simem:s7], [sflag:s8] =	dma.local @!p0 [hbm:s6], $0xF7A  }
0x23: {  	s9 =	sor.u32 $0xD0000000, s2;
	s6 =	simm.s32 $0x108;
	_ =	swait.ge @!p0 [sflag:s8], $0x0  }
0x24: {  	s3 =	sadd.s32 $0x88, s3;
	s6 =	simm.s32 @!p1 $0x1082;
	[sflag:s4] =	ssyncset.s32 $0xFFFFF086  }
0x25: {  	[simem:s6], [sflag:s4] =	dma.local [hbm:s3], $0xF7A  }
0x26: {  	[smem:$0x3F8B] =	sst s1;
	(tag) =	ssettag s2;
	_ =	strace s9  }
0x27: {  	s1 =	sld [smem:$0x3F9B]  }
0x28: {  	s2 =	sld [smem:$0x3F9C]  }
0x29: {  	s4 =	sld [smem:$0x3F9E]  }
0x2a: {  	p0 =	seq.s32 s5, $0x0;
	s5 =	sld [smem:$0x3F9F]  }
0x2b: {  	s6 =	sld [smem:$0x3FA0]  }
0x2c: {  	s7 =	sld [smem:$0x3FA1]  }
0x2d: {  	s3 =	simm.s32 $0x108;
	s8 =	sld [smem:$0x3FA2]  }
0x2e: {  	s3 =	simm.s32 @!p0 $0x1082;
	s9 =	sld [smem:$0x3FA3]  }
0x2f: {  	lr =	sadd.s32 s0, s3;
	s0 =	sld [smem:$0x3F9A]  }
0x30: {  	s3 =	sld [smem:$0x3F9D]  }
0x31: {  	[smem:$0x3FA6] =	sst s10  }
0x32: {  	s10 =	sld [smem:$0x3FA4];
	_ =	sdelay $0x3  }
0x33: {  	p0 =	seq.s32 s10, $0x1;
	s10 =	sld [smem:$0x3FA6];
	_ =	sdelay $0x3  }
0x34: {  	[smem:$0x3FA6] =	sst s10  }
0x35: {  	s10 =	sld [smem:$0x3FA5];
	_ =	sdelay $0x3  }
0x36: {  	p1 =	seq.s32 s10, $0x1;
	s10 =	sld [smem:$0x3FA6];
	_ =	sdelay $0x3  }
0x37: {  	[smem:$0x3FA6] =	sst s10  }
0x38: {  	s10 =	sld [smem:$0x3FA7]  }
0x39: {  	_ = 	snop;
	(pc) =	sbr.ind lr, $3  }
0x3a: {  	_ = 	snop  }
0x3b: {  	_ = 	snop  }
0x3c: {  	p2 =	seq.s32 s10, $0x1;
	s10 =	sld [smem:$0x3FA6]  }
0x3d: {  	_ =	shalt  }
0x3e: {  	_ =	shalt  }
0x3f: {  	_ =	shalt  }
0x40: {  	_ =	shalt  }
0x41: {  	_ =	shalt  }
0x42: {  	_ =	shalt  }
0x43: {  	_ =	shalt  }
0x44: {  	_ =	shalt  }
0x45: {  	_ =	shalt  }
0x46: {  	_ =	shalt  }
0x47: {  	_ =	shalt  }
0x48: {  	_ =	shalt  }
0x49: {  	_ =	shalt  }
0x4a: {  	_ =	shalt  }
0x4b: {  	_ =	shalt  }
0x4c: {  	_ =	shalt  }
0x4d: {  	_ =	shalt  }
0x4e: {  	_ =	shalt  }
0x4f: {  	_ =	shalt  }
0x50: {  	_ =	shalt  }
0x51: {  	_ =	shalt  }
0x52: {  	_ =	shalt  }
0x53: {  	_ =	shalt  }
0x54: {  	_ =	shalt  }
0x55: {  	_ =	shalt  }
0x56: {  	_ =	shalt  }
0x57: {  	_ =	shalt  }
0x58: {  	_ =	shalt  }
0x59: {  	_ =	shalt  }
0x5a: {  	_ =	shalt  }
0x5b: {  	_ =	shalt  }
0x5c: {  	_ =	shalt  }
0x5d: {  	_ =	shalt  }
0x5e: {  	_ =	shalt  }
0x5f: {  	_ =	shalt  }
0x60: {  	_ =	shalt  }
0x61: {  	_ =	shalt  }
0x62: {  	_ =	shalt  }
0x63: {  	_ =	shalt  }
0x64: {  	_ =	shalt  }
0x65: {  	_ =	shalt  }
0x66: {  	_ =	shalt  }
0x67: {  	_ =	shalt  }
0x68: {  	_ =	shalt  }
0x69: {  	_ =	shalt  }
0x6a: {  	_ =	shalt  }
0x6b: {  	_ =	shalt  }
0x6c: {  	_ =	shalt  }
0x6d: {  	_ =	shalt  }
0x6e: {  	_ =	shalt  }
0x6f: {  	_ =	shalt  }
0x70: {  	_ =	shalt  }
0x71: {  	_ =	shalt  }
0x72: {  	_ =	shalt  }
0x73: {  	_ =	shalt  }
0x74: {  	_ =	shalt  }
0x75: {  	_ =	shalt  }
0x76: {  	_ =	shalt  }
0x77: {  	_ =	shalt  }
0x78: {  	_ =	shalt  }
0x79: {  	_ =	shalt  }
0x7a: {  	_ =	shalt  }
0x7b: {  	_ =	shalt  }
0x7c: {  	_ =	shalt  }
0x7d: {  	_ =	shalt  }
0x7e: {  	_ =	shalt  }
0x7f: {  	_ =	shalt  }
0x80: {  	_ =	shalt  }
0x81: {  	_ =	shalt  }
0x82: {  	_ =	shalt  }
0x83: {  	_ =	shalt  }
0x84: {  	_ =	shalt  }
0x85: {  	_ =	shalt  }
0x86: {  	_ =	shalt  }
0x87: {  	_ =	shalt  }
.Lfunc_end0:
.L_simem_size_0:
called_computation.1_lowered:
.L_overlay_start_0:
0x88: {  	s2 =	sld [smem:$0x3FD9]  }
0x89: {  	s3 =	sld [smem:$0x3FFE];
	_ =	sdelay $0x1  }
0x8a: {  	s1 =	srdreg.scid  }
0x8b: {  	s0 =	sand.u32 $0x1, s1  }
0x8c: {  	s16 =	sshll.u32 s0, $0xA;
	s2 =	sadd.s32 s3, s2  }
0x8d: {  	s2 =	sadd.s32 s2, s16  }
0x8e: {  	[smem:$0x3FB2] =	sst s2  }
0x8f: {  	_ = 	snop  }
0x90: {  	(tm) =	ssettm $0x1  }
0x91: {  	s17 =	sld [smem:$0x3FFB];
	_ =	sdelay $0x3  }
0x92: {  	_ =	strace s17  }
0x93: {  	s2 =	sld [smem:$0x3FFC];
	_ =	sdelay $0x3  }
0x94: {  	_ =	strace s2  }
0x95: {  	s2 =	sld [smem:$0x3FFD];
	_ =	sdelay $0x3  }
0x96: {  	_ =	strace s2  }
0x97: {  	_ =	strace $0x8FFFFFFF  }
0x98: {  	s18 =	sld [smem:$0x3FDB];
	_ =	sdelay $0x1  }
0x99: {  	s19 =	simm.s32 $_scs_section_size  }
0x9a: {  	s4 =	simm.s32 $_size__tile_overlayer_lowered;
	s5 =	simm.s32 $_tile_overlayer_lowered  }
0x9b: {  	s22 =	simm.s32 $0x1BFF;
	s21 =	sshll.u32 s5, $0x1;
	s2 =	sadd.s32 s19, s18  }
0x9c: {  	s6 =	simm.s32 $0x0;
	s20 =	sshll.u32 s4, $0x1;
	s4 =	sadd.s32 s21, s2  }
0x9d: {  	[timem:s6], [sflag:s22] =	dma.local [hbm:s4], s20  }
0x9e: {  	_ =	swait.ge [sflag:s22], s20  }
0x9f: {  	s3 =	ssub.s32 $0x0, s20;
	[sflag:s22] =	ssyncset.done $0x0  }
0xa0: {  	[sflag:s22] =	ssyncadd.s32 s3;
	_ =	sdelay $0x1  }
0xa1: {  	s23 =	simm.s32 $0x1B8B  }
0xa2: {  	_ =	swait.ge [sflag:s23], $0x1  }
0xa3: {  	[sflag:s23] =	ssyncset.done $0x0  }
0xa4: {  	s25 =	simm.s32 $0x1B8E;
	s24 =	sld [smem:$0x3FFE];
	[sflag:s23] =	ssyncadd.s32 $0xFFFFFFFF  }
0xa5: {  	s26 =	simm.s32 $execute0_lowered;
	[smem:$0x3FD2] =	sst s25  }
0xa6: {  	s4 =	sshll.u32 s26, $0x1;
	_ =	strace $0x80000049;
	[dreg:$0x1] =	wrdreg $0xFFFFFFFF  }
0xa7: {  	s28 =	simm.s32 $_size_execute0_lowered;
	s2 =	sadd.s32 s2, s4;
	[dreg:$0x0] =	wrdreg $0x0  }
0xa8: {  	s4 =	sshll.u32 s28, $0x1;
	[dreg:$0x2] =	wrdreg s2  }
0xa9: {  	[dreg:$0x3] =	wrdreg s4  }
0xaa: {  	[dreg:$0x4] =	wrdreg $0xC0  }
0xab: {  	_ =	task [dreg:s6], $0x5FFFF  }
0xac: {  	[dreg:$0x1] =	wrdreg $0xFFFFFFFF  }
0xad: {  	[dreg:$0x0] =	wrdreg $0x60  }
0xae: {  	[dreg:$0x2] =	wrdreg s24  }
0xaf: {  	[dreg:$0x3] =	wrdreg $0x4000  }
0xb0: {  	[dreg:$0x4] =	wrdreg $0x9  }
0xb1: {  	_ =	task.clear_ibuf [dreg:s6], $0x5FFFF;
	_ =	strace $0x90000049  }
0xb2: {  	s29 =	simm.s32 $0x9;
	_ =	strace $0x8000004B  }
0xb3: {  	_ =	swait.ge [sflag:s29], $0x1  }
0xb4: {  	[sflag:s29] =	ssyncadd.s32 $0xFFFFFFFF  }
0xb5: {  	_ =	strace $0x9000004B  }
0xb6: {  	_ =	sfence  }
0xb7: {  	s30 =	sld [smem:$0x0];
	_ =	sdelay $0x2  }
0xb8: {  	s31 =	sshll.u32 s1, $0xD;
	s1 =	sshrl.u32 s1, $0x2  }
0xb9: {  	s3 =	sand.u32 $0x4000, s31;
	s1 =	sadd.s32 s1, s30  }
0xba: {  	s0 =	sor.u32 s3, s0;
	s1 =	sshll.u32 s1, $0x11  }
0xbb: {  	s0 =	sor.u32 s1, s0  }
0xbc: {  	s0 =	sadd.s32 $0x8F2B, s0  }
0xbd: {  	[sflag:s0] =	ssyncadd.remote.s32 $0x1  }
0xbe: {  	_ =	sfence.sel $0xFFFF  }
0xbf: {  	[dreg:$0x0] =	wrdreg $0xFFFFFFFF;
	(pc) =	sbr.abs _section_cstart, $3  }
0xc0: {  	[dreg:$0x1] =	wrdreg $0xFFFFFFFF  }
0xc1: {  	_ =	task.clear_ibuf [dreg:s6], $0x2FFFF;
	_ =	strace $0x9FFFFFFF  }
0xc2: {  	(tm) =	ssettm $0x7FFFFFFF  }
0xc3: {  	_ =	shalt  }
tec
execute0_lowered:
.L_overlay_start_1:
0x0: {  	(tag) =	ssettag $0x1  }
0x1: {  	s0 =	rddreg [dreg:$0x0]  }
0x2: {  	s1 =	rddreg [dreg:$0x1]  }
0x3: {  	s3 =	simm.s32 $0x0;
	s2 =	srdreg.scid;
	s12 =	stileid.u32  }
0x4: {  	s28 =	simm.s32 $0x300;
	s29 =	simm.s32 $0x1;
	s30 =	simm.s32 $0x2  }
0x5: {  	s31 =	simm.s32 $0x18400;
	s13 =	simm.s32 $0x4;
	s8 =	smul.u32 $0x14000, s12  }
0x6: {  	s14 =	simm.s32 $0x0;
	[smem:$0x7FF] =	sst s3;
	s9 =	smul.u32 $0x50000, s12  }
0x7: {  	s2 =	sand.u32 $0x1, s2;
	s4 =	sadd.s32 $0x18C00, s0;
	s22 =	smul.u32 $0x500, s12  }
0x8: {  	s5 =	sadd.s32 $0xEC00, s0;
	s6 =	sadd.s32 $0x4C00, s0;
	s7 =	smul.u32 $0x140000, s2  }
0x9: {  	_ =	strace $0x8000004A;
	s15 =	sshll.u32 s2, $0x4;
	s10 =	ssub.s32 $0x2, s2  }
0xa: {  	s2 =	smul.u32 $0x5000, s2;
	s11 =	sshrl.u32 s10, $0x1;
	s9 =	sshrl.u32 s9, $0x2  }
0xb: {  	s7 =	sadd.s32 s8, s7;
	s8 =	sor.u32 s12, s15;
	s10 =	ssub.s32 s10, s11  }
0xc: {  	s11 =	simm.s32 $0x6;
	s12 =	simm.s32 $0x8;
	s8 =	smul.u32 $0x500, s8  }
0xd: {  	s7 =	sshrl.u32 s7, $0x3;
	s21 =	smax.u32 s10, $0x1;
	s10 =	simm.s32 $0x3  }
0xe: {  	s0 =	sadd.s32 s7, s0;
	[dreg:$0xa] =	wrdreg s21;
	s16 =	sadd.s32 s5, s8  }
0xf: {  	s7 =	sadd.s32 s9, s1;
	s17 =	sadd.s32 s6, s8;
	[dreg:$0x3] =	wrdreg s16  }
0x10: {  	s21 =	simm.s32 $0x14400;
	s0 =	sadd.s32 $0x3FE00, s0;
	[dreg:$0x4] =	wrdreg s17  }
0x11: {  	s18 =	sor.u32 $0x10, s8;
	s23 =	sadd.s32 $0x4000, s7;
	[dreg:$0x9] =	wrdreg s0  }
0x12: {  	s8 =	sor.u32 $0x20, s8;
	s24 =	sadd.s32 $0x8000, s7;
	[dreg:$0xb] =	wrdreg s23  }
0x13: {  	s25 =	sadd.s32 $0xC000, s7;
	s26 =	sadd.s32 $0x10000, s7;
	[dreg:$0xc] =	wrdreg s24  }
0x14: {  	s19 =	sadd.s32 s5, s18;
	s9 =	sadd.s32 s6, s18;
	[dreg:$0xd] =	wrdreg s25  }
0x15: {  	s20 =	sadd.s32 s5, s8;
	s8 =	sadd.s32 s6, s8;
	[dreg:$0xe] =	wrdreg s26  }
.Ltmp0:
0x16: {  	s23 =	simm.s32 $0x200;
	[dreg:$0x5] =	wrdreg s19;
	(pc) =	sbr.rel .LBB2_1-.Ltmp0, $4  }
0x17: {  	s24 =	simm.s32 $0x80;
	s25 =	simm.s32 $0x280;
	[dreg:$0x6] =	wrdreg s9  }
0x18: {  	s26 =	simm.s32 $0x100;
	s0 =	simm.s32 $0x5;
	[dreg:$0x7] =	wrdreg s20  }
0x19: {  	[dreg:$0x8] =	wrdreg s8;
	s20 =	sadd.s32 s22, s2;
	s22 =	simm.s32 $0x9  }
0x1a: {  	v0 =	vimm.f32 $0.0e+00;
	s2 =	simm.s32 $0x180;
	s8 =	simm.s32 $0x380;
	s9 =	simm.s32 $0x7  }
.LBB2_6:
0x1b: {  	_ =	swait.ge [sflag:s12], $0x4000  }
0x1c: {  	[sflag:s12] =	ssyncset.done $0x0  }
0x1d: {  	s15 =	stileid.u32;
	[sflag:s12] =	ssyncadd.s32 $0xFFFFC000  }
0x1e: {  	s15 =	sshll.u32 s15, $0x6;
	[bflag:$0x0] =	sbarrier.arrive $0xFFFF  }
0x1f: {  	s16 =	sshrl.u32 s7, $0x3;
	s15 =	sor.u32 $0x1C09, s15;
	s17 =	rddreg [dreg:$0x9]  }
0x20: {  	[hbm:s17], [sflag:s15] =	dma.local [spmem:s16], $0x2800  }
0x21: {  	_ =	swait.ge [sflag:s22], $0x2800  }
0x22: {  	s14 =	sadd.s32 $0x1, s14;
	s19 =	rddreg [dreg:$0xa]  }
0x23: {  	p0 =	sne.s32 s14, s19  }
.Ltmp1:
0x24: {  	_ = 	snop;
	(pc) =	sbr.rel @!p0 .LBB2_7-.Ltmp1, $3  }
0x25: {  	_ =	sdelay $0x1  }
0x26: {  	[sflag:s22] =	ssyncset.done $0x0  }
0x27: {  	[sflag:s22] =	ssyncadd.s32 $0xFFFFD800  }
.LBB2_1:
0x28: {  	s15 =	simm.s32 $0x0;
	s16 =	simm.s32 $0x200  }
.LBB2_2:
0x29: {  	p0 =	sne.s32 s16, $0xFE00;
	[tilespmem:s15+$0x14470] =	vst v0  }
0x2a: {  	[tilespmem:s15+$0x14400] =	vst v0  }
0x2b: {  	[tilespmem:s15+$0x14410] =	vst v0  }
.Ltmp2:
0x2c: {  	[tilespmem:s15+$0x14420] =	vst v0;
	(pc) =	sbr.rel @p0 .LBB2_2-.Ltmp2, $4  }
0x2d: {  	[tilespmem:s15+$0x14430] =	vst v0  }
0x2e: {  	[tilespmem:s15+$0x14440] =	vst v0  }
0x2f: {  	[tilespmem:s15+$0x14450] =	vst v0  }
0x30: {  	[tilespmem:s15+$0x14460] =	vst v0;
	s15 =	sshra.s32 s16, $0x2;
	s16 =	sadd.s32 $0x200, s16  }
0x31: {  	[tilespmem:s15+$0x14470] =	vst v0  }
0x32: {  	[tilespmem:s15+$0x14400] =	vst v0  }
0x33: {  	[tilespmem:s15+$0x14410] =	vst v0  }
0x34: {  	[tilespmem:s15+$0x14420] =	vst v0  }
0x35: {  	[tilespmem:s15+$0x14430] =	vst v0  }
0x36: {  	[tilespmem:s15+$0x14440] =	vst v0  }
0x37: {  	[tilespmem:s15+$0x14450] =	vst v0  }
0x38: {  	[tilespmem:s15+$0x14460] =	vst v0  }
0x39: {  	[spmem:s7] =	stream.linear.scatter [tilespmem:s21], [sflag:$0x9], $0x4000, $0x38;
	[tilespmem:$0x1C400] =	vst v63  }
0x3a: {  	_ =	swait.ge [sflag:s22], $0x4000  }
0x3b: {  	[sflag:s22] =	ssyncset.done $0x0  }
0x3c: {  	s18 =	rddreg [dreg:$0xb];
	[sflag:s22] =	ssyncadd.s32 $0xFFFFC000  }
0x3d: {  	[spmem:s18] =	stream.linear.scatter [tilespmem:s21], [sflag:$0x9], $0x4000, $0x38;
	[tilespmem:$0x1C400] =	vst v63  }
0x3e: {  	_ =	swait.ge [sflag:s22], $0x4000  }
0x3f: {  	[sflag:s22] =	ssyncset.done $0x0  }
0x40: {  	s19 =	rddreg [dreg:$0xc];
	[sflag:s22] =	ssyncadd.s32 $0xFFFFC000  }
0x41: {  	[spmem:s19] =	stream.linear.scatter [tilespmem:s21], [sflag:$0x9], $0x4000, $0x38;
	[tilespmem:$0x1C400] =	vst v63  }
0x42: {  	_ =	swait.ge [sflag:s22], $0x4000  }
0x43: {  	[sflag:s22] =	ssyncset.done $0x0  }
0x44: {  	s16 =	rddreg [dreg:$0xd];
	[sflag:s22] =	ssyncadd.s32 $0xFFFFC000  }
0x45: {  	[spmem:s16] =	stream.linear.scatter [tilespmem:s21], [sflag:$0x9], $0x4000, $0x38;
	[tilespmem:$0x1C400] =	vst v63  }
0x46: {  	_ =	swait.ge [sflag:s22], $0x4000  }
0x47: {  	[sflag:s22] =	ssyncset.done $0x0  }
0x48: {  	s17 =	rddreg [dreg:$0xe];
	[sflag:s22] =	ssyncadd.s32 $0xFFFFC000  }
0x49: {  	[spmem:s17] =	stream.linear.scatter [tilespmem:s21], [sflag:$0x9], $0x4000, $0x38;
	[tilespmem:$0x1C400] =	vst v63  }
0x4a: {  	_ =	swait.ge [sflag:s22], $0x4000  }
0x4b: {  	[sflag:s22] =	ssyncset.done $0x0  }
0x4c: {  	s15 =	simm.s32 $0x0;
	s16 =	rddreg [dreg:$0x3];
	[sflag:s22] =	ssyncadd.s32 $0xFFFFC000  }
0x4d: {  	[tilespmem:s15], [sflag:$0x1] =	stream.linear.gather [hbm4b:s16+s15], $0x80, $0x38;
	[tilespmem:$0x1C400] =	vst v63  }
0x4e: {  	s18 =	rddreg [dreg:$0x4]  }
0x4f: {  	[tilespmem:s23], [sflag:$0x1] =	stream.linear.gather [hbm4b:s18+s15], $0x80, $0x38;
	[tilespmem:$0x1C400] =	vst v63  }
0x50: {  	s19 =	rddreg [dreg:$0x5]  }
0x51: {  	[tilespmem:s24], [sflag:$0x2] =	stream.linear.gather [hbm4b:s19+s15], $0x80, $0x38;
	[tilespmem:$0x1C400] =	vst v63  }
0x52: {  	s17 =	rddreg [dreg:$0x6]  }
0x53: {  	[tilespmem:s25], [sflag:$0x2] =	stream.linear.gather [hbm4b:s17+s15], $0x80, $0x38;
	[tilespmem:$0x1C400] =	vst v63  }
0x54: {  	s18 =	rddreg [dreg:$0x7]  }
0x55: {  	[tilespmem:s26], [sflag:$0x3] =	stream.linear.gather [hbm4b:s18+s15], $0x80, $0x38;
	[tilespmem:$0x1C400] =	vst v63  }
0x56: {  	s19 =	rddreg [dreg:$0x8]  }
0x57: {  	[tilespmem:s28], [sflag:$0x3] =	stream.linear.gather [hbm4b:s19+s15], $0x80, $0x38;
	[tilespmem:$0x1C400] =	vst v63  }
0x58: {  	_ =	swait.ge [sflag:s29], $0x80  }
0x59: {  	[sflag:s29] =	ssyncset.done $0x0  }
0x5a: {  	[sflag:s29] =	ssyncadd.s32 $0xFFFFFF80  }
0x5b: {  	_ =	swait.ge [sflag:s29], $0x80  }
0x5c: {  	[sflag:s29] =	ssyncset.done $0x0  }
0x5d: {  	[sflag:s29] =	ssyncadd.s32 $0xFFFFFF80  }
0x5e: {  	[tilespmem:s21], [sflag:$0x5] =	stream.indirect.gather [hbm4b:s4+s24], $0x80, s15, s24, $0xb8;
	[tilespmem:$0x1C400] =	vst v63  }
0x5f: {  	[bflag:$0x0] =	sbarrier.arrive $0xFFFF  }
.LBB2_4:
0x60: {  	p0 =	seq.s32 s15, $0x0  }
0x61: {  	s16 =	simm.s32 @!p0 $0x8  }
0x62: {  	_ =	swait.ge @!p0 [sflag:s16], $0x4000  }
0x63: {  	[sflag:s16] =	ssyncset.done @!p0 $0x0  }
0x64: {  	[sflag:s16] =	ssyncadd.s32 @!p0 $0xFFFFC000  }
0x65: {  	_ =	swait.ge [sflag:s30], $0x80  }
0x66: {  	[sflag:s30] =	ssyncset.done $0x0  }
0x67: {  	[sflag:s30] =	ssyncadd.s32 $0xFFFFFF80  }
0x68: {  	_ =	swait.ge [sflag:s30], $0x80  }
0x69: {  	[sflag:s30] =	ssyncset.done $0x0  }
0x6a: {  	s18 =	sadd.s32 s15, s20;
	[sflag:s30] =	ssyncadd.s32 $0xFFFFFF80  }
0x6b: {  	[tilespmem:s31], [sflag:$0x6] =	stream.indirect.gather [hbm4b:s4+s24], $0x80, s24, s24, $0xb8;
	[tilespmem:$0x1C400] =	vst v63  }
0x6c: {  	s17 =	sand.u32 $0x40, s15;
	s16 =	sand.u32 $0xFFFFF80, s18;
	_ =	swait.ge [sflag:s0], $0x4000  }
0x6d: {  	s16 =	sor.u32 s16, s17;
	[sflag:s0] =	ssyncset.done $0x0  }
0x6e: {  	s16 =	sor.u32 $0x30, s16;
	[sflag:s0] =	ssyncadd.s32 $0xFFFFC000  }
0x6f: {  	[spmem:s1] =	stream.indirect.scatter.add.f32 [tilespmem:s21], [sflag:$0x7], $0x80, s23, s24, $0xb8;
	[tilespmem:$0x1C400] =	vst v63  }
0x70: {  	s19 =	sadd.s32 s5, s16  }
0x71: {  	[tilespmem:s2], [sflag:$0x4] =	stream.linear.gather [hbm4b:s19+s3], $0x80, $0x38;
	[tilespmem:$0x1C400] =	vst v63  }
0x72: {  	s16 =	sadd.s32 s6, s16  }
0x73: {  	[tilespmem:s8], [sflag:$0x4] =	stream.linear.gather [hbm4b:s16+s3], $0x80, $0x38;
	[tilespmem:$0x1C400] =	vst v63  }
0x74: {  	_ =	swait.ge [sflag:s9], $0x4000  }
0x75: {  	[sflag:s9] =	ssyncset.done $0x0  }
0x76: {  	[sflag:s9] =	ssyncadd.s32 $0xFFFFC000  }
0x77: {  	_ =	swait.ge [sflag:s10], $0x80  }
0x78: {  	[sflag:s10] =	ssyncset.done $0x0  }
0x79: {  	[sflag:s10] =	ssyncadd.s32 $0xFFFFFF80  }
0x7a: {  	_ =	swait.ge [sflag:s10], $0x80  }
0x7b: {  	p0 =	seq.s32 s15, $0x4C0;
	[sflag:s10] =	ssyncset.done $0x0  }
0x7c: {  	s16 =	sadd.s32 @!p0 s15, s20;
	[sflag:s10] =	ssyncadd.s32 $0xFFFFFF80  }
0x7d: {  	[tilespmem:s21], [sflag:$0x5] =	stream.indirect.gather [hbm4b:s4+s24], $0x80, s26, s24, $0xb8;
	[tilespmem:$0x1C400] =	vst v63  }
0x7e: {  	s17 =	sxor.u32 @!p0 $0xFFFFFFFF, s15;
	s16 =	sadd.s32 @!p0 $0x40, s16;
	_ =	swait.ge [sflag:s11], $0x4000  }
0x7f: {  	s17 =	sand.u32 @!p0 $0x40, s17;
	s16 =	sand.u32 @!p0 $0xFFFFF80, s16;
	[sflag:s11] =	ssyncset.done $0x0  }
0x80: {  	s16 =	sor.u32 @!p0 s17, s16;
	[sflag:s11] =	ssyncadd.s32 $0xFFFFC000  }
0x81: {  	[spmem:s1] =	stream.indirect.scatter.add.f32 [tilespmem:s31], [sflag:$0x8], $0x80, s25, s24, $0xb8;
	[tilespmem:$0x1C400] =	vst v63  }
0x82: {  	s18 =	simm.s32 @!p0 $0x0;
	s17 =	sadd.s32 @!p0 s5, s16  }
0x83: {  	[tilespmem:s18], [sflag:$0x1] =	stream.linear.gather @!p0 [hbm4b:s17+s18], $0x80, $0x38;
	[tilespmem:$0x1C400] =	vst v63  }
0x84: {  	s16 =	sadd.s32 @!p0 s6, s16;
	s17 =	simm.s32 @!p0 $0x200  }
0x85: {  	[tilespmem:s17], [sflag:$0x1] =	stream.linear.gather @!p0 [hbm4b:s16+s18], $0x80, $0x38;
	[tilespmem:$0x1C400] =	vst v63  }
0x86: {  	_ =	swait.ge [sflag:s12], $0x4000  }
0x87: {  	[sflag:s12] =	ssyncset.done $0x0  }
0x88: {  	[sflag:s12] =	ssyncadd.s32 $0xFFFFC000  }
0x89: {  	_ =	swait.ge [sflag:s13], $0x80  }
0x8a: {  	[sflag:s13] =	ssyncset.done $0x0  }
0x8b: {  	[sflag:s13] =	ssyncadd.s32 $0xFFFFFF80  }
0x8c: {  	_ =	swait.ge [sflag:s13], $0x80  }
0x8d: {  	p1 =	sne.s32 s15, $0x4C0;
	[sflag:s13] =	ssyncset.done $0x0  }
0x8e: {  	s16 =	sadd.s32 @p1 $0x50, s15;
	[sflag:s13] =	ssyncadd.s32 $0xFFFFFF80  }
0x8f: {  	[tilespmem:s31], [sflag:$0x6] =	stream.indirect.gather [hbm4b:s4+s24], $0x80, s2, s24, $0xb8;
	[tilespmem:$0x1C400] =	vst v63  }
0x90: {  	s17 =	sadd.s32 @p1 s20, s16;
	_ =	swait.ge [sflag:s0], $0x4000  }
0x91: {  	s16 =	sand.u32 @p1 $0x50, s16;
	s17 =	sand.u32 @p1 $0xFFFFF80, s17;
	[sflag:s0] =	ssyncset.done $0x0  }
0x92: {  	s16 =	sor.u32 @p1 s16, s17;
	[sflag:s0] =	ssyncadd.s32 $0xFFFFC000  }
0x93: {  	[spmem:s1] =	stream.indirect.scatter.add.f32 [tilespmem:s21], [sflag:$0x7], $0x80, s28, s24, $0xb8;
	[tilespmem:$0x1C400] =	vst v63  }
0x94: {  	s19 =	simm.s32 @p1 $0x80;
	s18 =	simm.s32 @p1 $0x0;
	s17 =	sadd.s32 @p1 s5, s16  }
0x95: {  	[tilespmem:s19], [sflag:$0x2] =	stream.linear.gather @p1 [hbm4b:s17+s18], $0x80, $0x38;
	[tilespmem:$0x1C400] =	vst v63  }
0x96: {  	s16 =	sadd.s32 @p1 s6, s16;
	s17 =	simm.s32 @p1 $0x280  }
0x97: {  	[tilespmem:s17], [sflag:$0x2] =	stream.linear.gather @p1 [hbm4b:s16+s18], $0x80, $0x38;
	[tilespmem:$0x1C400] =	vst v63  }
0x98: {  	s16 =	simm.s32 @p1 $0x7  }
0x99: {  	_ =	swait.ge @p1 [sflag:s16], $0x4000  }
0x9a: {  	[sflag:s16] =	ssyncset.done @p1 $0x0  }
0x9b: {  	[sflag:s16] =	ssyncadd.s32 @p1 $0xFFFFC000;
	s16 =	simm.s32 @p1 $0x1  }
0x9c: {  	_ =	swait.ge @p1 [sflag:s16], $0x80  }
0x9d: {  	[sflag:s16] =	ssyncset.done @p1 $0x0  }
0x9e: {  	[sflag:s16] =	ssyncadd.s32 @p1 $0xFFFFFF80  }
0x9f: {  	_ =	swait.ge @p1 [sflag:s16], $0x80  }
0xa0: {  	[sflag:s16] =	ssyncset.done @p1 $0x0  }
0xa1: {  	[sflag:s16] =	ssyncadd.s32 @p1 $0xFFFFFF80;
	s16 =	simm.s32 @p1 $0x14400  }
0xa2: {  	[tilespmem:s16], [sflag:$0x5] =	stream.indirect.gather @p1 [hbm4b:s4+s19], $0x80, s18, s19, $0xb8;
	[tilespmem:$0x1C400] =	vst v63  }
0xa3: {  	s16 =	simm.s32 @!p1 $0x7  }
0xa4: {  	_ =	swait.ge @!p1 [sflag:s16], $0x4000  }
0xa5: {  	[sflag:s16] =	ssyncset.done @!p1 $0x0  }
.Ltmp3:
0xa6: {  	[sflag:s16] =	ssyncadd.s32 @!p1 $0xFFFFC000;
	(pc) =	sbr.rel @p0 .LBB2_6-.Ltmp3, $4  }
0xa7: {  	_ =	swait.ge [sflag:s11], $0x4000  }
0xa8: {  	[sflag:s11] =	ssyncset.done $0x0  }
0xa9: {  	[sflag:s11] =	ssyncadd.s32 $0xFFFFC000  }
0xaa: {  	[spmem:s1] =	stream.indirect.scatter.add.f32 [tilespmem:s31], [sflag:$0x8], $0x80, s8, s24, $0xb8;
	[tilespmem:$0x1C400] =	vst v63  }
0xab: {  	s16 =	sadd.s32 $0x60, s15  }
0xac: {  	s17 =	sadd.s32 s20, s16  }
0xad: {  	s16 =	sand.u32 $0x60, s16;
	s17 =	sand.u32 $0xFFFFF80, s17  }
.Ltmp4:
0xae: {  	s16 =	sor.u32 s16, s17;
	(pc) =	sbr.rel .LBB2_4-.Ltmp4, $4  }
0xaf: {  	s17 =	sadd.s32 s5, s16  }
0xb0: {  	[tilespmem:s26], [sflag:$0x3] =	stream.linear.gather [hbm4b:s17+s3], $0x80, $0x38;
	[tilespmem:$0x1C400] =	vst v63  }
0xb1: {  	s15 =	sadd.s32 $0x40, s15;
	s16 =	sadd.s32 s6, s16  }
0xb2: {  	[tilespmem:s28], [sflag:$0x3] =	stream.linear.gather [hbm4b:s16+s3], $0x80, $0x38;
	[tilespmem:$0x1C400] =	vst v63  }
.LBB2_7:
0xb3: {  	_ =	sfence.sel $0x180000  }
0xb4: {  	[bflag:$0x0] =	sbarrier.arrive $0xFFFF  }
0xb5: {  	_ =	strace $0x9000004A  }
0xb6: {  	s0 =	stileid.u32;
	[bflag:$0x2] =	sbarrier.arrive $0xFFFF  }
0xb7: {  	p0 =	sne.s32 s0, $0x0;
	s0 =	rddreg [dreg:$0x2]  }
0xb8: {  	s0 =	sadd.s32 @!p0 $0x100000, s0  }
0xb9: {  	[sflag:s0] =	ssyncadd.tile.s32 @!p0 $0x1;
	_ =	shalt  }
.Lfunc_end2:
_tile_overlayer_lowered:
.L_overlay_start_2:
0xba: {  	(tag) =	ssettag $0x2  }
0xbb: {  	s0 =	rddreg [dreg:$0x0];
	s2 =	stileid.u32  }
0xbc: {  	s1 =	rddreg [dreg:$0x1];
	p0 =	sne.s32 s2, $0x0  }
0xbd: {  	s3 =	rddreg [dreg:$0x2];
	[bflag:$0x3] =	sbarrier.arrive $0xFFFF;
	s2 =	simm.s32 @!p0 $0x1C09  }
0xbe: {  	[timem:s3], [sflag:s2] =	dma.local @!p0 [hbm:s0], s1  }
0xbf: {  	s0 =	simm.s32 @!p0 $0x9  }
0xc0: {  	_ =	swait.ge @!p0 [sflag:s0], s1  }
0xc1: {  	s1 =	ssub.s32 @!p0 $0x0, s1;
	[sflag:s0] =	ssyncset.done @!p0 $0x0  }
0xc2: {  	[sflag:s0] =	ssyncadd.s32 @!p0 s1  }
0xc3: {  	[bflag:$0x3] =	sbarrier.arrive $0xFFFF  }
0xc4: {  	_ =	shalt  }

// kernel: kernel.16.cloned.1.call-start
scs
__scs_entry_jumppad:
0x0: {  	(pc) =	sbr.rel $0x88, $3  }
0x1: {  	(tag) =	ssettag $0x0;
	lr =	simm.s32 $0x1  }
0x2: {  	[smem:$0x3F8B] =	sst lr;
	_ =	strace $0xD0000000  }
0x3: {  	_ = 	snop  }
0x4: {  	_ = 	snop  }
0x5: {  	_ = 	snop  }
0x6: {  	_ = 	snop  }
0x7: {  	_ = 	snop  }
__scs_overlays_trampoline_lowered:
0x8: {  	[smem:$0x3F9A] =	sst s0  }
0x9: {  	[smem:$0x3F9B] =	sst s1  }
0xa: {  	[smem:$0x3F9C] =	sst s2  }
0xb: {  	[smem:$0x3F9D] =	sst s3  }
0xc: {  	[smem:$0x3F9E] =	sst s4  }
0xd: {  	[smem:$0x3F9F] =	sst s5  }
0xe: {  	[smem:$0x3FA0] =	sst s6  }
0xf: {  	[smem:$0x3FA1] =	sst s7  }
0x10: {  	[smem:$0x3FA2] =	sst s8  }
0x11: {  	[smem:$0x3FA3] =	sst s9;
	s0 =	simm.s32 @!p0 $0x0  }
0x12: {  	s1 =	sld [smem:$0x3F89];
	s0 =	simm.s32 @p0 $0x1  }
0x13: {  	[smem:$0x3FA4] =	sst s0;
	s0 =	simm.s32 @!p1 $0x0  }
0x14: {  	s2 =	sld [smem:$0x3F88];
	s0 =	simm.s32 @p1 $0x1  }
0x15: {  	[smem:$0x3FA5] =	sst s0;
	s0 =	simm.s32 @!p2 $0x0  }
0x16: {  	s3 =	sld [smem:$0x3FDB];
	s0 =	simm.s32 @p2 $0x1  }
0x17: {  	s4 =	simm.s32 $0x1BF5;
	[smem:$0x3FA7] =	sst s0  }
0x18: {  	s0 =	sld [smem:$0x3F8A];
	_ =	swait.ge [sflag:s4], $0x0  }
0x19: {  	s7 =	sld [smem:$0x3F8B]  }
0x1a: {  	s8 =	sadd.s32 $0xFFFFE003, lr  }
0x1b: {  	s9 =	sadd.s32 $0xFFFFFEF7, lr;
	s5 =	simm.s32 $0xFFFFFFFF;
	p2 =	slt.u32 s8, $0xFFFFF086  }
0x1c: {  	p1 =	slt.u32 s9, $0xF7A;
	s5 =	simm.s32 @!p2 $0x0  }
0x1d: {  	s5 =	simm.s32 @p1 $0x1;
	p0 =	seq.s32 s7, s2  }
0x1e: {  	s7 =	smul.u32 @!p0 $0xF7A, s2;
	p2 =	seq.s32 @!p0 s5, $0x0  }
0x1f: {  	s9 =	smul.u32 $0xF7A, s1;
	s8 =	simm.s32 @!p0 $0x1BF5;
	p2 =	por !p2, p0  }
0x20: {  	[sflag:s8] =	ssyncset.s32 @!p0 $0xFFFFF086;
	s6 =	sadd.s32 @!p0 s3, s7;
	s7 =	simm.s32 @!p0 $0x108  }
0x21: {  	s3 =	sadd.s32 s3, s9;
	s6 =	sadd.s32 @!p0 $0x88, s6;
	s7 =	simm.s32 @p2 $0x1082  }
0x22: {  	[simem:s7], [sflag:s8] =	dma.local @!p0 [hbm:s6], $0xF7A  }
0x23: {  	s9 =	sor.u32 $0xD0000000, s2;
	s6 =	simm.s32 $0x108;
	_ =	swait.ge @!p0 [sflag:s8], $0x0  }
0x24: {  	s3 =	sadd.s32 $0x88, s3;
	s6 =	simm.s32 @!p1 $0x1082;
	[sflag:s4] =	ssyncset.s32 $0xFFFFF086  }
0x25: {  	[simem:s6], [sflag:s4] =	dma.local [hbm:s3], $0xF7A  }
0x26: {  	[smem:$0x3F8B] =	sst s1;
	(tag) =	ssettag s2;
	_ =	strace s9  }
0x27: {  	s1 =	sld [smem:$0x3F9B]  }
0x28: {  	s2 =	sld [smem:$0x3F9C]  }
0x29: {  	s4 =	sld [smem:$0x3F9E]  }
0x2a: {  	p0 =	seq.s32 s5, $0x0;
	s5 =	sld [smem:$0x3F9F]  }
0x2b: {  	s6 =	sld [smem:$0x3FA0]  }
0x2c: {  	s7 =	sld [smem:$0x3FA1]  }
0x2d: {  	s3 =	simm.s32 $0x108;
	s8 =	sld [smem:$0x3FA2]  }
0x2e: {  	s3 =	simm.s32 @!p0 $0x1082;
	s9 =	sld [smem:$0x3FA3]  }
0x2f: {  	lr =	sadd.s32 s0, s3;
	s0 =	sld [smem:$0x3F9A]  }
0x30: {  	s3 =	sld [smem:$0x3F9D]  }
0x31: {  	[smem:$0x3FA6] =	sst s10  }
0x32: {  	s10 =	sld [smem:$0x3FA4];
	_ =	sdelay $0x3  }
0x33: {  	p0 =	seq.s32 s10, $0x1;
	s10 =	sld [smem:$0x3FA6];
	_ =	sdelay $0x3  }
0x34: {  	[smem:$0x3FA6] =	sst s10  }
0x35: {  	s10 =	sld [smem:$0x3FA5];
	_ =	sdelay $0x3  }
0x36: {  	p1 =	seq.s32 s10, $0x1;
	s10 =	sld [smem:$0x3FA6];
	_ =	sdelay $0x3  }
0x37: {  	[smem:$0x3FA6] =	sst s10  }
0x38: {  	s10 =	sld [smem:$0x3FA7]  }
0x39: {  	_ = 	snop;
	(pc) =	sbr.ind lr, $3  }
0x3a: {  	_ = 	snop  }
0x3b: {  	_ = 	snop  }
0x3c: {  	p2 =	seq.s32 s10, $0x1;
	s10 =	sld [smem:$0x3FA6]  }
0x3d: {  	_ =	shalt  }
0x3e: {  	_ =	shalt  }
0x3f: {  	_ =	shalt  }
0x40: {  	_ =	shalt  }
0x41: {  	_ =	shalt  }
0x42: {  	_ =	shalt  }
0x43: {  	_ =	shalt  }
0x44: {  	_ =	shalt  }
0x45: {  	_ =	shalt  }
0x46: {  	_ =	shalt  }
0x47: {  	_ =	shalt  }
0x48: {  	_ =	shalt  }
0x49: {  	_ =	shalt  }
0x4a: {  	_ =	shalt  }
0x4b: {  	_ =	shalt  }
0x4c: {  	_ =	shalt  }
0x4d: {  	_ =	shalt  }
0x4e: {  	_ =	shalt  }
0x4f: {  	_ =	shalt  }
0x50: {  	_ =	shalt  }
0x51: {  	_ =	shalt  }
0x52: {  	_ =	shalt  }
0x53: {  	_ =	shalt  }
0x54: {  	_ =	shalt  }
0x55: {  	_ =	shalt  }
0x56: {  	_ =	shalt  }
0x57: {  	_ =	shalt  }
0x58: {  	_ =	shalt  }
0x59: {  	_ =	shalt  }
0x5a: {  	_ =	shalt  }
0x5b: {  	_ =	shalt  }
0x5c: {  	_ =	shalt  }
0x5d: {  	_ =	shalt  }
0x5e: {  	_ =	shalt  }
0x5f: {  	_ =	shalt  }
0x60: {  	_ =	shalt  }
0x61: {  	_ =	shalt  }
0x62: {  	_ =	shalt  }
0x63: {  	_ =	shalt  }
0x64: {  	_ =	shalt  }
0x65: {  	_ =	shalt  }
0x66: {  	_ =	shalt  }
0x67: {  	_ =	shalt  }
0x68: {  	_ =	shalt  }
0x69: {  	_ =	shalt  }
0x6a: {  	_ =	shalt  }
0x6b: {  	_ =	shalt  }
0x6c: {  	_ =	shalt  }
0x6d: {  	_ =	shalt  }
0x6e: {  	_ =	shalt  }
0x6f: {  	_ =	shalt  }
0x70: {  	_ =	shalt  }
0x71: {  	_ =	shalt  }
0x72: {  	_ =	shalt  }
0x73: {  	_ =	shalt  }
0x74: {  	_ =	shalt  }
0x75: {  	_ =	shalt  }
0x76: {  	_ =	shalt  }
0x77: {  	_ =	shalt  }
0x78: {  	_ =	shalt  }
0x79: {  	_ =	shalt  }
0x7a: {  	_ =	shalt  }
0x7b: {  	_ =	shalt  }
0x7c: {  	_ =	shalt  }
0x7d: {  	_ =	shalt  }
0x7e: {  	_ =	shalt  }
0x7f: {  	_ =	shalt  }
0x80: {  	_ =	shalt  }
0x81: {  	_ =	shalt  }
0x82: {  	_ =	shalt  }
0x83: {  	_ =	shalt  }
0x84: {  	_ =	shalt  }
0x85: {  	_ =	shalt  }
0x86: {  	_ =	shalt  }
0x87: {  	_ =	shalt  }
.Lfunc_end0:
.L_simem_size_0:
called_computation.2_lowered:
.L_overlay_start_0:
0x88: {  	s2 =	sld [smem:$0x3FD9]  }
0x89: {  	s3 =	sld [smem:$0x3FFE];
	_ =	sdelay $0x1  }
0x8a: {  	s1 =	srdreg.scid  }
0x8b: {  	s0 =	sand.u32 $0x1, s1  }
0x8c: {  	s16 =	sshll.u32 s0, $0xA;
	s2 =	sadd.s32 s3, s2  }
0x8d: {  	s2 =	sadd.s32 s2, s16  }
0x8e: {  	[smem:$0x3FB2] =	sst s2  }
0x8f: {  	_ = 	snop  }
0x90: {  	(tm) =	ssettm $0x1  }
0x91: {  	s17 =	sld [smem:$0x3FFB];
	_ =	sdelay $0x3  }
0x92: {  	_ =	strace s17  }
0x93: {  	s2 =	sld [smem:$0x3FFC];
	_ =	sdelay $0x3  }
0x94: {  	_ =	strace s2  }
0x95: {  	s2 =	sld [smem:$0x3FFD];
	_ =	sdelay $0x3  }
0x96: {  	_ =	strace s2  }
0x97: {  	_ =	strace $0x8FFFFFFF  }
0x98: {  	s18 =	sld [smem:$0x3FDB];
	_ =	sdelay $0x1  }
0x99: {  	s19 =	simm.s32 $_scs_section_size  }
0x9a: {  	s4 =	simm.s32 $_size__tile_overlayer_lowered;
	s5 =	simm.s32 $_tile_overlayer_lowered  }
0x9b: {  	s22 =	simm.s32 $0x1BFF;
	s21 =	sshll.u32 s5, $0x1;
	s2 =	sadd.s32 s19, s18  }
0x9c: {  	s6 =	simm.s32 $0x0;
	s20 =	sshll.u32 s4, $0x1;
	s4 =	sadd.s32 s21, s2  }
0x9d: {  	[timem:s6], [sflag:s22] =	dma.local [hbm:s4], s20  }
0x9e: {  	_ =	swait.ge [sflag:s22], s20  }
0x9f: {  	s3 =	ssub.s32 $0x0, s20;
	[sflag:s22] =	ssyncset.done $0x0  }
0xa0: {  	[sflag:s22] =	ssyncadd.s32 s3;
	_ =	sdelay $0x1  }
0xa1: {  	s23 =	simm.s32 $0x1B8B  }
0xa2: {  	_ =	swait.ge [sflag:s23], $0x1  }
0xa3: {  	[sflag:s23] =	ssyncset.done $0x0  }
0xa4: {  	s25 =	simm.s32 $0x1B8E;
	s24 =	sld [smem:$0x3FFE];
	[sflag:s23] =	ssyncadd.s32 $0xFFFFFFFF  }
0xa5: {  	s26 =	simm.s32 $execute0_lowered;
	[smem:$0x3FD2] =	sst s25  }
0xa6: {  	s4 =	sshll.u32 s26, $0x1;
	_ =	strace $0x8000004C;
	[dreg:$0x1] =	wrdreg $0xFFFFFFFF  }
0xa7: {  	s28 =	simm.s32 $_size_execute0_lowered;
	s2 =	sadd.s32 s2, s4;
	[dreg:$0x0] =	wrdreg $0x0  }
0xa8: {  	s4 =	sshll.u32 s28, $0x1;
	[dreg:$0x2] =	wrdreg s2  }
0xa9: {  	[dreg:$0x3] =	wrdreg s4  }
0xaa: {  	[dreg:$0x4] =	wrdreg $0xC0  }
0xab: {  	_ =	task [dreg:s6], $0x5FFFF  }
0xac: {  	[dreg:$0x1] =	wrdreg $0xFFFFFFFF  }
0xad: {  	[dreg:$0x0] =	wrdreg $0x60  }
0xae: {  	[dreg:$0x2] =	wrdreg s24  }
0xaf: {  	[dreg:$0x3] =	wrdreg $0x4000  }
0xb0: {  	[dreg:$0x4] =	wrdreg $0x9  }
0xb1: {  	_ =	task.clear_ibuf [dreg:s6], $0x5FFFF;
	_ =	strace $0x9000004C  }
0xb2: {  	s29 =	simm.s32 $0x9;
	_ =	strace $0x8000004E  }
0xb3: {  	_ =	swait.ge [sflag:s29], $0x1  }
0xb4: {  	[sflag:s29] =	ssyncadd.s32 $0xFFFFFFFF  }
0xb5: {  	_ =	strace $0x9000004E  }
0xb6: {  	_ =	sfence  }
0xb7: {  	s30 =	sld [smem:$0x0];
	_ =	sdelay $0x2  }
0xb8: {  	s31 =	sshll.u32 s1, $0xD;
	s1 =	sshrl.u32 s1, $0x2  }
0xb9: {  	s3 =	sand.u32 $0x4000, s31;
	s1 =	sadd.s32 s1, s30  }
0xba: {  	s0 =	sor.u32 s3, s0;
	s1 =	sshll.u32 s1, $0x11  }
0xbb: {  	s0 =	sor.u32 s1, s0  }
0xbc: {  	s0 =	sadd.s32 $0x8F2B, s0  }
0xbd: {  	[sflag:s0] =	ssyncadd.remote.s32 $0x1  }
0xbe: {  	_ =	sfence.sel $0xFFFF  }
0xbf: {  	[dreg:$0x0] =	wrdreg $0xFFFFFFFF;
	(pc) =	sbr.abs _section_cstart, $3  }
0xc0: {  	[dreg:$0x1] =	wrdreg $0xFFFFFFFF  }
0xc1: {  	_ =	task.clear_ibuf [dreg:s6], $0x2FFFF;
	_ =	strace $0x9FFFFFFF  }
0xc2: {  	(tm) =	ssettm $0x7FFFFFFF  }
0xc3: {  	_ =	shalt  }
tec
execute0_lowered:
.L_overlay_start_1:
0x0: {  	(tag) =	ssettag $0x1  }
0x1: {  	s0 =	rddreg [dreg:$0x0]  }
0x2: {  	s1 =	rddreg [dreg:$0x1]  }
0x3: {  	s3 =	simm.s32 $0x0;
	s2 =	srdreg.scid;
	s12 =	stileid.u32  }
0x4: {  	s28 =	simm.s32 $0x300;
	s29 =	simm.s32 $0x1;
	s30 =	simm.s32 $0x2  }
0x5: {  	s31 =	simm.s32 $0x18400;
	s13 =	simm.s32 $0x4;
	s8 =	smul.u32 $0x14000, s12  }
0x6: {  	s14 =	simm.s32 $0x0;
	[smem:$0x7FF] =	sst s3;
	s9 =	smul.u32 $0x50000, s12  }
0x7: {  	s2 =	sand.u32 $0x1, s2;
	s4 =	sadd.s32 $0x18C00, s0;
	s22 =	smul.u32 $0x500, s12  }
0x8: {  	s5 =	sadd.s32 $0xEC00, s0;
	s6 =	sadd.s32 $0x4C00, s0;
	s7 =	smul.u32 $0x140000, s2  }
0x9: {  	_ =	strace $0x8000004D;
	s15 =	sshll.u32 s2, $0x4;
	s10 =	ssub.s32 $0x2, s2  }
0xa: {  	s2 =	smul.u32 $0x5000, s2;
	s11 =	sshrl.u32 s10, $0x1;
	s9 =	sshrl.u32 s9, $0x2  }
0xb: {  	s7 =	sadd.s32 s8, s7;
	s8 =	sor.u32 s12, s15;
	s10 =	ssub.s32 s10, s11  }
0xc: {  	s11 =	simm.s32 $0x6;
	s12 =	simm.s32 $0x8;
	s8 =	smul.u32 $0x500, s8  }
0xd: {  	s7 =	sshrl.u32 s7, $0x3;
	s21 =	smax.u32 s10, $0x1;
	s10 =	simm.s32 $0x3  }
0xe: {  	s0 =	sadd.s32 s7, s0;
	[dreg:$0xa] =	wrdreg s21;
	s16 =	sadd.s32 s5, s8  }
0xf: {  	s7 =	sadd.s32 s9, s1;
	s17 =	sadd.s32 s6, s8;
	[dreg:$0x3] =	wrdreg s16  }
0x10: {  	s21 =	simm.s32 $0x14400;
	s0 =	sadd.s32 $0x3FE00, s0;
	[dreg:$0x4] =	wrdreg s17  }
0x11: {  	s18 =	sor.u32 $0x10, s8;
	s23 =	sadd.s32 $0x4000, s7;
	[dreg:$0x9] =	wrdreg s0  }
0x12: {  	s8 =	sor.u32 $0x20, s8;
	s24 =	sadd.s32 $0x8000, s7;
	[dreg:$0xb] =	wrdreg s23  }
0x13: {  	s25 =	sadd.s32 $0xC000, s7;
	s26 =	sadd.s32 $0x10000, s7;
	[dreg:$0xc] =	wrdreg s24  }
0x14: {  	s19 =	sadd.s32 s5, s18;
	s9 =	sadd.s32 s6, s18;
	[dreg:$0xd] =	wrdreg s25  }
0x15: {  	s20 =	sadd.s32 s5, s8;
	s8 =	sadd.s32 s6, s8;
	[dreg:$0xe] =	wrdreg s26  }
.Ltmp0:
0x16: {  	s23 =	simm.s32 $0x200;
	[dreg:$0x5] =	wrdreg s19;
	(pc) =	sbr.rel .LBB2_1-.Ltmp0, $4  }
0x17: {  	s24 =	simm.s32 $0x80;
	s25 =	simm.s32 $0x280;
	[dreg:$0x6] =	wrdreg s9  }
0x18: {  	s26 =	simm.s32 $0x100;
	s0 =	simm.s32 $0x5;
	[dreg:$0x7] =	wrdreg s20  }
0x19: {  	[dreg:$0x8] =	wrdreg s8;
	s20 =	sadd.s32 s22, s2;
	s22 =	simm.s32 $0x9  }
0x1a: {  	v0 =	vimm.f32 $0.0e+00;
	s2 =	simm.s32 $0x180;
	s8 =	simm.s32 $0x380;
	s9 =	simm.s32 $0x7  }
.LBB2_6:
0x1b: {  	_ =	swait.ge [sflag:s12], $0x4000  }
0x1c: {  	[sflag:s12] =	ssyncset.done $0x0  }
0x1d: {  	s15 =	stileid.u32;
	[sflag:s12] =	ssyncadd.s32 $0xFFFFC000  }
0x1e: {  	s15 =	sshll.u32 s15, $0x6;
	[bflag:$0x0] =	sbarrier.arrive $0xFFFF  }
0x1f: {  	s16 =	sshrl.u32 s7, $0x3;
	s15 =	sor.u32 $0x1C09, s15;
	s17 =	rddreg [dreg:$0x9]  }
0x20: {  	[hbm:s17], [sflag:s15] =	dma.local [spmem:s16], $0x2800  }
0x21: {  	_ =	swait.ge [sflag:s22], $0x2800  }
0x22: {  	s14 =	sadd.s32 $0x1, s14;
	s19 =	rddreg [dreg:$0xa]  }
0x23: {  	p0 =	sne.s32 s14, s19  }
.Ltmp1:
0x24: {  	_ = 	snop;
	(pc) =	sbr.rel @!p0 .LBB2_7-.Ltmp1, $3  }
0x25: {  	_ =	sdelay $0x1  }
0x26: {  	[sflag:s22] =	ssyncset.done $0x0  }
0x27: {  	[sflag:s22] =	ssyncadd.s32 $0xFFFFD800  }
.LBB2_1:
0x28: {  	s15 =	simm.s32 $0x0;
	s16 =	simm.s32 $0x200  }
.LBB2_2:
0x29: {  	p0 =	sne.s32 s16, $0xFE00;
	[tilespmem:s15+$0x14470] =	vst v0  }
0x2a: {  	[tilespmem:s15+$0x14400] =	vst v0  }
0x2b: {  	[tilespmem:s15+$0x14410] =	vst v0  }
.Ltmp2:
0x2c: {  	[tilespmem:s15+$0x14420] =	vst v0;
	(pc) =	sbr.rel @p0 .LBB2_2-.Ltmp2, $4  }
0x2d: {  	[tilespmem:s15+$0x14430] =	vst v0  }
0x2e: {  	[tilespmem:s15+$0x14440] =	vst v0  }
0x2f: {  	[tilespmem:s15+$0x14450] =	vst v0  }
0x30: {  	[tilespmem:s15+$0x14460] =	vst v0;
	s15 =	sshra.s32 s16, $0x2;
	s16 =	sadd.s32 $0x200, s16  }
0x31: {  	[tilespmem:s15+$0x14470] =	vst v0  }
0x32: {  	[tilespmem:s15+$0x14400] =	vst v0  }
0x33: {  	[tilespmem:s15+$0x14410] =	vst v0  }
0x34: {  	[tilespmem:s15+$0x14420] =	vst v0  }
0x35: {  	[tilespmem:s15+$0x14430] =	vst v0  }
0x36: {  	[tilespmem:s15+$0x14440] =	vst v0  }
0x37: {  	[tilespmem:s15+$0x14450] =	vst v0  }
0x38: {  	[tilespmem:s15+$0x14460] =	vst v0  }
0x39: {  	[spmem:s7] =	stream.linear.scatter [tilespmem:s21], [sflag:$0x9], $0x4000, $0x38;
	[tilespmem:$0x1C400] =	vst v63  }
0x3a: {  	_ =	swait.ge [sflag:s22], $0x4000  }
0x3b: {  	[sflag:s22] =	ssyncset.done $0x0  }
0x3c: {  	s18 =	rddreg [dreg:$0xb];
	[sflag:s22] =	ssyncadd.s32 $0xFFFFC000  }
0x3d: {  	[spmem:s18] =	stream.linear.scatter [tilespmem:s21], [sflag:$0x9], $0x4000, $0x38;
	[tilespmem:$0x1C400] =	vst v63  }
0x3e: {  	_ =	swait.ge [sflag:s22], $0x4000  }
0x3f: {  	[sflag:s22] =	ssyncset.done $0x0  }
0x40: {  	s19 =	rddreg [dreg:$0xc];
	[sflag:s22] =	ssyncadd.s32 $0xFFFFC000  }
0x41: {  	[spmem:s19] =	stream.linear.scatter [tilespmem:s21], [sflag:$0x9], $0x4000, $0x38;
	[tilespmem:$0x1C400] =	vst v63  }
0x42: {  	_ =	swait.ge [sflag:s22], $0x4000  }
0x43: {  	[sflag:s22] =	ssyncset.done $0x0  }
0x44: {  	s16 =	rddreg [dreg:$0xd];
	[sflag:s22] =	ssyncadd.s32 $0xFFFFC000  }
0x45: {  	[spmem:s16] =	stream.linear.scatter [tilespmem:s21], [sflag:$0x9], $0x4000, $0x38;
	[tilespmem:$0x1C400] =	vst v63  }
0x46: {  	_ =	swait.ge [sflag:s22], $0x4000  }
0x47: {  	[sflag:s22] =	ssyncset.done $0x0  }
0x48: {  	s17 =	rddreg [dreg:$0xe];
	[sflag:s22] =	ssyncadd.s32 $0xFFFFC000  }
0x49: {  	[spmem:s17] =	stream.linear.scatter [tilespmem:s21], [sflag:$0x9], $0x4000, $0x38;
	[tilespmem:$0x1C400] =	vst v63  }
0x4a: {  	_ =	swait.ge [sflag:s22], $0x4000  }
0x4b: {  	[sflag:s22] =	ssyncset.done $0x0  }
0x4c: {  	s15 =	simm.s32 $0x0;
	s16 =	rddreg [dreg:$0x3];
	[sflag:s22] =	ssyncadd.s32 $0xFFFFC000  }
0x4d: {  	[tilespmem:s15], [sflag:$0x1] =	stream.linear.gather [hbm4b:s16+s15], $0x80, $0x38;
	[tilespmem:$0x1C400] =	vst v63  }
0x4e: {  	s18 =	rddreg [dreg:$0x4]  }
0x4f: {  	[tilespmem:s23], [sflag:$0x1] =	stream.linear.gather [hbm4b:s18+s15], $0x80, $0x38;
	[tilespmem:$0x1C400] =	vst v63  }
0x50: {  	s19 =	rddreg [dreg:$0x5]  }
0x51: {  	[tilespmem:s24], [sflag:$0x2] =	stream.linear.gather [hbm4b:s19+s15], $0x80, $0x38;
	[tilespmem:$0x1C400] =	vst v63  }
0x52: {  	s17 =	rddreg [dreg:$0x6]  }
0x53: {  	[tilespmem:s25], [sflag:$0x2] =	stream.linear.gather [hbm4b:s17+s15], $0x80, $0x38;
	[tilespmem:$0x1C400] =	vst v63  }
0x54: {  	s18 =	rddreg [dreg:$0x7]  }
0x55: {  	[tilespmem:s26], [sflag:$0x3] =	stream.linear.gather [hbm4b:s18+s15], $0x80, $0x38;
	[tilespmem:$0x1C400] =	vst v63  }
0x56: {  	s19 =	rddreg [dreg:$0x8]  }
0x57: {  	[tilespmem:s28], [sflag:$0x3] =	stream.linear.gather [hbm4b:s19+s15], $0x80, $0x38;
	[tilespmem:$0x1C400] =	vst v63  }
0x58: {  	_ =	swait.ge [sflag:s29], $0x80  }
0x59: {  	[sflag:s29] =	ssyncset.done $0x0  }
0x5a: {  	[sflag:s29] =	ssyncadd.s32 $0xFFFFFF80  }
0x5b: {  	_ =	swait.ge [sflag:s29], $0x80  }
0x5c: {  	[sflag:s29] =	ssyncset.done $0x0  }
0x5d: {  	[sflag:s29] =	ssyncadd.s32 $0xFFFFFF80  }
0x5e: {  	[tilespmem:s21], [sflag:$0x5] =	stream.indirect.gather [hbm4b:s4+s24], $0x80, s15, s24, $0xb8;
	[tilespmem:$0x1C400] =	vst v63  }
0x5f: {  	[bflag:$0x0] =	sbarrier.arrive $0xFFFF  }
.LBB2_4:
0x60: {  	p0 =	seq.s32 s15, $0x0  }
0x61: {  	s16 =	simm.s32 @!p0 $0x8  }
0x62: {  	_ =	swait.ge @!p0 [sflag:s16], $0x4000  }
0x63: {  	[sflag:s16] =	ssyncset.done @!p0 $0x0  }
0x64: {  	[sflag:s16] =	ssyncadd.s32 @!p0 $0xFFFFC000  }
0x65: {  	_ =	swait.ge [sflag:s30], $0x80  }
0x66: {  	[sflag:s30] =	ssyncset.done $0x0  }
0x67: {  	[sflag:s30] =	ssyncadd.s32 $0xFFFFFF80  }
0x68: {  	_ =	swait.ge [sflag:s30], $0x80  }
0x69: {  	[sflag:s30] =	ssyncset.done $0x0  }
0x6a: {  	s18 =	sadd.s32 s15, s20;
	[sflag:s30] =	ssyncadd.s32 $0xFFFFFF80  }
0x6b: {  	[tilespmem:s31], [sflag:$0x6] =	stream.indirect.gather [hbm4b:s4+s24], $0x80, s24, s24, $0xb8;
	[tilespmem:$0x1C400] =	vst v63  }
0x6c: {  	s17 =	sand.u32 $0x40, s15;
	s16 =	sand.u32 $0xFFFFF80, s18;
	_ =	swait.ge [sflag:s0], $0x4000  }
0x6d: {  	s16 =	sor.u32 s16, s17;
	[sflag:s0] =	ssyncset.done $0x0  }
0x6e: {  	s16 =	sor.u32 $0x30, s16;
	[sflag:s0] =	ssyncadd.s32 $0xFFFFC000  }
0x6f: {  	[spmem:s1] =	stream.indirect.scatter.add.f32 [tilespmem:s21], [sflag:$0x7], $0x80, s23, s24, $0xb8;
	[tilespmem:$0x1C400] =	vst v63  }
0x70: {  	s19 =	sadd.s32 s5, s16  }
0x71: {  	[tilespmem:s2], [sflag:$0x4] =	stream.linear.gather [hbm4b:s19+s3], $0x80, $0x38;
	[tilespmem:$0x1C400] =	vst v63  }
0x72: {  	s16 =	sadd.s32 s6, s16  }
0x73: {  	[tilespmem:s8], [sflag:$0x4] =	stream.linear.gather [hbm4b:s16+s3], $0x80, $0x38;
	[tilespmem:$0x1C400] =	vst v63  }
0x74: {  	_ =	swait.ge [sflag:s9], $0x4000  }
0x75: {  	[sflag:s9] =	ssyncset.done $0x0  }
0x76: {  	[sflag:s9] =	ssyncadd.s32 $0xFFFFC000  }
0x77: {  	_ =	swait.ge [sflag:s10], $0x80  }
0x78: {  	[sflag:s10] =	ssyncset.done $0x0  }
0x79: {  	[sflag:s10] =	ssyncadd.s32 $0xFFFFFF80  }
0x7a: {  	_ =	swait.ge [sflag:s10], $0x80  }
0x7b: {  	p0 =	seq.s32 s15, $0x4C0;
	[sflag:s10] =	ssyncset.done $0x0  }
0x7c: {  	s16 =	sadd.s32 @!p0 s15, s20;
	[sflag:s10] =	ssyncadd.s32 $0xFFFFFF80  }
0x7d: {  	[tilespmem:s21], [sflag:$0x5] =	stream.indirect.gather [hbm4b:s4+s24], $0x80, s26, s24, $0xb8;
	[tilespmem:$0x1C400] =	vst v63  }
0x7e: {  	s17 =	sxor.u32 @!p0 $0xFFFFFFFF, s15;
	s16 =	sadd.s32 @!p0 $0x40, s16;
	_ =	swait.ge [sflag:s11], $0x4000  }
0x7f: {  	s17 =	sand.u32 @!p0 $0x40, s17;
	s16 =	sand.u32 @!p0 $0xFFFFF80, s16;
	[sflag:s11] =	ssyncset.done $0x0  }
0x80: {  	s16 =	sor.u32 @!p0 s17, s16;
	[sflag:s11] =	ssyncadd.s32 $0xFFFFC000  }
0x81: {  	[spmem:s1] =	stream.indirect.scatter.add.f32 [tilespmem:s31], [sflag:$0x8], $0x80, s25, s24, $0xb8;
	[tilespmem:$0x1C400] =	vst v63  }
0x82: {  	s18 =	simm.s32 @!p0 $0x0;
	s17 =	sadd.s32 @!p0 s5, s16  }
0x83: {  	[tilespmem:s18], [sflag:$0x1] =	stream.linear.gather @!p0 [hbm4b:s17+s18], $0x80, $0x38;
	[tilespmem:$0x1C400] =	vst v63  }
0x84: {  	s16 =	sadd.s32 @!p0 s6, s16;
	s17 =	simm.s32 @!p0 $0x200  }
0x85: {  	[tilespmem:s17], [sflag:$0x1] =	stream.linear.gather @!p0 [hbm4b:s16+s18], $0x80, $0x38;
	[tilespmem:$0x1C400] =	vst v63  }
0x86: {  	_ =	swait.ge [sflag:s12], $0x4000  }
0x87: {  	[sflag:s12] =	ssyncset.done $0x0  }
0x88: {  	[sflag:s12] =	ssyncadd.s32 $0xFFFFC000  }
0x89: {  	_ =	swait.ge [sflag:s13], $0x80  }
0x8a: {  	[sflag:s13] =	ssyncset.done $0x0  }
0x8b: {  	[sflag:s13] =	ssyncadd.s32 $0xFFFFFF80  }
0x8c: {  	_ =	swait.ge [sflag:s13], $0x80  }
0x8d: {  	p1 =	sne.s32 s15, $0x4C0;
	[sflag:s13] =	ssyncset.done $0x0  }
0x8e: {  	s16 =	sadd.s32 @p1 $0x50, s15;
	[sflag:s13] =	ssyncadd.s32 $0xFFFFFF80  }
0x8f: {  	[tilespmem:s31], [sflag:$0x6] =	stream.indirect.gather [hbm4b:s4+s24], $0x80, s2, s24, $0xb8;
	[tilespmem:$0x1C400] =	vst v63  }
0x90: {  	s17 =	sadd.s32 @p1 s20, s16;
	_ =	swait.ge [sflag:s0], $0x4000  }
0x91: {  	s16 =	sand.u32 @p1 $0x50, s16;
	s17 =	sand.u32 @p1 $0xFFFFF80, s17;
	[sflag:s0] =	ssyncset.done $0x0  }
0x92: {  	s16 =	sor.u32 @p1 s16, s17;
	[sflag:s0] =	ssyncadd.s32 $0xFFFFC000  }
0x93: {  	[spmem:s1] =	stream.indirect.scatter.add.f32 [tilespmem:s21], [sflag:$0x7], $0x80, s28, s24, $0xb8;
	[tilespmem:$0x1C400] =	vst v63  }
0x94: {  	s19 =	simm.s32 @p1 $0x80;
	s18 =	simm.s32 @p1 $0x0;
	s17 =	sadd.s32 @p1 s5, s16  }
0x95: {  	[tilespmem:s19], [sflag:$0x2] =	stream.linear.gather @p1 [hbm4b:s17+s18], $0x80, $0x38;
	[tilespmem:$0x1C400] =	vst v63  }
0x96: {  	s16 =	sadd.s32 @p1 s6, s16;
	s17 =	simm.s32 @p1 $0x280  }
0x97: {  	[tilespmem:s17], [sflag:$0x2] =	stream.linear.gather @p1 [hbm4b:s16+s18], $0x80, $0x38;
	[tilespmem:$0x1C400] =	vst v63  }
0x98: {  	s16 =	simm.s32 @p1 $0x7  }
0x99: {  	_ =	swait.ge @p1 [sflag:s16], $0x4000  }
0x9a: {  	[sflag:s16] =	ssyncset.done @p1 $0x0  }
0x9b: {  	[sflag:s16] =	ssyncadd.s32 @p1 $0xFFFFC000;
	s16 =	simm.s32 @p1 $0x1  }
0x9c: {  	_ =	swait.ge @p1 [sflag:s16], $0x80  }
0x9d: {  	[sflag:s16] =	ssyncset.done @p1 $0x0  }
0x9e: {  	[sflag:s16] =	ssyncadd.s32 @p1 $0xFFFFFF80  }
0x9f: {  	_ =	swait.ge @p1 [sflag:s16], $0x80  }
0xa0: {  	[sflag:s16] =	ssyncset.done @p1 $0x0  }
0xa1: {  	[sflag:s16] =	ssyncadd.s32 @p1 $0xFFFFFF80;
	s16 =	simm.s32 @p1 $0x14400  }
0xa2: {  	[tilespmem:s16], [sflag:$0x5] =	stream.indirect.gather @p1 [hbm4b:s4+s19], $0x80, s18, s19, $0xb8;
	[tilespmem:$0x1C400] =	vst v63  }
0xa3: {  	s16 =	simm.s32 @!p1 $0x7  }
0xa4: {  	_ =	swait.ge @!p1 [sflag:s16], $0x4000  }
0xa5: {  	[sflag:s16] =	ssyncset.done @!p1 $0x0  }
.Ltmp3:
0xa6: {  	[sflag:s16] =	ssyncadd.s32 @!p1 $0xFFFFC000;
	(pc) =	sbr.rel @p0 .LBB2_6-.Ltmp3, $4  }
0xa7: {  	_ =	swait.ge [sflag:s11], $0x4000  }
0xa8: {  	[sflag:s11] =	ssyncset.done $0x0  }
0xa9: {  	[sflag:s11] =	ssyncadd.s32 $0xFFFFC000  }
0xaa: {  	[spmem:s1] =	stream.indirect.scatter.add.f32 [tilespmem:s31], [sflag:$0x8], $0x80, s8, s24, $0xb8;
	[tilespmem:$0x1C400] =	vst v63  }
0xab: {  	s16 =	sadd.s32 $0x60, s15  }
0xac: {  	s17 =	sadd.s32 s20, s16  }
0xad: {  	s16 =	sand.u32 $0x60, s16;
	s17 =	sand.u32 $0xFFFFF80, s17  }
.Ltmp4:
0xae: {  	s16 =	sor.u32 s16, s17;
	(pc) =	sbr.rel .LBB2_4-.Ltmp4, $4  }
0xaf: {  	s17 =	sadd.s32 s5, s16  }
0xb0: {  	[tilespmem:s26], [sflag:$0x3] =	stream.linear.gather [hbm4b:s17+s3], $0x80, $0x38;
	[tilespmem:$0x1C400] =	vst v63  }
0xb1: {  	s15 =	sadd.s32 $0x40, s15;
	s16 =	sadd.s32 s6, s16  }
0xb2: {  	[tilespmem:s28], [sflag:$0x3] =	stream.linear.gather [hbm4b:s16+s3], $0x80, $0x38;
	[tilespmem:$0x1C400] =	vst v63  }
.LBB2_7:
0xb3: {  	_ =	sfence.sel $0x180000  }
0xb4: {  	[bflag:$0x0] =	sbarrier.arrive $0xFFFF  }
0xb5: {  	_ =	strace $0x9000004D  }
0xb6: {  	s0 =	stileid.u32;
	[bflag:$0x2] =	sbarrier.arrive $0xFFFF  }
0xb7: {  	p0 =	sne.s32 s0, $0x0;
	s0 =	rddreg [dreg:$0x2]  }
0xb8: {  	s0 =	sadd.s32 @!p0 $0x100000, s0  }
0xb9: {  	[sflag:s0] =	ssyncadd.tile.s32 @!p0 $0x1;
	_ =	shalt  }
.Lfunc_end2:
_tile_overlayer_lowered:
.L_overlay_start_2:
0xba: {  	(tag) =	ssettag $0x2  }
0xbb: {  	s0 =	rddreg [dreg:$0x0];
	s2 =	stileid.u32  }
0xbc: {  	s1 =	rddreg [dreg:$0x1];
	p0 =	sne.s32 s2, $0x0  }
0xbd: {  	s3 =	rddreg [dreg:$0x2];
	[bflag:$0x3] =	sbarrier.arrive $0xFFFF;
	s2 =	simm.s32 @!p0 $0x1C09  }
0xbe: {  	[timem:s3], [sflag:s2] =	dma.local @!p0 [hbm:s0], s1  }
0xbf: {  	s0 =	simm.s32 @!p0 $0x9  }
0xc0: {  	_ =	swait.ge @!p0 [sflag:s0], s1  }
0xc1: {  	s1 =	ssub.s32 @!p0 $0x0, s1;
	[sflag:s0] =	ssyncset.done @!p0 $0x0  }
0xc2: {  	[sflag:s0] =	ssyncadd.s32 @!p0 s1  }
0xc3: {  	[bflag:$0x3] =	sbarrier.arrive $0xFFFF  }
0xc4: {  	_ =	shalt  }

// kernel: kernel.19.cloned.1.call-start
scs
__scs_entry_jumppad:
0x0: {  	(pc) =	sbr.rel $0x88, $3  }
0x1: {  	(tag) =	ssettag $0x0;
	lr =	simm.s32 $0x1  }
0x2: {  	[smem:$0x3F8B] =	sst lr;
	_ =	strace $0xD0000000  }
0x3: {  	_ = 	snop  }
0x4: {  	_ = 	snop  }
0x5: {  	_ = 	snop  }
0x6: {  	_ = 	snop  }
0x7: {  	_ = 	snop  }
__scs_overlays_trampoline_lowered:
0x8: {  	[smem:$0x3F9A] =	sst s0  }
0x9: {  	[smem:$0x3F9B] =	sst s1  }
0xa: {  	[smem:$0x3F9C] =	sst s2  }
0xb: {  	[smem:$0x3F9D] =	sst s3  }
0xc: {  	[smem:$0x3F9E] =	sst s4  }
0xd: {  	[smem:$0x3F9F] =	sst s5  }
0xe: {  	[smem:$0x3FA0] =	sst s6  }
0xf: {  	[smem:$0x3FA1] =	sst s7  }
0x10: {  	[smem:$0x3FA2] =	sst s8  }
0x11: {  	[smem:$0x3FA3] =	sst s9;
	s0 =	simm.s32 @!p0 $0x0  }
0x12: {  	s1 =	sld [smem:$0x3F89];
	s0 =	simm.s32 @p0 $0x1  }
0x13: {  	[smem:$0x3FA4] =	sst s0;
	s0 =	simm.s32 @!p1 $0x0  }
0x14: {  	s2 =	sld [smem:$0x3F88];
	s0 =	simm.s32 @p1 $0x1  }
0x15: {  	[smem:$0x3FA5] =	sst s0;
	s0 =	simm.s32 @!p2 $0x0  }
0x16: {  	s3 =	sld [smem:$0x3FDB];
	s0 =	simm.s32 @p2 $0x1  }
0x17: {  	s4 =	simm.s32 $0x1BF5;
	[smem:$0x3FA7] =	sst s0  }
0x18: {  	s0 =	sld [smem:$0x3F8A];
	_ =	swait.ge [sflag:s4], $0x0  }
0x19: {  	s7 =	sld [smem:$0x3F8B]  }
0x1a: {  	s8 =	sadd.s32 $0xFFFFE003, lr  }
0x1b: {  	s9 =	sadd.s32 $0xFFFFFEF7, lr;
	s5 =	simm.s32 $0xFFFFFFFF;
	p2 =	slt.u32 s8, $0xFFFFF086  }
0x1c: {  	p1 =	slt.u32 s9, $0xF7A;
	s5 =	simm.s32 @!p2 $0x0  }
0x1d: {  	s5 =	simm.s32 @p1 $0x1;
	p0 =	seq.s32 s7, s2  }
0x1e: {  	s7 =	smul.u32 @!p0 $0xF7A, s2;
	p2 =	seq.s32 @!p0 s5, $0x0  }
0x1f: {  	s9 =	smul.u32 $0xF7A, s1;
	s8 =	simm.s32 @!p0 $0x1BF5;
	p2 =	por !p2, p0  }
0x20: {  	[sflag:s8] =	ssyncset.s32 @!p0 $0xFFFFF086;
	s6 =	sadd.s32 @!p0 s3, s7;
	s7 =	simm.s32 @!p0 $0x108  }
0x21: {  	s3 =	sadd.s32 s3, s9;
	s6 =	sadd.s32 @!p0 $0x88, s6;
	s7 =	simm.s32 @p2 $0x1082  }
0x22: {  	[simem:s7], [sflag:s8] =	dma.local @!p0 [hbm:s6], $0xF7A  }
0x23: {  	s9 =	sor.u32 $0xD0000000, s2;
	s6 =	simm.s32 $0x108;
	_ =	swait.ge @!p0 [sflag:s8], $0x0  }
0x24: {  	s3 =	sadd.s32 $0x88, s3;
	s6 =	simm.s32 @!p1 $0x1082;
	[sflag:s4] =	ssyncset.s32 $0xFFFFF086  }
0x25: {  	[simem:s6], [sflag:s4] =	dma.local [hbm:s3], $0xF7A  }
0x26: {  	[smem:$0x3F8B] =	sst s1;
	(tag) =	ssettag s2;
	_ =	strace s9  }
0x27: {  	s1 =	sld [smem:$0x3F9B]  }
0x28: {  	s2 =	sld [smem:$0x3F9C]  }
0x29: {  	s4 =	sld [smem:$0x3F9E]  }
0x2a: {  	p0 =	seq.s32 s5, $0x0;
	s5 =	sld [smem:$0x3F9F]  }
0x2b: {  	s6 =	sld [smem:$0x3FA0]  }
0x2c: {  	s7 =	sld [smem:$0x3FA1]  }
0x2d: {  	s3 =	simm.s32 $0x108;
	s8 =	sld [smem:$0x3FA2]  }
0x2e: {  	s3 =	simm.s32 @!p0 $0x1082;
	s9 =	sld [smem:$0x3FA3]  }
0x2f: {  	lr =	sadd.s32 s0, s3;
	s0 =	sld [smem:$0x3F9A]  }
0x30: {  	s3 =	sld [smem:$0x3F9D]  }
0x31: {  	[smem:$0x3FA6] =	sst s10  }
0x32: {  	s10 =	sld [smem:$0x3FA4];
	_ =	sdelay $0x3  }
0x33: {  	p0 =	seq.s32 s10, $0x1;
	s10 =	sld [smem:$0x3FA6];
	_ =	sdelay $0x3  }
0x34: {  	[smem:$0x3FA6] =	sst s10  }
0x35: {  	s10 =	sld [smem:$0x3FA5];
	_ =	sdelay $0x3  }
0x36: {  	p1 =	seq.s32 s10, $0x1;
	s10 =	sld [smem:$0x3FA6];
	_ =	sdelay $0x3  }
0x37: {  	[smem:$0x3FA6] =	sst s10  }
0x38: {  	s10 =	sld [smem:$0x3FA7]  }
0x39: {  	_ = 	snop;
	(pc) =	sbr.ind lr, $3  }
0x3a: {  	_ = 	snop  }
0x3b: {  	_ = 	snop  }
0x3c: {  	p2 =	seq.s32 s10, $0x1;
	s10 =	sld [smem:$0x3FA6]  }
0x3d: {  	_ =	shalt  }
0x3e: {  	_ =	shalt  }
0x3f: {  	_ =	shalt  }
0x40: {  	_ =	shalt  }
0x41: {  	_ =	shalt  }
0x42: {  	_ =	shalt  }
0x43: {  	_ =	shalt  }
0x44: {  	_ =	shalt  }
0x45: {  	_ =	shalt  }
0x46: {  	_ =	shalt  }
0x47: {  	_ =	shalt  }
0x48: {  	_ =	shalt  }
0x49: {  	_ =	shalt  }
0x4a: {  	_ =	shalt  }
0x4b: {  	_ =	shalt  }
0x4c: {  	_ =	shalt  }
0x4d: {  	_ =	shalt  }
0x4e: {  	_ =	shalt  }
0x4f: {  	_ =	shalt  }
0x50: {  	_ =	shalt  }
0x51: {  	_ =	shalt  }
0x52: {  	_ =	shalt  }
0x53: {  	_ =	shalt  }
0x54: {  	_ =	shalt  }
0x55: {  	_ =	shalt  }
0x56: {  	_ =	shalt  }
0x57: {  	_ =	shalt  }
0x58: {  	_ =	shalt  }
0x59: {  	_ =	shalt  }
0x5a: {  	_ =	shalt  }
0x5b: {  	_ =	shalt  }
0x5c: {  	_ =	shalt  }
0x5d: {  	_ =	shalt  }
0x5e: {  	_ =	shalt  }
0x5f: {  	_ =	shalt  }
0x60: {  	_ =	shalt  }
0x61: {  	_ =	shalt  }
0x62: {  	_ =	shalt  }
0x63: {  	_ =	shalt  }
0x64: {  	_ =	shalt  }
0x65: {  	_ =	shalt  }
0x66: {  	_ =	shalt  }
0x67: {  	_ =	shalt  }
0x68: {  	_ =	shalt  }
0x69: {  	_ =	shalt  }
0x6a: {  	_ =	shalt  }
0x6b: {  	_ =	shalt  }
0x6c: {  	_ =	shalt  }
0x6d: {  	_ =	shalt  }
0x6e: {  	_ =	shalt  }
0x6f: {  	_ =	shalt  }
0x70: {  	_ =	shalt  }
0x71: {  	_ =	shalt  }
0x72: {  	_ =	shalt  }
0x73: {  	_ =	shalt  }
0x74: {  	_ =	shalt  }
0x75: {  	_ =	shalt  }
0x76: {  	_ =	shalt  }
0x77: {  	_ =	shalt  }
0x78: {  	_ =	shalt  }
0x79: {  	_ =	shalt  }
0x7a: {  	_ =	shalt  }
0x7b: {  	_ =	shalt  }
0x7c: {  	_ =	shalt  }
0x7d: {  	_ =	shalt  }
0x7e: {  	_ =	shalt  }
0x7f: {  	_ =	shalt  }
0x80: {  	_ =	shalt  }
0x81: {  	_ =	shalt  }
0x82: {  	_ =	shalt  }
0x83: {  	_ =	shalt  }
0x84: {  	_ =	shalt  }
0x85: {  	_ =	shalt  }
0x86: {  	_ =	shalt  }
0x87: {  	_ =	shalt  }
.Lfunc_end0:
.L_simem_size_0:
called_computation.3_lowered:
.L_overlay_start_0:
0x88: {  	s2 =	sld [smem:$0x3FD9]  }
0x89: {  	s3 =	sld [smem:$0x3FFE];
	_ =	sdelay $0x1  }
0x8a: {  	s1 =	srdreg.scid  }
0x8b: {  	s0 =	sand.u32 $0x1, s1  }
0x8c: {  	s16 =	sshll.u32 s0, $0xA;
	s2 =	sadd.s32 s3, s2  }
0x8d: {  	s2 =	sadd.s32 s2, s16  }
0x8e: {  	[smem:$0x3FB2] =	sst s2  }
0x8f: {  	_ = 	snop  }
0x90: {  	(tm) =	ssettm $0x1  }
0x91: {  	s17 =	sld [smem:$0x3FFB];
	_ =	sdelay $0x3  }
0x92: {  	_ =	strace s17  }
0x93: {  	s2 =	sld [smem:$0x3FFC];
	_ =	sdelay $0x3  }
0x94: {  	_ =	strace s2  }
0x95: {  	s2 =	sld [smem:$0x3FFD];
	_ =	sdelay $0x3  }
0x96: {  	_ =	strace s2  }
0x97: {  	_ =	strace $0x8FFFFFFF  }
0x98: {  	s18 =	sld [smem:$0x3FDB];
	_ =	sdelay $0x1  }
0x99: {  	s19 =	simm.s32 $_scs_section_size  }
0x9a: {  	s4 =	simm.s32 $_size__tile_overlayer_lowered;
	s5 =	simm.s32 $_tile_overlayer_lowered  }
0x9b: {  	s22 =	simm.s32 $0x1BFF;
	s21 =	sshll.u32 s5, $0x1;
	s2 =	sadd.s32 s19, s18  }
0x9c: {  	s6 =	simm.s32 $0x0;
	s20 =	sshll.u32 s4, $0x1;
	s4 =	sadd.s32 s21, s2  }
0x9d: {  	[timem:s6], [sflag:s22] =	dma.local [hbm:s4], s20  }
0x9e: {  	_ =	swait.ge [sflag:s22], s20  }
0x9f: {  	s3 =	ssub.s32 $0x0, s20;
	[sflag:s22] =	ssyncset.done $0x0  }
0xa0: {  	[sflag:s22] =	ssyncadd.s32 s3;
	_ =	sdelay $0x1  }
0xa1: {  	s23 =	simm.s32 $0x1B8B  }
0xa2: {  	_ =	swait.ge [sflag:s23], $0x1  }
0xa3: {  	[sflag:s23] =	ssyncset.done $0x0  }
0xa4: {  	s25 =	simm.s32 $0x1B8E;
	s24 =	sld [smem:$0x3FFE];
	[sflag:s23] =	ssyncadd.s32 $0xFFFFFFFF  }
0xa5: {  	s26 =	simm.s32 $execute0_lowered;
	[smem:$0x3FD2] =	sst s25  }
0xa6: {  	s4 =	sshll.u32 s26, $0x1;
	_ =	strace $0x8000004F;
	[dreg:$0x1] =	wrdreg $0xFFFFFFFF  }
0xa7: {  	s28 =	simm.s32 $_size_execute0_lowered;
	s2 =	sadd.s32 s2, s4;
	[dreg:$0x0] =	wrdreg $0x0  }
0xa8: {  	s4 =	sshll.u32 s28, $0x1;
	[dreg:$0x2] =	wrdreg s2  }
0xa9: {  	[dreg:$0x3] =	wrdreg s4  }
0xaa: {  	[dreg:$0x4] =	wrdreg $0xC0  }
0xab: {  	_ =	task [dreg:s6], $0x5FFFF  }
0xac: {  	[dreg:$0x1] =	wrdreg $0xFFFFFFFF  }
0xad: {  	[dreg:$0x0] =	wrdreg $0x60  }
0xae: {  	[dreg:$0x2] =	wrdreg s24  }
0xaf: {  	[dreg:$0x3] =	wrdreg $0x4000  }
0xb0: {  	[dreg:$0x4] =	wrdreg $0x9  }
0xb1: {  	_ =	task.clear_ibuf [dreg:s6], $0x5FFFF;
	_ =	strace $0x9000004F  }
0xb2: {  	s29 =	simm.s32 $0x9;
	_ =	strace $0x80000051  }
0xb3: {  	_ =	swait.ge [sflag:s29], $0x1  }
0xb4: {  	[sflag:s29] =	ssyncadd.s32 $0xFFFFFFFF  }
0xb5: {  	_ =	strace $0x90000051  }
0xb6: {  	_ =	sfence  }
0xb7: {  	s30 =	sld [smem:$0x0];
	_ =	sdelay $0x2  }
0xb8: {  	s31 =	sshll.u32 s1, $0xD;
	s1 =	sshrl.u32 s1, $0x2  }
0xb9: {  	s3 =	sand.u32 $0x4000, s31;
	s1 =	sadd.s32 s1, s30  }
0xba: {  	s0 =	sor.u32 s3, s0;
	s1 =	sshll.u32 s1, $0x11  }
0xbb: {  	s0 =	sor.u32 s1, s0  }
0xbc: {  	s0 =	sadd.s32 $0x8F2B, s0  }
0xbd: {  	[sflag:s0] =	ssyncadd.remote.s32 $0x1  }
0xbe: {  	_ =	sfence.sel $0xFFFF  }
0xbf: {  	[dreg:$0x0] =	wrdreg $0xFFFFFFFF;
	(pc) =	sbr.abs _section_cstart, $3  }
0xc0: {  	[dreg:$0x1] =	wrdreg $0xFFFFFFFF  }
0xc1: {  	_ =	task.clear_ibuf [dreg:s6], $0x2FFFF;
	_ =	strace $0x9FFFFFFF  }
0xc2: {  	(tm) =	ssettm $0x7FFFFFFF  }
0xc3: {  	_ =	shalt  }
tec
execute0_lowered:
.L_overlay_start_1:
0x0: {  	(tag) =	ssettag $0x1  }
0x1: {  	s0 =	rddreg [dreg:$0x0];
	s1 =	srdreg.scid  }
0x2: {  	s2 =	rddreg [dreg:$0x1];
	s11 =	stileid.u32  }
0x3: {  	s3 =	simm.s32 $0x0;
	s28 =	simm.s32 $0x300;
	s29 =	simm.s32 $0x1  }
0x4: {  	s30 =	simm.s32 $0x2;
	s31 =	simm.s32 $0x18400;
	s12 =	simm.s32 $0x6  }
0x5: {  	s14 =	simm.s32 $0x4;
	s15 =	simm.s32 $0x0;
	s6 =	smul.u32 $0x14000, s11  }
0x6: {  	s1 =	sand.u32 $0x1, s1;
	[smem:$0x7FF] =	sst s3;
	s8 =	smul.u32 $0x50000, s11  }
0x7: {  	s4 =	sadd.s32 $0x8FE00, s0;
	s5 =	smul.u32 $0x140000, s1;
	s9 =	ssub.s32 $0x2, s1  }
0x8: {  	_ =	strace $0x80000050;
	s13 =	smul.u32 $0x2710, s1;
	s10 =	sshrl.u32 s9, $0x1  }
0x9: {  	s8 =	sshrl.u32 s8, $0x2;
	s6 =	sadd.s32 s6, s5;
	s5 =	sadd.s32 $0xEC00, s0  }
0xa: {  	s9 =	ssub.s32 s9, s10;
	s8 =	sadd.s32 s8, s2;
	s10 =	simm.s32 $0x7  }
0xb: {  	v0 =	vmov s13;
	s13 =	simm.s32 $0x8;
	s7 =	sshrl.u32 s6, $0x3;
	s22 =	smax.u32 s9, $0x1  }
0xc: {  	s6 =	sadd.s32 $0x4C00, s0;
	s23 =	sadd.s32 $0x4000, s8;
	[dreg:$0xa] =	wrdreg s22  }
0xd: {  	s24 =	sadd.s32 $0x8000, s8;
	s25 =	sadd.s32 $0xC000, s8;
	[dreg:$0xb] =	wrdreg s23  }
0xe: {  	s26 =	sadd.s32 $0x10000, s8;
	s9 =	simm.s32 $0x380;
	[dreg:$0xc] =	wrdreg s24  }
0xf: {  	s0 =	sadd.s32 s7, s0;
	s7 =	smul.u32 $0xA00, s11;
	[dreg:$0xd] =	wrdreg s25  }
0x10: {  	[dreg:$0xe] =	wrdreg s26;
	s22 =	simm.s32 $0x9;
	s23 =	simm.s32 $0x200  }
0x11: {  	s24 =	simm.s32 $0x80;
	s25 =	simm.s32 $0x280;
	s0 =	sadd.s32 $0xDE000, s0  }
0x12: {  	s26 =	simm.s32 $0x100;
	s16 =	sadd.s32 s5, s7;
	[dreg:$0x9] =	wrdreg s0  }
0x13: {  	s17 =	sadd.s32 s6, s7;
	s18 =	sor.u32 $0x10, s7;
	[dreg:$0x3] =	wrdreg s16  }
.Ltmp0:
0x14: {  	[dreg:$0x4] =	wrdreg s17;
	s19 =	sadd.s32 s5, s18;
	(pc) =	sbr.rel .LBB2_1-.Ltmp0, $4  }
0x15: {  	s20 =	sor.u32 $0x20, s7;
	s1 =	sadd.s32 s6, s18;
	[dreg:$0x5] =	wrdreg s19  }
0x16: {  	s11 =	simm.s32 $0x3;
	s21 =	sadd.s32 s5, s20;
	[dreg:$0x6] =	wrdreg s1  }
0x17: {  	s0 =	simm.s32 $0x5;
	[dreg:$0x7] =	wrdreg s21;
	s1 =	sadd.s32 s6, s20  }
0x18: {  	v1 =	vimm.f32 $0.0e+00;
	s21 =	simm.s32 $0x14400;
	[dreg:$0x8] =	wrdreg s1;
	s1 =	simm.s32 $0x180  }
.LBB2_6:
0x19: {  	_ =	swait.ge [sflag:s13], $0x4000  }
0x1a: {  	[sflag:s13] =	ssyncset.done $0x0  }
0x1b: {  	s16 =	stileid.u32;
	[sflag:s13] =	ssyncadd.s32 $0xFFFFC000  }
0x1c: {  	s16 =	sshll.u32 s16, $0x6;
	[bflag:$0x0] =	sbarrier.arrive $0xFFFF  }
0x1d: {  	s17 =	sshrl.u32 s8, $0x3;
	s16 =	sor.u32 $0x1C09, s16;
	s18 =	rddreg [dreg:$0x9]  }
0x1e: {  	[hbm:s18], [sflag:s16] =	dma.local [spmem:s17], $0x2800  }
0x1f: {  	_ =	swait.ge [sflag:s22], $0x2800  }
0x20: {  	s15 =	sadd.s32 $0x1, s15;
	s20 =	rddreg [dreg:$0xa]  }
0x21: {  	p0 =	sne.s32 s15, s20  }
.Ltmp1:
0x22: {  	_ = 	snop;
	(pc) =	sbr.rel @!p0 .LBB2_7-.Ltmp1, $3  }
0x23: {  	_ =	sdelay $0x1  }
0x24: {  	[sflag:s22] =	ssyncset.done $0x0  }
0x25: {  	[sflag:s22] =	ssyncadd.s32 $0xFFFFD800  }
.LBB2_1:
0x26: {  	s16 =	simm.s32 $0x0;
	s17 =	simm.s32 $0x200  }
.LBB2_2:
0x27: {  	p0 =	sne.s32 s17, $0xFE00;
	[tilespmem:s16+$0x14470] =	vst v1  }
0x28: {  	[tilespmem:s16+$0x14400] =	vst v1  }
0x29: {  	[tilespmem:s16+$0x14410] =	vst v1  }
.Ltmp2:
0x2a: {  	[tilespmem:s16+$0x14420] =	vst v1;
	(pc) =	sbr.rel @p0 .LBB2_2-.Ltmp2, $4  }
0x2b: {  	[tilespmem:s16+$0x14430] =	vst v1  }
0x2c: {  	[tilespmem:s16+$0x14440] =	vst v1  }
0x2d: {  	[tilespmem:s16+$0x14450] =	vst v1  }
0x2e: {  	[tilespmem:s16+$0x14460] =	vst v1;
	s16 =	sshra.s32 s17, $0x2;
	s17 =	sadd.s32 $0x200, s17  }
0x2f: {  	[tilespmem:s16+$0x14470] =	vst v1  }
0x30: {  	[tilespmem:s16+$0x14400] =	vst v1  }
0x31: {  	[tilespmem:s16+$0x14410] =	vst v1  }
0x32: {  	[tilespmem:s16+$0x14420] =	vst v1  }
0x33: {  	[tilespmem:s16+$0x14430] =	vst v1  }
0x34: {  	[tilespmem:s16+$0x14440] =	vst v1  }
0x35: {  	[tilespmem:s16+$0x14450] =	vst v1  }
0x36: {  	[tilespmem:s16+$0x14460] =	vst v1  }
0x37: {  	[spmem:s8] =	stream.linear.scatter [tilespmem:s21], [sflag:$0x9], $0x4000, $0x38;
	[tilespmem:$0x1C400] =	vst v63  }
0x38: {  	_ =	swait.ge [sflag:s22], $0x4000  }
0x39: {  	[sflag:s22] =	ssyncset.done $0x0  }
0x3a: {  	s19 =	rddreg [dreg:$0xb];
	[sflag:s22] =	ssyncadd.s32 $0xFFFFC000  }
0x3b: {  	[spmem:s19] =	stream.linear.scatter [tilespmem:s21], [sflag:$0x9], $0x4000, $0x38;
	[tilespmem:$0x1C400] =	vst v63  }
0x3c: {  	_ =	swait.ge [sflag:s22], $0x4000  }
0x3d: {  	[sflag:s22] =	ssyncset.done $0x0  }
0x3e: {  	s20 =	rddreg [dreg:$0xc];
	[sflag:s22] =	ssyncadd.s32 $0xFFFFC000  }
0x3f: {  	[spmem:s20] =	stream.linear.scatter [tilespmem:s21], [sflag:$0x9], $0x4000, $0x38;
	[tilespmem:$0x1C400] =	vst v63  }
0x40: {  	_ =	swait.ge [sflag:s22], $0x4000  }
0x41: {  	[sflag:s22] =	ssyncset.done $0x0  }
0x42: {  	s17 =	rddreg [dreg:$0xd];
	[sflag:s22] =	ssyncadd.s32 $0xFFFFC000  }
0x43: {  	[spmem:s17] =	stream.linear.scatter [tilespmem:s21], [sflag:$0x9], $0x4000, $0x38;
	[tilespmem:$0x1C400] =	vst v63  }
0x44: {  	_ =	swait.ge [sflag:s22], $0x4000  }
0x45: {  	[sflag:s22] =	ssyncset.done $0x0  }
0x46: {  	s18 =	rddreg [dreg:$0xe];
	[sflag:s22] =	ssyncadd.s32 $0xFFFFC000  }
0x47: {  	[spmem:s18] =	stream.linear.scatter [tilespmem:s21], [sflag:$0x9], $0x4000, $0x38;
	[tilespmem:$0x1C400] =	vst v63  }
0x48: {  	_ =	swait.ge [sflag:s22], $0x4000  }
0x49: {  	[sflag:s22] =	ssyncset.done $0x0  }
0x4a: {  	s16 =	simm.s32 $0x0;
	s17 =	rddreg [dreg:$0x3];
	[sflag:s22] =	ssyncadd.s32 $0xFFFFC000  }
0x4b: {  	[tilespmem:s16], [sflag:$0x1] =	stream.linear.gather [hbm4b:s17+s16], $0x80, $0x38;
	[tilespmem:$0x1C400] =	vst v63  }
0x4c: {  	s19 =	rddreg [dreg:$0x4]  }
0x4d: {  	[tilespmem:s23], [sflag:$0x1] =	stream.linear.gather [hbm4b:s19+s16], $0x80, $0x38;
	[tilespmem:$0x1C400] =	vst v63  }
0x4e: {  	s20 =	rddreg [dreg:$0x5]  }
0x4f: {  	[tilespmem:s24], [sflag:$0x2] =	stream.linear.gather [hbm4b:s20+s16], $0x80, $0x38;
	[tilespmem:$0x1C400] =	vst v63  }
0x50: {  	s18 =	rddreg [dreg:$0x6]  }
0x51: {  	[tilespmem:s25], [sflag:$0x2] =	stream.linear.gather [hbm4b:s18+s16], $0x80, $0x38;
	[tilespmem:$0x1C400] =	vst v63  }
0x52: {  	s19 =	rddreg [dreg:$0x7]  }
0x53: {  	[tilespmem:s26], [sflag:$0x3] =	stream.linear.gather [hbm4b:s19+s16], $0x80, $0x38;
	[tilespmem:$0x1C400] =	vst v63  }
0x54: {  	s20 =	rddreg [dreg:$0x8]  }
0x55: {  	[tilespmem:s28], [sflag:$0x3] =	stream.linear.gather [hbm4b:s20+s16], $0x80, $0x38;
	[tilespmem:$0x1C400] =	vst v63  }
0x56: {  	_ =	swait.ge [sflag:s29], $0x80  }
0x57: {  	[sflag:s29] =	ssyncset.done $0x0  }
0x58: {  	[sflag:s29] =	ssyncadd.s32 $0xFFFFFF80  }
0x59: {  	_ =	swait.ge [sflag:s29], $0x80  }
0x5a: {  	[sflag:s29] =	ssyncset.done $0x0  }
0x5b: {  	[sflag:s29] =	ssyncadd.s32 $0xFFFFFF80  }
0x5c: {  	v2 =	vld [tilespmem:$0x0]  }
0x5d: {  	v3 =	vld [tilespmem:$0x10]  }
0x5e: {  	v4 =	vld [tilespmem:$0x20]  }
0x5f: {  	v5 =	vld [tilespmem:$0x30]  }
0x60: {  	v6 =	vld [tilespmem:$0x40]  }
0x61: {  	v7 =	vld [tilespmem:$0x50];
	v2 =	vadd.s32 v0, v2  }
0x62: {  	[tilespmem:$0x0] =	vst v2;
	v2 =	vadd.s32 v0, v3;
	v3 =	vld [tilespmem:$0x60]  }
0x63: {  	v63 =	vld [tilespmem:$0x70];
	[tilespmem:$0x10] =	vst v2;
	v2 =	vadd.s32 v0, v4  }
0x64: {  	[tilespmem:$0x20] =	vst v2;
	v2 =	vadd.s32 v0, v5  }
0x65: {  	[tilespmem:$0x30] =	vst v2;
	v2 =	vadd.s32 v0, v6  }
0x66: {  	[tilespmem:$0x40] =	vst v2;
	v2 =	vadd.s32 v0, v7  }
0x67: {  	[tilespmem:$0x50] =	vst v2;
	v2 =	vadd.s32 v0, v3  }
0x68: {  	[tilespmem:$0x60] =	vst v2;
	v2 =	vadd.s32 v0, v63  }
0x69: {  	[tilespmem:$0x70] =	vst v2  }
0x6a: {  	[tilespmem:s21], [sflag:$0x5] =	stream.indirect.gather [hbm4b:s4+s24], $0x80, s16, s24, $0xb8;
	[tilespmem:$0x1C400] =	vst v63  }
0x6b: {  	[bflag:$0x0] =	sbarrier.arrive $0xFFFF  }
.LBB2_4:
0x6c: {  	p0 =	seq.s32 s16, $0x0  }
0x6d: {  	s17 =	simm.s32 @!p0 $0x8  }
0x6e: {  	_ =	swait.ge @!p0 [sflag:s17], $0x4000  }
0x6f: {  	[sflag:s17] =	ssyncset.done @!p0 $0x0  }
0x70: {  	[sflag:s17] =	ssyncadd.s32 @!p0 $0xFFFFC000  }
0x71: {  	_ =	swait.ge [sflag:s30], $0x80  }
0x72: {  	[sflag:s30] =	ssyncset.done $0x0  }
0x73: {  	[sflag:s30] =	ssyncadd.s32 $0xFFFFFF80  }
0x74: {  	_ =	swait.ge [sflag:s30], $0x80  }
0x75: {  	[sflag:s30] =	ssyncset.done $0x0  }
0x76: {  	[sflag:s30] =	ssyncadd.s32 $0xFFFFFF80  }
0x77: {  	v2 =	vld [tilespmem:$0x80]  }
0x78: {  	v3 =	vld [tilespmem:$0x90]  }
0x79: {  	v4 =	vld [tilespmem:$0xA0]  }
0x7a: {  	v5 =	vld [tilespmem:$0xB0]  }
0x7b: {  	v6 =	vld [tilespmem:$0xC0]  }
0x7c: {  	v7 =	vld [tilespmem:$0xD0];
	v2 =	vadd.s32 v0, v2  }
0x7d: {  	[tilespmem:$0x80] =	vst v2;
	v2 =	vadd.s32 v0, v3;
	v3 =	vld [tilespmem:$0xE0]  }
0x7e: {  	v53 =	vld [tilespmem:$0xF0];
	[tilespmem:$0x90] =	vst v2;
	v2 =	vadd.s32 v0, v4  }
0x7f: {  	[tilespmem:$0xA0] =	vst v2;
	v2 =	vadd.s32 v0, v5  }
0x80: {  	[tilespmem:$0xB0] =	vst v2;
	v2 =	vadd.s32 v0, v6  }
0x81: {  	[tilespmem:$0xC0] =	vst v2;
	v2 =	vadd.s32 v0, v7  }
0x82: {  	[tilespmem:$0xD0] =	vst v2;
	v2 =	vadd.s32 v0, v3  }
0x83: {  	[tilespmem:$0xE0] =	vst v2;
	v2 =	vadd.s32 v0, v53  }
0x84: {  	s19 =	sadd.s32 s16, s7;
	[tilespmem:$0xF0] =	vst v2  }
0x85: {  	[tilespmem:s31], [sflag:$0x6] =	stream.indirect.gather [hbm4b:s4+s24], $0x80, s24, s24, $0xb8;
	[tilespmem:$0x1C400] =	vst v63  }
0x86: {  	s18 =	sand.u32 $0x40, s16;
	s17 =	sand.u32 $0x1FF80, s19;
	_ =	swait.ge [sflag:s0], $0x4000  }
0x87: {  	s17 =	sor.u32 s17, s18;
	[sflag:s0] =	ssyncset.done $0x0  }
0x88: {  	s17 =	sor.u32 $0x30, s17;
	[sflag:s0] =	ssyncadd.s32 $0xFFFFC000  }
0x89: {  	[spmem:s2] =	stream.indirect.scatter.add.f32 [tilespmem:s21], [sflag:$0x7], $0x80, s23, s24, $0xb8;
	[tilespmem:$0x1C400] =	vst v63  }
0x8a: {  	s20 =	sadd.s32 s5, s17  }
0x8b: {  	[tilespmem:s1], [sflag:$0x4] =	stream.linear.gather [hbm4b:s20+s3], $0x80, $0x38;
	[tilespmem:$0x1C400] =	vst v63  }
0x8c: {  	s17 =	sadd.s32 s6, s17  }
0x8d: {  	[tilespmem:s9], [sflag:$0x4] =	stream.linear.gather [hbm4b:s17+s3], $0x80, $0x38;
	[tilespmem:$0x1C400] =	vst v63  }
0x8e: {  	_ =	swait.ge [sflag:s10], $0x4000  }
0x8f: {  	[sflag:s10] =	ssyncset.done $0x0  }
0x90: {  	[sflag:s10] =	ssyncadd.s32 $0xFFFFC000  }
0x91: {  	_ =	swait.ge [sflag:s11], $0x80  }
0x92: {  	[sflag:s11] =	ssyncset.done $0x0  }
0x93: {  	[sflag:s11] =	ssyncadd.s32 $0xFFFFFF80  }
0x94: {  	_ =	swait.ge [sflag:s11], $0x80  }
0x95: {  	[sflag:s11] =	ssyncset.done $0x0  }
0x96: {  	[sflag:s11] =	ssyncadd.s32 $0xFFFFFF80  }
0x97: {  	v2 =	vld [tilespmem:$0x100]  }
0x98: {  	v3 =	vld [tilespmem:$0x110]  }
0x99: {  	v54 =	vld [tilespmem:$0x120]  }
0x9a: {  	v55 =	vld [tilespmem:$0x130]  }
0x9b: {  	v56 =	vld [tilespmem:$0x140]  }
0x9c: {  	v57 =	vld [tilespmem:$0x150];
	v2 =	vadd.s32 v0, v2  }
0x9d: {  	[tilespmem:$0x100] =	vst v2;
	v2 =	vadd.s32 v0, v3;
	v3 =	vld [tilespmem:$0x160]  }
0x9e: {  	v58 =	vld [tilespmem:$0x170];
	[tilespmem:$0x110] =	vst v2;
	v2 =	vadd.s32 v0, v54  }
0x9f: {  	[tilespmem:$0x120] =	vst v2;
	v2 =	vadd.s32 v0, v55  }
0xa0: {  	[tilespmem:$0x130] =	vst v2;
	v2 =	vadd.s32 v0, v56  }
0xa1: {  	[tilespmem:$0x140] =	vst v2;
	v2 =	vadd.s32 v0, v57  }
0xa2: {  	[tilespmem:$0x150] =	vst v2;
	v2 =	vadd.s32 v0, v3  }
0xa3: {  	p0 =	seq.s32 s16, $0x9C0;
	[tilespmem:$0x160] =	vst v2;
	v2 =	vadd.s32 v0, v58  }
0xa4: {  	s17 =	sadd.s32 @!p0 s16, s7;
	[tilespmem:$0x170] =	vst v2  }
0xa5: {  	[tilespmem:s21], [sflag:$0x5] =	stream.indirect.gather [hbm4b:s4+s24], $0x80, s26, s24, $0xb8;
	[tilespmem:$0x1C400] =	vst v63  }
0xa6: {  	s18 =	sxor.u32 @!p0 $0xFFFFFFFF, s16;
	s17 =	sadd.s32 @!p0 $0x40, s17;
	_ =	swait.ge [sflag:s12], $0x4000  }
0xa7: {  	s18 =	sand.u32 @!p0 $0x40, s18;
	s17 =	sand.u32 @!p0 $0x1FF80, s17;
	[sflag:s12] =	ssyncset.done $0x0  }
0xa8: {  	s17 =	sor.u32 @!p0 s18, s17;
	[sflag:s12] =	ssyncadd.s32 $0xFFFFC000  }
0xa9: {  	[spmem:s2] =	stream.indirect.scatter.add.f32 [tilespmem:s31], [sflag:$0x8], $0x80, s25, s24, $0xb8;
	[tilespmem:$0x1C400] =	vst v63  }
0xaa: {  	s19 =	simm.s32 @!p0 $0x0;
	s18 =	sadd.s32 @!p0 s5, s17  }
0xab: {  	[tilespmem:s19], [sflag:$0x1] =	stream.linear.gather @!p0 [hbm4b:s18+s19], $0x80, $0x38;
	[tilespmem:$0x1C400] =	vst v63  }
0xac: {  	s17 =	sadd.s32 @!p0 s6, s17;
	s18 =	simm.s32 @!p0 $0x200  }
0xad: {  	[tilespmem:s18], [sflag:$0x1] =	stream.linear.gather @!p0 [hbm4b:s17+s19], $0x80, $0x38;
	[tilespmem:$0x1C400] =	vst v63  }
0xae: {  	_ =	swait.ge [sflag:s13], $0x4000  }
0xaf: {  	[sflag:s13] =	ssyncset.done $0x0  }
0xb0: {  	[sflag:s13] =	ssyncadd.s32 $0xFFFFC000  }
0xb1: {  	_ =	swait.ge [sflag:s14], $0x80  }
0xb2: {  	[sflag:s14] =	ssyncset.done $0x0  }
0xb3: {  	[sflag:s14] =	ssyncadd.s32 $0xFFFFFF80  }
0xb4: {  	_ =	swait.ge [sflag:s14], $0x80  }
0xb5: {  	[sflag:s14] =	ssyncset.done $0x0  }
0xb6: {  	[sflag:s14] =	ssyncadd.s32 $0xFFFFFF80  }
0xb7: {  	v2 =	vld [tilespmem:$0x180]  }
0xb8: {  	v3 =	vld [tilespmem:$0x190]  }
0xb9: {  	v59 =	vld [tilespmem:$0x1A0]  }
0xba: {  	v60 =	vld [tilespmem:$0x1B0]  }
0xbb: {  	v61 =	vld [tilespmem:$0x1C0]  }
0xbc: {  	v62 =	vld [tilespmem:$0x1D0];
	v2 =	vadd.s32 v0, v2  }
0xbd: {  	[tilespmem:$0x180] =	vst v2;
	v2 =	vadd.s32 v0, v3;
	v3 =	vld [tilespmem:$0x1E0]  }
0xbe: {  	v63 =	vld [tilespmem:$0x1F0];
	[tilespmem:$0x190] =	vst v2;
	v2 =	vadd.s32 v0, v59  }
0xbf: {  	[tilespmem:$0x1A0] =	vst v2;
	v2 =	vadd.s32 v0, v60  }
0xc0: {  	[tilespmem:$0x1B0] =	vst v2;
	v2 =	vadd.s32 v0, v61  }
0xc1: {  	[tilespmem:$0x1C0] =	vst v2;
	v2 =	vadd.s32 v0, v62  }
0xc2: {  	[tilespmem:$0x1D0] =	vst v2;
	v2 =	vadd.s32 v0, v3  }
0xc3: {  	p1 =	sne.s32 s16, $0x9C0;
	[tilespmem:$0x1E0] =	vst v2;
	v2 =	vadd.s32 v0, v63  }
0xc4: {  	s17 =	sadd.s32 @p1 $0x50, s16;
	[tilespmem:$0x1F0] =	vst v2  }
0xc5: {  	[tilespmem:s31], [sflag:$0x6] =	stream.indirect.gather [hbm4b:s4+s24], $0x80, s1, s24, $0xb8;
	[tilespmem:$0x1C400] =	vst v63  }
0xc6: {  	s18 =	sadd.s32 @p1 s7, s17;
	_ =	swait.ge [sflag:s0], $0x4000  }
0xc7: {  	s17 =	sand.u32 @p1 $0x50, s17;
	s18 =	sand.u32 @p1 $0x1FF80, s18;
	[sflag:s0] =	ssyncset.done $0x0  }
0xc8: {  	s17 =	sor.u32 @p1 s17, s18;
	[sflag:s0] =	ssyncadd.s32 $0xFFFFC000  }
0xc9: {  	[spmem:s2] =	stream.indirect.scatter.add.f32 [tilespmem:s21], [sflag:$0x7], $0x80, s28, s24, $0xb8;
	[tilespmem:$0x1C400] =	vst v63  }
0xca: {  	s20 =	simm.s32 @p1 $0x80;
	s19 =	simm.s32 @p1 $0x0;
	s18 =	sadd.s32 @p1 s5, s17  }
0xcb: {  	[tilespmem:s20], [sflag:$0x2] =	stream.linear.gather @p1 [hbm4b:s18+s19], $0x80, $0x38;
	[tilespmem:$0x1C400] =	vst v63  }
0xcc: {  	s17 =	sadd.s32 @p1 s6, s17;
	s18 =	simm.s32 @p1 $0x280  }
0xcd: {  	[tilespmem:s18], [sflag:$0x2] =	stream.linear.gather @p1 [hbm4b:s17+s19], $0x80, $0x38;
	[tilespmem:$0x1C400] =	vst v63  }
0xce: {  	s17 =	simm.s32 @p1 $0x7  }
0xcf: {  	_ =	swait.ge @p1 [sflag:s17], $0x4000  }
0xd0: {  	[sflag:s17] =	ssyncset.done @p1 $0x0  }
0xd1: {  	[sflag:s17] =	ssyncadd.s32 @p1 $0xFFFFC000;
	s17 =	simm.s32 @p1 $0x1  }
0xd2: {  	_ =	swait.ge @p1 [sflag:s17], $0x80  }
0xd3: {  	[sflag:s17] =	ssyncset.done @p1 $0x0  }
0xd4: {  	[sflag:s17] =	ssyncadd.s32 @p1 $0xFFFFFF80  }
0xd5: {  	_ =	swait.ge @p1 [sflag:s17], $0x80  }
0xd6: {  	[sflag:s17] =	ssyncset.done @p1 $0x0  }
0xd7: {  	[sflag:s17] =	ssyncadd.s32 @p1 $0xFFFFFF80  }
0xd8: {  	v2 =	vld @p1 [tilespmem:$0x0]  }
0xd9: {  	v3 =	vld @p1 [tilespmem:$0x10]  }
0xda: {  	v4 =	vld @p1 [tilespmem:$0x20]  }
0xdb: {  	v5 =	vld @p1 [tilespmem:$0x30]  }
0xdc: {  	v6 =	vld @p1 [tilespmem:$0x40]  }
0xdd: {  	v7 =	vld @p1 [tilespmem:$0x50];
	v2 =	vadd.s32 @p1 v0, v2  }
0xde: {  	[tilespmem:$0x0] =	vst @p1 v2;
	v2 =	vadd.s32 @p1 v0, v3;
	v3 =	vld @p1 [tilespmem:$0x60]  }
0xdf: {  	[tilespmem:$0x10] =	vst @p1 v2;
	v2 =	vadd.s32 @p1 v0, v4;
	v4 =	vld @p1 [tilespmem:$0x70]  }
0xe0: {  	[tilespmem:$0x20] =	vst @p1 v2;
	v2 =	vadd.s32 @p1 v0, v5  }
0xe1: {  	[tilespmem:$0x30] =	vst @p1 v2;
	v2 =	vadd.s32 @p1 v0, v6  }
0xe2: {  	[tilespmem:$0x40] =	vst @p1 v2;
	v2 =	vadd.s32 @p1 v0, v7  }
0xe3: {  	[tilespmem:$0x50] =	vst @p1 v2;
	v2 =	vadd.s32 @p1 v0, v3  }
0xe4: {  	[tilespmem:$0x60] =	vst @p1 v2;
	v2 =	vadd.s32 @p1 v0, v4  }
0xe5: {  	s17 =	simm.s32 @p1 $0x14400;
	[tilespmem:$0x70] =	vst @p1 v2  }
0xe6: {  	[tilespmem:s17], [sflag:$0x5] =	stream.indirect.gather @p1 [hbm4b:s4+s20], $0x80, s19, s20, $0xb8;
	[tilespmem:$0x1C400] =	vst v63  }
0xe7: {  	s17 =	simm.s32 @!p1 $0x7  }
0xe8: {  	_ =	swait.ge @!p1 [sflag:s17], $0x4000  }
0xe9: {  	[sflag:s17] =	ssyncset.done @!p1 $0x0  }
.Ltmp3:
0xea: {  	[sflag:s17] =	ssyncadd.s32 @!p1 $0xFFFFC000;
	(pc) =	sbr.rel @p0 .LBB2_6-.Ltmp3, $4  }
0xeb: {  	_ =	swait.ge [sflag:s12], $0x4000  }
0xec: {  	[sflag:s12] =	ssyncset.done $0x0  }
0xed: {  	[sflag:s12] =	ssyncadd.s32 $0xFFFFC000  }
0xee: {  	[spmem:s2] =	stream.indirect.scatter.add.f32 [tilespmem:s31], [sflag:$0x8], $0x80, s9, s24, $0xb8;
	[tilespmem:$0x1C400] =	vst v63  }
0xef: {  	s17 =	sadd.s32 $0x60, s16  }
0xf0: {  	s18 =	sadd.s32 s7, s17  }
0xf1: {  	s17 =	sand.u32 $0x60, s17;
	s18 =	sand.u32 $0x1FF80, s18  }
.Ltmp4:
0xf2: {  	s17 =	sor.u32 s17, s18;
	(pc) =	sbr.rel .LBB2_4-.Ltmp4, $4  }
0xf3: {  	s18 =	sadd.s32 s5, s17  }
0xf4: {  	[tilespmem:s26], [sflag:$0x3] =	stream.linear.gather [hbm4b:s18+s3], $0x80, $0x38;
	[tilespmem:$0x1C400] =	vst v63  }
0xf5: {  	s16 =	sadd.s32 $0x40, s16;
	s17 =	sadd.s32 s6, s17  }
0xf6: {  	[tilespmem:s28], [sflag:$0x3] =	stream.linear.gather [hbm4b:s17+s3], $0x80, $0x38;
	[tilespmem:$0x1C400] =	vst v63  }
.LBB2_7:
0xf7: {  	_ =	sfence.sel $0x180000  }
0xf8: {  	[bflag:$0x0] =	sbarrier.arrive $0xFFFF  }
0xf9: {  	_ =	strace $0x90000050  }
0xfa: {  	s0 =	stileid.u32;
	[bflag:$0x2] =	sbarrier.arrive $0xFFFF  }
0xfb: {  	p0 =	sne.s32 s0, $0x0;
	s0 =	rddreg [dreg:$0x2]  }
0xfc: {  	s0 =	sadd.s32 @!p0 $0x100000, s0  }
0xfd: {  	[sflag:s0] =	ssyncadd.tile.s32 @!p0 $0x1;
	_ =	shalt  }
.Lfunc_end2:
_tile_overlayer_lowered:
.L_overlay_start_2:
0xfe: {  	(tag) =	ssettag $0x2  }
0xff: {  	s0 =	rddreg [dreg:$0x0];
	s2 =	stileid.u32  }
0x100: {  	s1 =	rddreg [dreg:$0x1];
	p0 =	sne.s32 s2, $0x0  }
0x101: {  	s3 =	rddreg [dreg:$0x2];
	[bflag:$0x3] =	sbarrier.arrive $0xFFFF;
	s2 =	simm.s32 @!p0 $0x1C09  }
0x102: {  	[timem:s3], [sflag:s2] =	dma.local @!p0 [hbm:s0], s1  }
0x103: {  	s0 =	simm.s32 @!p0 $0x9  }
0x104: {  	_ =	swait.ge @!p0 [sflag:s0], s1  }
0x105: {  	s1 =	ssub.s32 @!p0 $0x0, s1;
	[sflag:s0] =	ssyncset.done @!p0 $0x0  }
0x106: {  	[sflag:s0] =	ssyncadd.s32 @!p0 s1  }
0x107: {  	[bflag:$0x3] =	sbarrier.arrive $0xFFFF  }
0x108: {  	_ =	shalt  }

</sc_bundles>
